<compile_context>
chip_gen: v7x
topology: tpu7x:2x2x1
jax: 0.10.2.dev20260603
libtpu: 0.0.44.dev20260713+nightly
codegen_flags: <defaults>
</compile_context>

<pallas_src>
import jax
import jax.numpy as jnp
from jax import lax
from jax.experimental import pallas as pl
from jax.experimental.pallas import tpu as pltpu
from jax.experimental.pallas import tpu_sc as plsc

CYCLE = 168
T = 200
D = 64
B = 4096
NC = 2
NS = 16
NW = NC * NS
BPW = B // NW
LANES = 16
NGRP = BPW // LANES
TABW = CYCLE * D


def _body(idx_hbm, data_hbm, off_hbm, out_hbm, tab_v, idx_v, off_v, stage_v, sem):
    w = lax.axis_index("s") * NC + lax.axis_index("c")
    base = w * BPW

    pltpu.sync_copy(data_hbm, tab_v)
    pltpu.sync_copy(idx_hbm.at[pl.ds(base, BPW)], idx_v)
    pltpu.sync_copy(off_hbm, off_v)

    offv = off_v[...]
    rb0 = []
    for j in range(NGRP):
        v = idx_v[pl.ds(j * LANES, LANES)]
        v = lax.rem(v + offv, jnp.int32(CYCLE))
        v = jnp.where(v < 0, v + jnp.int32(CYCLE), v)
        rb0.append(v)

    def emit_t(t, k, rb):
        @pl.when(t >= 2)
        def _():
            pltpu.make_async_copy(
                stage_v.at[k], out_hbm.at[0, :, w], sem
            ).wait()

        @plsc.parallel_loop(0, D // 8, unroll=2)
        def _(ct):
            cb = ct * jnp.int32(8 * CYCLE)
            for ci in range(8):
                for j in range(NGRP):
                    a = rb[j] + (cb + jnp.int32(ci * CYCLE))
                    vals = plsc.load_gather(tab_v, [a])
                    stage_v[k, ct, ci, pl.ds(j * LANES, LANES)] = vals

        pltpu.make_async_copy(stage_v.at[k], out_hbm.at[t, :, w], sem).start()

        out = []
        for j in range(NGRP):
            nv = rb[j] + jnp.int32(1)
            out.append(jnp.where(nv == jnp.int32(CYCLE), jnp.int32(0), nv))
        return out

    def pair(i, rb):
        rb = tuple(rb)
        t0 = i * 2
        rb = emit_t(t0, 0, rb)
        rb = emit_t(t0 + 1, 1, rb)
        return tuple(rb)

    lax.fori_loop(0, T // 2, pair, tuple(rb0))

    for k in range(2):
        pltpu.make_async_copy(stage_v.at[k], out_hbm.at[0, :, w], sem).wait()


@jax.jit
def _run(index, data, length):
    off = jnp.full((LANES,), 1, dtype=jnp.int32) * (
        jnp.asarray(length, dtype=jnp.int32) - jnp.int32(T)
    )
    mesh = plsc.VectorSubcoreMesh(core_axis_name="c", subcore_axis_name="s")
    out5 = pl.kernel(
        _body,
        out_type=jax.ShapeDtypeStruct((T, D // 8, NW, 8, BPW), jnp.float32),
        mesh=mesh,
        compiler_params=pltpu.CompilerParams(needs_layout_passes=False),
        scratch_types=[
            pltpu.VMEM((TABW,), jnp.float32),
            pltpu.VMEM((BPW,), jnp.int32),
            pltpu.VMEM((LANES,), jnp.int32),
            pltpu.VMEM((2, D // 8, 8, BPW), jnp.float32),
            pltpu.SemaphoreType.DMA,
        ],
    )(index, jnp.transpose(data).reshape(TABW), off)
    return jnp.transpose(out5, (2, 4, 0, 1, 3)).reshape(B, T, D)


def kernel(index, length, data):
    return _run(index, data, length)

# --- scband reference (transcript-rebuilt; emitter-appended) ---
"""Pipeline reference for scband-recurrent-cycle-17617955848360 (READ-ONLY COPY).

The authoritative reference and input builder live on the scoring server;
editing this copy changes nothing except your own understanding.
"""

import jax, jax.numpy as jnp
import numpy as np


def setup_inputs(seed: int = 0) -> dict:
    key = jax.random.key(seed)
    k1, k2 = jax.random.split(key)
    index = jax.random.randint(k1, (4096,), 0, 168, dtype=jnp.int32)
    # learned cycle memory parameter (cycle_len, channel_size); initializer is zeros in the
    # original module, but we use random normal so the output is non-trivial for testing
    data = jax.random.normal(k2, (168, 64), dtype=jnp.float32)
    return {"index": index, "length": 200, "data": data}


def reference(index, length, data):
    cycle_len = data.shape[0]
    idx_flat = index.reshape(-1, 1)
    static_length = 200
    range_tensor = (
        jnp.arange(static_length, dtype=jnp.int32)
        + (jnp.asarray(length, dtype=jnp.int32) - static_length)
    ).reshape(1, -1)
    gather_index = (idx_flat + range_tensor) % cycle_len
    # tf.gather(self.data, gather_index) -> gathers rows of data with a 2-D index,
    # producing shape (B, length, channel_size)
    return jnp.take(data, gather_index, axis=0)

if __name__ == "__main__":
    import jax
    _d = setup_inputs()
    print(jax.jit(kernel)(*tuple(_d.values())))

</pallas_src>

<mosaic_0001>
#map = affine_map<(d0, d1) -> (0)>
#map1 = affine_map<(d0, d1) -> (0, 0, 0, 0, 0)>
module attributes {stable_mosaic.version = 14 : i64} {
  func.func @_body(%arg0: i32, %arg1: i32, %arg2: memref<4096xi32, #tpu.memory_space<hbm>>, %arg3: memref<10752xf32, #tpu.memory_space<hbm>>, %arg4: memref<16xi32, #tpu.memory_space<hbm>>, %arg5: memref<200x8x32x8x128xf32, #tpu.memory_space<hbm>>, %arg6: memref<10752xf32, #tpu.memory_space<vmem>>, %arg7: memref<128xi32, #tpu.memory_space<vmem>>, %arg8: memref<16xi32, #tpu.memory_space<vmem>>, %arg9: memref<2x8x8x128xf32, #tpu.memory_space<vmem>>, %arg10: memref<!tpu.dma_semaphore, #tpu.memory_space<semaphore_mem>>) attributes {dimension_semantics = [#tpu.dimension_semantics<core_parallel>, #tpu.dimension_semantics<subcore_parallel>], iteration_bounds = array<i64: 2, 16>, scalar_prefetch = 0 : i64, scratch_operands = 5 : i64, tpu.core_type = #tpu.core_type<sc_vector_subcore>, window_params = [{transform_indices = #map}, {transform_indices = #map}, {transform_indices = #map}, {transform_indices = #map1}]} {
    %mul3A = arith.constant 2 : i32
    %mul3A_0 = arith.muli %arg1, %mul3A : i32
    %add3A = arith.addi %mul3A_0, %arg0 : i32
    %mul3A_1 = arith.constant 128 : i32
    %mul3A_2 = arith.muli %add3A, %mul3A_1 : i32
    "tpu.region"() ({
      %run_scoped3A = tpu.sem_alloc : memref<!tpu.dma_semaphore, #tpu.memory_space<semaphore_mem>>
      tpu.enqueue_dma source(%arg3 : memref<10752xf32, #tpu.memory_space<hbm>>) target(%arg6 : memref<10752xf32, #tpu.memory_space<vmem>>) target_semaphore(%run_scoped3A : memref<!tpu.dma_semaphore, #tpu.memory_space<semaphore_mem>>)
      tpu.wait_dma2 semaphore(%run_scoped3A : memref<!tpu.dma_semaphore, #tpu.memory_space<semaphore_mem>>) src(%arg3 : memref<10752xf32, #tpu.memory_space<hbm>>) dst(%arg6 : memref<10752xf32, #tpu.memory_space<vmem>>)
      tpu.yield
    }) : () -> ()
    "tpu.region"() ({
      %run_scoped3A = tpu.sem_alloc : memref<!tpu.dma_semaphore, #tpu.memory_space<semaphore_mem>>
      %dma_start3A = tpu.memref_slice %arg2[%mul3A_2] : memref<4096xi32, #tpu.memory_space<hbm>> -> memref<128xi32, #tpu.memory_space<hbm>>
      %dma_start3A_153 = tpu.memref_slice %arg2[%mul3A_2] : memref<4096xi32, #tpu.memory_space<hbm>> -> memref<128xi32, #tpu.memory_space<hbm>>
      tpu.enqueue_dma source(%dma_start3A_153 : memref<128xi32, #tpu.memory_space<hbm>>) target(%arg7 : memref<128xi32, #tpu.memory_space<vmem>>) target_semaphore(%run_scoped3A : memref<!tpu.dma_semaphore, #tpu.memory_space<semaphore_mem>>)
      %dma_wait3A_154 = tpu.memref_slice %arg2[%mul3A_2] : memref<4096xi32, #tpu.memory_space<hbm>> -> memref<128xi32, #tpu.memory_space<hbm>>
      %dma_wait3A_155 = tpu.memref_slice %arg2[%mul3A_2] : memref<4096xi32, #tpu.memory_space<hbm>> -> memref<128xi32, #tpu.memory_space<hbm>>
      tpu.wait_dma2 semaphore(%run_scoped3A : memref<!tpu.dma_semaphore, #tpu.memory_space<semaphore_mem>>) src(%dma_wait3A_155 : memref<128xi32, #tpu.memory_space<hbm>>) dst(%arg7 : memref<128xi32, #tpu.memory_space<vmem>>)
      tpu.yield
    }) : () -> ()
    "tpu.region"() ({
      %run_scoped3A = tpu.sem_alloc : memref<!tpu.dma_semaphore, #tpu.memory_space<semaphore_mem>>
      tpu.enqueue_dma source(%arg4 : memref<16xi32, #tpu.memory_space<hbm>>) target(%arg8 : memref<16xi32, #tpu.memory_space<vmem>>) target_semaphore(%run_scoped3A : memref<!tpu.dma_semaphore, #tpu.memory_space<semaphore_mem>>)
      tpu.wait_dma2 semaphore(%run_scoped3A : memref<!tpu.dma_semaphore, #tpu.memory_space<semaphore_mem>>) src(%arg4 : memref<16xi32, #tpu.memory_space<hbm>>) dst(%arg8 : memref<16xi32, #tpu.memory_space<vmem>>)
      tpu.yield
    }) : () -> ()
    %get3A = arith.constant 0 : index
    %get3A_3 = tpu.vector_load %arg8[%get3A] {strides = array<i32>} : memref<16xi32, #tpu.memory_space<vmem>>, vector<16xi32>,
    %get3A_4 = arith.constant 0 : index
    %get3A_5 = tpu.vector_load %arg7[%get3A_4] {strides = array<i32>} : memref<128xi32, #tpu.memory_space<vmem>>, vector<16xi32>,
    %add3A_6 = arith.addi %get3A_5, %get3A_3 : vector<16xi32>
    %rem3A = arith.constant 168 : i32
    %rem3A_7 = vector.broadcast %rem3A : i32 to vector<16xi32>
    %rem3A_8 = arith.remsi %add3A_6, %rem3A_7 : vector<16xi32>
    %lt3A = arith.constant 0 : i32
    %lt3A_9 = vector.broadcast %lt3A : i32 to vector<16xi32>
    %lt3A_10 = arith.cmpi slt, %rem3A_8, %lt3A_9 : vector<16xi32>
    %add3A_11 = arith.constant 168 : i32
    %add3A_12 = vector.broadcast %add3A_11 : i32 to vector<16xi32>
    %add3A_13 = arith.addi %rem3A_8, %add3A_12 : vector<16xi32>
    %select_n3A = arith.select %lt3A_10, %add3A_13, %rem3A_8 : vector<16xi1>, vector<16xi32>
    %get3A_14 = arith.constant 16 : index
    %get3A_15 = tpu.vector_load %arg7[%get3A_14] {strides = array<i32>} : memref<128xi32, #tpu.memory_space<vmem>>, vector<16xi32>,
    %add3A_16 = arith.addi %get3A_15, %get3A_3 : vector<16xi32>
    %rem3A_17 = arith.constant 168 : i32
    %rem3A_18 = vector.broadcast %rem3A_17 : i32 to vector<16xi32>
    %rem3A_19 = arith.remsi %add3A_16, %rem3A_18 : vector<16xi32>
    %lt3A_20 = arith.constant 0 : i32
    %lt3A_21 = vector.broadcast %lt3A_20 : i32 to vector<16xi32>
    %lt3A_22 = arith.cmpi slt, %rem3A_19, %lt3A_21 : vector<16xi32>
    %add3A_23 = arith.constant 168 : i32
    %add3A_24 = vector.broadcast %add3A_23 : i32 to vector<16xi32>
    %add3A_25 = arith.addi %rem3A_19, %add3A_24 : vector<16xi32>
    %select_n3A_26 = arith.select %lt3A_22, %add3A_25, %rem3A_19 : vector<16xi1>, vector<16xi32>
    %get3A_27 = arith.constant 32 : index
    %get3A_28 = tpu.vector_load %arg7[%get3A_27] {strides = array<i32>} : memref<128xi32, #tpu.memory_space<vmem>>, vector<16xi32>,
    %add3A_29 = arith.addi %get3A_28, %get3A_3 : vector<16xi32>
    %rem3A_30 = arith.constant 168 : i32
    %rem3A_31 = vector.broadcast %rem3A_30 : i32 to vector<16xi32>
    %rem3A_32 = arith.remsi %add3A_29, %rem3A_31 : vector<16xi32>
    %lt3A_33 = arith.constant 0 : i32
    %lt3A_34 = vector.broadcast %lt3A_33 : i32 to vector<16xi32>
    %lt3A_35 = arith.cmpi slt, %rem3A_32, %lt3A_34 : vector<16xi32>
    %add3A_36 = arith.constant 168 : i32
    %add3A_37 = vector.broadcast %add3A_36 : i32 to vector<16xi32>
    %add3A_38 = arith.addi %rem3A_32, %add3A_37 : vector<16xi32>
    %select_n3A_39 = arith.select %lt3A_35, %add3A_38, %rem3A_32 : vector<16xi1>, vector<16xi32>
    %get3A_40 = arith.constant 48 : index
    %get3A_41 = tpu.vector_load %arg7[%get3A_40] {strides = array<i32>} : memref<128xi32, #tpu.memory_space<vmem>>, vector<16xi32>,
    %add3A_42 = arith.addi %get3A_41, %get3A_3 : vector<16xi32>
    %rem3A_43 = arith.constant 168 : i32
    %rem3A_44 = vector.broadcast %rem3A_43 : i32 to vector<16xi32>
    %rem3A_45 = arith.remsi %add3A_42, %rem3A_44 : vector<16xi32>
    %lt3A_46 = arith.constant 0 : i32
    %lt3A_47 = vector.broadcast %lt3A_46 : i32 to vector<16xi32>
    %lt3A_48 = arith.cmpi slt, %rem3A_45, %lt3A_47 : vector<16xi32>
    %add3A_49 = arith.constant 168 : i32
    %add3A_50 = vector.broadcast %add3A_49 : i32 to vector<16xi32>
    %add3A_51 = arith.addi %rem3A_45, %add3A_50 : vector<16xi32>
    %select_n3A_52 = arith.select %lt3A_48, %add3A_51, %rem3A_45 : vector<16xi1>, vector<16xi32>
    %get3A_53 = arith.constant 64 : index
    %get3A_54 = tpu.vector_load %arg7[%get3A_53] {strides = array<i32>} : memref<128xi32, #tpu.memory_space<vmem>>, vector<16xi32>,
    %add3A_55 = arith.addi %get3A_54, %get3A_3 : vector<16xi32>
    %rem3A_56 = arith.constant 168 : i32
    %rem3A_57 = vector.broadcast %rem3A_56 : i32 to vector<16xi32>
    %rem3A_58 = arith.remsi %add3A_55, %rem3A_57 : vector<16xi32>
    %lt3A_59 = arith.constant 0 : i32
    %lt3A_60 = vector.broadcast %lt3A_59 : i32 to vector<16xi32>
    %lt3A_61 = arith.cmpi slt, %rem3A_58, %lt3A_60 : vector<16xi32>
    %add3A_62 = arith.constant 168 : i32
    %add3A_63 = vector.broadcast %add3A_62 : i32 to vector<16xi32>
    %add3A_64 = arith.addi %rem3A_58, %add3A_63 : vector<16xi32>
    %select_n3A_65 = arith.select %lt3A_61, %add3A_64, %rem3A_58 : vector<16xi1>, vector<16xi32>
    %get3A_66 = arith.constant 80 : index
    %get3A_67 = tpu.vector_load %arg7[%get3A_66] {strides = array<i32>} : memref<128xi32, #tpu.memory_space<vmem>>, vector<16xi32>,
    %add3A_68 = arith.addi %get3A_67, %get3A_3 : vector<16xi32>
    %rem3A_69 = arith.constant 168 : i32
    %rem3A_70 = vector.broadcast %rem3A_69 : i32 to vector<16xi32>
    %rem3A_71 = arith.remsi %add3A_68, %rem3A_70 : vector<16xi32>
    %lt3A_72 = arith.constant 0 : i32
    %lt3A_73 = vector.broadcast %lt3A_72 : i32 to vector<16xi32>
    %lt3A_74 = arith.cmpi slt, %rem3A_71, %lt3A_73 : vector<16xi32>
    %add3A_75 = arith.constant 168 : i32
    %add3A_76 = vector.broadcast %add3A_75 : i32 to vector<16xi32>
    %add3A_77 = arith.addi %rem3A_71, %add3A_76 : vector<16xi32>
    %select_n3A_78 = arith.select %lt3A_74, %add3A_77, %rem3A_71 : vector<16xi1>, vector<16xi32>
    %get3A_79 = arith.constant 96 : index
    %get3A_80 = tpu.vector_load %arg7[%get3A_79] {strides = array<i32>} : memref<128xi32, #tpu.memory_space<vmem>>, vector<16xi32>,
    %add3A_81 = arith.addi %get3A_80, %get3A_3 : vector<16xi32>
    %rem3A_82 = arith.constant 168 : i32
    %rem3A_83 = vector.broadcast %rem3A_82 : i32 to vector<16xi32>
    %rem3A_84 = arith.remsi %add3A_81, %rem3A_83 : vector<16xi32>
    %lt3A_85 = arith.constant 0 : i32
    %lt3A_86 = vector.broadcast %lt3A_85 : i32 to vector<16xi32>
    %lt3A_87 = arith.cmpi slt, %rem3A_84, %lt3A_86 : vector<16xi32>
    %add3A_88 = arith.constant 168 : i32
    %add3A_89 = vector.broadcast %add3A_88 : i32 to vector<16xi32>
    %add3A_90 = arith.addi %rem3A_84, %add3A_89 : vector<16xi32>
    %select_n3A_91 = arith.select %lt3A_87, %add3A_90, %rem3A_84 : vector<16xi1>, vector<16xi32>
    %get3A_92 = arith.constant 112 : index
    %get3A_93 = tpu.vector_load %arg7[%get3A_92] {strides = array<i32>} : memref<128xi32, #tpu.memory_space<vmem>>, vector<16xi32>,
    %add3A_94 = arith.addi %get3A_93, %get3A_3 : vector<16xi32>
    %rem3A_95 = arith.constant 168 : i32
    %rem3A_96 = vector.broadcast %rem3A_95 : i32 to vector<16xi32>
    %rem3A_97 = arith.remsi %add3A_94, %rem3A_96 : vector<16xi32>
    %lt3A_98 = arith.constant 0 : i32
    %lt3A_99 = vector.broadcast %lt3A_98 : i32 to vector<16xi32>
    %lt3A_100 = arith.cmpi slt, %rem3A_97, %lt3A_99 : vector<16xi32>
    %add3A_101 = arith.constant 168 : i32
    %add3A_102 = vector.broadcast %add3A_101 : i32 to vector<16xi32>
    %add3A_103 = arith.addi %rem3A_97, %add3A_102 : vector<16xi32>
    %select_n3A_104 = arith.select %lt3A_100, %add3A_103, %rem3A_97 : vector<16xi1>, vector<16xi32>
    %scan3A = arith.constant 0 : i32
    %scan3A_105 = arith.constant 100 : i32
    %scan3A_106 = arith.addi %scan3A, %scan3A_105 : i32
    %scan3A_107 = arith.constant 1 : i32
    %scan3A_108:8 = scf.for %scan3A_153 = %scan3A to %scan3A_106 step %scan3A_107 iter_args(%scan3A_154 = %select_n3A, %scan3A_155 = %select_n3A_26, %scan3A_156 = %select_n3A_39, %scan3A_157 = %select_n3A_52, %scan3A_158 = %select_n3A_65, %scan3A_159 = %select_n3A_78, %scan3A_160 = %select_n3A_91, %scan3A_161 = %select_n3A_104) -> (vector<16xi32>, vector<16xi32>, vector<16xi32>, vector<16xi32>, vector<16xi32>, vector<16xi32>, vector<16xi32>, vector<16xi32>)  : i32 {
      %mul3A_162 = arith.constant 2 : i32
      %mul3A_163 = arith.muli %scan3A_153, %mul3A_162 : i32
      %ge3A = arith.constant 2 : i32
      %ge3A_164 = arith.cmpi sge, %mul3A_163, %ge3A : i32
      %convert_element_type3A = arith.extui %ge3A_164 : i1 to i32
      %cond3A = arith.constant 0 : i32
      %cond3A_165 = arith.cmpi ne, %convert_element_type3A, %cond3A : i32
      scf.if %cond3A_165 {
        %dma_wait3A_360 = arith.constant 0 : i32
        %dma_wait3A_361 = arith.constant 0 : i32
        %dma_wait3A_362 = arith.constant 0 : i32
        %dma_wait3A_363 = arith.constant 0 : i32
        %dma_wait3A_364 = arith.constant 0 : i32
        %dma_wait3A_365 = tpu.memref_slice %arg9[%dma_wait3A_360, %dma_wait3A_362, %dma_wait3A_363, %dma_wait3A_364] : memref<2x8x8x128xf32, #tpu.memory_space<vmem>> -> memref<1x8x8x128xf32, #tpu.memory_space<vmem>>
        %dma_wait3A_366 = tpu.memref_squeeze %dma_wait3A_365 : memref<1x8x8x128xf32, #tpu.memory_space<vmem>> -> memref<8x8x128xf32, #tpu.memory_space<vmem>>
        %dma_wait3A_367 = arith.constant 0 : i32
        %dma_wait3A_368 = arith.constant 0 : i32
        %dma_wait3A_369 = arith.constant 0 : i32
        %dma_wait3A_370 = tpu.memref_slice %arg5[%dma_wait3A_361, %dma_wait3A_367, %add3A, %dma_wait3A_368, %dma_wait3A_369] : memref<200x8x32x8x128xf32, #tpu.memory_space<hbm>> -> memref<1x8x1x8x128xf32, #tpu.memory_space<hbm>>
        %dma_wait3A_371 = tpu.memref_squeeze %dma_wait3A_370 : memref<1x8x1x8x128xf32, #tpu.memory_space<hbm>> -> memref<8x8x128xf32, #tpu.memory_space<hbm>>
        %dma_wait3A_372 = arith.constant 0 : i32
        %dma_wait3A_373 = arith.constant 0 : i32
        %dma_wait3A_374 = arith.constant 0 : i32
        %dma_wait3A_375 = tpu.memref_slice %arg5[%dma_wait3A_361, %dma_wait3A_372, %add3A, %dma_wait3A_373, %dma_wait3A_374] : memref<200x8x32x8x128xf32, #tpu.memory_space<hbm>> -> memref<1x8x1x8x128xf32, #tpu.memory_space<hbm>>
        %dma_wait3A_376 = tpu.memref_squeeze %dma_wait3A_375 : memref<1x8x1x8x128xf32, #tpu.memory_space<hbm>> -> memref<8x8x128xf32, #tpu.memory_space<hbm>>
        %dma_wait3A_377 = arith.constant 0 : i32
        %dma_wait3A_378 = arith.constant 0 : i32
        %dma_wait3A_379 = arith.constant 0 : i32
        %dma_wait3A_380 = tpu.memref_slice %arg9[%dma_wait3A_360, %dma_wait3A_377, %dma_wait3A_378, %dma_wait3A_379] : memref<2x8x8x128xf32, #tpu.memory_space<vmem>> -> memref<1x8x8x128xf32, #tpu.memory_space<vmem>>
        %dma_wait3A_381 = tpu.memref_squeeze %dma_wait3A_380 : memref<1x8x8x128xf32, #tpu.memory_space<vmem>> -> memref<8x8x128xf32, #tpu.memory_space<vmem>>
        tpu.wait_dma2 semaphore(%arg10 : memref<!tpu.dma_semaphore, #tpu.memory_space<semaphore_mem>>) src(%dma_wait3A_381 : memref<8x8x128xf32, #tpu.memory_space<vmem>>) dst(%dma_wait3A_376 : memref<8x8x128xf32, #tpu.memory_space<hbm>>)
      } else {
      }
      %parallel_loop3A = arith.constant 0 : i32
      %parallel_loop3A_166 = arith.constant 8 : i32
      %parallel_loop3A_167 = arith.constant 1 : i32
      scf.for %parallel_loop3A_360 = %parallel_loop3A to %parallel_loop3A_166 step %parallel_loop3A_167  : i32 {
        %parallel_loop3A_361 = arith.constant 1344 : i32
        %parallel_loop3A_362 = arith.muli %parallel_loop3A_360, %parallel_loop3A_361 : i32
        %parallel_loop3A_363 = arith.constant 0 : i32
        %parallel_loop3A_364 = arith.addi %parallel_loop3A_362, %parallel_loop3A_363 : i32
        %parallel_loop3A_365 = vector.broadcast %parallel_loop3A_364 : i32 to vector<16xi32>
        %parallel_loop3A_366 = arith.addi %scan3A_154, %parallel_loop3A_365 : vector<16xi32>
        %parallel_loop3A_367 = tpu.vector_load_idx %arg6[%parallel_loop3A_366] : memref<10752xf32, #tpu.memory_space<vmem>>[vector<16xi32>], vector<16xf32>,
        %parallel_loop3A_368 = arith.constant 0 : i32
        %parallel_loop3A_369 = arith.constant 0 : i32
        %parallel_loop3A_370 = arith.index_cast %parallel_loop3A_368 : i32 to index
        %parallel_loop3A_371 = arith.index_cast %parallel_loop3A_360 : i32 to index
        %parallel_loop3A_372 = arith.index_cast %parallel_loop3A_369 : i32 to index
        %parallel_loop3A_373 = arith.constant 0 : index
        %parallel_loop3A_374 = tpu.vector_load %arg9[%parallel_loop3A_370, %parallel_loop3A_371, %parallel_loop3A_372, %parallel_loop3A_373] {strides = array<i32>} : memref<2x8x8x128xf32, #tpu.memory_space<vmem>>, vector<16xf32>,
        tpu.vector_store %arg9[%parallel_loop3A_370, %parallel_loop3A_371, %parallel_loop3A_372, %parallel_loop3A_373], %parallel_loop3A_367 {strides = array<i32>} : memref<2x8x8x128xf32, #tpu.memory_space<vmem>>, vector<16xf32>,
        %parallel_loop3A_375 = arith.constant 0 : i32
        %parallel_loop3A_376 = arith.addi %parallel_loop3A_362, %parallel_loop3A_375 : i32
        %parallel_loop3A_377 = vector.broadcast %parallel_loop3A_376 : i32 to vector<16xi32>
        %parallel_loop3A_378 = arith.addi %scan3A_155, %parallel_loop3A_377 : vector<16xi32>
        %parallel_loop3A_379 = tpu.vector_load_idx %arg6[%parallel_loop3A_378] : memref<10752xf32, #tpu.memory_space<vmem>>[vector<16xi32>], vector<16xf32>,
        %parallel_loop3A_380 = arith.constant 0 : i32
        %parallel_loop3A_381 = arith.constant 0 : i32
        %parallel_loop3A_382 = arith.index_cast %parallel_loop3A_380 : i32 to index
        %parallel_loop3A_383 = arith.index_cast %parallel_loop3A_360 : i32 to index
        %parallel_loop3A_384 = arith.index_cast %parallel_loop3A_381 : i32 to index
        %parallel_loop3A_385 = arith.constant 16 : index
        %parallel_loop3A_386 = tpu.vector_load %arg9[%parallel_loop3A_382, %parallel_loop3A_383, %parallel_loop3A_384, %parallel_loop3A_385] {strides = array<i32>} : memref<2x8x8x128xf32, #tpu.memory_space<vmem>>, vector<16xf32>,
        tpu.vector_store %arg9[%parallel_loop3A_382, %parallel_loop3A_383, %parallel_loop3A_384, %parallel_loop3A_385], %parallel_loop3A_379 {strides = array<i32>} : memref<2x8x8x128xf32, #tpu.memory_space<vmem>>, vector<16xf32>,
        %parallel_loop3A_387 = arith.constant 0 : i32
        %parallel_loop3A_388 = arith.addi %parallel_loop3A_362, %parallel_loop3A_387 : i32
        %parallel_loop3A_389 = vector.broadcast %parallel_loop3A_388 : i32 to vector<16xi32>
        %parallel_loop3A_390 = arith.addi %scan3A_156, %parallel_loop3A_389 : vector<16xi32>
        %parallel_loop3A_391 = tpu.vector_load_idx %arg6[%parallel_loop3A_390] : memref<10752xf32, #tpu.memory_space<vmem>>[vector<16xi32>], vector<16xf32>,
        %parallel_loop3A_392 = arith.constant 0 : i32
        %parallel_loop3A_393 = arith.constant 0 : i32
        %parallel_loop3A_394 = arith.index_cast %parallel_loop3A_392 : i32 to index
        %parallel_loop3A_395 = arith.index_cast %parallel_loop3A_360 : i32 to index
        %parallel_loop3A_396 = arith.index_cast %parallel_loop3A_393 : i32 to index
        %parallel_loop3A_397 = arith.constant 32 : index
        %parallel_loop3A_398 = tpu.vector_load %arg9[%parallel_loop3A_394, %parallel_loop3A_395, %parallel_loop3A_396, %parallel_loop3A_397] {strides = array<i32>} : memref<2x8x8x128xf32, #tpu.memory_space<vmem>>, vector<16xf32>,
        tpu.vector_store %arg9[%parallel_loop3A_394, %parallel_loop3A_395, %parallel_loop3A_396, %parallel_loop3A_397], %parallel_loop3A_391 {strides = array<i32>} : memref<2x8x8x128xf32, #tpu.memory_space<vmem>>, vector<16xf32>,
        %parallel_loop3A_399 = arith.constant 0 : i32
        %parallel_loop3A_400 = arith.addi %parallel_loop3A_362, %parallel_loop3A_399 : i32
        %parallel_loop3A_401 = vector.broadcast %parallel_loop3A_400 : i32 to vector<16xi32>
        %parallel_loop3A_402 = arith.addi %scan3A_157, %parallel_loop3A_401 : vector<16xi32>
        %parallel_loop3A_403 = tpu.vector_load_idx %arg6[%parallel_loop3A_402] : memref<10752xf32, #tpu.memory_space<vmem>>[vector<16xi32>], vector<16xf32>,
        %parallel_loop3A_404 = arith.constant 0 : i32
        %parallel_loop3A_405 = arith.constant 0 : i32
        %parallel_loop3A_406 = arith.index_cast %parallel_loop3A_404 : i32 to index
        %parallel_loop3A_407 = arith.index_cast %parallel_loop3A_360 : i32 to index
        %parallel_loop3A_408 = arith.index_cast %parallel_loop3A_405 : i32 to index
        %parallel_loop3A_409 = arith.constant 48 : index
        %parallel_loop3A_410 = tpu.vector_load %arg9[%parallel_loop3A_406, %parallel_loop3A_407, %parallel_loop3A_408, %parallel_loop3A_409] {strides = array<i32>} : memref<2x8x8x128xf32, #tpu.memory_space<vmem>>, vector<16xf32>,
        tpu.vector_store %arg9[%parallel_loop3A_406, %parallel_loop3A_407, %parallel_loop3A_408, %parallel_loop3A_409], %parallel_loop3A_403 {strides = array<i32>} : memref<2x8x8x128xf32, #tpu.memory_space<vmem>>, vector<16xf32>,
        %parallel_loop3A_411 = arith.constant 0 : i32
        %parallel_loop3A_412 = arith.addi %parallel_loop3A_362, %parallel_loop3A_411 : i32
        %parallel_loop3A_413 = vector.broadcast %parallel_loop3A_412 : i32 to vector<16xi32>
        %parallel_loop3A_414 = arith.addi %scan3A_158, %parallel_loop3A_413 : vector<16xi32>
        %parallel_loop3A_415 = tpu.vector_load_idx %arg6[%parallel_loop3A_414] : memref<10752xf32, #tpu.memory_space<vmem>>[vector<16xi32>], vector<16xf32>,
        %parallel_loop3A_416 = arith.constant 0 : i32
        %parallel_loop3A_417 = arith.constant 0 : i32
        %parallel_loop3A_418 = arith.index_cast %parallel_loop3A_416 : i32 to index
        %parallel_loop3A_419 = arith.index_cast %parallel_loop3A_360 : i32 to index
        %parallel_loop3A_420 = arith.index_cast %parallel_loop3A_417 : i32 to index
        %parallel_loop3A_421 = arith.constant 64 : index
        %parallel_loop3A_422 = tpu.vector_load %arg9[%parallel_loop3A_418, %parallel_loop3A_419, %parallel_loop3A_420, %parallel_loop3A_421] {strides = array<i32>} : memref<2x8x8x128xf32, #tpu.memory_space<vmem>>, vector<16xf32>,
        tpu.vector_store %arg9[%parallel_loop3A_418, %parallel_loop3A_419, %parallel_loop3A_420, %parallel_loop3A_421], %parallel_loop3A_415 {strides = array<i32>} : memref<2x8x8x128xf32, #tpu.memory_space<vmem>>, vector<16xf32>,
        %parallel_loop3A_423 = arith.constant 0 : i32
        %parallel_loop3A_424 = arith.addi %parallel_loop3A_362, %parallel_loop3A_423 : i32
        %parallel_loop3A_425 = vector.broadcast %parallel_loop3A_424 : i32 to vector<16xi32>
        %parallel_loop3A_426 = arith.addi %scan3A_159, %parallel_loop3A_425 : vector<16xi32>
        %parallel_loop3A_427 = tpu.vector_load_idx %arg6[%parallel_loop3A_426] : memref<10752xf32, #tpu.memory_space<vmem>>[vector<16xi32>], vector<16xf32>,
        %parallel_loop3A_428 = arith.constant 0 : i32
        %parallel_loop3A_429 = arith.constant 0 : i32
        %parallel_loop3A_430 = arith.index_cast %parallel_loop3A_428 : i32 to index
        %parallel_loop3A_431 = arith.index_cast %parallel_loop3A_360 : i32 to index
        %parallel_loop3A_432 = arith.index_cast %parallel_loop3A_429 : i32 to index
        %parallel_loop3A_433 = arith.constant 80 : index
        %parallel_loop3A_434 = tpu.vector_load %arg9[%parallel_loop3A_430, %parallel_loop3A_431, %parallel_loop3A_432, %parallel_loop3A_433] {strides = array<i32>} : memref<2x8x8x128xf32, #tpu.memory_space<vmem>>, vector<16xf32>,
        tpu.vector_store %arg9[%parallel_loop3A_430, %parallel_loop3A_431, %parallel_loop3A_432, %parallel_loop3A_433], %parallel_loop3A_427 {strides = array<i32>} : memref<2x8x8x128xf32, #tpu.memory_space<vmem>>, vector<16xf32>,
        %parallel_loop3A_435 = arith.constant 0 : i32
        %parallel_loop3A_436 = arith.addi %parallel_loop3A_362, %parallel_loop3A_435 : i32
        %parallel_loop3A_437 = vector.broadcast %parallel_loop3A_436 : i32 to vector<16xi32>
        %parallel_loop3A_438 = arith.addi %scan3A_160, %parallel_loop3A_437 : vector<16xi32>
        %parallel_loop3A_439 = tpu.vector_load_idx %arg6[%parallel_loop3A_438] : memref<10752xf32, #tpu.memory_space<vmem>>[vector<16xi32>], vector<16xf32>,
        %parallel_loop3A_440 = arith.constant 0 : i32
        %parallel_loop3A_441 = arith.constant 0 : i32
        %parallel_loop3A_442 = arith.index_cast %parallel_loop3A_440 : i32 to index
        %parallel_loop3A_443 = arith.index_cast %parallel_loop3A_360 : i32 to index
        %parallel_loop3A_444 = arith.index_cast %parallel_loop3A_441 : i32 to index
        %parallel_loop3A_445 = arith.constant 96 : index
        %parallel_loop3A_446 = tpu.vector_load %arg9[%parallel_loop3A_442, %parallel_loop3A_443, %parallel_loop3A_444, %parallel_loop3A_445] {strides = array<i32>} : memref<2x8x8x128xf32, #tpu.memory_space<vmem>>, vector<16xf32>,
        tpu.vector_store %arg9[%parallel_loop3A_442, %parallel_loop3A_443, %parallel_loop3A_444, %parallel_loop3A_445], %parallel_loop3A_439 {strides = array<i32>} : memref<2x8x8x128xf32, #tpu.memory_space<vmem>>, vector<16xf32>,
        %parallel_loop3A_447 = arith.constant 0 : i32
        %parallel_loop3A_448 = arith.addi %parallel_loop3A_362, %parallel_loop3A_447 : i32
        %parallel_loop3A_449 = vector.broadcast %parallel_loop3A_448 : i32 to vector<16xi32>
        %parallel_loop3A_450 = arith.addi %scan3A_161, %parallel_loop3A_449 : vector<16xi32>
        %parallel_loop3A_451 = tpu.vector_load_idx %arg6[%parallel_loop3A_450] : memref<10752xf32, #tpu.memory_space<vmem>>[vector<16xi32>], vector<16xf32>,
        %parallel_loop3A_452 = arith.constant 0 : i32
        %parallel_loop3A_453 = arith.constant 0 : i32
        %parallel_loop3A_454 = arith.index_cast %parallel_loop3A_452 : i32 to index
        %parallel_loop3A_455 = arith.index_cast %parallel_loop3A_360 : i32 to index
        %parallel_loop3A_456 = arith.index_cast %parallel_loop3A_453 : i32 to index
        %parallel_loop3A_457 = arith.constant 112 : index
        %parallel_loop3A_458 = tpu.vector_load %arg9[%parallel_loop3A_454, %parallel_loop3A_455, %parallel_loop3A_456, %parallel_loop3A_457] {strides = array<i32>} : memref<2x8x8x128xf32, #tpu.memory_space<vmem>>, vector<16xf32>,
        tpu.vector_store %arg9[%parallel_loop3A_454, %parallel_loop3A_455, %parallel_loop3A_456, %parallel_loop3A_457], %parallel_loop3A_451 {strides = array<i32>} : memref<2x8x8x128xf32, #tpu.memory_space<vmem>>, vector<16xf32>,
        %parallel_loop3A_459 = arith.constant 168 : i32
        %parallel_loop3A_460 = arith.addi %parallel_loop3A_362, %parallel_loop3A_459 : i32
        %parallel_loop3A_461 = vector.broadcast %parallel_loop3A_460 : i32 to vector<16xi32>
        %parallel_loop3A_462 = arith.addi %scan3A_154, %parallel_loop3A_461 : vector<16xi32>
        %parallel_loop3A_463 = tpu.vector_load_idx %arg6[%parallel_loop3A_462] : memref<10752xf32, #tpu.memory_space<vmem>>[vector<16xi32>], vector<16xf32>,
        %parallel_loop3A_464 = arith.constant 0 : i32
        %parallel_loop3A_465 = arith.constant 1 : i32
        %parallel_loop3A_466 = arith.index_cast %parallel_loop3A_464 : i32 to index
        %parallel_loop3A_467 = arith.index_cast %parallel_loop3A_360 : i32 to index
        %parallel_loop3A_468 = arith.index_cast %parallel_loop3A_465 : i32 to index
        %parallel_loop3A_469 = arith.constant 0 : index
        %parallel_loop3A_470 = tpu.vector_load %arg9[%parallel_loop3A_466, %parallel_loop3A_467, %parallel_loop3A_468, %parallel_loop3A_469] {strides = array<i32>} : memref<2x8x8x128xf32, #tpu.memory_space<vmem>>, vector<16xf32>,
        tpu.vector_store %arg9[%parallel_loop3A_466, %parallel_loop3A_467, %parallel_loop3A_468, %parallel_loop3A_469], %parallel_loop3A_463 {strides = array<i32>} : memref<2x8x8x128xf32, #tpu.memory_space<vmem>>, vector<16xf32>,
        %parallel_loop3A_471 = arith.constant 168 : i32
        %parallel_loop3A_472 = arith.addi %parallel_loop3A_362, %parallel_loop3A_471 : i32
        %parallel_loop3A_473 = vector.broadcast %parallel_loop3A_472 : i32 to vector<16xi32>
        %parallel_loop3A_474 = arith.addi %scan3A_155, %parallel_loop3A_473 : vector<16xi32>
        %parallel_loop3A_475 = tpu.vector_load_idx %arg6[%parallel_loop3A_474] : memref<10752xf32, #tpu.memory_space<vmem>>[vector<16xi32>], vector<16xf32>,
        %parallel_loop3A_476 = arith.constant 0 : i32
        %parallel_loop3A_477 = arith.constant 1 : i32
        %parallel_loop3A_478 = arith.index_cast %parallel_loop3A_476 : i32 to index
        %parallel_loop3A_479 = arith.index_cast %parallel_loop3A_360 : i32 to index
        %parallel_loop3A_480 = arith.index_cast %parallel_loop3A_477 : i32 to index
        %parallel_loop3A_481 = arith.constant 16 : index
        %parallel_loop3A_482 = tpu.vector_load %arg9[%parallel_loop3A_478, %parallel_loop3A_479, %parallel_loop3A_480, %parallel_loop3A_481] {strides = array<i32>} : memref<2x8x8x128xf32, #tpu.memory_space<vmem>>, vector<16xf32>,
        tpu.vector_store %arg9[%parallel_loop3A_478, %parallel_loop3A_479, %parallel_loop3A_480, %parallel_loop3A_481], %parallel_loop3A_475 {strides = array<i32>} : memref<2x8x8x128xf32, #tpu.memory_space<vmem>>, vector<16xf32>,
        %parallel_loop3A_483 = arith.constant 168 : i32
        %parallel_loop3A_484 = arith.addi %parallel_loop3A_362, %parallel_loop3A_483 : i32
        %parallel_loop3A_485 = vector.broadcast %parallel_loop3A_484 : i32 to vector<16xi32>
        %parallel_loop3A_486 = arith.addi %scan3A_156, %parallel_loop3A_485 : vector<16xi32>
        %parallel_loop3A_487 = tpu.vector_load_idx %arg6[%parallel_loop3A_486] : memref<10752xf32, #tpu.memory_space<vmem>>[vector<16xi32>], vector<16xf32>,
        %parallel_loop3A_488 = arith.constant 0 : i32
        %parallel_loop3A_489 = arith.constant 1 : i32
        %parallel_loop3A_490 = arith.index_cast %parallel_loop3A_488 : i32 to index
        %parallel_loop3A_491 = arith.index_cast %parallel_loop3A_360 : i32 to index
        %parallel_loop3A_492 = arith.index_cast %parallel_loop3A_489 : i32 to index
        %parallel_loop3A_493 = arith.constant 32 : index
        %parallel_loop3A_494 = tpu.vector_load %arg9[%parallel_loop3A_490, %parallel_loop3A_491, %parallel_loop3A_492, %parallel_loop3A_493] {strides = array<i32>} : memref<2x8x8x128xf32, #tpu.memory_space<vmem>>, vector<16xf32>,
        tpu.vector_store %arg9[%parallel_loop3A_490, %parallel_loop3A_491, %parallel_loop3A_492, %parallel_loop3A_493], %parallel_loop3A_487 {strides = array<i32>} : memref<2x8x8x128xf32, #tpu.memory_space<vmem>>, vector<16xf32>,
        %parallel_loop3A_495 = arith.constant 168 : i32
        %parallel_loop3A_496 = arith.addi %parallel_loop3A_362, %parallel_loop3A_495 : i32
        %parallel_loop3A_497 = vector.broadcast %parallel_loop3A_496 : i32 to vector<16xi32>
        %parallel_loop3A_498 = arith.addi %scan3A_157, %parallel_loop3A_497 : vector<16xi32>
        %parallel_loop3A_499 = tpu.vector_load_idx %arg6[%parallel_loop3A_498] : memref<10752xf32, #tpu.memory_space<vmem>>[vector<16xi32>], vector<16xf32>,
        %parallel_loop3A_500 = arith.constant 0 : i32
        %parallel_loop3A_501 = arith.constant 1 : i32
        %parallel_loop3A_502 = arith.index_cast %parallel_loop3A_500 : i32 to index
        %parallel_loop3A_503 = arith.index_cast %parallel_loop3A_360 : i32 to index
        %parallel_loop3A_504 = arith.index_cast %parallel_loop3A_501 : i32 to index
        %parallel_loop3A_505 = arith.constant 48 : index
        %parallel_loop3A_506 = tpu.vector_load %arg9[%parallel_loop3A_502, %parallel_loop3A_503, %parallel_loop3A_504, %parallel_loop3A_505] {strides = array<i32>} : memref<2x8x8x128xf32, #tpu.memory_space<vmem>>, vector<16xf32>,
        tpu.vector_store %arg9[%parallel_loop3A_502, %parallel_loop3A_503, %parallel_loop3A_504, %parallel_loop3A_505], %parallel_loop3A_499 {strides = array<i32>} : memref<2x8x8x128xf32, #tpu.memory_space<vmem>>, vector<16xf32>,
        %parallel_loop3A_507 = arith.constant 168 : i32
        %parallel_loop3A_508 = arith.addi %parallel_loop3A_362, %parallel_loop3A_507 : i32
        %parallel_loop3A_509 = vector.broadcast %parallel_loop3A_508 : i32 to vector<16xi32>
        %parallel_loop3A_510 = arith.addi %scan3A_158, %parallel_loop3A_509 : vector<16xi32>
        %parallel_loop3A_511 = tpu.vector_load_idx %arg6[%parallel_loop3A_510] : memref<10752xf32, #tpu.memory_space<vmem>>[vector<16xi32>], vector<16xf32>,
        %parallel_loop3A_512 = arith.constant 0 : i32
        %parallel_loop3A_513 = arith.constant 1 : i32
        %parallel_loop3A_514 = arith.index_cast %parallel_loop3A_512 : i32 to index
        %parallel_loop3A_515 = arith.index_cast %parallel_loop3A_360 : i32 to index
        %parallel_loop3A_516 = arith.index_cast %parallel_loop3A_513 : i32 to index
        %parallel_loop3A_517 = arith.constant 64 : index
        %parallel_loop3A_518 = tpu.vector_load %arg9[%parallel_loop3A_514, %parallel_loop3A_515, %parallel_loop3A_516, %parallel_loop3A_517] {strides = array<i32>} : memref<2x8x8x128xf32, #tpu.memory_space<vmem>>, vector<16xf32>,
        tpu.vector_store %arg9[%parallel_loop3A_514, %parallel_loop3A_515, %parallel_loop3A_516, %parallel_loop3A_517], %parallel_loop3A_511 {strides = array<i32>} : memref<2x8x8x128xf32, #tpu.memory_space<vmem>>, vector<16xf32>,
        %parallel_loop3A_519 = arith.constant 168 : i32
        %parallel_loop3A_520 = arith.addi %parallel_loop3A_362, %parallel_loop3A_519 : i32
        %parallel_loop3A_521 = vector.broadcast %parallel_loop3A_520 : i32 to vector<16xi32>
        %parallel_loop3A_522 = arith.addi %scan3A_159, %parallel_loop3A_521 : vector<16xi32>
        %parallel_loop3A_523 = tpu.vector_load_idx %arg6[%parallel_loop3A_522] : memref<10752xf32, #tpu.memory_space<vmem>>[vector<16xi32>], vector<16xf32>,
        %parallel_loop3A_524 = arith.constant 0 : i32
        %parallel_loop3A_525 = arith.constant 1 : i32
        %parallel_loop3A_526 = arith.index_cast %parallel_loop3A_524 : i32 to index
        %parallel_loop3A_527 = arith.index_cast %parallel_loop3A_360 : i32 to index
        %parallel_loop3A_528 = arith.index_cast %parallel_loop3A_525 : i32 to index
        %parallel_loop3A_529 = arith.constant 80 : index
        %parallel_loop3A_530 = tpu.vector_load %arg9[%parallel_loop3A_526, %parallel_loop3A_527, %parallel_loop3A_528, %parallel_loop3A_529] {strides = array<i32>} : memref<2x8x8x128xf32, #tpu.memory_space<vmem>>, vector<16xf32>,
        tpu.vector_store %arg9[%parallel_loop3A_526, %parallel_loop3A_527, %parallel_loop3A_528, %parallel_loop3A_529], %parallel_loop3A_523 {strides = array<i32>} : memref<2x8x8x128xf32, #tpu.memory_space<vmem>>, vector<16xf32>,
        %parallel_loop3A_531 = arith.constant 168 : i32
        %parallel_loop3A_532 = arith.addi %parallel_loop3A_362, %parallel_loop3A_531 : i32
        %parallel_loop3A_533 = vector.broadcast %parallel_loop3A_532 : i32 to vector<16xi32>
        %parallel_loop3A_534 = arith.addi %scan3A_160, %parallel_loop3A_533 : vector<16xi32>
        %parallel_loop3A_535 = tpu.vector_load_idx %arg6[%parallel_loop3A_534] : memref<10752xf32, #tpu.memory_space<vmem>>[vector<16xi32>], vector<16xf32>,
        %parallel_loop3A_536 = arith.constant 0 : i32
        %parallel_loop3A_537 = arith.constant 1 : i32
        %parallel_loop3A_538 = arith.index_cast %parallel_loop3A_536 : i32 to index
        %parallel_loop3A_539 = arith.index_cast %parallel_loop3A_360 : i32 to index
        %parallel_loop3A_540 = arith.index_cast %parallel_loop3A_537 : i32 to index
        %parallel_loop3A_541 = arith.constant 96 : index
        %parallel_loop3A_542 = tpu.vector_load %arg9[%parallel_loop3A_538, %parallel_loop3A_539, %parallel_loop3A_540, %parallel_loop3A_541] {strides = array<i32>} : memref<2x8x8x128xf32, #tpu.memory_space<vmem>>, vector<16xf32>,
        tpu.vector_store %arg9[%parallel_loop3A_538, %parallel_loop3A_539, %parallel_loop3A_540, %parallel_loop3A_541], %parallel_loop3A_535 {strides = array<i32>} : memref<2x8x8x128xf32, #tpu.memory_space<vmem>>, vector<16xf32>,
        %parallel_loop3A_543 = arith.constant 168 : i32
        %parallel_loop3A_544 = arith.addi %parallel_loop3A_362, %parallel_loop3A_543 : i32
        %parallel_loop3A_545 = vector.broadcast %parallel_loop3A_544 : i32 to vector<16xi32>
        %parallel_loop3A_546 = arith.addi %scan3A_161, %parallel_loop3A_545 : vector<16xi32>
        %parallel_loop3A_547 = tpu.vector_load_idx %arg6[%parallel_loop3A_546] : memref<10752xf32, #tpu.memory_space<vmem>>[vector<16xi32>], vector<16xf32>,
        %parallel_loop3A_548 = arith.constant 0 : i32
        %parallel_loop3A_549 = arith.constant 1 : i32
        %parallel_loop3A_550 = arith.index_cast %parallel_loop3A_548 : i32 to index
        %parallel_loop3A_551 = arith.index_cast %parallel_loop3A_360 : i32 to index
        %parallel_loop3A_552 = arith.index_cast %parallel_loop3A_549 : i32 to index
        %parallel_loop3A_553 = arith.constant 112 : index
        %parallel_loop3A_554 = tpu.vector_load %arg9[%parallel_loop3A_550, %parallel_loop3A_551, %parallel_loop3A_552, %parallel_loop3A_553] {strides = array<i32>} : memref<2x8x8x128xf32, #tpu.memory_space<vmem>>, vector<16xf32>,
        tpu.vector_store %arg9[%parallel_loop3A_550, %parallel_loop3A_551, %parallel_loop3A_552, %parallel_loop3A_553], %parallel_loop3A_547 {strides = array<i32>} : memref<2x8x8x128xf32, #tpu.memory_space<vmem>>, vector<16xf32>,
        %parallel_loop3A_555 = arith.constant 336 : i32
        %parallel_loop3A_556 = arith.addi %parallel_loop3A_362, %parallel_loop3A_555 : i32
        %parallel_loop3A_557 = vector.broadcast %parallel_loop3A_556 : i32 to vector<16xi32>
        %parallel_loop3A_558 = arith.addi %scan3A_154, %parallel_loop3A_557 : vector<16xi32>
        %parallel_loop3A_559 = tpu.vector_load_idx %arg6[%parallel_loop3A_558] : memref<10752xf32, #tpu.memory_space<vmem>>[vector<16xi32>], vector<16xf32>,
        %parallel_loop3A_560 = arith.constant 0 : i32
        %parallel_loop3A_561 = arith.constant 2 : i32
        %parallel_loop3A_562 = arith.index_cast %parallel_loop3A_560 : i32 to index
        %parallel_loop3A_563 = arith.index_cast %parallel_loop3A_360 : i32 to index
        %parallel_loop3A_564 = arith.index_cast %parallel_loop3A_561 : i32 to index
        %parallel_loop3A_565 = arith.constant 0 : index
        %parallel_loop3A_566 = tpu.vector_load %arg9[%parallel_loop3A_562, %parallel_loop3A_563, %parallel_loop3A_564, %parallel_loop3A_565] {strides = array<i32>} : memref<2x8x8x128xf32, #tpu.memory_space<vmem>>, vector<16xf32>,
        tpu.vector_store %arg9[%parallel_loop3A_562, %parallel_loop3A_563, %parallel_loop3A_564, %parallel_loop3A_565], %parallel_loop3A_559 {strides = array<i32>} : memref<2x8x8x128xf32, #tpu.memory_space<vmem>>, vector<16xf32>,
        %parallel_loop3A_567 = arith.constant 336 : i32
        %parallel_loop3A_568 = arith.addi %parallel_loop3A_362, %parallel_loop3A_567 : i32
        %parallel_loop3A_569 = vector.broadcast %parallel_loop3A_568 : i32 to vector<16xi32>
        %parallel_loop3A_570 = arith.addi %scan3A_155, %parallel_loop3A_569 : vector<16xi32>
        %parallel_loop3A_571 = tpu.vector_load_idx %arg6[%parallel_loop3A_570] : memref<10752xf32, #tpu.memory_space<vmem>>[vector<16xi32>], vector<16xf32>,
        %parallel_loop3A_572 = arith.constant 0 : i32
        %parallel_loop3A_573 = arith.constant 2 : i32
        %parallel_loop3A_574 = arith.index_cast %parallel_loop3A_572 : i32 to index
        %parallel_loop3A_575 = arith.index_cast %parallel_loop3A_360 : i32 to index
        %parallel_loop3A_576 = arith.index_cast %parallel_loop3A_573 : i32 to index
        %parallel_loop3A_577 = arith.constant 16 : index
        %parallel_loop3A_578 = tpu.vector_load %arg9[%parallel_loop3A_574, %parallel_loop3A_575, %parallel_loop3A_576, %parallel_loop3A_577] {strides = array<i32>} : memref<2x8x8x128xf32, #tpu.memory_space<vmem>>, vector<16xf32>,
        tpu.vector_store %arg9[%parallel_loop3A_574, %parallel_loop3A_575, %parallel_loop3A_576, %parallel_loop3A_577], %parallel_loop3A_571 {strides = array<i32>} : memref<2x8x8x128xf32, #tpu.memory_space<vmem>>, vector<16xf32>,
        %parallel_loop3A_579 = arith.constant 336 : i32
        %parallel_loop3A_580 = arith.addi %parallel_loop3A_362, %parallel_loop3A_579 : i32
        %parallel_loop3A_581 = vector.broadcast %parallel_loop3A_580 : i32 to vector<16xi32>
        %parallel_loop3A_582 = arith.addi %scan3A_156, %parallel_loop3A_581 : vector<16xi32>
        %parallel_loop3A_583 = tpu.vector_load_idx %arg6[%parallel_loop3A_582] : memref<10752xf32, #tpu.memory_space<vmem>>[vector<16xi32>], vector<16xf32>,
        %parallel_loop3A_584 = arith.constant 0 : i32
        %parallel_loop3A_585 = arith.constant 2 : i32
        %parallel_loop3A_586 = arith.index_cast %parallel_loop3A_584 : i32 to index
        %parallel_loop3A_587 = arith.index_cast %parallel_loop3A_360 : i32 to index
        %parallel_loop3A_588 = arith.index_cast %parallel_loop3A_585 : i32 to index
        %parallel_loop3A_589 = arith.constant 32 : index
        %parallel_loop3A_590 = tpu.vector_load %arg9[%parallel_loop3A_586, %parallel_loop3A_587, %parallel_loop3A_588, %parallel_loop3A_589] {strides = array<i32>} : memref<2x8x8x128xf32, #tpu.memory_space<vmem>>, vector<16xf32>,
        tpu.vector_store %arg9[%parallel_loop3A_586, %parallel_loop3A_587, %parallel_loop3A_588, %parallel_loop3A_589], %parallel_loop3A_583 {strides = array<i32>} : memref<2x8x8x128xf32, #tpu.memory_space<vmem>>, vector<16xf32>,
        %parallel_loop3A_591 = arith.constant 336 : i32
        %parallel_loop3A_592 = arith.addi %parallel_loop3A_362, %parallel_loop3A_591 : i32
        %parallel_loop3A_593 = vector.broadcast %parallel_loop3A_592 : i32 to vector<16xi32>
        %parallel_loop3A_594 = arith.addi %scan3A_157, %parallel_loop3A_593 : vector<16xi32>
        %parallel_loop3A_595 = tpu.vector_load_idx %arg6[%parallel_loop3A_594] : memref<10752xf32, #tpu.memory_space<vmem>>[vector<16xi32>], vector<16xf32>,
        %parallel_loop3A_596 = arith.constant 0 : i32
        %parallel_loop3A_597 = arith.constant 2 : i32
        %parallel_loop3A_598 = arith.index_cast %parallel_loop3A_596 : i32 to index
        %parallel_loop3A_599 = arith.index_cast %parallel_loop3A_360 : i32 to index
        %parallel_loop3A_600 = arith.index_cast %parallel_loop3A_597 : i32 to index
        %parallel_loop3A_601 = arith.constant 48 : index
        %parallel_loop3A_602 = tpu.vector_load %arg9[%parallel_loop3A_598, %parallel_loop3A_599, %parallel_loop3A_600, %parallel_loop3A_601] {strides = array<i32>} : memref<2x8x8x128xf32, #tpu.memory_space<vmem>>, vector<16xf32>,
        tpu.vector_store %arg9[%parallel_loop3A_598, %parallel_loop3A_599, %parallel_loop3A_600, %parallel_loop3A_601], %parallel_loop3A_595 {strides = array<i32>} : memref<2x8x8x128xf32, #tpu.memory_space<vmem>>, vector<16xf32>,
        %parallel_loop3A_603 = arith.constant 336 : i32
        %parallel_loop3A_604 = arith.addi %parallel_loop3A_362, %parallel_loop3A_603 : i32
        %parallel_loop3A_605 = vector.broadcast %parallel_loop3A_604 : i32 to vector<16xi32>
        %parallel_loop3A_606 = arith.addi %scan3A_158, %parallel_loop3A_605 : vector<16xi32>
        %parallel_loop3A_607 = tpu.vector_load_idx %arg6[%parallel_loop3A_606] : memref<10752xf32, #tpu.memory_space<vmem>>[vector<16xi32>], vector<16xf32>,
        %parallel_loop3A_608 = arith.constant 0 : i32
        %parallel_loop3A_609 = arith.constant 2 : i32
        %parallel_loop3A_610 = arith.index_cast %parallel_loop3A_608 : i32 to index
        %parallel_loop3A_611 = arith.index_cast %parallel_loop3A_360 : i32 to index
        %parallel_loop3A_612 = arith.index_cast %parallel_loop3A_609 : i32 to index
        %parallel_loop3A_613 = arith.constant 64 : index
        %parallel_loop3A_614 = tpu.vector_load %arg9[%parallel_loop3A_610, %parallel_loop3A_611, %parallel_loop3A_612, %parallel_loop3A_613] {strides = array<i32>} : memref<2x8x8x128xf32, #tpu.memory_space<vmem>>, vector<16xf32>,
        tpu.vector_store %arg9[%parallel_loop3A_610, %parallel_loop3A_611, %parallel_loop3A_612, %parallel_loop3A_613], %parallel_loop3A_607 {strides = array<i32>} : memref<2x8x8x128xf32, #tpu.memory_space<vmem>>, vector<16xf32>,
        %parallel_loop3A_615 = arith.constant 336 : i32
        %parallel_loop3A_616 = arith.addi %parallel_loop3A_362, %parallel_loop3A_615 : i32
        %parallel_loop3A_617 = vector.broadcast %parallel_loop3A_616 : i32 to vector<16xi32>
        %parallel_loop3A_618 = arith.addi %scan3A_159, %parallel_loop3A_617 : vector<16xi32>
        %parallel_loop3A_619 = tpu.vector_load_idx %arg6[%parallel_loop3A_618] : memref<10752xf32, #tpu.memory_space<vmem>>[vector<16xi32>], vector<16xf32>,
        %parallel_loop3A_620 = arith.constant 0 : i32
        %parallel_loop3A_621 = arith.constant 2 : i32
        %parallel_loop3A_622 = arith.index_cast %parallel_loop3A_620 : i32 to index
        %parallel_loop3A_623 = arith.index_cast %parallel_loop3A_360 : i32 to index
        %parallel_loop3A_624 = arith.index_cast %parallel_loop3A_621 : i32 to index
        %parallel_loop3A_625 = arith.constant 80 : index
        %parallel_loop3A_626 = tpu.vector_load %arg9[%parallel_loop3A_622, %parallel_loop3A_623, %parallel_loop3A_624, %parallel_loop3A_625] {strides = array<i32>} : memref<2x8x8x128xf32, #tpu.memory_space<vmem>>, vector<16xf32>,
        tpu.vector_store %arg9[%parallel_loop3A_622, %parallel_loop3A_623, %parallel_loop3A_624, %parallel_loop3A_625], %parallel_loop3A_619 {strides = array<i32>} : memref<2x8x8x128xf32, #tpu.memory_space<vmem>>, vector<16xf32>,
        %parallel_loop3A_627 = arith.constant 336 : i32
        %parallel_loop3A_628 = arith.addi %parallel_loop3A_362, %parallel_loop3A_627 : i32
        %parallel_loop3A_629 = vector.broadcast %parallel_loop3A_628 : i32 to vector<16xi32>
        %parallel_loop3A_630 = arith.addi %scan3A_160, %parallel_loop3A_629 : vector<16xi32>
        %parallel_loop3A_631 = tpu.vector_load_idx %arg6[%parallel_loop3A_630] : memref<10752xf32, #tpu.memory_space<vmem>>[vector<16xi32>], vector<16xf32>,
        %parallel_loop3A_632 = arith.constant 0 : i32
        %parallel_loop3A_633 = arith.constant 2 : i32
        %parallel_loop3A_634 = arith.index_cast %parallel_loop3A_632 : i32 to index
        %parallel_loop3A_635 = arith.index_cast %parallel_loop3A_360 : i32 to index
        %parallel_loop3A_636 = arith.index_cast %parallel_loop3A_633 : i32 to index
        %parallel_loop3A_637 = arith.constant 96 : index
        %parallel_loop3A_638 = tpu.vector_load %arg9[%parallel_loop3A_634, %parallel_loop3A_635, %parallel_loop3A_636, %parallel_loop3A_637] {strides = array<i32>} : memref<2x8x8x128xf32, #tpu.memory_space<vmem>>, vector<16xf32>,
        tpu.vector_store %arg9[%parallel_loop3A_634, %parallel_loop3A_635, %parallel_loop3A_636, %parallel_loop3A_637], %parallel_loop3A_631 {strides = array<i32>} : memref<2x8x8x128xf32, #tpu.memory_space<vmem>>, vector<16xf32>,
        %parallel_loop3A_639 = arith.constant 336 : i32
        %parallel_loop3A_640 = arith.addi %parallel_loop3A_362, %parallel_loop3A_639 : i32
        %parallel_loop3A_641 = vector.broadcast %parallel_loop3A_640 : i32 to vector<16xi32>
        %parallel_loop3A_642 = arith.addi %scan3A_161, %parallel_loop3A_641 : vector<16xi32>
        %parallel_loop3A_643 = tpu.vector_load_idx %arg6[%parallel_loop3A_642] : memref<10752xf32, #tpu.memory_space<vmem>>[vector<16xi32>], vector<16xf32>,
        %parallel_loop3A_644 = arith.constant 0 : i32
        %parallel_loop3A_645 = arith.constant 2 : i32
        %parallel_loop3A_646 = arith.index_cast %parallel_loop3A_644 : i32 to index
        %parallel_loop3A_647 = arith.index_cast %parallel_loop3A_360 : i32 to index
        %parallel_loop3A_648 = arith.index_cast %parallel_loop3A_645 : i32 to index
        %parallel_loop3A_649 = arith.constant 112 : index
        %parallel_loop3A_650 = tpu.vector_load %arg9[%parallel_loop3A_646, %parallel_loop3A_647, %parallel_loop3A_648, %parallel_loop3A_649] {strides = array<i32>} : memref<2x8x8x128xf32, #tpu.memory_space<vmem>>, vector<16xf32>,
        tpu.vector_store %arg9[%parallel_loop3A_646, %parallel_loop3A_647, %parallel_loop3A_648, %parallel_loop3A_649], %parallel_loop3A_643 {strides = array<i32>} : memref<2x8x8x128xf32, #tpu.memory_space<vmem>>, vector<16xf32>,
        %parallel_loop3A_651 = arith.constant 504 : i32
        %parallel_loop3A_652 = arith.addi %parallel_loop3A_362, %parallel_loop3A_651 : i32
        %parallel_loop3A_653 = vector.broadcast %parallel_loop3A_652 : i32 to vector<16xi32>
        %parallel_loop3A_654 = arith.addi %scan3A_154, %parallel_loop3A_653 : vector<16xi32>
        %parallel_loop3A_655 = tpu.vector_load_idx %arg6[%parallel_loop3A_654] : memref<10752xf32, #tpu.memory_space<vmem>>[vector<16xi32>], vector<16xf32>,
        %parallel_loop3A_656 = arith.constant 0 : i32
        %parallel_loop3A_657 = arith.constant 3 : i32
        %parallel_loop3A_658 = arith.index_cast %parallel_loop3A_656 : i32 to index
        %parallel_loop3A_659 = arith.index_cast %parallel_loop3A_360 : i32 to index
        %parallel_loop3A_660 = arith.index_cast %parallel_loop3A_657 : i32 to index
        %parallel_loop3A_661 = arith.constant 0 : index
        %parallel_loop3A_662 = tpu.vector_load %arg9[%parallel_loop3A_658, %parallel_loop3A_659, %parallel_loop3A_660, %parallel_loop3A_661] {strides = array<i32>} : memref<2x8x8x128xf32, #tpu.memory_space<vmem>>, vector<16xf32>,
        tpu.vector_store %arg9[%parallel_loop3A_658, %parallel_loop3A_659, %parallel_loop3A_660, %parallel_loop3A_661], %parallel_loop3A_655 {strides = array<i32>} : memref<2x8x8x128xf32, #tpu.memory_space<vmem>>, vector<16xf32>,
        %parallel_loop3A_663 = arith.constant 504 : i32
        %parallel_loop3A_664 = arith.addi %parallel_loop3A_362, %parallel_loop3A_663 : i32
        %parallel_loop3A_665 = vector.broadcast %parallel_loop3A_664 : i32 to vector<16xi32>
        %parallel_loop3A_666 = arith.addi %scan3A_155, %parallel_loop3A_665 : vector<16xi32>
        %parallel_loop3A_667 = tpu.vector_load_idx %arg6[%parallel_loop3A_666] : memref<10752xf32, #tpu.memory_space<vmem>>[vector<16xi32>], vector<16xf32>,
        %parallel_loop3A_668 = arith.constant 0 : i32
        %parallel_loop3A_669 = arith.constant 3 : i32
        %parallel_loop3A_670 = arith.index_cast %parallel_loop3A_668 : i32 to index
        %parallel_loop3A_671 = arith.index_cast %parallel_loop3A_360 : i32 to index
        %parallel_loop3A_672 = arith.index_cast %parallel_loop3A_669 : i32 to index
        %parallel_loop3A_673 = arith.constant 16 : index
        %parallel_loop3A_674 = tpu.vector_load %arg9[%parallel_loop3A_670, %parallel_loop3A_671, %parallel_loop3A_672, %parallel_loop3A_673] {strides = array<i32>} : memref<2x8x8x128xf32, #tpu.memory_space<vmem>>, vector<16xf32>,
        tpu.vector_store %arg9[%parallel_loop3A_670, %parallel_loop3A_671, %parallel_loop3A_672, %parallel_loop3A_673], %parallel_loop3A_667 {strides = array<i32>} : memref<2x8x8x128xf32, #tpu.memory_space<vmem>>, vector<16xf32>,
        %parallel_loop3A_675 = arith.constant 504 : i32
        %parallel_loop3A_676 = arith.addi %parallel_loop3A_362, %parallel_loop3A_675 : i32
        %parallel_loop3A_677 = vector.broadcast %parallel_loop3A_676 : i32 to vector<16xi32>
        %parallel_loop3A_678 = arith.addi %scan3A_156, %parallel_loop3A_677 : vector<16xi32>
        %parallel_loop3A_679 = tpu.vector_load_idx %arg6[%parallel_loop3A_678] : memref<10752xf32, #tpu.memory_space<vmem>>[vector<16xi32>], vector<16xf32>,
        %parallel_loop3A_680 = arith.constant 0 : i32
        %parallel_loop3A_681 = arith.constant 3 : i32
        %parallel_loop3A_682 = arith.index_cast %parallel_loop3A_680 : i32 to index
        %parallel_loop3A_683 = arith.index_cast %parallel_loop3A_360 : i32 to index
        %parallel_loop3A_684 = arith.index_cast %parallel_loop3A_681 : i32 to index
        %parallel_loop3A_685 = arith.constant 32 : index
        %parallel_loop3A_686 = tpu.vector_load %arg9[%parallel_loop3A_682, %parallel_loop3A_683, %parallel_loop3A_684, %parallel_loop3A_685] {strides = array<i32>} : memref<2x8x8x128xf32, #tpu.memory_space<vmem>>, vector<16xf32>,
        tpu.vector_store %arg9[%parallel_loop3A_682, %parallel_loop3A_683, %parallel_loop3A_684, %parallel_loop3A_685], %parallel_loop3A_679 {strides = array<i32>} : memref<2x8x8x128xf32, #tpu.memory_space<vmem>>, vector<16xf32>,
        %parallel_loop3A_687 = arith.constant 504 : i32
        %parallel_loop3A_688 = arith.addi %parallel_loop3A_362, %parallel_loop3A_687 : i32
        %parallel_loop3A_689 = vector.broadcast %parallel_loop3A_688 : i32 to vector<16xi32>
        %parallel_loop3A_690 = arith.addi %scan3A_157, %parallel_loop3A_689 : vector<16xi32>
        %parallel_loop3A_691 = tpu.vector_load_idx %arg6[%parallel_loop3A_690] : memref<10752xf32, #tpu.memory_space<vmem>>[vector<16xi32>], vector<16xf32>,
        %parallel_loop3A_692 = arith.constant 0 : i32
        %parallel_loop3A_693 = arith.constant 3 : i32
        %parallel_loop3A_694 = arith.index_cast %parallel_loop3A_692 : i32 to index
        %parallel_loop3A_695 = arith.index_cast %parallel_loop3A_360 : i32 to index
        %parallel_loop3A_696 = arith.index_cast %parallel_loop3A_693 : i32 to index
        %parallel_loop3A_697 = arith.constant 48 : index
        %parallel_loop3A_698 = tpu.vector_load %arg9[%parallel_loop3A_694, %parallel_loop3A_695, %parallel_loop3A_696, %parallel_loop3A_697] {strides = array<i32>} : memref<2x8x8x128xf32, #tpu.memory_space<vmem>>, vector<16xf32>,
        tpu.vector_store %arg9[%parallel_loop3A_694, %parallel_loop3A_695, %parallel_loop3A_696, %parallel_loop3A_697], %parallel_loop3A_691 {strides = array<i32>} : memref<2x8x8x128xf32, #tpu.memory_space<vmem>>, vector<16xf32>,
        %parallel_loop3A_699 = arith.constant 504 : i32
        %parallel_loop3A_700 = arith.addi %parallel_loop3A_362, %parallel_loop3A_699 : i32
        %parallel_loop3A_701 = vector.broadcast %parallel_loop3A_700 : i32 to vector<16xi32>
        %parallel_loop3A_702 = arith.addi %scan3A_158, %parallel_loop3A_701 : vector<16xi32>
        %parallel_loop3A_703 = tpu.vector_load_idx %arg6[%parallel_loop3A_702] : memref<10752xf32, #tpu.memory_space<vmem>>[vector<16xi32>], vector<16xf32>,
        %parallel_loop3A_704 = arith.constant 0 : i32
        %parallel_loop3A_705 = arith.constant 3 : i32
        %parallel_loop3A_706 = arith.index_cast %parallel_loop3A_704 : i32 to index
        %parallel_loop3A_707 = arith.index_cast %parallel_loop3A_360 : i32 to index
        %parallel_loop3A_708 = arith.index_cast %parallel_loop3A_705 : i32 to index
        %parallel_loop3A_709 = arith.constant 64 : index
        %parallel_loop3A_710 = tpu.vector_load %arg9[%parallel_loop3A_706, %parallel_loop3A_707, %parallel_loop3A_708, %parallel_loop3A_709] {strides = array<i32>} : memref<2x8x8x128xf32, #tpu.memory_space<vmem>>, vector<16xf32>,
        tpu.vector_store %arg9[%parallel_loop3A_706, %parallel_loop3A_707, %parallel_loop3A_708, %parallel_loop3A_709], %parallel_loop3A_703 {strides = array<i32>} : memref<2x8x8x128xf32, #tpu.memory_space<vmem>>, vector<16xf32>,
        %parallel_loop3A_711 = arith.constant 504 : i32
        %parallel_loop3A_712 = arith.addi %parallel_loop3A_362, %parallel_loop3A_711 : i32
        %parallel_loop3A_713 = vector.broadcast %parallel_loop3A_712 : i32 to vector<16xi32>
        %parallel_loop3A_714 = arith.addi %scan3A_159, %parallel_loop3A_713 : vector<16xi32>
        %parallel_loop3A_715 = tpu.vector_load_idx %arg6[%parallel_loop3A_714] : memref<10752xf32, #tpu.memory_space<vmem>>[vector<16xi32>], vector<16xf32>,
        %parallel_loop3A_716 = arith.constant 0 : i32
        %parallel_loop3A_717 = arith.constant 3 : i32
        %parallel_loop3A_718 = arith.index_cast %parallel_loop3A_716 : i32 to index
        %parallel_loop3A_719 = arith.index_cast %parallel_loop3A_360 : i32 to index
        %parallel_loop3A_720 = arith.index_cast %parallel_loop3A_717 : i32 to index
        %parallel_loop3A_721 = arith.constant 80 : index
        %parallel_loop3A_722 = tpu.vector_load %arg9[%parallel_loop3A_718, %parallel_loop3A_719, %parallel_loop3A_720, %parallel_loop3A_721] {strides = array<i32>} : memref<2x8x8x128xf32, #tpu.memory_space<vmem>>, vector<16xf32>,
        tpu.vector_store %arg9[%parallel_loop3A_718, %parallel_loop3A_719, %parallel_loop3A_720, %parallel_loop3A_721], %parallel_loop3A_715 {strides = array<i32>} : memref<2x8x8x128xf32, #tpu.memory_space<vmem>>, vector<16xf32>,
        %parallel_loop3A_723 = arith.constant 504 : i32
        %parallel_loop3A_724 = arith.addi %parallel_loop3A_362, %parallel_loop3A_723 : i32
        %parallel_loop3A_725 = vector.broadcast %parallel_loop3A_724 : i32 to vector<16xi32>
        %parallel_loop3A_726 = arith.addi %scan3A_160, %parallel_loop3A_725 : vector<16xi32>
        %parallel_loop3A_727 = tpu.vector_load_idx %arg6[%parallel_loop3A_726] : memref<10752xf32, #tpu.memory_space<vmem>>[vector<16xi32>], vector<16xf32>,
        %parallel_loop3A_728 = arith.constant 0 : i32
        %parallel_loop3A_729 = arith.constant 3 : i32
        %parallel_loop3A_730 = arith.index_cast %parallel_loop3A_728 : i32 to index
        %parallel_loop3A_731 = arith.index_cast %parallel_loop3A_360 : i32 to index
        %parallel_loop3A_732 = arith.index_cast %parallel_loop3A_729 : i32 to index
        %parallel_loop3A_733 = arith.constant 96 : index
        %parallel_loop3A_734 = tpu.vector_load %arg9[%parallel_loop3A_730, %parallel_loop3A_731, %parallel_loop3A_732, %parallel_loop3A_733] {strides = array<i32>} : memref<2x8x8x128xf32, #tpu.memory_space<vmem>>, vector<16xf32>,
        tpu.vector_store %arg9[%parallel_loop3A_730, %parallel_loop3A_731, %parallel_loop3A_732, %parallel_loop3A_733], %parallel_loop3A_727 {strides = array<i32>} : memref<2x8x8x128xf32, #tpu.memory_space<vmem>>, vector<16xf32>,
        %parallel_loop3A_735 = arith.constant 504 : i32
        %parallel_loop3A_736 = arith.addi %parallel_loop3A_362, %parallel_loop3A_735 : i32
        %parallel_loop3A_737 = vector.broadcast %parallel_loop3A_736 : i32 to vector<16xi32>
        %parallel_loop3A_738 = arith.addi %scan3A_161, %parallel_loop3A_737 : vector<16xi32>
        %parallel_loop3A_739 = tpu.vector_load_idx %arg6[%parallel_loop3A_738] : memref<10752xf32, #tpu.memory_space<vmem>>[vector<16xi32>], vector<16xf32>,
        %parallel_loop3A_740 = arith.constant 0 : i32
        %parallel_loop3A_741 = arith.constant 3 : i32
        %parallel_loop3A_742 = arith.index_cast %parallel_loop3A_740 : i32 to index
        %parallel_loop3A_743 = arith.index_cast %parallel_loop3A_360 : i32 to index
        %parallel_loop3A_744 = arith.index_cast %parallel_loop3A_741 : i32 to index
        %parallel_loop3A_745 = arith.constant 112 : index
        %parallel_loop3A_746 = tpu.vector_load %arg9[%parallel_loop3A_742, %parallel_loop3A_743, %parallel_loop3A_744, %parallel_loop3A_745] {strides = array<i32>} : memref<2x8x8x128xf32, #tpu.memory_space<vmem>>, vector<16xf32>,
        tpu.vector_store %arg9[%parallel_loop3A_742, %parallel_loop3A_743, %parallel_loop3A_744, %parallel_loop3A_745], %parallel_loop3A_739 {strides = array<i32>} : memref<2x8x8x128xf32, #tpu.memory_space<vmem>>, vector<16xf32>,
        %parallel_loop3A_747 = arith.constant 672 : i32
        %parallel_loop3A_748 = arith.addi %parallel_loop3A_362, %parallel_loop3A_747 : i32
        %parallel_loop3A_749 = vector.broadcast %parallel_loop3A_748 : i32 to vector<16xi32>
        %parallel_loop3A_750 = arith.addi %scan3A_154, %parallel_loop3A_749 : vector<16xi32>
        %parallel_loop3A_751 = tpu.vector_load_idx %arg6[%parallel_loop3A_750] : memref<10752xf32, #tpu.memory_space<vmem>>[vector<16xi32>], vector<16xf32>,
        %parallel_loop3A_752 = arith.constant 0 : i32
        %parallel_loop3A_753 = arith.constant 4 : i32
        %parallel_loop3A_754 = arith.index_cast %parallel_loop3A_752 : i32 to index
        %parallel_loop3A_755 = arith.index_cast %parallel_loop3A_360 : i32 to index
        %parallel_loop3A_756 = arith.index_cast %parallel_loop3A_753 : i32 to index
        %parallel_loop3A_757 = arith.constant 0 : index
        %parallel_loop3A_758 = tpu.vector_load %arg9[%parallel_loop3A_754, %parallel_loop3A_755, %parallel_loop3A_756, %parallel_loop3A_757] {strides = array<i32>} : memref<2x8x8x128xf32, #tpu.memory_space<vmem>>, vector<16xf32>,
        tpu.vector_store %arg9[%parallel_loop3A_754, %parallel_loop3A_755, %parallel_loop3A_756, %parallel_loop3A_757], %parallel_loop3A_751 {strides = array<i32>} : memref<2x8x8x128xf32, #tpu.memory_space<vmem>>, vector<16xf32>,
        %parallel_loop3A_759 = arith.constant 672 : i32
        %parallel_loop3A_760 = arith.addi %parallel_loop3A_362, %parallel_loop3A_759 : i32
        %parallel_loop3A_761 = vector.broadcast %parallel_loop3A_760 : i32 to vector<16xi32>
        %parallel_loop3A_762 = arith.addi %scan3A_155, %parallel_loop3A_761 : vector<16xi32>
        %parallel_loop3A_763 = tpu.vector_load_idx %arg6[%parallel_loop3A_762] : memref<10752xf32, #tpu.memory_space<vmem>>[vector<16xi32>], vector<16xf32>,
        %parallel_loop3A_764 = arith.constant 0 : i32
        %parallel_loop3A_765 = arith.constant 4 : i32
        %parallel_loop3A_766 = arith.index_cast %parallel_loop3A_764 : i32 to index
        %parallel_loop3A_767 = arith.index_cast %parallel_loop3A_360 : i32 to index
        %parallel_loop3A_768 = arith.index_cast %parallel_loop3A_765 : i32 to index
        %parallel_loop3A_769 = arith.constant 16 : index
        %parallel_loop3A_770 = tpu.vector_load %arg9[%parallel_loop3A_766, %parallel_loop3A_767, %parallel_loop3A_768, %parallel_loop3A_769] {strides = array<i32>} : memref<2x8x8x128xf32, #tpu.memory_space<vmem>>, vector<16xf32>,
        tpu.vector_store %arg9[%parallel_loop3A_766, %parallel_loop3A_767, %parallel_loop3A_768, %parallel_loop3A_769], %parallel_loop3A_763 {strides = array<i32>} : memref<2x8x8x128xf32, #tpu.memory_space<vmem>>, vector<16xf32>,
        %parallel_loop3A_771 = arith.constant 672 : i32
        %parallel_loop3A_772 = arith.addi %parallel_loop3A_362, %parallel_loop3A_771 : i32
        %parallel_loop3A_773 = vector.broadcast %parallel_loop3A_772 : i32 to vector<16xi32>
        %parallel_loop3A_774 = arith.addi %scan3A_156, %parallel_loop3A_773 : vector<16xi32>
        %parallel_loop3A_775 = tpu.vector_load_idx %arg6[%parallel_loop3A_774] : memref<10752xf32, #tpu.memory_space<vmem>>[vector<16xi32>], vector<16xf32>,
        %parallel_loop3A_776 = arith.constant 0 : i32
        %parallel_loop3A_777 = arith.constant 4 : i32
        %parallel_loop3A_778 = arith.index_cast %parallel_loop3A_776 : i32 to index
        %parallel_loop3A_779 = arith.index_cast %parallel_loop3A_360 : i32 to index
        %parallel_loop3A_780 = arith.index_cast %parallel_loop3A_777 : i32 to index
        %parallel_loop3A_781 = arith.constant 32 : index
        %parallel_loop3A_782 = tpu.vector_load %arg9[%parallel_loop3A_778, %parallel_loop3A_779, %parallel_loop3A_780, %parallel_loop3A_781] {strides = array<i32>} : memref<2x8x8x128xf32, #tpu.memory_space<vmem>>, vector<16xf32>,
        tpu.vector_store %arg9[%parallel_loop3A_778, %parallel_loop3A_779, %parallel_loop3A_780, %parallel_loop3A_781], %parallel_loop3A_775 {strides = array<i32>} : memref<2x8x8x128xf32, #tpu.memory_space<vmem>>, vector<16xf32>,
        %parallel_loop3A_783 = arith.constant 672 : i32
        %parallel_loop3A_784 = arith.addi %parallel_loop3A_362, %parallel_loop3A_783 : i32
        %parallel_loop3A_785 = vector.broadcast %parallel_loop3A_784 : i32 to vector<16xi32>
        %parallel_loop3A_786 = arith.addi %scan3A_157, %parallel_loop3A_785 : vector<16xi32>
        %parallel_loop3A_787 = tpu.vector_load_idx %arg6[%parallel_loop3A_786] : memref<10752xf32, #tpu.memory_space<vmem>>[vector<16xi32>], vector<16xf32>,
        %parallel_loop3A_788 = arith.constant 0 : i32
        %parallel_loop3A_789 = arith.constant 4 : i32
        %parallel_loop3A_790 = arith.index_cast %parallel_loop3A_788 : i32 to index
        %parallel_loop3A_791 = arith.index_cast %parallel_loop3A_360 : i32 to index
        %parallel_loop3A_792 = arith.index_cast %parallel_loop3A_789 : i32 to index
        %parallel_loop3A_793 = arith.constant 48 : index
        %parallel_loop3A_794 = tpu.vector_load %arg9[%parallel_loop3A_790, %parallel_loop3A_791, %parallel_loop3A_792, %parallel_loop3A_793] {strides = array<i32>} : memref<2x8x8x128xf32, #tpu.memory_space<vmem>>, vector<16xf32>,
        tpu.vector_store %arg9[%parallel_loop3A_790, %parallel_loop3A_791, %parallel_loop3A_792, %parallel_loop3A_793], %parallel_loop3A_787 {strides = array<i32>} : memref<2x8x8x128xf32, #tpu.memory_space<vmem>>, vector<16xf32>,
        %parallel_loop3A_795 = arith.constant 672 : i32
        %parallel_loop3A_796 = arith.addi %parallel_loop3A_362, %parallel_loop3A_795 : i32
        %parallel_loop3A_797 = vector.broadcast %parallel_loop3A_796 : i32 to vector<16xi32>
        %parallel_loop3A_798 = arith.addi %scan3A_158, %parallel_loop3A_797 : vector<16xi32>
        %parallel_loop3A_799 = tpu.vector_load_idx %arg6[%parallel_loop3A_798] : memref<10752xf32, #tpu.memory_space<vmem>>[vector<16xi32>], vector<16xf32>,
        %parallel_loop3A_800 = arith.constant 0 : i32
        %parallel_loop3A_801 = arith.constant 4 : i32
        %parallel_loop3A_802 = arith.index_cast %parallel_loop3A_800 : i32 to index
        %parallel_loop3A_803 = arith.index_cast %parallel_loop3A_360 : i32 to index
        %parallel_loop3A_804 = arith.index_cast %parallel_loop3A_801 : i32 to index
        %parallel_loop3A_805 = arith.constant 64 : index
        %parallel_loop3A_806 = tpu.vector_load %arg9[%parallel_loop3A_802, %parallel_loop3A_803, %parallel_loop3A_804, %parallel_loop3A_805] {strides = array<i32>} : memref<2x8x8x128xf32, #tpu.memory_space<vmem>>, vector<16xf32>,
        tpu.vector_store %arg9[%parallel_loop3A_802, %parallel_loop3A_803, %parallel_loop3A_804, %parallel_loop3A_805], %parallel_loop3A_799 {strides = array<i32>} : memref<2x8x8x128xf32, #tpu.memory_space<vmem>>, vector<16xf32>,
        %parallel_loop3A_807 = arith.constant 672 : i32
        %parallel_loop3A_808 = arith.addi %parallel_loop3A_362, %parallel_loop3A_807 : i32
        %parallel_loop3A_809 = vector.broadcast %parallel_loop3A_808 : i32 to vector<16xi32>
        %parallel_loop3A_810 = arith.addi %scan3A_159, %parallel_loop3A_809 : vector<16xi32>
        %parallel_loop3A_811 = tpu.vector_load_idx %arg6[%parallel_loop3A_810] : memref<10752xf32, #tpu.memory_space<vmem>>[vector<16xi32>], vector<16xf32>,
        %parallel_loop3A_812 = arith.constant 0 : i32
        %parallel_loop3A_813 = arith.constant 4 : i32
        %parallel_loop3A_814 = arith.index_cast %parallel_loop3A_812 : i32 to index
        %parallel_loop3A_815 = arith.index_cast %parallel_loop3A_360 : i32 to index
        %parallel_loop3A_816 = arith.index_cast %parallel_loop3A_813 : i32 to index
        %parallel_loop3A_817 = arith.constant 80 : index
        %parallel_loop3A_818 = tpu.vector_load %arg9[%parallel_loop3A_814, %parallel_loop3A_815, %parallel_loop3A_816, %parallel_loop3A_817] {strides = array<i32>} : memref<2x8x8x128xf32, #tpu.memory_space<vmem>>, vector<16xf32>,
        tpu.vector_store %arg9[%parallel_loop3A_814, %parallel_loop3A_815, %parallel_loop3A_816, %parallel_loop3A_817], %parallel_loop3A_811 {strides = array<i32>} : memref<2x8x8x128xf32, #tpu.memory_space<vmem>>, vector<16xf32>,
        %parallel_loop3A_819 = arith.constant 672 : i32
        %parallel_loop3A_820 = arith.addi %parallel_loop3A_362, %parallel_loop3A_819 : i32
        %parallel_loop3A_821 = vector.broadcast %parallel_loop3A_820 : i32 to vector<16xi32>
        %parallel_loop3A_822 = arith.addi %scan3A_160, %parallel_loop3A_821 : vector<16xi32>
        %parallel_loop3A_823 = tpu.vector_load_idx %arg6[%parallel_loop3A_822] : memref<10752xf32, #tpu.memory_space<vmem>>[vector<16xi32>], vector<16xf32>,
        %parallel_loop3A_824 = arith.constant 0 : i32
        %parallel_loop3A_825 = arith.constant 4 : i32
        %parallel_loop3A_826 = arith.index_cast %parallel_loop3A_824 : i32 to index
        %parallel_loop3A_827 = arith.index_cast %parallel_loop3A_360 : i32 to index
        %parallel_loop3A_828 = arith.index_cast %parallel_loop3A_825 : i32 to index
        %parallel_loop3A_829 = arith.constant 96 : index
        %parallel_loop3A_830 = tpu.vector_load %arg9[%parallel_loop3A_826, %parallel_loop3A_827, %parallel_loop3A_828, %parallel_loop3A_829] {strides = array<i32>} : memref<2x8x8x128xf32, #tpu.memory_space<vmem>>, vector<16xf32>,
        tpu.vector_store %arg9[%parallel_loop3A_826, %parallel_loop3A_827, %parallel_loop3A_828, %parallel_loop3A_829], %parallel_loop3A_823 {strides = array<i32>} : memref<2x8x8x128xf32, #tpu.memory_space<vmem>>, vector<16xf32>,
        %parallel_loop3A_831 = arith.constant 672 : i32
        %parallel_loop3A_832 = arith.addi %parallel_loop3A_362, %parallel_loop3A_831 : i32
        %parallel_loop3A_833 = vector.broadcast %parallel_loop3A_832 : i32 to vector<16xi32>
        %parallel_loop3A_834 = arith.addi %scan3A_161, %parallel_loop3A_833 : vector<16xi32>
        %parallel_loop3A_835 = tpu.vector_load_idx %arg6[%parallel_loop3A_834] : memref<10752xf32, #tpu.memory_space<vmem>>[vector<16xi32>], vector<16xf32>,
        %parallel_loop3A_836 = arith.constant 0 : i32
        %parallel_loop3A_837 = arith.constant 4 : i32
        %parallel_loop3A_838 = arith.index_cast %parallel_loop3A_836 : i32 to index
        %parallel_loop3A_839 = arith.index_cast %parallel_loop3A_360 : i32 to index
        %parallel_loop3A_840 = arith.index_cast %parallel_loop3A_837 : i32 to index
        %parallel_loop3A_841 = arith.constant 112 : index
        %parallel_loop3A_842 = tpu.vector_load %arg9[%parallel_loop3A_838, %parallel_loop3A_839, %parallel_loop3A_840, %parallel_loop3A_841] {strides = array<i32>} : memref<2x8x8x128xf32, #tpu.memory_space<vmem>>, vector<16xf32>,
        tpu.vector_store %arg9[%parallel_loop3A_838, %parallel_loop3A_839, %parallel_loop3A_840, %parallel_loop3A_841], %parallel_loop3A_835 {strides = array<i32>} : memref<2x8x8x128xf32, #tpu.memory_space<vmem>>, vector<16xf32>,
        %parallel_loop3A_843 = arith.constant 840 : i32
        %parallel_loop3A_844 = arith.addi %parallel_loop3A_362, %parallel_loop3A_843 : i32
        %parallel_loop3A_845 = vector.broadcast %parallel_loop3A_844 : i32 to vector<16xi32>
        %parallel_loop3A_846 = arith.addi %scan3A_154, %parallel_loop3A_845 : vector<16xi32>
        %parallel_loop3A_847 = tpu.vector_load_idx %arg6[%parallel_loop3A_846] : memref<10752xf32, #tpu.memory_space<vmem>>[vector<16xi32>], vector<16xf32>,
        %parallel_loop3A_848 = arith.constant 0 : i32
        %parallel_loop3A_849 = arith.constant 5 : i32
        %parallel_loop3A_850 = arith.index_cast %parallel_loop3A_848 : i32 to index
        %parallel_loop3A_851 = arith.index_cast %parallel_loop3A_360 : i32 to index
        %parallel_loop3A_852 = arith.index_cast %parallel_loop3A_849 : i32 to index
        %parallel_loop3A_853 = arith.constant 0 : index
        %parallel_loop3A_854 = tpu.vector_load %arg9[%parallel_loop3A_850, %parallel_loop3A_851, %parallel_loop3A_852, %parallel_loop3A_853] {strides = array<i32>} : memref<2x8x8x128xf32, #tpu.memory_space<vmem>>, vector<16xf32>,
        tpu.vector_store %arg9[%parallel_loop3A_850, %parallel_loop3A_851, %parallel_loop3A_852, %parallel_loop3A_853], %parallel_loop3A_847 {strides = array<i32>} : memref<2x8x8x128xf32, #tpu.memory_space<vmem>>, vector<16xf32>,
        %parallel_loop3A_855 = arith.constant 840 : i32
        %parallel_loop3A_856 = arith.addi %parallel_loop3A_362, %parallel_loop3A_855 : i32
        %parallel_loop3A_857 = vector.broadcast %parallel_loop3A_856 : i32 to vector<16xi32>
        %parallel_loop3A_858 = arith.addi %scan3A_155, %parallel_loop3A_857 : vector<16xi32>
        %parallel_loop3A_859 = tpu.vector_load_idx %arg6[%parallel_loop3A_858] : memref<10752xf32, #tpu.memory_space<vmem>>[vector<16xi32>], vector<16xf32>,
        %parallel_loop3A_860 = arith.constant 0 : i32
        %parallel_loop3A_861 = arith.constant 5 : i32
        %parallel_loop3A_862 = arith.index_cast %parallel_loop3A_860 : i32 to index
        %parallel_loop3A_863 = arith.index_cast %parallel_loop3A_360 : i32 to index
        %parallel_loop3A_864 = arith.index_cast %parallel_loop3A_861 : i32 to index
        %parallel_loop3A_865 = arith.constant 16 : index
        %parallel_loop3A_866 = tpu.vector_load %arg9[%parallel_loop3A_862, %parallel_loop3A_863, %parallel_loop3A_864, %parallel_loop3A_865] {strides = array<i32>} : memref<2x8x8x128xf32, #tpu.memory_space<vmem>>, vector<16xf32>,
        tpu.vector_store %arg9[%parallel_loop3A_862, %parallel_loop3A_863, %parallel_loop3A_864, %parallel_loop3A_865], %parallel_loop3A_859 {strides = array<i32>} : memref<2x8x8x128xf32, #tpu.memory_space<vmem>>, vector<16xf32>,
        %parallel_loop3A_867 = arith.constant 840 : i32
        %parallel_loop3A_868 = arith.addi %parallel_loop3A_362, %parallel_loop3A_867 : i32
        %parallel_loop3A_869 = vector.broadcast %parallel_loop3A_868 : i32 to vector<16xi32>
        %parallel_loop3A_870 = arith.addi %scan3A_156, %parallel_loop3A_869 : vector<16xi32>
        %parallel_loop3A_871 = tpu.vector_load_idx %arg6[%parallel_loop3A_870] : memref<10752xf32, #tpu.memory_space<vmem>>[vector<16xi32>], vector<16xf32>,
        %parallel_loop3A_872 = arith.constant 0 : i32
        %parallel_loop3A_873 = arith.constant 5 : i32
        %parallel_loop3A_874 = arith.index_cast %parallel_loop3A_872 : i32 to index
        %parallel_loop3A_875 = arith.index_cast %parallel_loop3A_360 : i32 to index
        %parallel_loop3A_876 = arith.index_cast %parallel_loop3A_873 : i32 to index
        %parallel_loop3A_877 = arith.constant 32 : index
        %parallel_loop3A_878 = tpu.vector_load %arg9[%parallel_loop3A_874, %parallel_loop3A_875, %parallel_loop3A_876, %parallel_loop3A_877] {strides = array<i32>} : memref<2x8x8x128xf32, #tpu.memory_space<vmem>>, vector<16xf32>,
        tpu.vector_store %arg9[%parallel_loop3A_874, %parallel_loop3A_875, %parallel_loop3A_876, %parallel_loop3A_877], %parallel_loop3A_871 {strides = array<i32>} : memref<2x8x8x128xf32, #tpu.memory_space<vmem>>, vector<16xf32>,
        %parallel_loop3A_879 = arith.constant 840 : i32
        %parallel_loop3A_880 = arith.addi %parallel_loop3A_362, %parallel_loop3A_879 : i32
        %parallel_loop3A_881 = vector.broadcast %parallel_loop3A_880 : i32 to vector<16xi32>
        %parallel_loop3A_882 = arith.addi %scan3A_157, %parallel_loop3A_881 : vector<16xi32>
        %parallel_loop3A_883 = tpu.vector_load_idx %arg6[%parallel_loop3A_882] : memref<10752xf32, #tpu.memory_space<vmem>>[vector<16xi32>], vector<16xf32>,
        %parallel_loop3A_884 = arith.constant 0 : i32
        %parallel_loop3A_885 = arith.constant 5 : i32
        %parallel_loop3A_886 = arith.index_cast %parallel_loop3A_884 : i32 to index
        %parallel_loop3A_887 = arith.index_cast %parallel_loop3A_360 : i32 to index
        %parallel_loop3A_888 = arith.index_cast %parallel_loop3A_885 : i32 to index
        %parallel_loop3A_889 = arith.constant 48 : index
        %parallel_loop3A_890 = tpu.vector_load %arg9[%parallel_loop3A_886, %parallel_loop3A_887, %parallel_loop3A_888, %parallel_loop3A_889] {strides = array<i32>} : memref<2x8x8x128xf32, #tpu.memory_space<vmem>>, vector<16xf32>,
        tpu.vector_store %arg9[%parallel_loop3A_886, %parallel_loop3A_887, %parallel_loop3A_888, %parallel_loop3A_889], %parallel_loop3A_883 {strides = array<i32>} : memref<2x8x8x128xf32, #tpu.memory_space<vmem>>, vector<16xf32>,
        %parallel_loop3A_891 = arith.constant 840 : i32
        %parallel_loop3A_892 = arith.addi %parallel_loop3A_362, %parallel_loop3A_891 : i32
        %parallel_loop3A_893 = vector.broadcast %parallel_loop3A_892 : i32 to vector<16xi32>
        %parallel_loop3A_894 = arith.addi %scan3A_158, %parallel_loop3A_893 : vector<16xi32>
        %parallel_loop3A_895 = tpu.vector_load_idx %arg6[%parallel_loop3A_894] : memref<10752xf32, #tpu.memory_space<vmem>>[vector<16xi32>], vector<16xf32>,
        %parallel_loop3A_896 = arith.constant 0 : i32
        %parallel_loop3A_897 = arith.constant 5 : i32
        %parallel_loop3A_898 = arith.index_cast %parallel_loop3A_896 : i32 to index
        %parallel_loop3A_899 = arith.index_cast %parallel_loop3A_360 : i32 to index
        %parallel_loop3A_900 = arith.index_cast %parallel_loop3A_897 : i32 to index
        %parallel_loop3A_901 = arith.constant 64 : index
        %parallel_loop3A_902 = tpu.vector_load %arg9[%parallel_loop3A_898, %parallel_loop3A_899, %parallel_loop3A_900, %parallel_loop3A_901] {strides = array<i32>} : memref<2x8x8x128xf32, #tpu.memory_space<vmem>>, vector<16xf32>,
        tpu.vector_store %arg9[%parallel_loop3A_898, %parallel_loop3A_899, %parallel_loop3A_900, %parallel_loop3A_901], %parallel_loop3A_895 {strides = array<i32>} : memref<2x8x8x128xf32, #tpu.memory_space<vmem>>, vector<16xf32>,
        %parallel_loop3A_903 = arith.constant 840 : i32
        %parallel_loop3A_904 = arith.addi %parallel_loop3A_362, %parallel_loop3A_903 : i32
        %parallel_loop3A_905 = vector.broadcast %parallel_loop3A_904 : i32 to vector<16xi32>
        %parallel_loop3A_906 = arith.addi %scan3A_159, %parallel_loop3A_905 : vector<16xi32>
        %parallel_loop3A_907 = tpu.vector_load_idx %arg6[%parallel_loop3A_906] : memref<10752xf32, #tpu.memory_space<vmem>>[vector<16xi32>], vector<16xf32>,
        %parallel_loop3A_908 = arith.constant 0 : i32
        %parallel_loop3A_909 = arith.constant 5 : i32
        %parallel_loop3A_910 = arith.index_cast %parallel_loop3A_908 : i32 to index
        %parallel_loop3A_911 = arith.index_cast %parallel_loop3A_360 : i32 to index
        %parallel_loop3A_912 = arith.index_cast %parallel_loop3A_909 : i32 to index
        %parallel_loop3A_913 = arith.constant 80 : index
        %parallel_loop3A_914 = tpu.vector_load %arg9[%parallel_loop3A_910, %parallel_loop3A_911, %parallel_loop3A_912, %parallel_loop3A_913] {strides = array<i32>} : memref<2x8x8x128xf32, #tpu.memory_space<vmem>>, vector<16xf32>,
        tpu.vector_store %arg9[%parallel_loop3A_910, %parallel_loop3A_911, %parallel_loop3A_912, %parallel_loop3A_913], %parallel_loop3A_907 {strides = array<i32>} : memref<2x8x8x128xf32, #tpu.memory_space<vmem>>, vector<16xf32>,
        %parallel_loop3A_915 = arith.constant 840 : i32
        %parallel_loop3A_916 = arith.addi %parallel_loop3A_362, %parallel_loop3A_915 : i32
        %parallel_loop3A_917 = vector.broadcast %parallel_loop3A_916 : i32 to vector<16xi32>
        %parallel_loop3A_918 = arith.addi %scan3A_160, %parallel_loop3A_917 : vector<16xi32>
        %parallel_loop3A_919 = tpu.vector_load_idx %arg6[%parallel_loop3A_918] : memref<10752xf32, #tpu.memory_space<vmem>>[vector<16xi32>], vector<16xf32>,
        %parallel_loop3A_920 = arith.constant 0 : i32
        %parallel_loop3A_921 = arith.constant 5 : i32
        %parallel_loop3A_922 = arith.index_cast %parallel_loop3A_920 : i32 to index
        %parallel_loop3A_923 = arith.index_cast %parallel_loop3A_360 : i32 to index
        %parallel_loop3A_924 = arith.index_cast %parallel_loop3A_921 : i32 to index
        %parallel_loop3A_925 = arith.constant 96 : index
        %parallel_loop3A_926 = tpu.vector_load %arg9[%parallel_loop3A_922, %parallel_loop3A_923, %parallel_loop3A_924, %parallel_loop3A_925] {strides = array<i32>} : memref<2x8x8x128xf32, #tpu.memory_space<vmem>>, vector<16xf32>,
        tpu.vector_store %arg9[%parallel_loop3A_922, %parallel_loop3A_923, %parallel_loop3A_924, %parallel_loop3A_925], %parallel_loop3A_919 {strides = array<i32>} : memref<2x8x8x128xf32, #tpu.memory_space<vmem>>, vector<16xf32>,
        %parallel_loop3A_927 = arith.constant 840 : i32
        %parallel_loop3A_928 = arith.addi %parallel_loop3A_362, %parallel_loop3A_927 : i32
        %parallel_loop3A_929 = vector.broadcast %parallel_loop3A_928 : i32 to vector<16xi32>
        %parallel_loop3A_930 = arith.addi %scan3A_161, %parallel_loop3A_929 : vector<16xi32>
        %parallel_loop3A_931 = tpu.vector_load_idx %arg6[%parallel_loop3A_930] : memref<10752xf32, #tpu.memory_space<vmem>>[vector<16xi32>], vector<16xf32>,
        %parallel_loop3A_932 = arith.constant 0 : i32
        %parallel_loop3A_933 = arith.constant 5 : i32
        %parallel_loop3A_934 = arith.index_cast %parallel_loop3A_932 : i32 to index
        %parallel_loop3A_935 = arith.index_cast %parallel_loop3A_360 : i32 to index
        %parallel_loop3A_936 = arith.index_cast %parallel_loop3A_933 : i32 to index
        %parallel_loop3A_937 = arith.constant 112 : index
        %parallel_loop3A_938 = tpu.vector_load %arg9[%parallel_loop3A_934, %parallel_loop3A_935, %parallel_loop3A_936, %parallel_loop3A_937] {strides = array<i32>} : memref<2x8x8x128xf32, #tpu.memory_space<vmem>>, vector<16xf32>,
        tpu.vector_store %arg9[%parallel_loop3A_934, %parallel_loop3A_935, %parallel_loop3A_936, %parallel_loop3A_937], %parallel_loop3A_931 {strides = array<i32>} : memref<2x8x8x128xf32, #tpu.memory_space<vmem>>, vector<16xf32>,
        %parallel_loop3A_939 = arith.constant 1008 : i32
        %parallel_loop3A_940 = arith.addi %parallel_loop3A_362, %parallel_loop3A_939 : i32
        %parallel_loop3A_941 = vector.broadcast %parallel_loop3A_940 : i32 to vector<16xi32>
        %parallel_loop3A_942 = arith.addi %scan3A_154, %parallel_loop3A_941 : vector<16xi32>
        %parallel_loop3A_943 = tpu.vector_load_idx %arg6[%parallel_loop3A_942] : memref<10752xf32, #tpu.memory_space<vmem>>[vector<16xi32>], vector<16xf32>,
        %parallel_loop3A_944 = arith.constant 0 : i32
        %parallel_loop3A_945 = arith.constant 6 : i32
        %parallel_loop3A_946 = arith.index_cast %parallel_loop3A_944 : i32 to index
        %parallel_loop3A_947 = arith.index_cast %parallel_loop3A_360 : i32 to index
        %parallel_loop3A_948 = arith.index_cast %parallel_loop3A_945 : i32 to index
        %parallel_loop3A_949 = arith.constant 0 : index
        %parallel_loop3A_950 = tpu.vector_load %arg9[%parallel_loop3A_946, %parallel_loop3A_947, %parallel_loop3A_948, %parallel_loop3A_949] {strides = array<i32>} : memref<2x8x8x128xf32, #tpu.memory_space<vmem>>, vector<16xf32>,
        tpu.vector_store %arg9[%parallel_loop3A_946, %parallel_loop3A_947, %parallel_loop3A_948, %parallel_loop3A_949], %parallel_loop3A_943 {strides = array<i32>} : memref<2x8x8x128xf32, #tpu.memory_space<vmem>>, vector<16xf32>,
        %parallel_loop3A_951 = arith.constant 1008 : i32
        %parallel_loop3A_952 = arith.addi %parallel_loop3A_362, %parallel_loop3A_951 : i32
        %parallel_loop3A_953 = vector.broadcast %parallel_loop3A_952 : i32 to vector<16xi32>
        %parallel_loop3A_954 = arith.addi %scan3A_155, %parallel_loop3A_953 : vector<16xi32>
        %parallel_loop3A_955 = tpu.vector_load_idx %arg6[%parallel_loop3A_954] : memref<10752xf32, #tpu.memory_space<vmem>>[vector<16xi32>], vector<16xf32>,
        %parallel_loop3A_956 = arith.constant 0 : i32
        %parallel_loop3A_957 = arith.constant 6 : i32
        %parallel_loop3A_958 = arith.index_cast %parallel_loop3A_956 : i32 to index
        %parallel_loop3A_959 = arith.index_cast %parallel_loop3A_360 : i32 to index
        %parallel_loop3A_960 = arith.index_cast %parallel_loop3A_957 : i32 to index
        %parallel_loop3A_961 = arith.constant 16 : index
        %parallel_loop3A_962 = tpu.vector_load %arg9[%parallel_loop3A_958, %parallel_loop3A_959, %parallel_loop3A_960, %parallel_loop3A_961] {strides = array<i32>} : memref<2x8x8x128xf32, #tpu.memory_space<vmem>>, vector<16xf32>,
        tpu.vector_store %arg9[%parallel_loop3A_958, %parallel_loop3A_959, %parallel_loop3A_960, %parallel_loop3A_961], %parallel_loop3A_955 {strides = array<i32>} : memref<2x8x8x128xf32, #tpu.memory_space<vmem>>, vector<16xf32>,
        %parallel_loop3A_963 = arith.constant 1008 : i32
        %parallel_loop3A_964 = arith.addi %parallel_loop3A_362, %parallel_loop3A_963 : i32
        %parallel_loop3A_965 = vector.broadcast %parallel_loop3A_964 : i32 to vector<16xi32>
        %parallel_loop3A_966 = arith.addi %scan3A_156, %parallel_loop3A_965 : vector<16xi32>
        %parallel_loop3A_967 = tpu.vector_load_idx %arg6[%parallel_loop3A_966] : memref<10752xf32, #tpu.memory_space<vmem>>[vector<16xi32>], vector<16xf32>,
        %parallel_loop3A_968 = arith.constant 0 : i32
        %parallel_loop3A_969 = arith.constant 6 : i32
        %parallel_loop3A_970 = arith.index_cast %parallel_loop3A_968 : i32 to index
        %parallel_loop3A_971 = arith.index_cast %parallel_loop3A_360 : i32 to index
        %parallel_loop3A_972 = arith.index_cast %parallel_loop3A_969 : i32 to index
        %parallel_loop3A_973 = arith.constant 32 : index
        %parallel_loop3A_974 = tpu.vector_load %arg9[%parallel_loop3A_970, %parallel_loop3A_971, %parallel_loop3A_972, %parallel_loop3A_973] {strides = array<i32>} : memref<2x8x8x128xf32, #tpu.memory_space<vmem>>, vector<16xf32>,
        tpu.vector_store %arg9[%parallel_loop3A_970, %parallel_loop3A_971, %parallel_loop3A_972, %parallel_loop3A_973], %parallel_loop3A_967 {strides = array<i32>} : memref<2x8x8x128xf32, #tpu.memory_space<vmem>>, vector<16xf32>,
        %parallel_loop3A_975 = arith.constant 1008 : i32
        %parallel_loop3A_976 = arith.addi %parallel_loop3A_362, %parallel_loop3A_975 : i32
        %parallel_loop3A_977 = vector.broadcast %parallel_loop3A_976 : i32 to vector<16xi32>
        %parallel_loop3A_978 = arith.addi %scan3A_157, %parallel_loop3A_977 : vector<16xi32>
        %parallel_loop3A_979 = tpu.vector_load_idx %arg6[%parallel_loop3A_978] : memref<10752xf32, #tpu.memory_space<vmem>>[vector<16xi32>], vector<16xf32>,
        %parallel_loop3A_980 = arith.constant 0 : i32
        %parallel_loop3A_981 = arith.constant 6 : i32
        %parallel_loop3A_982 = arith.index_cast %parallel_loop3A_980 : i32 to index
        %parallel_loop3A_983 = arith.index_cast %parallel_loop3A_360 : i32 to index
        %parallel_loop3A_984 = arith.index_cast %parallel_loop3A_981 : i32 to index
        %parallel_loop3A_985 = arith.constant 48 : index
        %parallel_loop3A_986 = tpu.vector_load %arg9[%parallel_loop3A_982, %parallel_loop3A_983, %parallel_loop3A_984, %parallel_loop3A_985] {strides = array<i32>} : memref<2x8x8x128xf32, #tpu.memory_space<vmem>>, vector<16xf32>,
        tpu.vector_store %arg9[%parallel_loop3A_982, %parallel_loop3A_983, %parallel_loop3A_984, %parallel_loop3A_985], %parallel_loop3A_979 {strides = array<i32>} : memref<2x8x8x128xf32, #tpu.memory_space<vmem>>, vector<16xf32>,
        %parallel_loop3A_987 = arith.constant 1008 : i32
        %parallel_loop3A_988 = arith.addi %parallel_loop3A_362, %parallel_loop3A_987 : i32
        %parallel_loop3A_989 = vector.broadcast %parallel_loop3A_988 : i32 to vector<16xi32>
        %parallel_loop3A_990 = arith.addi %scan3A_158, %parallel_loop3A_989 : vector<16xi32>
        %parallel_loop3A_991 = tpu.vector_load_idx %arg6[%parallel_loop3A_990] : memref<10752xf32, #tpu.memory_space<vmem>>[vector<16xi32>], vector<16xf32>,
        %parallel_loop3A_992 = arith.constant 0 : i32
        %parallel_loop3A_993 = arith.constant 6 : i32
        %parallel_loop3A_994 = arith.index_cast %parallel_loop3A_992 : i32 to index
        %parallel_loop3A_995 = arith.index_cast %parallel_loop3A_360 : i32 to index
        %parallel_loop3A_996 = arith.index_cast %parallel_loop3A_993 : i32 to index
        %parallel_loop3A_997 = arith.constant 64 : index
        %parallel_loop3A_998 = tpu.vector_load %arg9[%parallel_loop3A_994, %parallel_loop3A_995, %parallel_loop3A_996, %parallel_loop3A_997] {strides = array<i32>} : memref<2x8x8x128xf32, #tpu.memory_space<vmem>>, vector<16xf32>,
        tpu.vector_store %arg9[%parallel_loop3A_994, %parallel_loop3A_995, %parallel_loop3A_996, %parallel_loop3A_997], %parallel_loop3A_991 {strides = array<i32>} : memref<2x8x8x128xf32, #tpu.memory_space<vmem>>, vector<16xf32>,
        %parallel_loop3A_999 = arith.constant 1008 : i32
        %parallel_loop3A_1000 = arith.addi %parallel_loop3A_362, %parallel_loop3A_999 : i32
        %parallel_loop3A_1001 = vector.broadcast %parallel_loop3A_1000 : i32 to vector<16xi32>
        %parallel_loop3A_1002 = arith.addi %scan3A_159, %parallel_loop3A_1001 : vector<16xi32>
        %parallel_loop3A_1003 = tpu.vector_load_idx %arg6[%parallel_loop3A_1002] : memref<10752xf32, #tpu.memory_space<vmem>>[vector<16xi32>], vector<16xf32>,
        %parallel_loop3A_1004 = arith.constant 0 : i32
        %parallel_loop3A_1005 = arith.constant 6 : i32
        %parallel_loop3A_1006 = arith.index_cast %parallel_loop3A_1004 : i32 to index
        %parallel_loop3A_1007 = arith.index_cast %parallel_loop3A_360 : i32 to index
        %parallel_loop3A_1008 = arith.index_cast %parallel_loop3A_1005 : i32 to index
        %parallel_loop3A_1009 = arith.constant 80 : index
        %parallel_loop3A_1010 = tpu.vector_load %arg9[%parallel_loop3A_1006, %parallel_loop3A_1007, %parallel_loop3A_1008, %parallel_loop3A_1009] {strides = array<i32>} : memref<2x8x8x128xf32, #tpu.memory_space<vmem>>, vector<16xf32>,
        tpu.vector_store %arg9[%parallel_loop3A_1006, %parallel_loop3A_1007, %parallel_loop3A_1008, %parallel_loop3A_1009], %parallel_loop3A_1003 {strides = array<i32>} : memref<2x8x8x128xf32, #tpu.memory_space<vmem>>, vector<16xf32>,
        %parallel_loop3A_1011 = arith.constant 1008 : i32
        %parallel_loop3A_1012 = arith.addi %parallel_loop3A_362, %parallel_loop3A_1011 : i32
        %parallel_loop3A_1013 = vector.broadcast %parallel_loop3A_1012 : i32 to vector<16xi32>
        %parallel_loop3A_1014 = arith.addi %scan3A_160, %parallel_loop3A_1013 : vector<16xi32>
        %parallel_loop3A_1015 = tpu.vector_load_idx %arg6[%parallel_loop3A_1014] : memref<10752xf32, #tpu.memory_space<vmem>>[vector<16xi32>], vector<16xf32>,
        %parallel_loop3A_1016 = arith.constant 0 : i32
        %parallel_loop3A_1017 = arith.constant 6 : i32
        %parallel_loop3A_1018 = arith.index_cast %parallel_loop3A_1016 : i32 to index
        %parallel_loop3A_1019 = arith.index_cast %parallel_loop3A_360 : i32 to index
        %parallel_loop3A_1020 = arith.index_cast %parallel_loop3A_1017 : i32 to index
        %parallel_loop3A_1021 = arith.constant 96 : index
        %parallel_loop3A_1022 = tpu.vector_load %arg9[%parallel_loop3A_1018, %parallel_loop3A_1019, %parallel_loop3A_1020, %parallel_loop3A_1021] {strides = array<i32>} : memref<2x8x8x128xf32, #tpu.memory_space<vmem>>, vector<16xf32>,
        tpu.vector_store %arg9[%parallel_loop3A_1018, %parallel_loop3A_1019, %parallel_loop3A_1020, %parallel_loop3A_1021], %parallel_loop3A_1015 {strides = array<i32>} : memref<2x8x8x128xf32, #tpu.memory_space<vmem>>, vector<16xf32>,
        %parallel_loop3A_1023 = arith.constant 1008 : i32
        %parallel_loop3A_1024 = arith.addi %parallel_loop3A_362, %parallel_loop3A_1023 : i32
        %parallel_loop3A_1025 = vector.broadcast %parallel_loop3A_1024 : i32 to vector<16xi32>
        %parallel_loop3A_1026 = arith.addi %scan3A_161, %parallel_loop3A_1025 : vector<16xi32>
        %parallel_loop3A_1027 = tpu.vector_load_idx %arg6[%parallel_loop3A_1026] : memref<10752xf32, #tpu.memory_space<vmem>>[vector<16xi32>], vector<16xf32>,
        %parallel_loop3A_1028 = arith.constant 0 : i32
        %parallel_loop3A_1029 = arith.constant 6 : i32
        %parallel_loop3A_1030 = arith.index_cast %parallel_loop3A_1028 : i32 to index
        %parallel_loop3A_1031 = arith.index_cast %parallel_loop3A_360 : i32 to index
        %parallel_loop3A_1032 = arith.index_cast %parallel_loop3A_1029 : i32 to index
        %parallel_loop3A_1033 = arith.constant 112 : index
        %parallel_loop3A_1034 = tpu.vector_load %arg9[%parallel_loop3A_1030, %parallel_loop3A_1031, %parallel_loop3A_1032, %parallel_loop3A_1033] {strides = array<i32>} : memref<2x8x8x128xf32, #tpu.memory_space<vmem>>, vector<16xf32>,
        tpu.vector_store %arg9[%parallel_loop3A_1030, %parallel_loop3A_1031, %parallel_loop3A_1032, %parallel_loop3A_1033], %parallel_loop3A_1027 {strides = array<i32>} : memref<2x8x8x128xf32, #tpu.memory_space<vmem>>, vector<16xf32>,
        %parallel_loop3A_1035 = arith.constant 1176 : i32
        %parallel_loop3A_1036 = arith.addi %parallel_loop3A_362, %parallel_loop3A_1035 : i32
        %parallel_loop3A_1037 = vector.broadcast %parallel_loop3A_1036 : i32 to vector<16xi32>
        %parallel_loop3A_1038 = arith.addi %scan3A_154, %parallel_loop3A_1037 : vector<16xi32>
        %parallel_loop3A_1039 = tpu.vector_load_idx %arg6[%parallel_loop3A_1038] : memref<10752xf32, #tpu.memory_space<vmem>>[vector<16xi32>], vector<16xf32>,
        %parallel_loop3A_1040 = arith.constant 0 : i32
        %parallel_loop3A_1041 = arith.constant 7 : i32
        %parallel_loop3A_1042 = arith.index_cast %parallel_loop3A_1040 : i32 to index
        %parallel_loop3A_1043 = arith.index_cast %parallel_loop3A_360 : i32 to index
        %parallel_loop3A_1044 = arith.index_cast %parallel_loop3A_1041 : i32 to index
        %parallel_loop3A_1045 = arith.constant 0 : index
        %parallel_loop3A_1046 = tpu.vector_load %arg9[%parallel_loop3A_1042, %parallel_loop3A_1043, %parallel_loop3A_1044, %parallel_loop3A_1045] {strides = array<i32>} : memref<2x8x8x128xf32, #tpu.memory_space<vmem>>, vector<16xf32>,
        tpu.vector_store %arg9[%parallel_loop3A_1042, %parallel_loop3A_1043, %parallel_loop3A_1044, %parallel_loop3A_1045], %parallel_loop3A_1039 {strides = array<i32>} : memref<2x8x8x128xf32, #tpu.memory_space<vmem>>, vector<16xf32>,
        %parallel_loop3A_1047 = arith.constant 1176 : i32
        %parallel_loop3A_1048 = arith.addi %parallel_loop3A_362, %parallel_loop3A_1047 : i32
        %parallel_loop3A_1049 = vector.broadcast %parallel_loop3A_1048 : i32 to vector<16xi32>
        %parallel_loop3A_1050 = arith.addi %scan3A_155, %parallel_loop3A_1049 : vector<16xi32>
        %parallel_loop3A_1051 = tpu.vector_load_idx %arg6[%parallel_loop3A_1050] : memref<10752xf32, #tpu.memory_space<vmem>>[vector<16xi32>], vector<16xf32>,
        %parallel_loop3A_1052 = arith.constant 0 : i32
        %parallel_loop3A_1053 = arith.constant 7 : i32
        %parallel_loop3A_1054 = arith.index_cast %parallel_loop3A_1052 : i32 to index
        %parallel_loop3A_1055 = arith.index_cast %parallel_loop3A_360 : i32 to index
        %parallel_loop3A_1056 = arith.index_cast %parallel_loop3A_1053 : i32 to index
        %parallel_loop3A_1057 = arith.constant 16 : index
        %parallel_loop3A_1058 = tpu.vector_load %arg9[%parallel_loop3A_1054, %parallel_loop3A_1055, %parallel_loop3A_1056, %parallel_loop3A_1057] {strides = array<i32>} : memref<2x8x8x128xf32, #tpu.memory_space<vmem>>, vector<16xf32>,
        tpu.vector_store %arg9[%parallel_loop3A_1054, %parallel_loop3A_1055, %parallel_loop3A_1056, %parallel_loop3A_1057], %parallel_loop3A_1051 {strides = array<i32>} : memref<2x8x8x128xf32, #tpu.memory_space<vmem>>, vector<16xf32>,
        %parallel_loop3A_1059 = arith.constant 1176 : i32
        %parallel_loop3A_1060 = arith.addi %parallel_loop3A_362, %parallel_loop3A_1059 : i32
        %parallel_loop3A_1061 = vector.broadcast %parallel_loop3A_1060 : i32 to vector<16xi32>
        %parallel_loop3A_1062 = arith.addi %scan3A_156, %parallel_loop3A_1061 : vector<16xi32>
        %parallel_loop3A_1063 = tpu.vector_load_idx %arg6[%parallel_loop3A_1062] : memref<10752xf32, #tpu.memory_space<vmem>>[vector<16xi32>], vector<16xf32>,
        %parallel_loop3A_1064 = arith.constant 0 : i32
        %parallel_loop3A_1065 = arith.constant 7 : i32
        %parallel_loop3A_1066 = arith.index_cast %parallel_loop3A_1064 : i32 to index
        %parallel_loop3A_1067 = arith.index_cast %parallel_loop3A_360 : i32 to index
        %parallel_loop3A_1068 = arith.index_cast %parallel_loop3A_1065 : i32 to index
        %parallel_loop3A_1069 = arith.constant 32 : index
        %parallel_loop3A_1070 = tpu.vector_load %arg9[%parallel_loop3A_1066, %parallel_loop3A_1067, %parallel_loop3A_1068, %parallel_loop3A_1069] {strides = array<i32>} : memref<2x8x8x128xf32, #tpu.memory_space<vmem>>, vector<16xf32>,
        tpu.vector_store %arg9[%parallel_loop3A_1066, %parallel_loop3A_1067, %parallel_loop3A_1068, %parallel_loop3A_1069], %parallel_loop3A_1063 {strides = array<i32>} : memref<2x8x8x128xf32, #tpu.memory_space<vmem>>, vector<16xf32>,
        %parallel_loop3A_1071 = arith.constant 1176 : i32
        %parallel_loop3A_1072 = arith.addi %parallel_loop3A_362, %parallel_loop3A_1071 : i32
        %parallel_loop3A_1073 = vector.broadcast %parallel_loop3A_1072 : i32 to vector<16xi32>
        %parallel_loop3A_1074 = arith.addi %scan3A_157, %parallel_loop3A_1073 : vector<16xi32>
        %parallel_loop3A_1075 = tpu.vector_load_idx %arg6[%parallel_loop3A_1074] : memref<10752xf32, #tpu.memory_space<vmem>>[vector<16xi32>], vector<16xf32>,
        %parallel_loop3A_1076 = arith.constant 0 : i32
        %parallel_loop3A_1077 = arith.constant 7 : i32
        %parallel_loop3A_1078 = arith.index_cast %parallel_loop3A_1076 : i32 to index
        %parallel_loop3A_1079 = arith.index_cast %parallel_loop3A_360 : i32 to index
        %parallel_loop3A_1080 = arith.index_cast %parallel_loop3A_1077 : i32 to index
        %parallel_loop3A_1081 = arith.constant 48 : index
        %parallel_loop3A_1082 = tpu.vector_load %arg9[%parallel_loop3A_1078, %parallel_loop3A_1079, %parallel_loop3A_1080, %parallel_loop3A_1081] {strides = array<i32>} : memref<2x8x8x128xf32, #tpu.memory_space<vmem>>, vector<16xf32>,
        tpu.vector_store %arg9[%parallel_loop3A_1078, %parallel_loop3A_1079, %parallel_loop3A_1080, %parallel_loop3A_1081], %parallel_loop3A_1075 {strides = array<i32>} : memref<2x8x8x128xf32, #tpu.memory_space<vmem>>, vector<16xf32>,
        %parallel_loop3A_1083 = arith.constant 1176 : i32
        %parallel_loop3A_1084 = arith.addi %parallel_loop3A_362, %parallel_loop3A_1083 : i32
        %parallel_loop3A_1085 = vector.broadcast %parallel_loop3A_1084 : i32 to vector<16xi32>
        %parallel_loop3A_1086 = arith.addi %scan3A_158, %parallel_loop3A_1085 : vector<16xi32>
        %parallel_loop3A_1087 = tpu.vector_load_idx %arg6[%parallel_loop3A_1086] : memref<10752xf32, #tpu.memory_space<vmem>>[vector<16xi32>], vector<16xf32>,
        %parallel_loop3A_1088 = arith.constant 0 : i32
        %parallel_loop3A_1089 = arith.constant 7 : i32
        %parallel_loop3A_1090 = arith.index_cast %parallel_loop3A_1088 : i32 to index
        %parallel_loop3A_1091 = arith.index_cast %parallel_loop3A_360 : i32 to index
        %parallel_loop3A_1092 = arith.index_cast %parallel_loop3A_1089 : i32 to index
        %parallel_loop3A_1093 = arith.constant 64 : index
        %parallel_loop3A_1094 = tpu.vector_load %arg9[%parallel_loop3A_1090, %parallel_loop3A_1091, %parallel_loop3A_1092, %parallel_loop3A_1093] {strides = array<i32>} : memref<2x8x8x128xf32, #tpu.memory_space<vmem>>, vector<16xf32>,
        tpu.vector_store %arg9[%parallel_loop3A_1090, %parallel_loop3A_1091, %parallel_loop3A_1092, %parallel_loop3A_1093], %parallel_loop3A_1087 {strides = array<i32>} : memref<2x8x8x128xf32, #tpu.memory_space<vmem>>, vector<16xf32>,
        %parallel_loop3A_1095 = arith.constant 1176 : i32
        %parallel_loop3A_1096 = arith.addi %parallel_loop3A_362, %parallel_loop3A_1095 : i32
        %parallel_loop3A_1097 = vector.broadcast %parallel_loop3A_1096 : i32 to vector<16xi32>
        %parallel_loop3A_1098 = arith.addi %scan3A_159, %parallel_loop3A_1097 : vector<16xi32>
        %parallel_loop3A_1099 = tpu.vector_load_idx %arg6[%parallel_loop3A_1098] : memref<10752xf32, #tpu.memory_space<vmem>>[vector<16xi32>], vector<16xf32>,
        %parallel_loop3A_1100 = arith.constant 0 : i32
        %parallel_loop3A_1101 = arith.constant 7 : i32
        %parallel_loop3A_1102 = arith.index_cast %parallel_loop3A_1100 : i32 to index
        %parallel_loop3A_1103 = arith.index_cast %parallel_loop3A_360 : i32 to index
        %parallel_loop3A_1104 = arith.index_cast %parallel_loop3A_1101 : i32 to index
        %parallel_loop3A_1105 = arith.constant 80 : index
        %parallel_loop3A_1106 = tpu.vector_load %arg9[%parallel_loop3A_1102, %parallel_loop3A_1103, %parallel_loop3A_1104, %parallel_loop3A_1105] {strides = array<i32>} : memref<2x8x8x128xf32, #tpu.memory_space<vmem>>, vector<16xf32>,
        tpu.vector_store %arg9[%parallel_loop3A_1102, %parallel_loop3A_1103, %parallel_loop3A_1104, %parallel_loop3A_1105], %parallel_loop3A_1099 {strides = array<i32>} : memref<2x8x8x128xf32, #tpu.memory_space<vmem>>, vector<16xf32>,
        %parallel_loop3A_1107 = arith.constant 1176 : i32
        %parallel_loop3A_1108 = arith.addi %parallel_loop3A_362, %parallel_loop3A_1107 : i32
        %parallel_loop3A_1109 = vector.broadcast %parallel_loop3A_1108 : i32 to vector<16xi32>
        %parallel_loop3A_1110 = arith.addi %scan3A_160, %parallel_loop3A_1109 : vector<16xi32>
        %parallel_loop3A_1111 = tpu.vector_load_idx %arg6[%parallel_loop3A_1110] : memref<10752xf32, #tpu.memory_space<vmem>>[vector<16xi32>], vector<16xf32>,
        %parallel_loop3A_1112 = arith.constant 0 : i32
        %parallel_loop3A_1113 = arith.constant 7 : i32
        %parallel_loop3A_1114 = arith.index_cast %parallel_loop3A_1112 : i32 to index
        %parallel_loop3A_1115 = arith.index_cast %parallel_loop3A_360 : i32 to index
        %parallel_loop3A_1116 = arith.index_cast %parallel_loop3A_1113 : i32 to index
        %parallel_loop3A_1117 = arith.constant 96 : index
        %parallel_loop3A_1118 = tpu.vector_load %arg9[%parallel_loop3A_1114, %parallel_loop3A_1115, %parallel_loop3A_1116, %parallel_loop3A_1117] {strides = array<i32>} : memref<2x8x8x128xf32, #tpu.memory_space<vmem>>, vector<16xf32>,
        tpu.vector_store %arg9[%parallel_loop3A_1114, %parallel_loop3A_1115, %parallel_loop3A_1116, %parallel_loop3A_1117], %parallel_loop3A_1111 {strides = array<i32>} : memref<2x8x8x128xf32, #tpu.memory_space<vmem>>, vector<16xf32>,
        %parallel_loop3A_1119 = arith.constant 1176 : i32
        %parallel_loop3A_1120 = arith.addi %parallel_loop3A_362, %parallel_loop3A_1119 : i32
        %parallel_loop3A_1121 = vector.broadcast %parallel_loop3A_1120 : i32 to vector<16xi32>
        %parallel_loop3A_1122 = arith.addi %scan3A_161, %parallel_loop3A_1121 : vector<16xi32>
        %parallel_loop3A_1123 = tpu.vector_load_idx %arg6[%parallel_loop3A_1122] : memref<10752xf32, #tpu.memory_space<vmem>>[vector<16xi32>], vector<16xf32>,
        %parallel_loop3A_1124 = arith.constant 0 : i32
        %parallel_loop3A_1125 = arith.constant 7 : i32
        %parallel_loop3A_1126 = arith.index_cast %parallel_loop3A_1124 : i32 to index
        %parallel_loop3A_1127 = arith.index_cast %parallel_loop3A_360 : i32 to index
        %parallel_loop3A_1128 = arith.index_cast %parallel_loop3A_1125 : i32 to index
        %parallel_loop3A_1129 = arith.constant 112 : index
        %parallel_loop3A_1130 = tpu.vector_load %arg9[%parallel_loop3A_1126, %parallel_loop3A_1127, %parallel_loop3A_1128, %parallel_loop3A_1129] {strides = array<i32>} : memref<2x8x8x128xf32, #tpu.memory_space<vmem>>, vector<16xf32>,
        tpu.vector_store %arg9[%parallel_loop3A_1126, %parallel_loop3A_1127, %parallel_loop3A_1128, %parallel_loop3A_1129], %parallel_loop3A_1123 {strides = array<i32>} : memref<2x8x8x128xf32, #tpu.memory_space<vmem>>, vector<16xf32>,
      } {sc.loop_unroll_factor = 2 : i64, sc.parallel_access}
      %dma_start3A = arith.constant 0 : i32
      %dma_start3A_168 = arith.constant 0 : i32
      %dma_start3A_169 = arith.constant 0 : i32
      %dma_start3A_170 = arith.constant 0 : i32
      %dma_start3A_171 = tpu.memref_slice %arg9[%dma_start3A, %dma_start3A_168, %dma_start3A_169, %dma_start3A_170] : memref<2x8x8x128xf32, #tpu.memory_space<vmem>> -> memref<1x8x8x128xf32, #tpu.memory_space<vmem>>
      %dma_start3A_172 = tpu.memref_squeeze %dma_start3A_171 : memref<1x8x8x128xf32, #tpu.memory_space<vmem>> -> memref<8x8x128xf32, #tpu.memory_space<vmem>>
      %dma_start3A_173 = arith.constant 0 : i32
      %dma_start3A_174 = arith.constant 0 : i32
      %dma_start3A_175 = arith.constant 0 : i32
      %dma_start3A_176 = tpu.memref_slice %arg5[%mul3A_163, %dma_start3A_173, %add3A, %dma_start3A_174, %dma_start3A_175] : memref<200x8x32x8x128xf32, #tpu.memory_space<hbm>> -> memref<1x8x1x8x128xf32, #tpu.memory_space<hbm>>
      %dma_start3A_177 = tpu.memref_squeeze %dma_start3A_176 : memref<1x8x1x8x128xf32, #tpu.memory_space<hbm>> -> memref<8x8x128xf32, #tpu.memory_space<hbm>>
      %dma_start3A_178 = arith.constant 0 : i32
      %dma_start3A_179 = arith.constant 0 : i32
      %dma_start3A_180 = arith.constant 0 : i32
      %dma_start3A_181 = tpu.memref_slice %arg5[%mul3A_163, %dma_start3A_178, %add3A, %dma_start3A_179, %dma_start3A_180] : memref<200x8x32x8x128xf32, #tpu.memory_space<hbm>> -> memref<1x8x1x8x128xf32, #tpu.memory_space<hbm>>
      %dma_start3A_182 = tpu.memref_squeeze %dma_start3A_181 : memref<1x8x1x8x128xf32, #tpu.memory_space<hbm>> -> memref<8x8x128xf32, #tpu.memory_space<hbm>>
      %dma_start3A_183 = arith.constant 0 : i32
      %dma_start3A_184 = arith.constant 0 : i32
      %dma_start3A_185 = arith.constant 0 : i32
      %dma_start3A_186 = tpu.memref_slice %arg9[%dma_start3A, %dma_start3A_183, %dma_start3A_184, %dma_start3A_185] : memref<2x8x8x128xf32, #tpu.memory_space<vmem>> -> memref<1x8x8x128xf32, #tpu.memory_space<vmem>>
      %dma_start3A_187 = tpu.memref_squeeze %dma_start3A_186 : memref<1x8x8x128xf32, #tpu.memory_space<vmem>> -> memref<8x8x128xf32, #tpu.memory_space<vmem>>
      tpu.enqueue_dma source(%dma_start3A_187 : memref<8x8x128xf32, #tpu.memory_space<vmem>>) target(%dma_start3A_182 : memref<8x8x128xf32, #tpu.memory_space<hbm>>) target_semaphore(%arg10 : memref<!tpu.dma_semaphore, #tpu.memory_space<semaphore_mem>>)
      %add3A_188 = arith.constant 1 : i32
      %add3A_189 = vector.broadcast %add3A_188 : i32 to vector<16xi32>
      %add3A_190 = arith.addi %scan3A_154, %add3A_189 : vector<16xi32>
      %eq3A = arith.constant 168 : i32
      %eq3A_191 = vector.broadcast %eq3A : i32 to vector<16xi32>
      %eq3A_192 = arith.cmpi eq, %add3A_190, %eq3A_191 : vector<16xi32>
      %jit3A = arith.constant 0 : i32
      %broadcast_in_dim3A = vector.broadcast %jit3A : i32 to vector<16xi32>
      %select_n3A_193 = arith.select %eq3A_192, %broadcast_in_dim3A, %add3A_190 : vector<16xi1>, vector<16xi32>
      %add3A_194 = arith.constant 1 : i32
      %add3A_195 = vector.broadcast %add3A_194 : i32 to vector<16xi32>
      %add3A_196 = arith.addi %scan3A_155, %add3A_195 : vector<16xi32>
      %eq3A_197 = arith.constant 168 : i32
      %eq3A_198 = vector.broadcast %eq3A_197 : i32 to vector<16xi32>
      %eq3A_199 = arith.cmpi eq, %add3A_196, %eq3A_198 : vector<16xi32>
      %jit3A_200 = arith.constant 0 : i32
      %broadcast_in_dim3A_201 = vector.broadcast %jit3A_200 : i32 to vector<16xi32>
      %select_n3A_202 = arith.select %eq3A_199, %broadcast_in_dim3A_201, %add3A_196 : vector<16xi1>, vector<16xi32>
      %add3A_203 = arith.constant 1 : i32
      %add3A_204 = vector.broadcast %add3A_203 : i32 to vector<16xi32>
      %add3A_205 = arith.addi %scan3A_156, %add3A_204 : vector<16xi32>
      %eq3A_206 = arith.constant 168 : i32
      %eq3A_207 = vector.broadcast %eq3A_206 : i32 to vector<16xi32>
      %eq3A_208 = arith.cmpi eq, %add3A_205, %eq3A_207 : vector<16xi32>
      %jit3A_209 = arith.constant 0 : i32
      %broadcast_in_dim3A_210 = vector.broadcast %jit3A_209 : i32 to vector<16xi32>
      %select_n3A_211 = arith.select %eq3A_208, %broadcast_in_dim3A_210, %add3A_205 : vector<16xi1>, vector<16xi32>
      %add3A_212 = arith.constant 1 : i32
      %add3A_213 = vector.broadcast %add3A_212 : i32 to vector<16xi32>
      %add3A_214 = arith.addi %scan3A_157, %add3A_213 : vector<16xi32>
      %eq3A_215 = arith.constant 168 : i32
      %eq3A_216 = vector.broadcast %eq3A_215 : i32 to vector<16xi32>
      %eq3A_217 = arith.cmpi eq, %add3A_214, %eq3A_216 : vector<16xi32>
      %jit3A_218 = arith.constant 0 : i32
      %broadcast_in_dim3A_219 = vector.broadcast %jit3A_218 : i32 to vector<16xi32>
      %select_n3A_220 = arith.select %eq3A_217, %broadcast_in_dim3A_219, %add3A_214 : vector<16xi1>, vector<16xi32>
      %add3A_221 = arith.constant 1 : i32
      %add3A_222 = vector.broadcast %add3A_221 : i32 to vector<16xi32>
      %add3A_223 = arith.addi %scan3A_158, %add3A_222 : vector<16xi32>
      %eq3A_224 = arith.constant 168 : i32
      %eq3A_225 = vector.broadcast %eq3A_224 : i32 to vector<16xi32>
      %eq3A_226 = arith.cmpi eq, %add3A_223, %eq3A_225 : vector<16xi32>
      %jit3A_227 = arith.constant 0 : i32
      %broadcast_in_dim3A_228 = vector.broadcast %jit3A_227 : i32 to vector<16xi32>
      %select_n3A_229 = arith.select %eq3A_226, %broadcast_in_dim3A_228, %add3A_223 : vector<16xi1>, vector<16xi32>
      %add3A_230 = arith.constant 1 : i32
      %add3A_231 = vector.broadcast %add3A_230 : i32 to vector<16xi32>
      %add3A_232 = arith.addi %scan3A_159, %add3A_231 : vector<16xi32>
      %eq3A_233 = arith.constant 168 : i32
      %eq3A_234 = vector.broadcast %eq3A_233 : i32 to vector<16xi32>
      %eq3A_235 = arith.cmpi eq, %add3A_232, %eq3A_234 : vector<16xi32>
      %jit3A_236 = arith.constant 0 : i32
      %broadcast_in_dim3A_237 = vector.broadcast %jit3A_236 : i32 to vector<16xi32>
      %select_n3A_238 = arith.select %eq3A_235, %broadcast_in_dim3A_237, %add3A_232 : vector<16xi1>, vector<16xi32>
      %add3A_239 = arith.constant 1 : i32
      %add3A_240 = vector.broadcast %add3A_239 : i32 to vector<16xi32>
      %add3A_241 = arith.addi %scan3A_160, %add3A_240 : vector<16xi32>
      %eq3A_242 = arith.constant 168 : i32
      %eq3A_243 = vector.broadcast %eq3A_242 : i32 to vector<16xi32>
      %eq3A_244 = arith.cmpi eq, %add3A_241, %eq3A_243 : vector<16xi32>
      %jit3A_245 = arith.constant 0 : i32
      %broadcast_in_dim3A_246 = vector.broadcast %jit3A_245 : i32 to vector<16xi32>
      %select_n3A_247 = arith.select %eq3A_244, %broadcast_in_dim3A_246, %add3A_241 : vector<16xi1>, vector<16xi32>
      %add3A_248 = arith.constant 1 : i32
      %add3A_249 = vector.broadcast %add3A_248 : i32 to vector<16xi32>
      %add3A_250 = arith.addi %scan3A_161, %add3A_249 : vector<16xi32>
      %eq3A_251 = arith.constant 168 : i32
      %eq3A_252 = vector.broadcast %eq3A_251 : i32 to vector<16xi32>
      %eq3A_253 = arith.cmpi eq, %add3A_250, %eq3A_252 : vector<16xi32>
      %jit3A_254 = arith.constant 0 : i32
      %broadcast_in_dim3A_255 = vector.broadcast %jit3A_254 : i32 to vector<16xi32>
      %select_n3A_256 = arith.select %eq3A_253, %broadcast_in_dim3A_255, %add3A_250 : vector<16xi1>, vector<16xi32>
      %add3A_257 = arith.constant 1 : i32
      %add3A_258 = arith.addi %mul3A_163, %add3A_257 : i32
      %ge3A_259 = arith.constant 2 : i32
      %ge3A_260 = arith.cmpi sge, %add3A_258, %ge3A_259 : i32
      %convert_element_type3A_261 = arith.extui %ge3A_260 : i1 to i32
      %cond3A_262 = arith.constant 0 : i32
      %cond3A_263 = arith.cmpi ne, %convert_element_type3A_261, %cond3A_262 : i32
      scf.if %cond3A_263 {
        %dma_wait3A_360 = arith.constant 1 : i32
        %dma_wait3A_361 = arith.constant 0 : i32
        %dma_wait3A_362 = arith.constant 0 : i32
        %dma_wait3A_363 = arith.constant 0 : i32
        %dma_wait3A_364 = arith.constant 0 : i32
        %dma_wait3A_365 = tpu.memref_slice %arg9[%dma_wait3A_360, %dma_wait3A_362, %dma_wait3A_363, %dma_wait3A_364] : memref<2x8x8x128xf32, #tpu.memory_space<vmem>> -> memref<1x8x8x128xf32, #tpu.memory_space<vmem>>
        %dma_wait3A_366 = tpu.memref_squeeze %dma_wait3A_365 : memref<1x8x8x128xf32, #tpu.memory_space<vmem>> -> memref<8x8x128xf32, #tpu.memory_space<vmem>>
        %dma_wait3A_367 = arith.constant 0 : i32
        %dma_wait3A_368 = arith.constant 0 : i32
        %dma_wait3A_369 = arith.constant 0 : i32
        %dma_wait3A_370 = tpu.memref_slice %arg5[%dma_wait3A_361, %dma_wait3A_367, %add3A, %dma_wait3A_368, %dma_wait3A_369] : memref<200x8x32x8x128xf32, #tpu.memory_space<hbm>> -> memref<1x8x1x8x128xf32, #tpu.memory_space<hbm>>
        %dma_wait3A_371 = tpu.memref_squeeze %dma_wait3A_370 : memref<1x8x1x8x128xf32, #tpu.memory_space<hbm>> -> memref<8x8x128xf32, #tpu.memory_space<hbm>>
        %dma_wait3A_372 = arith.constant 0 : i32
        %dma_wait3A_373 = arith.constant 0 : i32
        %dma_wait3A_374 = arith.constant 0 : i32
        %dma_wait3A_375 = tpu.memref_slice %arg5[%dma_wait3A_361, %dma_wait3A_372, %add3A, %dma_wait3A_373, %dma_wait3A_374] : memref<200x8x32x8x128xf32, #tpu.memory_space<hbm>> -> memref<1x8x1x8x128xf32, #tpu.memory_space<hbm>>
        %dma_wait3A_376 = tpu.memref_squeeze %dma_wait3A_375 : memref<1x8x1x8x128xf32, #tpu.memory_space<hbm>> -> memref<8x8x128xf32, #tpu.memory_space<hbm>>
        %dma_wait3A_377 = arith.constant 0 : i32
        %dma_wait3A_378 = arith.constant 0 : i32
        %dma_wait3A_379 = arith.constant 0 : i32
        %dma_wait3A_380 = tpu.memref_slice %arg9[%dma_wait3A_360, %dma_wait3A_377, %dma_wait3A_378, %dma_wait3A_379] : memref<2x8x8x128xf32, #tpu.memory_space<vmem>> -> memref<1x8x8x128xf32, #tpu.memory_space<vmem>>
        %dma_wait3A_381 = tpu.memref_squeeze %dma_wait3A_380 : memref<1x8x8x128xf32, #tpu.memory_space<vmem>> -> memref<8x8x128xf32, #tpu.memory_space<vmem>>
        tpu.wait_dma2 semaphore(%arg10 : memref<!tpu.dma_semaphore, #tpu.memory_space<semaphore_mem>>) src(%dma_wait3A_381 : memref<8x8x128xf32, #tpu.memory_space<vmem>>) dst(%dma_wait3A_376 : memref<8x8x128xf32, #tpu.memory_space<hbm>>)
      } else {
      }
      %parallel_loop3A_264 = arith.constant 0 : i32
      %parallel_loop3A_265 = arith.constant 8 : i32
      %parallel_loop3A_266 = arith.constant 1 : i32
      scf.for %parallel_loop3A_360 = %parallel_loop3A_264 to %parallel_loop3A_265 step %parallel_loop3A_266  : i32 {
        %parallel_loop3A_361 = arith.constant 1344 : i32
        %parallel_loop3A_362 = arith.muli %parallel_loop3A_360, %parallel_loop3A_361 : i32
        %parallel_loop3A_363 = arith.constant 0 : i32
        %parallel_loop3A_364 = arith.addi %parallel_loop3A_362, %parallel_loop3A_363 : i32
        %parallel_loop3A_365 = vector.broadcast %parallel_loop3A_364 : i32 to vector<16xi32>
        %parallel_loop3A_366 = arith.addi %select_n3A_193, %parallel_loop3A_365 : vector<16xi32>
        %parallel_loop3A_367 = tpu.vector_load_idx %arg6[%parallel_loop3A_366] : memref<10752xf32, #tpu.memory_space<vmem>>[vector<16xi32>], vector<16xf32>,
        %parallel_loop3A_368 = arith.constant 1 : i32
        %parallel_loop3A_369 = arith.constant 0 : i32
        %parallel_loop3A_370 = arith.index_cast %parallel_loop3A_368 : i32 to index
        %parallel_loop3A_371 = arith.index_cast %parallel_loop3A_360 : i32 to index
        %parallel_loop3A_372 = arith.index_cast %parallel_loop3A_369 : i32 to index
        %parallel_loop3A_373 = arith.constant 0 : index
        %parallel_loop3A_374 = tpu.vector_load %arg9[%parallel_loop3A_370, %parallel_loop3A_371, %parallel_loop3A_372, %parallel_loop3A_373] {strides = array<i32>} : memref<2x8x8x128xf32, #tpu.memory_space<vmem>>, vector<16xf32>,
        tpu.vector_store %arg9[%parallel_loop3A_370, %parallel_loop3A_371, %parallel_loop3A_372, %parallel_loop3A_373], %parallel_loop3A_367 {strides = array<i32>} : memref<2x8x8x128xf32, #tpu.memory_space<vmem>>, vector<16xf32>,
        %parallel_loop3A_375 = arith.constant 0 : i32
        %parallel_loop3A_376 = arith.addi %parallel_loop3A_362, %parallel_loop3A_375 : i32
        %parallel_loop3A_377 = vector.broadcast %parallel_loop3A_376 : i32 to vector<16xi32>
        %parallel_loop3A_378 = arith.addi %select_n3A_202, %parallel_loop3A_377 : vector<16xi32>
        %parallel_loop3A_379 = tpu.vector_load_idx %arg6[%parallel_loop3A_378] : memref<10752xf32, #tpu.memory_space<vmem>>[vector<16xi32>], vector<16xf32>,
        %parallel_loop3A_380 = arith.constant 1 : i32
        %parallel_loop3A_381 = arith.constant 0 : i32
        %parallel_loop3A_382 = arith.index_cast %parallel_loop3A_380 : i32 to index
        %parallel_loop3A_383 = arith.index_cast %parallel_loop3A_360 : i32 to index
        %parallel_loop3A_384 = arith.index_cast %parallel_loop3A_381 : i32 to index
        %parallel_loop3A_385 = arith.constant 16 : index
        %parallel_loop3A_386 = tpu.vector_load %arg9[%parallel_loop3A_382, %parallel_loop3A_383, %parallel_loop3A_384, %parallel_loop3A_385] {strides = array<i32>} : memref<2x8x8x128xf32, #tpu.memory_space<vmem>>, vector<16xf32>,
        tpu.vector_store %arg9[%parallel_loop3A_382, %parallel_loop3A_383, %parallel_loop3A_384, %parallel_loop3A_385], %parallel_loop3A_379 {strides = array<i32>} : memref<2x8x8x128xf32, #tpu.memory_space<vmem>>, vector<16xf32>,
        %parallel_loop3A_387 = arith.constant 0 : i32
        %parallel_loop3A_388 = arith.addi %parallel_loop3A_362, %parallel_loop3A_387 : i32
        %parallel_loop3A_389 = vector.broadcast %parallel_loop3A_388 : i32 to vector<16xi32>
        %parallel_loop3A_390 = arith.addi %select_n3A_211, %parallel_loop3A_389 : vector<16xi32>
        %parallel_loop3A_391 = tpu.vector_load_idx %arg6[%parallel_loop3A_390] : memref<10752xf32, #tpu.memory_space<vmem>>[vector<16xi32>], vector<16xf32>,
        %parallel_loop3A_392 = arith.constant 1 : i32
        %parallel_loop3A_393 = arith.constant 0 : i32
        %parallel_loop3A_394 = arith.index_cast %parallel_loop3A_392 : i32 to index
        %parallel_loop3A_395 = arith.index_cast %parallel_loop3A_360 : i32 to index
        %parallel_loop3A_396 = arith.index_cast %parallel_loop3A_393 : i32 to index
        %parallel_loop3A_397 = arith.constant 32 : index
        %parallel_loop3A_398 = tpu.vector_load %arg9[%parallel_loop3A_394, %parallel_loop3A_395, %parallel_loop3A_396, %parallel_loop3A_397] {strides = array<i32>} : memref<2x8x8x128xf32, #tpu.memory_space<vmem>>, vector<16xf32>,
        tpu.vector_store %arg9[%parallel_loop3A_394, %parallel_loop3A_395, %parallel_loop3A_396, %parallel_loop3A_397], %parallel_loop3A_391 {strides = array<i32>} : memref<2x8x8x128xf32, #tpu.memory_space<vmem>>, vector<16xf32>,
        %parallel_loop3A_399 = arith.constant 0 : i32
        %parallel_loop3A_400 = arith.addi %parallel_loop3A_362, %parallel_loop3A_399 : i32
        %parallel_loop3A_401 = vector.broadcast %parallel_loop3A_400 : i32 to vector<16xi32>
        %parallel_loop3A_402 = arith.addi %select_n3A_220, %parallel_loop3A_401 : vector<16xi32>
        %parallel_loop3A_403 = tpu.vector_load_idx %arg6[%parallel_loop3A_402] : memref<10752xf32, #tpu.memory_space<vmem>>[vector<16xi32>], vector<16xf32>,
        %parallel_loop3A_404 = arith.constant 1 : i32
        %parallel_loop3A_405 = arith.constant 0 : i32
        %parallel_loop3A_406 = arith.index_cast %parallel_loop3A_404 : i32 to index
        %parallel_loop3A_407 = arith.index_cast %parallel_loop3A_360 : i32 to index
        %parallel_loop3A_408 = arith.index_cast %parallel_loop3A_405 : i32 to index
        %parallel_loop3A_409 = arith.constant 48 : index
        %parallel_loop3A_410 = tpu.vector_load %arg9[%parallel_loop3A_406, %parallel_loop3A_407, %parallel_loop3A_408, %parallel_loop3A_409] {strides = array<i32>} : memref<2x8x8x128xf32, #tpu.memory_space<vmem>>, vector<16xf32>,
        tpu.vector_store %arg9[%parallel_loop3A_406, %parallel_loop3A_407, %parallel_loop3A_408, %parallel_loop3A_409], %parallel_loop3A_403 {strides = array<i32>} : memref<2x8x8x128xf32, #tpu.memory_space<vmem>>, vector<16xf32>,
        %parallel_loop3A_411 = arith.constant 0 : i32
        %parallel_loop3A_412 = arith.addi %parallel_loop3A_362, %parallel_loop3A_411 : i32
        %parallel_loop3A_413 = vector.broadcast %parallel_loop3A_412 : i32 to vector<16xi32>
        %parallel_loop3A_414 = arith.addi %select_n3A_229, %parallel_loop3A_413 : vector<16xi32>
        %parallel_loop3A_415 = tpu.vector_load_idx %arg6[%parallel_loop3A_414] : memref<10752xf32, #tpu.memory_space<vmem>>[vector<16xi32>], vector<16xf32>,
        %parallel_loop3A_416 = arith.constant 1 : i32
        %parallel_loop3A_417 = arith.constant 0 : i32
        %parallel_loop3A_418 = arith.index_cast %parallel_loop3A_416 : i32 to index
        %parallel_loop3A_419 = arith.index_cast %parallel_loop3A_360 : i32 to index
        %parallel_loop3A_420 = arith.index_cast %parallel_loop3A_417 : i32 to index
        %parallel_loop3A_421 = arith.constant 64 : index
        %parallel_loop3A_422 = tpu.vector_load %arg9[%parallel_loop3A_418, %parallel_loop3A_419, %parallel_loop3A_420, %parallel_loop3A_421] {strides = array<i32>} : memref<2x8x8x128xf32, #tpu.memory_space<vmem>>, vector<16xf32>,
        tpu.vector_store %arg9[%parallel_loop3A_418, %parallel_loop3A_419, %parallel_loop3A_420, %parallel_loop3A_421], %parallel_loop3A_415 {strides = array<i32>} : memref<2x8x8x128xf32, #tpu.memory_space<vmem>>, vector<16xf32>,
        %parallel_loop3A_423 = arith.constant 0 : i32
        %parallel_loop3A_424 = arith.addi %parallel_loop3A_362, %parallel_loop3A_423 : i32
        %parallel_loop3A_425 = vector.broadcast %parallel_loop3A_424 : i32 to vector<16xi32>
        %parallel_loop3A_426 = arith.addi %select_n3A_238, %parallel_loop3A_425 : vector<16xi32>
        %parallel_loop3A_427 = tpu.vector_load_idx %arg6[%parallel_loop3A_426] : memref<10752xf32, #tpu.memory_space<vmem>>[vector<16xi32>], vector<16xf32>,
        %parallel_loop3A_428 = arith.constant 1 : i32
        %parallel_loop3A_429 = arith.constant 0 : i32
        %parallel_loop3A_430 = arith.index_cast %parallel_loop3A_428 : i32 to index
        %parallel_loop3A_431 = arith.index_cast %parallel_loop3A_360 : i32 to index
        %parallel_loop3A_432 = arith.index_cast %parallel_loop3A_429 : i32 to index
        %parallel_loop3A_433 = arith.constant 80 : index
        %parallel_loop3A_434 = tpu.vector_load %arg9[%parallel_loop3A_430, %parallel_loop3A_431, %parallel_loop3A_432, %parallel_loop3A_433] {strides = array<i32>} : memref<2x8x8x128xf32, #tpu.memory_space<vmem>>, vector<16xf32>,
        tpu.vector_store %arg9[%parallel_loop3A_430, %parallel_loop3A_431, %parallel_loop3A_432, %parallel_loop3A_433], %parallel_loop3A_427 {strides = array<i32>} : memref<2x8x8x128xf32, #tpu.memory_space<vmem>>, vector<16xf32>,
        %parallel_loop3A_435 = arith.constant 0 : i32
        %parallel_loop3A_436 = arith.addi %parallel_loop3A_362, %parallel_loop3A_435 : i32
        %parallel_loop3A_437 = vector.broadcast %parallel_loop3A_436 : i32 to vector<16xi32>
        %parallel_loop3A_438 = arith.addi %select_n3A_247, %parallel_loop3A_437 : vector<16xi32>
        %parallel_loop3A_439 = tpu.vector_load_idx %arg6[%parallel_loop3A_438] : memref<10752xf32, #tpu.memory_space<vmem>>[vector<16xi32>], vector<16xf32>,
        %parallel_loop3A_440 = arith.constant 1 : i32
        %parallel_loop3A_441 = arith.constant 0 : i32
        %parallel_loop3A_442 = arith.index_cast %parallel_loop3A_440 : i32 to index
        %parallel_loop3A_443 = arith.index_cast %parallel_loop3A_360 : i32 to index
        %parallel_loop3A_444 = arith.index_cast %parallel_loop3A_441 : i32 to index
        %parallel_loop3A_445 = arith.constant 96 : index
        %parallel_loop3A_446 = tpu.vector_load %arg9[%parallel_loop3A_442, %parallel_loop3A_443, %parallel_loop3A_444, %parallel_loop3A_445] {strides = array<i32>} : memref<2x8x8x128xf32, #tpu.memory_space<vmem>>, vector<16xf32>,
        tpu.vector_store %arg9[%parallel_loop3A_442, %parallel_loop3A_443, %parallel_loop3A_444, %parallel_loop3A_445], %parallel_loop3A_439 {strides = array<i32>} : memref<2x8x8x128xf32, #tpu.memory_space<vmem>>, vector<16xf32>,
        %parallel_loop3A_447 = arith.constant 0 : i32
        %parallel_loop3A_448 = arith.addi %parallel_loop3A_362, %parallel_loop3A_447 : i32
        %parallel_loop3A_449 = vector.broadcast %parallel_loop3A_448 : i32 to vector<16xi32>
        %parallel_loop3A_450 = arith.addi %select_n3A_256, %parallel_loop3A_449 : vector<16xi32>
        %parallel_loop3A_451 = tpu.vector_load_idx %arg6[%parallel_loop3A_450] : memref<10752xf32, #tpu.memory_space<vmem>>[vector<16xi32>], vector<16xf32>,
        %parallel_loop3A_452 = arith.constant 1 : i32
        %parallel_loop3A_453 = arith.constant 0 : i32
        %parallel_loop3A_454 = arith.index_cast %parallel_loop3A_452 : i32 to index
        %parallel_loop3A_455 = arith.index_cast %parallel_loop3A_360 : i32 to index
        %parallel_loop3A_456 = arith.index_cast %parallel_loop3A_453 : i32 to index
        %parallel_loop3A_457 = arith.constant 112 : index
        %parallel_loop3A_458 = tpu.vector_load %arg9[%parallel_loop3A_454, %parallel_loop3A_455, %parallel_loop3A_456, %parallel_loop3A_457] {strides = array<i32>} : memref<2x8x8x128xf32, #tpu.memory_space<vmem>>, vector<16xf32>,
        tpu.vector_store %arg9[%parallel_loop3A_454, %parallel_loop3A_455, %parallel_loop3A_456, %parallel_loop3A_457], %parallel_loop3A_451 {strides = array<i32>} : memref<2x8x8x128xf32, #tpu.memory_space<vmem>>, vector<16xf32>,
        %parallel_loop3A_459 = arith.constant 168 : i32
        %parallel_loop3A_460 = arith.addi %parallel_loop3A_362, %parallel_loop3A_459 : i32
        %parallel_loop3A_461 = vector.broadcast %parallel_loop3A_460 : i32 to vector<16xi32>
        %parallel_loop3A_462 = arith.addi %select_n3A_193, %parallel_loop3A_461 : vector<16xi32>
        %parallel_loop3A_463 = tpu.vector_load_idx %arg6[%parallel_loop3A_462] : memref<10752xf32, #tpu.memory_space<vmem>>[vector<16xi32>], vector<16xf32>,
        %parallel_loop3A_464 = arith.constant 1 : i32
        %parallel_loop3A_465 = arith.constant 1 : i32
        %parallel_loop3A_466 = arith.index_cast %parallel_loop3A_464 : i32 to index
        %parallel_loop3A_467 = arith.index_cast %parallel_loop3A_360 : i32 to index
        %parallel_loop3A_468 = arith.index_cast %parallel_loop3A_465 : i32 to index
        %parallel_loop3A_469 = arith.constant 0 : index
        %parallel_loop3A_470 = tpu.vector_load %arg9[%parallel_loop3A_466, %parallel_loop3A_467, %parallel_loop3A_468, %parallel_loop3A_469] {strides = array<i32>} : memref<2x8x8x128xf32, #tpu.memory_space<vmem>>, vector<16xf32>,
        tpu.vector_store %arg9[%parallel_loop3A_466, %parallel_loop3A_467, %parallel_loop3A_468, %parallel_loop3A_469], %parallel_loop3A_463 {strides = array<i32>} : memref<2x8x8x128xf32, #tpu.memory_space<vmem>>, vector<16xf32>,
        %parallel_loop3A_471 = arith.constant 168 : i32
        %parallel_loop3A_472 = arith.addi %parallel_loop3A_362, %parallel_loop3A_471 : i32
        %parallel_loop3A_473 = vector.broadcast %parallel_loop3A_472 : i32 to vector<16xi32>
        %parallel_loop3A_474 = arith.addi %select_n3A_202, %parallel_loop3A_473 : vector<16xi32>
        %parallel_loop3A_475 = tpu.vector_load_idx %arg6[%parallel_loop3A_474] : memref<10752xf32, #tpu.memory_space<vmem>>[vector<16xi32>], vector<16xf32>,
        %parallel_loop3A_476 = arith.constant 1 : i32
        %parallel_loop3A_477 = arith.constant 1 : i32
        %parallel_loop3A_478 = arith.index_cast %parallel_loop3A_476 : i32 to index
        %parallel_loop3A_479 = arith.index_cast %parallel_loop3A_360 : i32 to index
        %parallel_loop3A_480 = arith.index_cast %parallel_loop3A_477 : i32 to index
        %parallel_loop3A_481 = arith.constant 16 : index
        %parallel_loop3A_482 = tpu.vector_load %arg9[%parallel_loop3A_478, %parallel_loop3A_479, %parallel_loop3A_480, %parallel_loop3A_481] {strides = array<i32>} : memref<2x8x8x128xf32, #tpu.memory_space<vmem>>, vector<16xf32>,
        tpu.vector_store %arg9[%parallel_loop3A_478, %parallel_loop3A_479, %parallel_loop3A_480, %parallel_loop3A_481], %parallel_loop3A_475 {strides = array<i32>} : memref<2x8x8x128xf32, #tpu.memory_space<vmem>>, vector<16xf32>,
        %parallel_loop3A_483 = arith.constant 168 : i32
        %parallel_loop3A_484 = arith.addi %parallel_loop3A_362, %parallel_loop3A_483 : i32
        %parallel_loop3A_485 = vector.broadcast %parallel_loop3A_484 : i32 to vector<16xi32>
        %parallel_loop3A_486 = arith.addi %select_n3A_211, %parallel_loop3A_485 : vector<16xi32>
        %parallel_loop3A_487 = tpu.vector_load_idx %arg6[%parallel_loop3A_486] : memref<10752xf32, #tpu.memory_space<vmem>>[vector<16xi32>], vector<16xf32>,
        %parallel_loop3A_488 = arith.constant 1 : i32
        %parallel_loop3A_489 = arith.constant 1 : i32
        %parallel_loop3A_490 = arith.index_cast %parallel_loop3A_488 : i32 to index
        %parallel_loop3A_491 = arith.index_cast %parallel_loop3A_360 : i32 to index
        %parallel_loop3A_492 = arith.index_cast %parallel_loop3A_489 : i32 to index
        %parallel_loop3A_493 = arith.constant 32 : index
        %parallel_loop3A_494 = tpu.vector_load %arg9[%parallel_loop3A_490, %parallel_loop3A_491, %parallel_loop3A_492, %parallel_loop3A_493] {strides = array<i32>} : memref<2x8x8x128xf32, #tpu.memory_space<vmem>>, vector<16xf32>,
        tpu.vector_store %arg9[%parallel_loop3A_490, %parallel_loop3A_491, %parallel_loop3A_492, %parallel_loop3A_493], %parallel_loop3A_487 {strides = array<i32>} : memref<2x8x8x128xf32, #tpu.memory_space<vmem>>, vector<16xf32>,
        %parallel_loop3A_495 = arith.constant 168 : i32
        %parallel_loop3A_496 = arith.addi %parallel_loop3A_362, %parallel_loop3A_495 : i32
        %parallel_loop3A_497 = vector.broadcast %parallel_loop3A_496 : i32 to vector<16xi32>
        %parallel_loop3A_498 = arith.addi %select_n3A_220, %parallel_loop3A_497 : vector<16xi32>
        %parallel_loop3A_499 = tpu.vector_load_idx %arg6[%parallel_loop3A_498] : memref<10752xf32, #tpu.memory_space<vmem>>[vector<16xi32>], vector<16xf32>,
        %parallel_loop3A_500 = arith.constant 1 : i32
        %parallel_loop3A_501 = arith.constant 1 : i32
        %parallel_loop3A_502 = arith.index_cast %parallel_loop3A_500 : i32 to index
        %parallel_loop3A_503 = arith.index_cast %parallel_loop3A_360 : i32 to index
        %parallel_loop3A_504 = arith.index_cast %parallel_loop3A_501 : i32 to index
        %parallel_loop3A_505 = arith.constant 48 : index
        %parallel_loop3A_506 = tpu.vector_load %arg9[%parallel_loop3A_502, %parallel_loop3A_503, %parallel_loop3A_504, %parallel_loop3A_505] {strides = array<i32>} : memref<2x8x8x128xf32, #tpu.memory_space<vmem>>, vector<16xf32>,
        tpu.vector_store %arg9[%parallel_loop3A_502, %parallel_loop3A_503, %parallel_loop3A_504, %parallel_loop3A_505], %parallel_loop3A_499 {strides = array<i32>} : memref<2x8x8x128xf32, #tpu.memory_space<vmem>>, vector<16xf32>,
        %parallel_loop3A_507 = arith.constant 168 : i32
        %parallel_loop3A_508 = arith.addi %parallel_loop3A_362, %parallel_loop3A_507 : i32
        %parallel_loop3A_509 = vector.broadcast %parallel_loop3A_508 : i32 to vector<16xi32>
        %parallel_loop3A_510 = arith.addi %select_n3A_229, %parallel_loop3A_509 : vector<16xi32>
        %parallel_loop3A_511 = tpu.vector_load_idx %arg6[%parallel_loop3A_510] : memref<10752xf32, #tpu.memory_space<vmem>>[vector<16xi32>], vector<16xf32>,
        %parallel_loop3A_512 = arith.constant 1 : i32
        %parallel_loop3A_513 = arith.constant 1 : i32
        %parallel_loop3A_514 = arith.index_cast %parallel_loop3A_512 : i32 to index
        %parallel_loop3A_515 = arith.index_cast %parallel_loop3A_360 : i32 to index
        %parallel_loop3A_516 = arith.index_cast %parallel_loop3A_513 : i32 to index
        %parallel_loop3A_517 = arith.constant 64 : index
        %parallel_loop3A_518 = tpu.vector_load %arg9[%parallel_loop3A_514, %parallel_loop3A_515, %parallel_loop3A_516, %parallel_loop3A_517] {strides = array<i32>} : memref<2x8x8x128xf32, #tpu.memory_space<vmem>>, vector<16xf32>,
        tpu.vector_store %arg9[%parallel_loop3A_514, %parallel_loop3A_515, %parallel_loop3A_516, %parallel_loop3A_517], %parallel_loop3A_511 {strides = array<i32>} : memref<2x8x8x128xf32, #tpu.memory_space<vmem>>, vector<16xf32>,
        %parallel_loop3A_519 = arith.constant 168 : i32
        %parallel_loop3A_520 = arith.addi %parallel_loop3A_362, %parallel_loop3A_519 : i32
        %parallel_loop3A_521 = vector.broadcast %parallel_loop3A_520 : i32 to vector<16xi32>
        %parallel_loop3A_522 = arith.addi %select_n3A_238, %parallel_loop3A_521 : vector<16xi32>
        %parallel_loop3A_523 = tpu.vector_load_idx %arg6[%parallel_loop3A_522] : memref<10752xf32, #tpu.memory_space<vmem>>[vector<16xi32>], vector<16xf32>,
        %parallel_loop3A_524 = arith.constant 1 : i32
        %parallel_loop3A_525 = arith.constant 1 : i32
        %parallel_loop3A_526 = arith.index_cast %parallel_loop3A_524 : i32 to index
        %parallel_loop3A_527 = arith.index_cast %parallel_loop3A_360 : i32 to index
        %parallel_loop3A_528 = arith.index_cast %parallel_loop3A_525 : i32 to index
        %parallel_loop3A_529 = arith.constant 80 : index
        %parallel_loop3A_530 = tpu.vector_load %arg9[%parallel_loop3A_526, %parallel_loop3A_527, %parallel_loop3A_528, %parallel_loop3A_529] {strides = array<i32>} : memref<2x8x8x128xf32, #tpu.memory_space<vmem>>, vector<16xf32>,
        tpu.vector_store %arg9[%parallel_loop3A_526, %parallel_loop3A_527, %parallel_loop3A_528, %parallel_loop3A_529], %parallel_loop3A_523 {strides = array<i32>} : memref<2x8x8x128xf32, #tpu.memory_space<vmem>>, vector<16xf32>,
        %parallel_loop3A_531 = arith.constant 168 : i32
        %parallel_loop3A_532 = arith.addi %parallel_loop3A_362, %parallel_loop3A_531 : i32
        %parallel_loop3A_533 = vector.broadcast %parallel_loop3A_532 : i32 to vector<16xi32>
        %parallel_loop3A_534 = arith.addi %select_n3A_247, %parallel_loop3A_533 : vector<16xi32>
        %parallel_loop3A_535 = tpu.vector_load_idx %arg6[%parallel_loop3A_534] : memref<10752xf32, #tpu.memory_space<vmem>>[vector<16xi32>], vector<16xf32>,
        %parallel_loop3A_536 = arith.constant 1 : i32
        %parallel_loop3A_537 = arith.constant 1 : i32
        %parallel_loop3A_538 = arith.index_cast %parallel_loop3A_536 : i32 to index
        %parallel_loop3A_539 = arith.index_cast %parallel_loop3A_360 : i32 to index
        %parallel_loop3A_540 = arith.index_cast %parallel_loop3A_537 : i32 to index
        %parallel_loop3A_541 = arith.constant 96 : index
        %parallel_loop3A_542 = tpu.vector_load %arg9[%parallel_loop3A_538, %parallel_loop3A_539, %parallel_loop3A_540, %parallel_loop3A_541] {strides = array<i32>} : memref<2x8x8x128xf32, #tpu.memory_space<vmem>>, vector<16xf32>,
        tpu.vector_store %arg9[%parallel_loop3A_538, %parallel_loop3A_539, %parallel_loop3A_540, %parallel_loop3A_541], %parallel_loop3A_535 {strides = array<i32>} : memref<2x8x8x128xf32, #tpu.memory_space<vmem>>, vector<16xf32>,
        %parallel_loop3A_543 = arith.constant 168 : i32
        %parallel_loop3A_544 = arith.addi %parallel_loop3A_362, %parallel_loop3A_543 : i32
        %parallel_loop3A_545 = vector.broadcast %parallel_loop3A_544 : i32 to vector<16xi32>
        %parallel_loop3A_546 = arith.addi %select_n3A_256, %parallel_loop3A_545 : vector<16xi32>
        %parallel_loop3A_547 = tpu.vector_load_idx %arg6[%parallel_loop3A_546] : memref<10752xf32, #tpu.memory_space<vmem>>[vector<16xi32>], vector<16xf32>,
        %parallel_loop3A_548 = arith.constant 1 : i32
        %parallel_loop3A_549 = arith.constant 1 : i32
        %parallel_loop3A_550 = arith.index_cast %parallel_loop3A_548 : i32 to index
        %parallel_loop3A_551 = arith.index_cast %parallel_loop3A_360 : i32 to index
        %parallel_loop3A_552 = arith.index_cast %parallel_loop3A_549 : i32 to index
        %parallel_loop3A_553 = arith.constant 112 : index
        %parallel_loop3A_554 = tpu.vector_load %arg9[%parallel_loop3A_550, %parallel_loop3A_551, %parallel_loop3A_552, %parallel_loop3A_553] {strides = array<i32>} : memref<2x8x8x128xf32, #tpu.memory_space<vmem>>, vector<16xf32>,
        tpu.vector_store %arg9[%parallel_loop3A_550, %parallel_loop3A_551, %parallel_loop3A_552, %parallel_loop3A_553], %parallel_loop3A_547 {strides = array<i32>} : memref<2x8x8x128xf32, #tpu.memory_space<vmem>>, vector<16xf32>,
        %parallel_loop3A_555 = arith.constant 336 : i32
        %parallel_loop3A_556 = arith.addi %parallel_loop3A_362, %parallel_loop3A_555 : i32
        %parallel_loop3A_557 = vector.broadcast %parallel_loop3A_556 : i32 to vector<16xi32>
        %parallel_loop3A_558 = arith.addi %select_n3A_193, %parallel_loop3A_557 : vector<16xi32>
        %parallel_loop3A_559 = tpu.vector_load_idx %arg6[%parallel_loop3A_558] : memref<10752xf32, #tpu.memory_space<vmem>>[vector<16xi32>], vector<16xf32>,
        %parallel_loop3A_560 = arith.constant 1 : i32
        %parallel_loop3A_561 = arith.constant 2 : i32
        %parallel_loop3A_562 = arith.index_cast %parallel_loop3A_560 : i32 to index
        %parallel_loop3A_563 = arith.index_cast %parallel_loop3A_360 : i32 to index
        %parallel_loop3A_564 = arith.index_cast %parallel_loop3A_561 : i32 to index
        %parallel_loop3A_565 = arith.constant 0 : index
        %parallel_loop3A_566 = tpu.vector_load %arg9[%parallel_loop3A_562, %parallel_loop3A_563, %parallel_loop3A_564, %parallel_loop3A_565] {strides = array<i32>} : memref<2x8x8x128xf32, #tpu.memory_space<vmem>>, vector<16xf32>,
        tpu.vector_store %arg9[%parallel_loop3A_562, %parallel_loop3A_563, %parallel_loop3A_564, %parallel_loop3A_565], %parallel_loop3A_559 {strides = array<i32>} : memref<2x8x8x128xf32, #tpu.memory_space<vmem>>, vector<16xf32>,
        %parallel_loop3A_567 = arith.constant 336 : i32
        %parallel_loop3A_568 = arith.addi %parallel_loop3A_362, %parallel_loop3A_567 : i32
        %parallel_loop3A_569 = vector.broadcast %parallel_loop3A_568 : i32 to vector<16xi32>
        %parallel_loop3A_570 = arith.addi %select_n3A_202, %parallel_loop3A_569 : vector<16xi32>
        %parallel_loop3A_571 = tpu.vector_load_idx %arg6[%parallel_loop3A_570] : memref<10752xf32, #tpu.memory_space<vmem>>[vector<16xi32>], vector<16xf32>,
        %parallel_loop3A_572 = arith.constant 1 : i32
        %parallel_loop3A_573 = arith.constant 2 : i32
        %parallel_loop3A_574 = arith.index_cast %parallel_loop3A_572 : i32 to index
        %parallel_loop3A_575 = arith.index_cast %parallel_loop3A_360 : i32 to index
        %parallel_loop3A_576 = arith.index_cast %parallel_loop3A_573 : i32 to index
        %parallel_loop3A_577 = arith.constant 16 : index
        %parallel_loop3A_578 = tpu.vector_load %arg9[%parallel_loop3A_574, %parallel_loop3A_575, %parallel_loop3A_576, %parallel_loop3A_577] {strides = array<i32>} : memref<2x8x8x128xf32, #tpu.memory_space<vmem>>, vector<16xf32>,
        tpu.vector_store %arg9[%parallel_loop3A_574, %parallel_loop3A_575, %parallel_loop3A_576, %parallel_loop3A_577], %parallel_loop3A_571 {strides = array<i32>} : memref<2x8x8x128xf32, #tpu.memory_space<vmem>>, vector<16xf32>,
        %parallel_loop3A_579 = arith.constant 336 : i32
        %parallel_loop3A_580 = arith.addi %parallel_loop3A_362, %parallel_loop3A_579 : i32
        %parallel_loop3A_581 = vector.broadcast %parallel_loop3A_580 : i32 to vector<16xi32>
        %parallel_loop3A_582 = arith.addi %select_n3A_211, %parallel_loop3A_581 : vector<16xi32>
        %parallel_loop3A_583 = tpu.vector_load_idx %arg6[%parallel_loop3A_582] : memref<10752xf32, #tpu.memory_space<vmem>>[vector<16xi32>], vector<16xf32>,
        %parallel_loop3A_584 = arith.constant 1 : i32
        %parallel_loop3A_585 = arith.constant 2 : i32
        %parallel_loop3A_586 = arith.index_cast %parallel_loop3A_584 : i32 to index
        %parallel_loop3A_587 = arith.index_cast %parallel_loop3A_360 : i32 to index
        %parallel_loop3A_588 = arith.index_cast %parallel_loop3A_585 : i32 to index
        %parallel_loop3A_589 = arith.constant 32 : index
        %parallel_loop3A_590 = tpu.vector_load %arg9[%parallel_loop3A_586, %parallel_loop3A_587, %parallel_loop3A_588, %parallel_loop3A_589] {strides = array<i32>} : memref<2x8x8x128xf32, #tpu.memory_space<vmem>>, vector<16xf32>,
        tpu.vector_store %arg9[%parallel_loop3A_586, %parallel_loop3A_587, %parallel_loop3A_588, %parallel_loop3A_589], %parallel_loop3A_583 {strides = array<i32>} : memref<2x8x8x128xf32, #tpu.memory_space<vmem>>, vector<16xf32>,
        %parallel_loop3A_591 = arith.constant 336 : i32
        %parallel_loop3A_592 = arith.addi %parallel_loop3A_362, %parallel_loop3A_591 : i32
        %parallel_loop3A_593 = vector.broadcast %parallel_loop3A_592 : i32 to vector<16xi32>
        %parallel_loop3A_594 = arith.addi %select_n3A_220, %parallel_loop3A_593 : vector<16xi32>
        %parallel_loop3A_595 = tpu.vector_load_idx %arg6[%parallel_loop3A_594] : memref<10752xf32, #tpu.memory_space<vmem>>[vector<16xi32>], vector<16xf32>,
        %parallel_loop3A_596 = arith.constant 1 : i32
        %parallel_loop3A_597 = arith.constant 2 : i32
        %parallel_loop3A_598 = arith.index_cast %parallel_loop3A_596 : i32 to index
        %parallel_loop3A_599 = arith.index_cast %parallel_loop3A_360 : i32 to index
        %parallel_loop3A_600 = arith.index_cast %parallel_loop3A_597 : i32 to index
        %parallel_loop3A_601 = arith.constant 48 : index
        %parallel_loop3A_602 = tpu.vector_load %arg9[%parallel_loop3A_598, %parallel_loop3A_599, %parallel_loop3A_600, %parallel_loop3A_601] {strides = array<i32>} : memref<2x8x8x128xf32, #tpu.memory_space<vmem>>, vector<16xf32>,
        tpu.vector_store %arg9[%parallel_loop3A_598, %parallel_loop3A_599, %parallel_loop3A_600, %parallel_loop3A_601], %parallel_loop3A_595 {strides = array<i32>} : memref<2x8x8x128xf32, #tpu.memory_space<vmem>>, vector<16xf32>,
        %parallel_loop3A_603 = arith.constant 336 : i32
        %parallel_loop3A_604 = arith.addi %parallel_loop3A_362, %parallel_loop3A_603 : i32
        %parallel_loop3A_605 = vector.broadcast %parallel_loop3A_604 : i32 to vector<16xi32>
        %parallel_loop3A_606 = arith.addi %select_n3A_229, %parallel_loop3A_605 : vector<16xi32>
        %parallel_loop3A_607 = tpu.vector_load_idx %arg6[%parallel_loop3A_606] : memref<10752xf32, #tpu.memory_space<vmem>>[vector<16xi32>], vector<16xf32>,
        %parallel_loop3A_608 = arith.constant 1 : i32
        %parallel_loop3A_609 = arith.constant 2 : i32
        %parallel_loop3A_610 = arith.index_cast %parallel_loop3A_608 : i32 to index
        %parallel_loop3A_611 = arith.index_cast %parallel_loop3A_360 : i32 to index
        %parallel_loop3A_612 = arith.index_cast %parallel_loop3A_609 : i32 to index
        %parallel_loop3A_613 = arith.constant 64 : index
        %parallel_loop3A_614 = tpu.vector_load %arg9[%parallel_loop3A_610, %parallel_loop3A_611, %parallel_loop3A_612, %parallel_loop3A_613] {strides = array<i32>} : memref<2x8x8x128xf32, #tpu.memory_space<vmem>>, vector<16xf32>,
        tpu.vector_store %arg9[%parallel_loop3A_610, %parallel_loop3A_611, %parallel_loop3A_612, %parallel_loop3A_613], %parallel_loop3A_607 {strides = array<i32>} : memref<2x8x8x128xf32, #tpu.memory_space<vmem>>, vector<16xf32>,
        %parallel_loop3A_615 = arith.constant 336 : i32
        %parallel_loop3A_616 = arith.addi %parallel_loop3A_362, %parallel_loop3A_615 : i32
        %parallel_loop3A_617 = vector.broadcast %parallel_loop3A_616 : i32 to vector<16xi32>
        %parallel_loop3A_618 = arith.addi %select_n3A_238, %parallel_loop3A_617 : vector<16xi32>
        %parallel_loop3A_619 = tpu.vector_load_idx %arg6[%parallel_loop3A_618] : memref<10752xf32, #tpu.memory_space<vmem>>[vector<16xi32>], vector<16xf32>,
        %parallel_loop3A_620 = arith.constant 1 : i32
        %parallel_loop3A_621 = arith.constant 2 : i32
        %parallel_loop3A_622 = arith.index_cast %parallel_loop3A_620 : i32 to index
        %parallel_loop3A_623 = arith.index_cast %parallel_loop3A_360 : i32 to index
        %parallel_loop3A_624 = arith.index_cast %parallel_loop3A_621 : i32 to index
        %parallel_loop3A_625 = arith.constant 80 : index
        %parallel_loop3A_626 = tpu.vector_load %arg9[%parallel_loop3A_622, %parallel_loop3A_623, %parallel_loop3A_624, %parallel_loop3A_625] {strides = array<i32>} : memref<2x8x8x128xf32, #tpu.memory_space<vmem>>, vector<16xf32>,
        tpu.vector_store %arg9[%parallel_loop3A_622, %parallel_loop3A_623, %parallel_loop3A_624, %parallel_loop3A_625], %parallel_loop3A_619 {strides = array<i32>} : memref<2x8x8x128xf32, #tpu.memory_space<vmem>>, vector<16xf32>,
        %parallel_loop3A_627 = arith.constant 336 : i32
        %parallel_loop3A_628 = arith.addi %parallel_loop3A_362, %parallel_loop3A_627 : i32
        %parallel_loop3A_629 = vector.broadcast %parallel_loop3A_628 : i32 to vector<16xi32>
        %parallel_loop3A_630 = arith.addi %select_n3A_247, %parallel_loop3A_629 : vector<16xi32>
        %parallel_loop3A_631 = tpu.vector_load_idx %arg6[%parallel_loop3A_630] : memref<10752xf32, #tpu.memory_space<vmem>>[vector<16xi32>], vector<16xf32>,
        %parallel_loop3A_632 = arith.constant 1 : i32
        %parallel_loop3A_633 = arith.constant 2 : i32
        %parallel_loop3A_634 = arith.index_cast %parallel_loop3A_632 : i32 to index
        %parallel_loop3A_635 = arith.index_cast %parallel_loop3A_360 : i32 to index
        %parallel_loop3A_636 = arith.index_cast %parallel_loop3A_633 : i32 to index
        %parallel_loop3A_637 = arith.constant 96 : index
        %parallel_loop3A_638 = tpu.vector_load %arg9[%parallel_loop3A_634, %parallel_loop3A_635, %parallel_loop3A_636, %parallel_loop3A_637] {strides = array<i32>} : memref<2x8x8x128xf32, #tpu.memory_space<vmem>>, vector<16xf32>,
        tpu.vector_store %arg9[%parallel_loop3A_634, %parallel_loop3A_635, %parallel_loop3A_636, %parallel_loop3A_637], %parallel_loop3A_631 {strides = array<i32>} : memref<2x8x8x128xf32, #tpu.memory_space<vmem>>, vector<16xf32>,
        %parallel_loop3A_639 = arith.constant 336 : i32
        %parallel_loop3A_640 = arith.addi %parallel_loop3A_362, %parallel_loop3A_639 : i32
        %parallel_loop3A_641 = vector.broadcast %parallel_loop3A_640 : i32 to vector<16xi32>
        %parallel_loop3A_642 = arith.addi %select_n3A_256, %parallel_loop3A_641 : vector<16xi32>
        %parallel_loop3A_643 = tpu.vector_load_idx %arg6[%parallel_loop3A_642] : memref<10752xf32, #tpu.memory_space<vmem>>[vector<16xi32>], vector<16xf32>,
        %parallel_loop3A_644 = arith.constant 1 : i32
        %parallel_loop3A_645 = arith.constant 2 : i32
        %parallel_loop3A_646 = arith.index_cast %parallel_loop3A_644 : i32 to index
        %parallel_loop3A_647 = arith.index_cast %parallel_loop3A_360 : i32 to index
        %parallel_loop3A_648 = arith.index_cast %parallel_loop3A_645 : i32 to index
        %parallel_loop3A_649 = arith.constant 112 : index
        %parallel_loop3A_650 = tpu.vector_load %arg9[%parallel_loop3A_646, %parallel_loop3A_647, %parallel_loop3A_648, %parallel_loop3A_649] {strides = array<i32>} : memref<2x8x8x128xf32, #tpu.memory_space<vmem>>, vector<16xf32>,
        tpu.vector_store %arg9[%parallel_loop3A_646, %parallel_loop3A_647, %parallel_loop3A_648, %parallel_loop3A_649], %parallel_loop3A_643 {strides = array<i32>} : memref<2x8x8x128xf32, #tpu.memory_space<vmem>>, vector<16xf32>,
        %parallel_loop3A_651 = arith.constant 504 : i32
        %parallel_loop3A_652 = arith.addi %parallel_loop3A_362, %parallel_loop3A_651 : i32
        %parallel_loop3A_653 = vector.broadcast %parallel_loop3A_652 : i32 to vector<16xi32>
        %parallel_loop3A_654 = arith.addi %select_n3A_193, %parallel_loop3A_653 : vector<16xi32>
        %parallel_loop3A_655 = tpu.vector_load_idx %arg6[%parallel_loop3A_654] : memref<10752xf32, #tpu.memory_space<vmem>>[vector<16xi32>], vector<16xf32>,
        %parallel_loop3A_656 = arith.constant 1 : i32
        %parallel_loop3A_657 = arith.constant 3 : i32
        %parallel_loop3A_658 = arith.index_cast %parallel_loop3A_656 : i32 to index
        %parallel_loop3A_659 = arith.index_cast %parallel_loop3A_360 : i32 to index
        %parallel_loop3A_660 = arith.index_cast %parallel_loop3A_657 : i32 to index
        %parallel_loop3A_661 = arith.constant 0 : index
        %parallel_loop3A_662 = tpu.vector_load %arg9[%parallel_loop3A_658, %parallel_loop3A_659, %parallel_loop3A_660, %parallel_loop3A_661] {strides = array<i32>} : memref<2x8x8x128xf32, #tpu.memory_space<vmem>>, vector<16xf32>,
        tpu.vector_store %arg9[%parallel_loop3A_658, %parallel_loop3A_659, %parallel_loop3A_660, %parallel_loop3A_661], %parallel_loop3A_655 {strides = array<i32>} : memref<2x8x8x128xf32, #tpu.memory_space<vmem>>, vector<16xf32>,
        %parallel_loop3A_663 = arith.constant 504 : i32
        %parallel_loop3A_664 = arith.addi %parallel_loop3A_362, %parallel_loop3A_663 : i32
        %parallel_loop3A_665 = vector.broadcast %parallel_loop3A_664 : i32 to vector<16xi32>
        %parallel_loop3A_666 = arith.addi %select_n3A_202, %parallel_loop3A_665 : vector<16xi32>
        %parallel_loop3A_667 = tpu.vector_load_idx %arg6[%parallel_loop3A_666] : memref<10752xf32, #tpu.memory_space<vmem>>[vector<16xi32>], vector<16xf32>,
        %parallel_loop3A_668 = arith.constant 1 : i32
        %parallel_loop3A_669 = arith.constant 3 : i32
        %parallel_loop3A_670 = arith.index_cast %parallel_loop3A_668 : i32 to index
        %parallel_loop3A_671 = arith.index_cast %parallel_loop3A_360 : i32 to index
        %parallel_loop3A_672 = arith.index_cast %parallel_loop3A_669 : i32 to index
        %parallel_loop3A_673 = arith.constant 16 : index
        %parallel_loop3A_674 = tpu.vector_load %arg9[%parallel_loop3A_670, %parallel_loop3A_671, %parallel_loop3A_672, %parallel_loop3A_673] {strides = array<i32>} : memref<2x8x8x128xf32, #tpu.memory_space<vmem>>, vector<16xf32>,
        tpu.vector_store %arg9[%parallel_loop3A_670, %parallel_loop3A_671, %parallel_loop3A_672, %parallel_loop3A_673], %parallel_loop3A_667 {strides = array<i32>} : memref<2x8x8x128xf32, #tpu.memory_space<vmem>>, vector<16xf32>,
        %parallel_loop3A_675 = arith.constant 504 : i32
        %parallel_loop3A_676 = arith.addi %parallel_loop3A_362, %parallel_loop3A_675 : i32
        %parallel_loop3A_677 = vector.broadcast %parallel_loop3A_676 : i32 to vector<16xi32>
        %parallel_loop3A_678 = arith.addi %select_n3A_211, %parallel_loop3A_677 : vector<16xi32>
        %parallel_loop3A_679 = tpu.vector_load_idx %arg6[%parallel_loop3A_678] : memref<10752xf32, #tpu.memory_space<vmem>>[vector<16xi32>], vector<16xf32>,
        %parallel_loop3A_680 = arith.constant 1 : i32
        %parallel_loop3A_681 = arith.constant 3 : i32
        %parallel_loop3A_682 = arith.index_cast %parallel_loop3A_680 : i32 to index
        %parallel_loop3A_683 = arith.index_cast %parallel_loop3A_360 : i32 to index
        %parallel_loop3A_684 = arith.index_cast %parallel_loop3A_681 : i32 to index
        %parallel_loop3A_685 = arith.constant 32 : index
        %parallel_loop3A_686 = tpu.vector_load %arg9[%parallel_loop3A_682, %parallel_loop3A_683, %parallel_loop3A_684, %parallel_loop3A_685] {strides = array<i32>} : memref<2x8x8x128xf32, #tpu.memory_space<vmem>>, vector<16xf32>,
        tpu.vector_store %arg9[%parallel_loop3A_682, %parallel_loop3A_683, %parallel_loop3A_684, %parallel_loop3A_685], %parallel_loop3A_679 {strides = array<i32>} : memref<2x8x8x128xf32, #tpu.memory_space<vmem>>, vector<16xf32>,
        %parallel_loop3A_687 = arith.constant 504 : i32
        %parallel_loop3A_688 = arith.addi %parallel_loop3A_362, %parallel_loop3A_687 : i32
        %parallel_loop3A_689 = vector.broadcast %parallel_loop3A_688 : i32 to vector<16xi32>
        %parallel_loop3A_690 = arith.addi %select_n3A_220, %parallel_loop3A_689 : vector<16xi32>
        %parallel_loop3A_691 = tpu.vector_load_idx %arg6[%parallel_loop3A_690] : memref<10752xf32, #tpu.memory_space<vmem>>[vector<16xi32>], vector<16xf32>,
        %parallel_loop3A_692 = arith.constant 1 : i32
        %parallel_loop3A_693 = arith.constant 3 : i32
        %parallel_loop3A_694 = arith.index_cast %parallel_loop3A_692 : i32 to index
        %parallel_loop3A_695 = arith.index_cast %parallel_loop3A_360 : i32 to index
        %parallel_loop3A_696 = arith.index_cast %parallel_loop3A_693 : i32 to index
        %parallel_loop3A_697 = arith.constant 48 : index
        %parallel_loop3A_698 = tpu.vector_load %arg9[%parallel_loop3A_694, %parallel_loop3A_695, %parallel_loop3A_696, %parallel_loop3A_697] {strides = array<i32>} : memref<2x8x8x128xf32, #tpu.memory_space<vmem>>, vector<16xf32>,
        tpu.vector_store %arg9[%parallel_loop3A_694, %parallel_loop3A_695, %parallel_loop3A_696, %parallel_loop3A_697], %parallel_loop3A_691 {strides = array<i32>} : memref<2x8x8x128xf32, #tpu.memory_space<vmem>>, vector<16xf32>,
        %parallel_loop3A_699 = arith.constant 504 : i32
        %parallel_loop3A_700 = arith.addi %parallel_loop3A_362, %parallel_loop3A_699 : i32
        %parallel_loop3A_701 = vector.broadcast %parallel_loop3A_700 : i32 to vector<16xi32>
        %parallel_loop3A_702 = arith.addi %select_n3A_229, %parallel_loop3A_701 : vector<16xi32>
        %parallel_loop3A_703 = tpu.vector_load_idx %arg6[%parallel_loop3A_702] : memref<10752xf32, #tpu.memory_space<vmem>>[vector<16xi32>], vector<16xf32>,
        %parallel_loop3A_704 = arith.constant 1 : i32
        %parallel_loop3A_705 = arith.constant 3 : i32
        %parallel_loop3A_706 = arith.index_cast %parallel_loop3A_704 : i32 to index
        %parallel_loop3A_707 = arith.index_cast %parallel_loop3A_360 : i32 to index
        %parallel_loop3A_708 = arith.index_cast %parallel_loop3A_705 : i32 to index
        %parallel_loop3A_709 = arith.constant 64 : index
        %parallel_loop3A_710 = tpu.vector_load %arg9[%parallel_loop3A_706, %parallel_loop3A_707, %parallel_loop3A_708, %parallel_loop3A_709] {strides = array<i32>} : memref<2x8x8x128xf32, #tpu.memory_space<vmem>>, vector<16xf32>,
        tpu.vector_store %arg9[%parallel_loop3A_706, %parallel_loop3A_707, %parallel_loop3A_708, %parallel_loop3A_709], %parallel_loop3A_703 {strides = array<i32>} : memref<2x8x8x128xf32, #tpu.memory_space<vmem>>, vector<16xf32>,
        %parallel_loop3A_711 = arith.constant 504 : i32
        %parallel_loop3A_712 = arith.addi %parallel_loop3A_362, %parallel_loop3A_711 : i32
        %parallel_loop3A_713 = vector.broadcast %parallel_loop3A_712 : i32 to vector<16xi32>
        %parallel_loop3A_714 = arith.addi %select_n3A_238, %parallel_loop3A_713 : vector<16xi32>
        %parallel_loop3A_715 = tpu.vector_load_idx %arg6[%parallel_loop3A_714] : memref<10752xf32, #tpu.memory_space<vmem>>[vector<16xi32>], vector<16xf32>,
        %parallel_loop3A_716 = arith.constant 1 : i32
        %parallel_loop3A_717 = arith.constant 3 : i32
        %parallel_loop3A_718 = arith.index_cast %parallel_loop3A_716 : i32 to index
        %parallel_loop3A_719 = arith.index_cast %parallel_loop3A_360 : i32 to index
        %parallel_loop3A_720 = arith.index_cast %parallel_loop3A_717 : i32 to index
        %parallel_loop3A_721 = arith.constant 80 : index
        %parallel_loop3A_722 = tpu.vector_load %arg9[%parallel_loop3A_718, %parallel_loop3A_719, %parallel_loop3A_720, %parallel_loop3A_721] {strides = array<i32>} : memref<2x8x8x128xf32, #tpu.memory_space<vmem>>, vector<16xf32>,
        tpu.vector_store %arg9[%parallel_loop3A_718, %parallel_loop3A_719, %parallel_loop3A_720, %parallel_loop3A_721], %parallel_loop3A_715 {strides = array<i32>} : memref<2x8x8x128xf32, #tpu.memory_space<vmem>>, vector<16xf32>,
        %parallel_loop3A_723 = arith.constant 504 : i32
        %parallel_loop3A_724 = arith.addi %parallel_loop3A_362, %parallel_loop3A_723 : i32
        %parallel_loop3A_725 = vector.broadcast %parallel_loop3A_724 : i32 to vector<16xi32>
        %parallel_loop3A_726 = arith.addi %select_n3A_247, %parallel_loop3A_725 : vector<16xi32>
        %parallel_loop3A_727 = tpu.vector_load_idx %arg6[%parallel_loop3A_726] : memref<10752xf32, #tpu.memory_space<vmem>>[vector<16xi32>], vector<16xf32>,
        %parallel_loop3A_728 = arith.constant 1 : i32
        %parallel_loop3A_729 = arith.constant 3 : i32
        %parallel_loop3A_730 = arith.index_cast %parallel_loop3A_728 : i32 to index
        %parallel_loop3A_731 = arith.index_cast %parallel_loop3A_360 : i32 to index
        %parallel_loop3A_732 = arith.index_cast %parallel_loop3A_729 : i32 to index
        %parallel_loop3A_733 = arith.constant 96 : index
        %parallel_loop3A_734 = tpu.vector_load %arg9[%parallel_loop3A_730, %parallel_loop3A_731, %parallel_loop3A_732, %parallel_loop3A_733] {strides = array<i32>} : memref<2x8x8x128xf32, #tpu.memory_space<vmem>>, vector<16xf32>,
        tpu.vector_store %arg9[%parallel_loop3A_730, %parallel_loop3A_731, %parallel_loop3A_732, %parallel_loop3A_733], %parallel_loop3A_727 {strides = array<i32>} : memref<2x8x8x128xf32, #tpu.memory_space<vmem>>, vector<16xf32>,
        %parallel_loop3A_735 = arith.constant 504 : i32
        %parallel_loop3A_736 = arith.addi %parallel_loop3A_362, %parallel_loop3A_735 : i32
        %parallel_loop3A_737 = vector.broadcast %parallel_loop3A_736 : i32 to vector<16xi32>
        %parallel_loop3A_738 = arith.addi %select_n3A_256, %parallel_loop3A_737 : vector<16xi32>
        %parallel_loop3A_739 = tpu.vector_load_idx %arg6[%parallel_loop3A_738] : memref<10752xf32, #tpu.memory_space<vmem>>[vector<16xi32>], vector<16xf32>,
        %parallel_loop3A_740 = arith.constant 1 : i32
        %parallel_loop3A_741 = arith.constant 3 : i32
        %parallel_loop3A_742 = arith.index_cast %parallel_loop3A_740 : i32 to index
        %parallel_loop3A_743 = arith.index_cast %parallel_loop3A_360 : i32 to index
        %parallel_loop3A_744 = arith.index_cast %parallel_loop3A_741 : i32 to index
        %parallel_loop3A_745 = arith.constant 112 : index
        %parallel_loop3A_746 = tpu.vector_load %arg9[%parallel_loop3A_742, %parallel_loop3A_743, %parallel_loop3A_744, %parallel_loop3A_745] {strides = array<i32>} : memref<2x8x8x128xf32, #tpu.memory_space<vmem>>, vector<16xf32>,
        tpu.vector_store %arg9[%parallel_loop3A_742, %parallel_loop3A_743, %parallel_loop3A_744, %parallel_loop3A_745], %parallel_loop3A_739 {strides = array<i32>} : memref<2x8x8x128xf32, #tpu.memory_space<vmem>>, vector<16xf32>,
        %parallel_loop3A_747 = arith.constant 672 : i32
        %parallel_loop3A_748 = arith.addi %parallel_loop3A_362, %parallel_loop3A_747 : i32
        %parallel_loop3A_749 = vector.broadcast %parallel_loop3A_748 : i32 to vector<16xi32>
        %parallel_loop3A_750 = arith.addi %select_n3A_193, %parallel_loop3A_749 : vector<16xi32>
        %parallel_loop3A_751 = tpu.vector_load_idx %arg6[%parallel_loop3A_750] : memref<10752xf32, #tpu.memory_space<vmem>>[vector<16xi32>], vector<16xf32>,
        %parallel_loop3A_752 = arith.constant 1 : i32
        %parallel_loop3A_753 = arith.constant 4 : i32
        %parallel_loop3A_754 = arith.index_cast %parallel_loop3A_752 : i32 to index
        %parallel_loop3A_755 = arith.index_cast %parallel_loop3A_360 : i32 to index
        %parallel_loop3A_756 = arith.index_cast %parallel_loop3A_753 : i32 to index
        %parallel_loop3A_757 = arith.constant 0 : index
        %parallel_loop3A_758 = tpu.vector_load %arg9[%parallel_loop3A_754, %parallel_loop3A_755, %parallel_loop3A_756, %parallel_loop3A_757] {strides = array<i32>} : memref<2x8x8x128xf32, #tpu.memory_space<vmem>>, vector<16xf32>,
        tpu.vector_store %arg9[%parallel_loop3A_754, %parallel_loop3A_755, %parallel_loop3A_756, %parallel_loop3A_757], %parallel_loop3A_751 {strides = array<i32>} : memref<2x8x8x128xf32, #tpu.memory_space<vmem>>, vector<16xf32>,
        %parallel_loop3A_759 = arith.constant 672 : i32
        %parallel_loop3A_760 = arith.addi %parallel_loop3A_362, %parallel_loop3A_759 : i32
        %parallel_loop3A_761 = vector.broadcast %parallel_loop3A_760 : i32 to vector<16xi32>
        %parallel_loop3A_762 = arith.addi %select_n3A_202, %parallel_loop3A_761 : vector<16xi32>
        %parallel_loop3A_763 = tpu.vector_load_idx %arg6[%parallel_loop3A_762] : memref<10752xf32, #tpu.memory_space<vmem>>[vector<16xi32>], vector<16xf32>,
        %parallel_loop3A_764 = arith.constant 1 : i32
        %parallel_loop3A_765 = arith.constant 4 : i32
        %parallel_loop3A_766 = arith.index_cast %parallel_loop3A_764 : i32 to index
        %parallel_loop3A_767 = arith.index_cast %parallel_loop3A_360 : i32 to index
        %parallel_loop3A_768 = arith.index_cast %parallel_loop3A_765 : i32 to index
        %parallel_loop3A_769 = arith.constant 16 : index
        %parallel_loop3A_770 = tpu.vector_load %arg9[%parallel_loop3A_766, %parallel_loop3A_767, %parallel_loop3A_768, %parallel_loop3A_769] {strides = array<i32>} : memref<2x8x8x128xf32, #tpu.memory_space<vmem>>, vector<16xf32>,
        tpu.vector_store %arg9[%parallel_loop3A_766, %parallel_loop3A_767, %parallel_loop3A_768, %parallel_loop3A_769], %parallel_loop3A_763 {strides = array<i32>} : memref<2x8x8x128xf32, #tpu.memory_space<vmem>>, vector<16xf32>,
        %parallel_loop3A_771 = arith.constant 672 : i32
        %parallel_loop3A_772 = arith.addi %parallel_loop3A_362, %parallel_loop3A_771 : i32
        %parallel_loop3A_773 = vector.broadcast %parallel_loop3A_772 : i32 to vector<16xi32>
        %parallel_loop3A_774 = arith.addi %select_n3A_211, %parallel_loop3A_773 : vector<16xi32>
        %parallel_loop3A_775 = tpu.vector_load_idx %arg6[%parallel_loop3A_774] : memref<10752xf32, #tpu.memory_space<vmem>>[vector<16xi32>], vector<16xf32>,
        %parallel_loop3A_776 = arith.constant 1 : i32
        %parallel_loop3A_777 = arith.constant 4 : i32
        %parallel_loop3A_778 = arith.index_cast %parallel_loop3A_776 : i32 to index
        %parallel_loop3A_779 = arith.index_cast %parallel_loop3A_360 : i32 to index
        %parallel_loop3A_780 = arith.index_cast %parallel_loop3A_777 : i32 to index
        %parallel_loop3A_781 = arith.constant 32 : index
        %parallel_loop3A_782 = tpu.vector_load %arg9[%parallel_loop3A_778, %parallel_loop3A_779, %parallel_loop3A_780, %parallel_loop3A_781] {strides = array<i32>} : memref<2x8x8x128xf32, #tpu.memory_space<vmem>>, vector<16xf32>,
        tpu.vector_store %arg9[%parallel_loop3A_778, %parallel_loop3A_779, %parallel_loop3A_780, %parallel_loop3A_781], %parallel_loop3A_775 {strides = array<i32>} : memref<2x8x8x128xf32, #tpu.memory_space<vmem>>, vector<16xf32>,
        %parallel_loop3A_783 = arith.constant 672 : i32
        %parallel_loop3A_784 = arith.addi %parallel_loop3A_362, %parallel_loop3A_783 : i32
        %parallel_loop3A_785 = vector.broadcast %parallel_loop3A_784 : i32 to vector<16xi32>
        %parallel_loop3A_786 = arith.addi %select_n3A_220, %parallel_loop3A_785 : vector<16xi32>
        %parallel_loop3A_787 = tpu.vector_load_idx %arg6[%parallel_loop3A_786] : memref<10752xf32, #tpu.memory_space<vmem>>[vector<16xi32>], vector<16xf32>,
        %parallel_loop3A_788 = arith.constant 1 : i32
        %parallel_loop3A_789 = arith.constant 4 : i32
        %parallel_loop3A_790 = arith.index_cast %parallel_loop3A_788 : i32 to index
        %parallel_loop3A_791 = arith.index_cast %parallel_loop3A_360 : i32 to index
        %parallel_loop3A_792 = arith.index_cast %parallel_loop3A_789 : i32 to index
        %parallel_loop3A_793 = arith.constant 48 : index
        %parallel_loop3A_794 = tpu.vector_load %arg9[%parallel_loop3A_790, %parallel_loop3A_791, %parallel_loop3A_792, %parallel_loop3A_793] {strides = array<i32>} : memref<2x8x8x128xf32, #tpu.memory_space<vmem>>, vector<16xf32>,
        tpu.vector_store %arg9[%parallel_loop3A_790, %parallel_loop3A_791, %parallel_loop3A_792, %parallel_loop3A_793], %parallel_loop3A_787 {strides = array<i32>} : memref<2x8x8x128xf32, #tpu.memory_space<vmem>>, vector<16xf32>,
        %parallel_loop3A_795 = arith.constant 672 : i32
        %parallel_loop3A_796 = arith.addi %parallel_loop3A_362, %parallel_loop3A_795 : i32
        %parallel_loop3A_797 = vector.broadcast %parallel_loop3A_796 : i32 to vector<16xi32>
        %parallel_loop3A_798 = arith.addi %select_n3A_229, %parallel_loop3A_797 : vector<16xi32>
        %parallel_loop3A_799 = tpu.vector_load_idx %arg6[%parallel_loop3A_798] : memref<10752xf32, #tpu.memory_space<vmem>>[vector<16xi32>], vector<16xf32>,
        %parallel_loop3A_800 = arith.constant 1 : i32
        %parallel_loop3A_801 = arith.constant 4 : i32
        %parallel_loop3A_802 = arith.index_cast %parallel_loop3A_800 : i32 to index
        %parallel_loop3A_803 = arith.index_cast %parallel_loop3A_360 : i32 to index
        %parallel_loop3A_804 = arith.index_cast %parallel_loop3A_801 : i32 to index
        %parallel_loop3A_805 = arith.constant 64 : index
        %parallel_loop3A_806 = tpu.vector_load %arg9[%parallel_loop3A_802, %parallel_loop3A_803, %parallel_loop3A_804, %parallel_loop3A_805] {strides = array<i32>} : memref<2x8x8x128xf32, #tpu.memory_space<vmem>>, vector<16xf32>,
        tpu.vector_store %arg9[%parallel_loop3A_802, %parallel_loop3A_803, %parallel_loop3A_804, %parallel_loop3A_805], %parallel_loop3A_799 {strides = array<i32>} : memref<2x8x8x128xf32, #tpu.memory_space<vmem>>, vector<16xf32>,
        %parallel_loop3A_807 = arith.constant 672 : i32
        %parallel_loop3A_808 = arith.addi %parallel_loop3A_362, %parallel_loop3A_807 : i32
        %parallel_loop3A_809 = vector.broadcast %parallel_loop3A_808 : i32 to vector<16xi32>
        %parallel_loop3A_810 = arith.addi %select_n3A_238, %parallel_loop3A_809 : vector<16xi32>
        %parallel_loop3A_811 = tpu.vector_load_idx %arg6[%parallel_loop3A_810] : memref<10752xf32, #tpu.memory_space<vmem>>[vector<16xi32>], vector<16xf32>,
        %parallel_loop3A_812 = arith.constant 1 : i32
        %parallel_loop3A_813 = arith.constant 4 : i32
        %parallel_loop3A_814 = arith.index_cast %parallel_loop3A_812 : i32 to index
        %parallel_loop3A_815 = arith.index_cast %parallel_loop3A_360 : i32 to index
        %parallel_loop3A_816 = arith.index_cast %parallel_loop3A_813 : i32 to index
        %parallel_loop3A_817 = arith.constant 80 : index
        %parallel_loop3A_818 = tpu.vector_load %arg9[%parallel_loop3A_814, %parallel_loop3A_815, %parallel_loop3A_816, %parallel_loop3A_817] {strides = array<i32>} : memref<2x8x8x128xf32, #tpu.memory_space<vmem>>, vector<16xf32>,
        tpu.vector_store %arg9[%parallel_loop3A_814, %parallel_loop3A_815, %parallel_loop3A_816, %parallel_loop3A_817], %parallel_loop3A_811 {strides = array<i32>} : memref<2x8x8x128xf32, #tpu.memory_space<vmem>>, vector<16xf32>,
        %parallel_loop3A_819 = arith.constant 672 : i32
        %parallel_loop3A_820 = arith.addi %parallel_loop3A_362, %parallel_loop3A_819 : i32
        %parallel_loop3A_821 = vector.broadcast %parallel_loop3A_820 : i32 to vector<16xi32>
        %parallel_loop3A_822 = arith.addi %select_n3A_247, %parallel_loop3A_821 : vector<16xi32>
        %parallel_loop3A_823 = tpu.vector_load_idx %arg6[%parallel_loop3A_822] : memref<10752xf32, #tpu.memory_space<vmem>>[vector<16xi32>], vector<16xf32>,
        %parallel_loop3A_824 = arith.constant 1 : i32
        %parallel_loop3A_825 = arith.constant 4 : i32
        %parallel_loop3A_826 = arith.index_cast %parallel_loop3A_824 : i32 to index
        %parallel_loop3A_827 = arith.index_cast %parallel_loop3A_360 : i32 to index
        %parallel_loop3A_828 = arith.index_cast %parallel_loop3A_825 : i32 to index
        %parallel_loop3A_829 = arith.constant 96 : index
        %parallel_loop3A_830 = tpu.vector_load %arg9[%parallel_loop3A_826, %parallel_loop3A_827, %parallel_loop3A_828, %parallel_loop3A_829] {strides = array<i32>} : memref<2x8x8x128xf32, #tpu.memory_space<vmem>>, vector<16xf32>,
        tpu.vector_store %arg9[%parallel_loop3A_826, %parallel_loop3A_827, %parallel_loop3A_828, %parallel_loop3A_829], %parallel_loop3A_823 {strides = array<i32>} : memref<2x8x8x128xf32, #tpu.memory_space<vmem>>, vector<16xf32>,
        %parallel_loop3A_831 = arith.constant 672 : i32
        %parallel_loop3A_832 = arith.addi %parallel_loop3A_362, %parallel_loop3A_831 : i32
        %parallel_loop3A_833 = vector.broadcast %parallel_loop3A_832 : i32 to vector<16xi32>
        %parallel_loop3A_834 = arith.addi %select_n3A_256, %parallel_loop3A_833 : vector<16xi32>
        %parallel_loop3A_835 = tpu.vector_load_idx %arg6[%parallel_loop3A_834] : memref<10752xf32, #tpu.memory_space<vmem>>[vector<16xi32>], vector<16xf32>,
        %parallel_loop3A_836 = arith.constant 1 : i32
        %parallel_loop3A_837 = arith.constant 4 : i32
        %parallel_loop3A_838 = arith.index_cast %parallel_loop3A_836 : i32 to index
        %parallel_loop3A_839 = arith.index_cast %parallel_loop3A_360 : i32 to index
        %parallel_loop3A_840 = arith.index_cast %parallel_loop3A_837 : i32 to index
        %parallel_loop3A_841 = arith.constant 112 : index
        %parallel_loop3A_842 = tpu.vector_load %arg9[%parallel_loop3A_838, %parallel_loop3A_839, %parallel_loop3A_840, %parallel_loop3A_841] {strides = array<i32>} : memref<2x8x8x128xf32, #tpu.memory_space<vmem>>, vector<16xf32>,
        tpu.vector_store %arg9[%parallel_loop3A_838, %parallel_loop3A_839, %parallel_loop3A_840, %parallel_loop3A_841], %parallel_loop3A_835 {strides = array<i32>} : memref<2x8x8x128xf32, #tpu.memory_space<vmem>>, vector<16xf32>,
        %parallel_loop3A_843 = arith.constant 840 : i32
        %parallel_loop3A_844 = arith.addi %parallel_loop3A_362, %parallel_loop3A_843 : i32
        %parallel_loop3A_845 = vector.broadcast %parallel_loop3A_844 : i32 to vector<16xi32>
        %parallel_loop3A_846 = arith.addi %select_n3A_193, %parallel_loop3A_845 : vector<16xi32>
        %parallel_loop3A_847 = tpu.vector_load_idx %arg6[%parallel_loop3A_846] : memref<10752xf32, #tpu.memory_space<vmem>>[vector<16xi32>], vector<16xf32>,
        %parallel_loop3A_848 = arith.constant 1 : i32
        %parallel_loop3A_849 = arith.constant 5 : i32
        %parallel_loop3A_850 = arith.index_cast %parallel_loop3A_848 : i32 to index
        %parallel_loop3A_851 = arith.index_cast %parallel_loop3A_360 : i32 to index
        %parallel_loop3A_852 = arith.index_cast %parallel_loop3A_849 : i32 to index
        %parallel_loop3A_853 = arith.constant 0 : index
        %parallel_loop3A_854 = tpu.vector_load %arg9[%parallel_loop3A_850, %parallel_loop3A_851, %parallel_loop3A_852, %parallel_loop3A_853] {strides = array<i32>} : memref<2x8x8x128xf32, #tpu.memory_space<vmem>>, vector<16xf32>,
        tpu.vector_store %arg9[%parallel_loop3A_850, %parallel_loop3A_851, %parallel_loop3A_852, %parallel_loop3A_853], %parallel_loop3A_847 {strides = array<i32>} : memref<2x8x8x128xf32, #tpu.memory_space<vmem>>, vector<16xf32>,
        %parallel_loop3A_855 = arith.constant 840 : i32
        %parallel_loop3A_856 = arith.addi %parallel_loop3A_362, %parallel_loop3A_855 : i32
        %parallel_loop3A_857 = vector.broadcast %parallel_loop3A_856 : i32 to vector<16xi32>
        %parallel_loop3A_858 = arith.addi %select_n3A_202, %parallel_loop3A_857 : vector<16xi32>
        %parallel_loop3A_859 = tpu.vector_load_idx %arg6[%parallel_loop3A_858] : memref<10752xf32, #tpu.memory_space<vmem>>[vector<16xi32>], vector<16xf32>,
        %parallel_loop3A_860 = arith.constant 1 : i32
        %parallel_loop3A_861 = arith.constant 5 : i32
        %parallel_loop3A_862 = arith.index_cast %parallel_loop3A_860 : i32 to index
        %parallel_loop3A_863 = arith.index_cast %parallel_loop3A_360 : i32 to index
        %parallel_loop3A_864 = arith.index_cast %parallel_loop3A_861 : i32 to index
        %parallel_loop3A_865 = arith.constant 16 : index
        %parallel_loop3A_866 = tpu.vector_load %arg9[%parallel_loop3A_862, %parallel_loop3A_863, %parallel_loop3A_864, %parallel_loop3A_865] {strides = array<i32>} : memref<2x8x8x128xf32, #tpu.memory_space<vmem>>, vector<16xf32>,
        tpu.vector_store %arg9[%parallel_loop3A_862, %parallel_loop3A_863, %parallel_loop3A_864, %parallel_loop3A_865], %parallel_loop3A_859 {strides = array<i32>} : memref<2x8x8x128xf32, #tpu.memory_space<vmem>>, vector<16xf32>,
        %parallel_loop3A_867 = arith.constant 840 : i32
        %parallel_loop3A_868 = arith.addi %parallel_loop3A_362, %parallel_loop3A_867 : i32
        %parallel_loop3A_869 = vector.broadcast %parallel_loop3A_868 : i32 to vector<16xi32>
        %parallel_loop3A_870 = arith.addi %select_n3A_211, %parallel_loop3A_869 : vector<16xi32>
        %parallel_loop3A_871 = tpu.vector_load_idx %arg6[%parallel_loop3A_870] : memref<10752xf32, #tpu.memory_space<vmem>>[vector<16xi32>], vector<16xf32>,
        %parallel_loop3A_872 = arith.constant 1 : i32
        %parallel_loop3A_873 = arith.constant 5 : i32
        %parallel_loop3A_874 = arith.index_cast %parallel_loop3A_872 : i32 to index
        %parallel_loop3A_875 = arith.index_cast %parallel_loop3A_360 : i32 to index
        %parallel_loop3A_876 = arith.index_cast %parallel_loop3A_873 : i32 to index
        %parallel_loop3A_877 = arith.constant 32 : index
        %parallel_loop3A_878 = tpu.vector_load %arg9[%parallel_loop3A_874, %parallel_loop3A_875, %parallel_loop3A_876, %parallel_loop3A_877] {strides = array<i32>} : memref<2x8x8x128xf32, #tpu.memory_space<vmem>>, vector<16xf32>,
        tpu.vector_store %arg9[%parallel_loop3A_874, %parallel_loop3A_875, %parallel_loop3A_876, %parallel_loop3A_877], %parallel_loop3A_871 {strides = array<i32>} : memref<2x8x8x128xf32, #tpu.memory_space<vmem>>, vector<16xf32>,
        %parallel_loop3A_879 = arith.constant 840 : i32
        %parallel_loop3A_880 = arith.addi %parallel_loop3A_362, %parallel_loop3A_879 : i32
        %parallel_loop3A_881 = vector.broadcast %parallel_loop3A_880 : i32 to vector<16xi32>
        %parallel_loop3A_882 = arith.addi %select_n3A_220, %parallel_loop3A_881 : vector<16xi32>
        %parallel_loop3A_883 = tpu.vector_load_idx %arg6[%parallel_loop3A_882] : memref<10752xf32, #tpu.memory_space<vmem>>[vector<16xi32>], vector<16xf32>,
        %parallel_loop3A_884 = arith.constant 1 : i32
        %parallel_loop3A_885 = arith.constant 5 : i32
        %parallel_loop3A_886 = arith.index_cast %parallel_loop3A_884 : i32 to index
        %parallel_loop3A_887 = arith.index_cast %parallel_loop3A_360 : i32 to index
        %parallel_loop3A_888 = arith.index_cast %parallel_loop3A_885 : i32 to index
        %parallel_loop3A_889 = arith.constant 48 : index
        %parallel_loop3A_890 = tpu.vector_load %arg9[%parallel_loop3A_886, %parallel_loop3A_887, %parallel_loop3A_888, %parallel_loop3A_889] {strides = array<i32>} : memref<2x8x8x128xf32, #tpu.memory_space<vmem>>, vector<16xf32>,
        tpu.vector_store %arg9[%parallel_loop3A_886, %parallel_loop3A_887, %parallel_loop3A_888, %parallel_loop3A_889], %parallel_loop3A_883 {strides = array<i32>} : memref<2x8x8x128xf32, #tpu.memory_space<vmem>>, vector<16xf32>,
        %parallel_loop3A_891 = arith.constant 840 : i32
        %parallel_loop3A_892 = arith.addi %parallel_loop3A_362, %parallel_loop3A_891 : i32
        %parallel_loop3A_893 = vector.broadcast %parallel_loop3A_892 : i32 to vector<16xi32>
        %parallel_loop3A_894 = arith.addi %select_n3A_229, %parallel_loop3A_893 : vector<16xi32>
        %parallel_loop3A_895 = tpu.vector_load_idx %arg6[%parallel_loop3A_894] : memref<10752xf32, #tpu.memory_space<vmem>>[vector<16xi32>], vector<16xf32>,
        %parallel_loop3A_896 = arith.constant 1 : i32
        %parallel_loop3A_897 = arith.constant 5 : i32
        %parallel_loop3A_898 = arith.index_cast %parallel_loop3A_896 : i32 to index
        %parallel_loop3A_899 = arith.index_cast %parallel_loop3A_360 : i32 to index
        %parallel_loop3A_900 = arith.index_cast %parallel_loop3A_897 : i32 to index
        %parallel_loop3A_901 = arith.constant 64 : index
        %parallel_loop3A_902 = tpu.vector_load %arg9[%parallel_loop3A_898, %parallel_loop3A_899, %parallel_loop3A_900, %parallel_loop3A_901] {strides = array<i32>} : memref<2x8x8x128xf32, #tpu.memory_space<vmem>>, vector<16xf32>,
        tpu.vector_store %arg9[%parallel_loop3A_898, %parallel_loop3A_899, %parallel_loop3A_900, %parallel_loop3A_901], %parallel_loop3A_895 {strides = array<i32>} : memref<2x8x8x128xf32, #tpu.memory_space<vmem>>, vector<16xf32>,
        %parallel_loop3A_903 = arith.constant 840 : i32
        %parallel_loop3A_904 = arith.addi %parallel_loop3A_362, %parallel_loop3A_903 : i32
        %parallel_loop3A_905 = vector.broadcast %parallel_loop3A_904 : i32 to vector<16xi32>
        %parallel_loop3A_906 = arith.addi %select_n3A_238, %parallel_loop3A_905 : vector<16xi32>
        %parallel_loop3A_907 = tpu.vector_load_idx %arg6[%parallel_loop3A_906] : memref<10752xf32, #tpu.memory_space<vmem>>[vector<16xi32>], vector<16xf32>,
        %parallel_loop3A_908 = arith.constant 1 : i32
        %parallel_loop3A_909 = arith.constant 5 : i32
        %parallel_loop3A_910 = arith.index_cast %parallel_loop3A_908 : i32 to index
        %parallel_loop3A_911 = arith.index_cast %parallel_loop3A_360 : i32 to index
        %parallel_loop3A_912 = arith.index_cast %parallel_loop3A_909 : i32 to index
        %parallel_loop3A_913 = arith.constant 80 : index
        %parallel_loop3A_914 = tpu.vector_load %arg9[%parallel_loop3A_910, %parallel_loop3A_911, %parallel_loop3A_912, %parallel_loop3A_913] {strides = array<i32>} : memref<2x8x8x128xf32, #tpu.memory_space<vmem>>, vector<16xf32>,
        tpu.vector_store %arg9[%parallel_loop3A_910, %parallel_loop3A_911, %parallel_loop3A_912, %parallel_loop3A_913], %parallel_loop3A_907 {strides = array<i32>} : memref<2x8x8x128xf32, #tpu.memory_space<vmem>>, vector<16xf32>,
        %parallel_loop3A_915 = arith.constant 840 : i32
        %parallel_loop3A_916 = arith.addi %parallel_loop3A_362, %parallel_loop3A_915 : i32
        %parallel_loop3A_917 = vector.broadcast %parallel_loop3A_916 : i32 to vector<16xi32>
        %parallel_loop3A_918 = arith.addi %select_n3A_247, %parallel_loop3A_917 : vector<16xi32>
        %parallel_loop3A_919 = tpu.vector_load_idx %arg6[%parallel_loop3A_918] : memref<10752xf32, #tpu.memory_space<vmem>>[vector<16xi32>], vector<16xf32>,
        %parallel_loop3A_920 = arith.constant 1 : i32
        %parallel_loop3A_921 = arith.constant 5 : i32
        %parallel_loop3A_922 = arith.index_cast %parallel_loop3A_920 : i32 to index
        %parallel_loop3A_923 = arith.index_cast %parallel_loop3A_360 : i32 to index
        %parallel_loop3A_924 = arith.index_cast %parallel_loop3A_921 : i32 to index
        %parallel_loop3A_925 = arith.constant 96 : index
        %parallel_loop3A_926 = tpu.vector_load %arg9[%parallel_loop3A_922, %parallel_loop3A_923, %parallel_loop3A_924, %parallel_loop3A_925] {strides = array<i32>} : memref<2x8x8x128xf32, #tpu.memory_space<vmem>>, vector<16xf32>,
        tpu.vector_store %arg9[%parallel_loop3A_922, %parallel_loop3A_923, %parallel_loop3A_924, %parallel_loop3A_925], %parallel_loop3A_919 {strides = array<i32>} : memref<2x8x8x128xf32, #tpu.memory_space<vmem>>, vector<16xf32>,
        %parallel_loop3A_927 = arith.constant 840 : i32
        %parallel_loop3A_928 = arith.addi %parallel_loop3A_362, %parallel_loop3A_927 : i32
        %parallel_loop3A_929 = vector.broadcast %parallel_loop3A_928 : i32 to vector<16xi32>
        %parallel_loop3A_930 = arith.addi %select_n3A_256, %parallel_loop3A_929 : vector<16xi32>
        %parallel_loop3A_931 = tpu.vector_load_idx %arg6[%parallel_loop3A_930] : memref<10752xf32, #tpu.memory_space<vmem>>[vector<16xi32>], vector<16xf32>,
        %parallel_loop3A_932 = arith.constant 1 : i32
        %parallel_loop3A_933 = arith.constant 5 : i32
        %parallel_loop3A_934 = arith.index_cast %parallel_loop3A_932 : i32 to index
        %parallel_loop3A_935 = arith.index_cast %parallel_loop3A_360 : i32 to index
        %parallel_loop3A_936 = arith.index_cast %parallel_loop3A_933 : i32 to index
        %parallel_loop3A_937 = arith.constant 112 : index
        %parallel_loop3A_938 = tpu.vector_load %arg9[%parallel_loop3A_934, %parallel_loop3A_935, %parallel_loop3A_936, %parallel_loop3A_937] {strides = array<i32>} : memref<2x8x8x128xf32, #tpu.memory_space<vmem>>, vector<16xf32>,
        tpu.vector_store %arg9[%parallel_loop3A_934, %parallel_loop3A_935, %parallel_loop3A_936, %parallel_loop3A_937], %parallel_loop3A_931 {strides = array<i32>} : memref<2x8x8x128xf32, #tpu.memory_space<vmem>>, vector<16xf32>,
        %parallel_loop3A_939 = arith.constant 1008 : i32
        %parallel_loop3A_940 = arith.addi %parallel_loop3A_362, %parallel_loop3A_939 : i32
        %parallel_loop3A_941 = vector.broadcast %parallel_loop3A_940 : i32 to vector<16xi32>
        %parallel_loop3A_942 = arith.addi %select_n3A_193, %parallel_loop3A_941 : vector<16xi32>
        %parallel_loop3A_943 = tpu.vector_load_idx %arg6[%parallel_loop3A_942] : memref<10752xf32, #tpu.memory_space<vmem>>[vector<16xi32>], vector<16xf32>,
        %parallel_loop3A_944 = arith.constant 1 : i32
        %parallel_loop3A_945 = arith.constant 6 : i32
        %parallel_loop3A_946 = arith.index_cast %parallel_loop3A_944 : i32 to index
        %parallel_loop3A_947 = arith.index_cast %parallel_loop3A_360 : i32 to index
        %parallel_loop3A_948 = arith.index_cast %parallel_loop3A_945 : i32 to index
        %parallel_loop3A_949 = arith.constant 0 : index
        %parallel_loop3A_950 = tpu.vector_load %arg9[%parallel_loop3A_946, %parallel_loop3A_947, %parallel_loop3A_948, %parallel_loop3A_949] {strides = array<i32>} : memref<2x8x8x128xf32, #tpu.memory_space<vmem>>, vector<16xf32>,
        tpu.vector_store %arg9[%parallel_loop3A_946, %parallel_loop3A_947, %parallel_loop3A_948, %parallel_loop3A_949], %parallel_loop3A_943 {strides = array<i32>} : memref<2x8x8x128xf32, #tpu.memory_space<vmem>>, vector<16xf32>,
        %parallel_loop3A_951 = arith.constant 1008 : i32
        %parallel_loop3A_952 = arith.addi %parallel_loop3A_362, %parallel_loop3A_951 : i32
        %parallel_loop3A_953 = vector.broadcast %parallel_loop3A_952 : i32 to vector<16xi32>
        %parallel_loop3A_954 = arith.addi %select_n3A_202, %parallel_loop3A_953 : vector<16xi32>
        %parallel_loop3A_955 = tpu.vector_load_idx %arg6[%parallel_loop3A_954] : memref<10752xf32, #tpu.memory_space<vmem>>[vector<16xi32>], vector<16xf32>,
        %parallel_loop3A_956 = arith.constant 1 : i32
        %parallel_loop3A_957 = arith.constant 6 : i32
        %parallel_loop3A_958 = arith.index_cast %parallel_loop3A_956 : i32 to index
        %parallel_loop3A_959 = arith.index_cast %parallel_loop3A_360 : i32 to index
        %parallel_loop3A_960 = arith.index_cast %parallel_loop3A_957 : i32 to index
        %parallel_loop3A_961 = arith.constant 16 : index
        %parallel_loop3A_962 = tpu.vector_load %arg9[%parallel_loop3A_958, %parallel_loop3A_959, %parallel_loop3A_960, %parallel_loop3A_961] {strides = array<i32>} : memref<2x8x8x128xf32, #tpu.memory_space<vmem>>, vector<16xf32>,
        tpu.vector_store %arg9[%parallel_loop3A_958, %parallel_loop3A_959, %parallel_loop3A_960, %parallel_loop3A_961], %parallel_loop3A_955 {strides = array<i32>} : memref<2x8x8x128xf32, #tpu.memory_space<vmem>>, vector<16xf32>,
        %parallel_loop3A_963 = arith.constant 1008 : i32
        %parallel_loop3A_964 = arith.addi %parallel_loop3A_362, %parallel_loop3A_963 : i32
        %parallel_loop3A_965 = vector.broadcast %parallel_loop3A_964 : i32 to vector<16xi32>
        %parallel_loop3A_966 = arith.addi %select_n3A_211, %parallel_loop3A_965 : vector<16xi32>
        %parallel_loop3A_967 = tpu.vector_load_idx %arg6[%parallel_loop3A_966] : memref<10752xf32, #tpu.memory_space<vmem>>[vector<16xi32>], vector<16xf32>,
        %parallel_loop3A_968 = arith.constant 1 : i32
        %parallel_loop3A_969 = arith.constant 6 : i32
        %parallel_loop3A_970 = arith.index_cast %parallel_loop3A_968 : i32 to index
        %parallel_loop3A_971 = arith.index_cast %parallel_loop3A_360 : i32 to index
        %parallel_loop3A_972 = arith.index_cast %parallel_loop3A_969 : i32 to index
        %parallel_loop3A_973 = arith.constant 32 : index
        %parallel_loop3A_974 = tpu.vector_load %arg9[%parallel_loop3A_970, %parallel_loop3A_971, %parallel_loop3A_972, %parallel_loop3A_973] {strides = array<i32>} : memref<2x8x8x128xf32, #tpu.memory_space<vmem>>, vector<16xf32>,
        tpu.vector_store %arg9[%parallel_loop3A_970, %parallel_loop3A_971, %parallel_loop3A_972, %parallel_loop3A_973], %parallel_loop3A_967 {strides = array<i32>} : memref<2x8x8x128xf32, #tpu.memory_space<vmem>>, vector<16xf32>,
        %parallel_loop3A_975 = arith.constant 1008 : i32
        %parallel_loop3A_976 = arith.addi %parallel_loop3A_362, %parallel_loop3A_975 : i32
        %parallel_loop3A_977 = vector.broadcast %parallel_loop3A_976 : i32 to vector<16xi32>
        %parallel_loop3A_978 = arith.addi %select_n3A_220, %parallel_loop3A_977 : vector<16xi32>
        %parallel_loop3A_979 = tpu.vector_load_idx %arg6[%parallel_loop3A_978] : memref<10752xf32, #tpu.memory_space<vmem>>[vector<16xi32>], vector<16xf32>,
        %parallel_loop3A_980 = arith.constant 1 : i32
        %parallel_loop3A_981 = arith.constant 6 : i32
        %parallel_loop3A_982 = arith.index_cast %parallel_loop3A_980 : i32 to index
        %parallel_loop3A_983 = arith.index_cast %parallel_loop3A_360 : i32 to index
        %parallel_loop3A_984 = arith.index_cast %parallel_loop3A_981 : i32 to index
        %parallel_loop3A_985 = arith.constant 48 : index
        %parallel_loop3A_986 = tpu.vector_load %arg9[%parallel_loop3A_982, %parallel_loop3A_983, %parallel_loop3A_984, %parallel_loop3A_985] {strides = array<i32>} : memref<2x8x8x128xf32, #tpu.memory_space<vmem>>, vector<16xf32>,
        tpu.vector_store %arg9[%parallel_loop3A_982, %parallel_loop3A_983, %parallel_loop3A_984, %parallel_loop3A_985], %parallel_loop3A_979 {strides = array<i32>} : memref<2x8x8x128xf32, #tpu.memory_space<vmem>>, vector<16xf32>,
        %parallel_loop3A_987 = arith.constant 1008 : i32
        %parallel_loop3A_988 = arith.addi %parallel_loop3A_362, %parallel_loop3A_987 : i32
        %parallel_loop3A_989 = vector.broadcast %parallel_loop3A_988 : i32 to vector<16xi32>
        %parallel_loop3A_990 = arith.addi %select_n3A_229, %parallel_loop3A_989 : vector<16xi32>
        %parallel_loop3A_991 = tpu.vector_load_idx %arg6[%parallel_loop3A_990] : memref<10752xf32, #tpu.memory_space<vmem>>[vector<16xi32>], vector<16xf32>,
        %parallel_loop3A_992 = arith.constant 1 : i32
        %parallel_loop3A_993 = arith.constant 6 : i32
        %parallel_loop3A_994 = arith.index_cast %parallel_loop3A_992 : i32 to index
        %parallel_loop3A_995 = arith.index_cast %parallel_loop3A_360 : i32 to index
        %parallel_loop3A_996 = arith.index_cast %parallel_loop3A_993 : i32 to index
        %parallel_loop3A_997 = arith.constant 64 : index
        %parallel_loop3A_998 = tpu.vector_load %arg9[%parallel_loop3A_994, %parallel_loop3A_995, %parallel_loop3A_996, %parallel_loop3A_997] {strides = array<i32>} : memref<2x8x8x128xf32, #tpu.memory_space<vmem>>, vector<16xf32>,
        tpu.vector_store %arg9[%parallel_loop3A_994, %parallel_loop3A_995, %parallel_loop3A_996, %parallel_loop3A_997], %parallel_loop3A_991 {strides = array<i32>} : memref<2x8x8x128xf32, #tpu.memory_space<vmem>>, vector<16xf32>,
        %parallel_loop3A_999 = arith.constant 1008 : i32
        %parallel_loop3A_1000 = arith.addi %parallel_loop3A_362, %parallel_loop3A_999 : i32
        %parallel_loop3A_1001 = vector.broadcast %parallel_loop3A_1000 : i32 to vector<16xi32>
        %parallel_loop3A_1002 = arith.addi %select_n3A_238, %parallel_loop3A_1001 : vector<16xi32>
        %parallel_loop3A_1003 = tpu.vector_load_idx %arg6[%parallel_loop3A_1002] : memref<10752xf32, #tpu.memory_space<vmem>>[vector<16xi32>], vector<16xf32>,
        %parallel_loop3A_1004 = arith.constant 1 : i32
        %parallel_loop3A_1005 = arith.constant 6 : i32
        %parallel_loop3A_1006 = arith.index_cast %parallel_loop3A_1004 : i32 to index
        %parallel_loop3A_1007 = arith.index_cast %parallel_loop3A_360 : i32 to index
        %parallel_loop3A_1008 = arith.index_cast %parallel_loop3A_1005 : i32 to index
        %parallel_loop3A_1009 = arith.constant 80 : index
        %parallel_loop3A_1010 = tpu.vector_load %arg9[%parallel_loop3A_1006, %parallel_loop3A_1007, %parallel_loop3A_1008, %parallel_loop3A_1009] {strides = array<i32>} : memref<2x8x8x128xf32, #tpu.memory_space<vmem>>, vector<16xf32>,
        tpu.vector_store %arg9[%parallel_loop3A_1006, %parallel_loop3A_1007, %parallel_loop3A_1008, %parallel_loop3A_1009], %parallel_loop3A_1003 {strides = array<i32>} : memref<2x8x8x128xf32, #tpu.memory_space<vmem>>, vector<16xf32>,
        %parallel_loop3A_1011 = arith.constant 1008 : i32
        %parallel_loop3A_1012 = arith.addi %parallel_loop3A_362, %parallel_loop3A_1011 : i32
        %parallel_loop3A_1013 = vector.broadcast %parallel_loop3A_1012 : i32 to vector<16xi32>
        %parallel_loop3A_1014 = arith.addi %select_n3A_247, %parallel_loop3A_1013 : vector<16xi32>
        %parallel_loop3A_1015 = tpu.vector_load_idx %arg6[%parallel_loop3A_1014] : memref<10752xf32, #tpu.memory_space<vmem>>[vector<16xi32>], vector<16xf32>,
        %parallel_loop3A_1016 = arith.constant 1 : i32
        %parallel_loop3A_1017 = arith.constant 6 : i32
        %parallel_loop3A_1018 = arith.index_cast %parallel_loop3A_1016 : i32 to index
        %parallel_loop3A_1019 = arith.index_cast %parallel_loop3A_360 : i32 to index
        %parallel_loop3A_1020 = arith.index_cast %parallel_loop3A_1017 : i32 to index
        %parallel_loop3A_1021 = arith.constant 96 : index
        %parallel_loop3A_1022 = tpu.vector_load %arg9[%parallel_loop3A_1018, %parallel_loop3A_1019, %parallel_loop3A_1020, %parallel_loop3A_1021] {strides = array<i32>} : memref<2x8x8x128xf32, #tpu.memory_space<vmem>>, vector<16xf32>,
        tpu.vector_store %arg9[%parallel_loop3A_1018, %parallel_loop3A_1019, %parallel_loop3A_1020, %parallel_loop3A_1021], %parallel_loop3A_1015 {strides = array<i32>} : memref<2x8x8x128xf32, #tpu.memory_space<vmem>>, vector<16xf32>,
        %parallel_loop3A_1023 = arith.constant 1008 : i32
        %parallel_loop3A_1024 = arith.addi %parallel_loop3A_362, %parallel_loop3A_1023 : i32
        %parallel_loop3A_1025 = vector.broadcast %parallel_loop3A_1024 : i32 to vector<16xi32>
        %parallel_loop3A_1026 = arith.addi %select_n3A_256, %parallel_loop3A_1025 : vector<16xi32>
        %parallel_loop3A_1027 = tpu.vector_load_idx %arg6[%parallel_loop3A_1026] : memref<10752xf32, #tpu.memory_space<vmem>>[vector<16xi32>], vector<16xf32>,
        %parallel_loop3A_1028 = arith.constant 1 : i32
        %parallel_loop3A_1029 = arith.constant 6 : i32
        %parallel_loop3A_1030 = arith.index_cast %parallel_loop3A_1028 : i32 to index
        %parallel_loop3A_1031 = arith.index_cast %parallel_loop3A_360 : i32 to index
        %parallel_loop3A_1032 = arith.index_cast %parallel_loop3A_1029 : i32 to index
        %parallel_loop3A_1033 = arith.constant 112 : index
        %parallel_loop3A_1034 = tpu.vector_load %arg9[%parallel_loop3A_1030, %parallel_loop3A_1031, %parallel_loop3A_1032, %parallel_loop3A_1033] {strides = array<i32>} : memref<2x8x8x128xf32, #tpu.memory_space<vmem>>, vector<16xf32>,
        tpu.vector_store %arg9[%parallel_loop3A_1030, %parallel_loop3A_1031, %parallel_loop3A_1032, %parallel_loop3A_1033], %parallel_loop3A_1027 {strides = array<i32>} : memref<2x8x8x128xf32, #tpu.memory_space<vmem>>, vector<16xf32>,
        %parallel_loop3A_1035 = arith.constant 1176 : i32
        %parallel_loop3A_1036 = arith.addi %parallel_loop3A_362, %parallel_loop3A_1035 : i32
        %parallel_loop3A_1037 = vector.broadcast %parallel_loop3A_1036 : i32 to vector<16xi32>
        %parallel_loop3A_1038 = arith.addi %select_n3A_193, %parallel_loop3A_1037 : vector<16xi32>
        %parallel_loop3A_1039 = tpu.vector_load_idx %arg6[%parallel_loop3A_1038] : memref<10752xf32, #tpu.memory_space<vmem>>[vector<16xi32>], vector<16xf32>,
        %parallel_loop3A_1040 = arith.constant 1 : i32
        %parallel_loop3A_1041 = arith.constant 7 : i32
        %parallel_loop3A_1042 = arith.index_cast %parallel_loop3A_1040 : i32 to index
        %parallel_loop3A_1043 = arith.index_cast %parallel_loop3A_360 : i32 to index
        %parallel_loop3A_1044 = arith.index_cast %parallel_loop3A_1041 : i32 to index
        %parallel_loop3A_1045 = arith.constant 0 : index
        %parallel_loop3A_1046 = tpu.vector_load %arg9[%parallel_loop3A_1042, %parallel_loop3A_1043, %parallel_loop3A_1044, %parallel_loop3A_1045] {strides = array<i32>} : memref<2x8x8x128xf32, #tpu.memory_space<vmem>>, vector<16xf32>,
        tpu.vector_store %arg9[%parallel_loop3A_1042, %parallel_loop3A_1043, %parallel_loop3A_1044, %parallel_loop3A_1045], %parallel_loop3A_1039 {strides = array<i32>} : memref<2x8x8x128xf32, #tpu.memory_space<vmem>>, vector<16xf32>,
        %parallel_loop3A_1047 = arith.constant 1176 : i32
        %parallel_loop3A_1048 = arith.addi %parallel_loop3A_362, %parallel_loop3A_1047 : i32
        %parallel_loop3A_1049 = vector.broadcast %parallel_loop3A_1048 : i32 to vector<16xi32>
        %parallel_loop3A_1050 = arith.addi %select_n3A_202, %parallel_loop3A_1049 : vector<16xi32>
        %parallel_loop3A_1051 = tpu.vector_load_idx %arg6[%parallel_loop3A_1050] : memref<10752xf32, #tpu.memory_space<vmem>>[vector<16xi32>], vector<16xf32>,
        %parallel_loop3A_1052 = arith.constant 1 : i32
        %parallel_loop3A_1053 = arith.constant 7 : i32
        %parallel_loop3A_1054 = arith.index_cast %parallel_loop3A_1052 : i32 to index
        %parallel_loop3A_1055 = arith.index_cast %parallel_loop3A_360 : i32 to index
        %parallel_loop3A_1056 = arith.index_cast %parallel_loop3A_1053 : i32 to index
        %parallel_loop3A_1057 = arith.constant 16 : index
        %parallel_loop3A_1058 = tpu.vector_load %arg9[%parallel_loop3A_1054, %parallel_loop3A_1055, %parallel_loop3A_1056, %parallel_loop3A_1057] {strides = array<i32>} : memref<2x8x8x128xf32, #tpu.memory_space<vmem>>, vector<16xf32>,
        tpu.vector_store %arg9[%parallel_loop3A_1054, %parallel_loop3A_1055, %parallel_loop3A_1056, %parallel_loop3A_1057], %parallel_loop3A_1051 {strides = array<i32>} : memref<2x8x8x128xf32, #tpu.memory_space<vmem>>, vector<16xf32>,
        %parallel_loop3A_1059 = arith.constant 1176 : i32
        %parallel_loop3A_1060 = arith.addi %parallel_loop3A_362, %parallel_loop3A_1059 : i32
        %parallel_loop3A_1061 = vector.broadcast %parallel_loop3A_1060 : i32 to vector<16xi32>
        %parallel_loop3A_1062 = arith.addi %select_n3A_211, %parallel_loop3A_1061 : vector<16xi32>
        %parallel_loop3A_1063 = tpu.vector_load_idx %arg6[%parallel_loop3A_1062] : memref<10752xf32, #tpu.memory_space<vmem>>[vector<16xi32>], vector<16xf32>,
        %parallel_loop3A_1064 = arith.constant 1 : i32
        %parallel_loop3A_1065 = arith.constant 7 : i32
        %parallel_loop3A_1066 = arith.index_cast %parallel_loop3A_1064 : i32 to index
        %parallel_loop3A_1067 = arith.index_cast %parallel_loop3A_360 : i32 to index
        %parallel_loop3A_1068 = arith.index_cast %parallel_loop3A_1065 : i32 to index
        %parallel_loop3A_1069 = arith.constant 32 : index
        %parallel_loop3A_1070 = tpu.vector_load %arg9[%parallel_loop3A_1066, %parallel_loop3A_1067, %parallel_loop3A_1068, %parallel_loop3A_1069] {strides = array<i32>} : memref<2x8x8x128xf32, #tpu.memory_space<vmem>>, vector<16xf32>,
        tpu.vector_store %arg9[%parallel_loop3A_1066, %parallel_loop3A_1067, %parallel_loop3A_1068, %parallel_loop3A_1069], %parallel_loop3A_1063 {strides = array<i32>} : memref<2x8x8x128xf32, #tpu.memory_space<vmem>>, vector<16xf32>,
        %parallel_loop3A_1071 = arith.constant 1176 : i32
        %parallel_loop3A_1072 = arith.addi %parallel_loop3A_362, %parallel_loop3A_1071 : i32
        %parallel_loop3A_1073 = vector.broadcast %parallel_loop3A_1072 : i32 to vector<16xi32>
        %parallel_loop3A_1074 = arith.addi %select_n3A_220, %parallel_loop3A_1073 : vector<16xi32>
        %parallel_loop3A_1075 = tpu.vector_load_idx %arg6[%parallel_loop3A_1074] : memref<10752xf32, #tpu.memory_space<vmem>>[vector<16xi32>], vector<16xf32>,
        %parallel_loop3A_1076 = arith.constant 1 : i32
        %parallel_loop3A_1077 = arith.constant 7 : i32
        %parallel_loop3A_1078 = arith.index_cast %parallel_loop3A_1076 : i32 to index
        %parallel_loop3A_1079 = arith.index_cast %parallel_loop3A_360 : i32 to index
        %parallel_loop3A_1080 = arith.index_cast %parallel_loop3A_1077 : i32 to index
        %parallel_loop3A_1081 = arith.constant 48 : index
        %parallel_loop3A_1082 = tpu.vector_load %arg9[%parallel_loop3A_1078, %parallel_loop3A_1079, %parallel_loop3A_1080, %parallel_loop3A_1081] {strides = array<i32>} : memref<2x8x8x128xf32, #tpu.memory_space<vmem>>, vector<16xf32>,
        tpu.vector_store %arg9[%parallel_loop3A_1078, %parallel_loop3A_1079, %parallel_loop3A_1080, %parallel_loop3A_1081], %parallel_loop3A_1075 {strides = array<i32>} : memref<2x8x8x128xf32, #tpu.memory_space<vmem>>, vector<16xf32>,
        %parallel_loop3A_1083 = arith.constant 1176 : i32
        %parallel_loop3A_1084 = arith.addi %parallel_loop3A_362, %parallel_loop3A_1083 : i32
        %parallel_loop3A_1085 = vector.broadcast %parallel_loop3A_1084 : i32 to vector<16xi32>
        %parallel_loop3A_1086 = arith.addi %select_n3A_229, %parallel_loop3A_1085 : vector<16xi32>
        %parallel_loop3A_1087 = tpu.vector_load_idx %arg6[%parallel_loop3A_1086] : memref<10752xf32, #tpu.memory_space<vmem>>[vector<16xi32>], vector<16xf32>,
        %parallel_loop3A_1088 = arith.constant 1 : i32
        %parallel_loop3A_1089 = arith.constant 7 : i32
        %parallel_loop3A_1090 = arith.index_cast %parallel_loop3A_1088 : i32 to index
        %parallel_loop3A_1091 = arith.index_cast %parallel_loop3A_360 : i32 to index
        %parallel_loop3A_1092 = arith.index_cast %parallel_loop3A_1089 : i32 to index
        %parallel_loop3A_1093 = arith.constant 64 : index
        %parallel_loop3A_1094 = tpu.vector_load %arg9[%parallel_loop3A_1090, %parallel_loop3A_1091, %parallel_loop3A_1092, %parallel_loop3A_1093] {strides = array<i32>} : memref<2x8x8x128xf32, #tpu.memory_space<vmem>>, vector<16xf32>,
        tpu.vector_store %arg9[%parallel_loop3A_1090, %parallel_loop3A_1091, %parallel_loop3A_1092, %parallel_loop3A_1093], %parallel_loop3A_1087 {strides = array<i32>} : memref<2x8x8x128xf32, #tpu.memory_space<vmem>>, vector<16xf32>,
        %parallel_loop3A_1095 = arith.constant 1176 : i32
        %parallel_loop3A_1096 = arith.addi %parallel_loop3A_362, %parallel_loop3A_1095 : i32
        %parallel_loop3A_1097 = vector.broadcast %parallel_loop3A_1096 : i32 to vector<16xi32>
        %parallel_loop3A_1098 = arith.addi %select_n3A_238, %parallel_loop3A_1097 : vector<16xi32>
        %parallel_loop3A_1099 = tpu.vector_load_idx %arg6[%parallel_loop3A_1098] : memref<10752xf32, #tpu.memory_space<vmem>>[vector<16xi32>], vector<16xf32>,
        %parallel_loop3A_1100 = arith.constant 1 : i32
        %parallel_loop3A_1101 = arith.constant 7 : i32
        %parallel_loop3A_1102 = arith.index_cast %parallel_loop3A_1100 : i32 to index
        %parallel_loop3A_1103 = arith.index_cast %parallel_loop3A_360 : i32 to index
        %parallel_loop3A_1104 = arith.index_cast %parallel_loop3A_1101 : i32 to index
        %parallel_loop3A_1105 = arith.constant 80 : index
        %parallel_loop3A_1106 = tpu.vector_load %arg9[%parallel_loop3A_1102, %parallel_loop3A_1103, %parallel_loop3A_1104, %parallel_loop3A_1105] {strides = array<i32>} : memref<2x8x8x128xf32, #tpu.memory_space<vmem>>, vector<16xf32>,
        tpu.vector_store %arg9[%parallel_loop3A_1102, %parallel_loop3A_1103, %parallel_loop3A_1104, %parallel_loop3A_1105], %parallel_loop3A_1099 {strides = array<i32>} : memref<2x8x8x128xf32, #tpu.memory_space<vmem>>, vector<16xf32>,
        %parallel_loop3A_1107 = arith.constant 1176 : i32
        %parallel_loop3A_1108 = arith.addi %parallel_loop3A_362, %parallel_loop3A_1107 : i32
        %parallel_loop3A_1109 = vector.broadcast %parallel_loop3A_1108 : i32 to vector<16xi32>
        %parallel_loop3A_1110 = arith.addi %select_n3A_247, %parallel_loop3A_1109 : vector<16xi32>
        %parallel_loop3A_1111 = tpu.vector_load_idx %arg6[%parallel_loop3A_1110] : memref<10752xf32, #tpu.memory_space<vmem>>[vector<16xi32>], vector<16xf32>,
        %parallel_loop3A_1112 = arith.constant 1 : i32
        %parallel_loop3A_1113 = arith.constant 7 : i32
        %parallel_loop3A_1114 = arith.index_cast %parallel_loop3A_1112 : i32 to index
        %parallel_loop3A_1115 = arith.index_cast %parallel_loop3A_360 : i32 to index
        %parallel_loop3A_1116 = arith.index_cast %parallel_loop3A_1113 : i32 to index
        %parallel_loop3A_1117 = arith.constant 96 : index
        %parallel_loop3A_1118 = tpu.vector_load %arg9[%parallel_loop3A_1114, %parallel_loop3A_1115, %parallel_loop3A_1116, %parallel_loop3A_1117] {strides = array<i32>} : memref<2x8x8x128xf32, #tpu.memory_space<vmem>>, vector<16xf32>,
        tpu.vector_store %arg9[%parallel_loop3A_1114, %parallel_loop3A_1115, %parallel_loop3A_1116, %parallel_loop3A_1117], %parallel_loop3A_1111 {strides = array<i32>} : memref<2x8x8x128xf32, #tpu.memory_space<vmem>>, vector<16xf32>,
        %parallel_loop3A_1119 = arith.constant 1176 : i32
        %parallel_loop3A_1120 = arith.addi %parallel_loop3A_362, %parallel_loop3A_1119 : i32
        %parallel_loop3A_1121 = vector.broadcast %parallel_loop3A_1120 : i32 to vector<16xi32>
        %parallel_loop3A_1122 = arith.addi %select_n3A_256, %parallel_loop3A_1121 : vector<16xi32>
        %parallel_loop3A_1123 = tpu.vector_load_idx %arg6[%parallel_loop3A_1122] : memref<10752xf32, #tpu.memory_space<vmem>>[vector<16xi32>], vector<16xf32>,
        %parallel_loop3A_1124 = arith.constant 1 : i32
        %parallel_loop3A_1125 = arith.constant 7 : i32
        %parallel_loop3A_1126 = arith.index_cast %parallel_loop3A_1124 : i32 to index
        %parallel_loop3A_1127 = arith.index_cast %parallel_loop3A_360 : i32 to index
        %parallel_loop3A_1128 = arith.index_cast %parallel_loop3A_1125 : i32 to index
        %parallel_loop3A_1129 = arith.constant 112 : index
        %parallel_loop3A_1130 = tpu.vector_load %arg9[%parallel_loop3A_1126, %parallel_loop3A_1127, %parallel_loop3A_1128, %parallel_loop3A_1129] {strides = array<i32>} : memref<2x8x8x128xf32, #tpu.memory_space<vmem>>, vector<16xf32>,
        tpu.vector_store %arg9[%parallel_loop3A_1126, %parallel_loop3A_1127, %parallel_loop3A_1128, %parallel_loop3A_1129], %parallel_loop3A_1123 {strides = array<i32>} : memref<2x8x8x128xf32, #tpu.memory_space<vmem>>, vector<16xf32>,
      } {sc.loop_unroll_factor = 2 : i64, sc.parallel_access}
      %dma_start3A_267 = arith.constant 1 : i32
      %dma_start3A_268 = arith.constant 0 : i32
      %dma_start3A_269 = arith.constant 0 : i32
      %dma_start3A_270 = arith.constant 0 : i32
      %dma_start3A_271 = tpu.memref_slice %arg9[%dma_start3A_267, %dma_start3A_268, %dma_start3A_269, %dma_start3A_270] : memref<2x8x8x128xf32, #tpu.memory_space<vmem>> -> memref<1x8x8x128xf32, #tpu.memory_space<vmem>>
      %dma_start3A_272 = tpu.memref_squeeze %dma_start3A_271 : memref<1x8x8x128xf32, #tpu.memory_space<vmem>> -> memref<8x8x128xf32, #tpu.memory_space<vmem>>
      %dma_start3A_273 = arith.constant 0 : i32
      %dma_start3A_274 = arith.constant 0 : i32
      %dma_start3A_275 = arith.constant 0 : i32
      %dma_start3A_276 = tpu.memref_slice %arg5[%add3A_258, %dma_start3A_273, %add3A, %dma_start3A_274, %dma_start3A_275] : memref<200x8x32x8x128xf32, #tpu.memory_space<hbm>> -> memref<1x8x1x8x128xf32, #tpu.memory_space<hbm>>
      %dma_start3A_277 = tpu.memref_squeeze %dma_start3A_276 : memref<1x8x1x8x128xf32, #tpu.memory_space<hbm>> -> memref<8x8x128xf32, #tpu.memory_space<hbm>>
      %dma_start3A_278 = arith.constant 0 : i32
      %dma_start3A_279 = arith.constant 0 : i32
      %dma_start3A_280 = arith.constant 0 : i32
      %dma_start3A_281 = tpu.memref_slice %arg5[%add3A_258, %dma_start3A_278, %add3A, %dma_start3A_279, %dma_start3A_280] : memref<200x8x32x8x128xf32, #tpu.memory_space<hbm>> -> memref<1x8x1x8x128xf32, #tpu.memory_space<hbm>>
      %dma_start3A_282 = tpu.memref_squeeze %dma_start3A_281 : memref<1x8x1x8x128xf32, #tpu.memory_space<hbm>> -> memref<8x8x128xf32, #tpu.memory_space<hbm>>
      %dma_start3A_283 = arith.constant 0 : i32
      %dma_start3A_284 = arith.constant 0 : i32
      %dma_start3A_285 = arith.constant 0 : i32
      %dma_start3A_286 = tpu.memref_slice %arg9[%dma_start3A_267, %dma_start3A_283, %dma_start3A_284, %dma_start3A_285] : memref<2x8x8x128xf32, #tpu.memory_space<vmem>> -> memref<1x8x8x128xf32, #tpu.memory_space<vmem>>
      %dma_start3A_287 = tpu.memref_squeeze %dma_start3A_286 : memref<1x8x8x128xf32, #tpu.memory_space<vmem>> -> memref<8x8x128xf32, #tpu.memory_space<vmem>>
      tpu.enqueue_dma source(%dma_start3A_287 : memref<8x8x128xf32, #tpu.memory_space<vmem>>) target(%dma_start3A_282 : memref<8x8x128xf32, #tpu.memory_space<hbm>>) target_semaphore(%arg10 : memref<!tpu.dma_semaphore, #tpu.memory_space<semaphore_mem>>)
      %add3A_288 = arith.constant 1 : i32
      %add3A_289 = vector.broadcast %add3A_288 : i32 to vector<16xi32>
      %add3A_290 = arith.addi %select_n3A_193, %add3A_289 : vector<16xi32>
      %eq3A_291 = arith.constant 168 : i32
      %eq3A_292 = vector.broadcast %eq3A_291 : i32 to vector<16xi32>
      %eq3A_293 = arith.cmpi eq, %add3A_290, %eq3A_292 : vector<16xi32>
      %jit3A_294 = arith.constant 0 : i32
      %broadcast_in_dim3A_295 = vector.broadcast %jit3A_294 : i32 to vector<16xi32>
      %select_n3A_296 = arith.select %eq3A_293, %broadcast_in_dim3A_295, %add3A_290 : vector<16xi1>, vector<16xi32>
      %add3A_297 = arith.constant 1 : i32
      %add3A_298 = vector.broadcast %add3A_297 : i32 to vector<16xi32>
      %add3A_299 = arith.addi %select_n3A_202, %add3A_298 : vector<16xi32>
      %eq3A_300 = arith.constant 168 : i32
      %eq3A_301 = vector.broadcast %eq3A_300 : i32 to vector<16xi32>
      %eq3A_302 = arith.cmpi eq, %add3A_299, %eq3A_301 : vector<16xi32>
      %jit3A_303 = arith.constant 0 : i32
      %broadcast_in_dim3A_304 = vector.broadcast %jit3A_303 : i32 to vector<16xi32>
      %select_n3A_305 = arith.select %eq3A_302, %broadcast_in_dim3A_304, %add3A_299 : vector<16xi1>, vector<16xi32>
      %add3A_306 = arith.constant 1 : i32
      %add3A_307 = vector.broadcast %add3A_306 : i32 to vector<16xi32>
      %add3A_308 = arith.addi %select_n3A_211, %add3A_307 : vector<16xi32>
      %eq3A_309 = arith.constant 168 : i32
      %eq3A_310 = vector.broadcast %eq3A_309 : i32 to vector<16xi32>
      %eq3A_311 = arith.cmpi eq, %add3A_308, %eq3A_310 : vector<16xi32>
      %jit3A_312 = arith.constant 0 : i32
      %broadcast_in_dim3A_313 = vector.broadcast %jit3A_312 : i32 to vector<16xi32>
      %select_n3A_314 = arith.select %eq3A_311, %broadcast_in_dim3A_313, %add3A_308 : vector<16xi1>, vector<16xi32>
      %add3A_315 = arith.constant 1 : i32
      %add3A_316 = vector.broadcast %add3A_315 : i32 to vector<16xi32>
      %add3A_317 = arith.addi %select_n3A_220, %add3A_316 : vector<16xi32>
      %eq3A_318 = arith.constant 168 : i32
      %eq3A_319 = vector.broadcast %eq3A_318 : i32 to vector<16xi32>
      %eq3A_320 = arith.cmpi eq, %add3A_317, %eq3A_319 : vector<16xi32>
      %jit3A_321 = arith.constant 0 : i32
      %broadcast_in_dim3A_322 = vector.broadcast %jit3A_321 : i32 to vector<16xi32>
      %select_n3A_323 = arith.select %eq3A_320, %broadcast_in_dim3A_322, %add3A_317 : vector<16xi1>, vector<16xi32>
      %add3A_324 = arith.constant 1 : i32
      %add3A_325 = vector.broadcast %add3A_324 : i32 to vector<16xi32>
      %add3A_326 = arith.addi %select_n3A_229, %add3A_325 : vector<16xi32>
      %eq3A_327 = arith.constant 168 : i32
      %eq3A_328 = vector.broadcast %eq3A_327 : i32 to vector<16xi32>
      %eq3A_329 = arith.cmpi eq, %add3A_326, %eq3A_328 : vector<16xi32>
      %jit3A_330 = arith.constant 0 : i32
      %broadcast_in_dim3A_331 = vector.broadcast %jit3A_330 : i32 to vector<16xi32>
      %select_n3A_332 = arith.select %eq3A_329, %broadcast_in_dim3A_331, %add3A_326 : vector<16xi1>, vector<16xi32>
      %add3A_333 = arith.constant 1 : i32
      %add3A_334 = vector.broadcast %add3A_333 : i32 to vector<16xi32>
      %add3A_335 = arith.addi %select_n3A_238, %add3A_334 : vector<16xi32>
      %eq3A_336 = arith.constant 168 : i32
      %eq3A_337 = vector.broadcast %eq3A_336 : i32 to vector<16xi32>
      %eq3A_338 = arith.cmpi eq, %add3A_335, %eq3A_337 : vector<16xi32>
      %jit3A_339 = arith.constant 0 : i32
      %broadcast_in_dim3A_340 = vector.broadcast %jit3A_339 : i32 to vector<16xi32>
      %select_n3A_341 = arith.select %eq3A_338, %broadcast_in_dim3A_340, %add3A_335 : vector<16xi1>, vector<16xi32>
      %add3A_342 = arith.constant 1 : i32
      %add3A_343 = vector.broadcast %add3A_342 : i32 to vector<16xi32>
      %add3A_344 = arith.addi %select_n3A_247, %add3A_343 : vector<16xi32>
      %eq3A_345 = arith.constant 168 : i32
      %eq3A_346 = vector.broadcast %eq3A_345 : i32 to vector<16xi32>
      %eq3A_347 = arith.cmpi eq, %add3A_344, %eq3A_346 : vector<16xi32>
      %jit3A_348 = arith.constant 0 : i32
      %broadcast_in_dim3A_349 = vector.broadcast %jit3A_348 : i32 to vector<16xi32>
      %select_n3A_350 = arith.select %eq3A_347, %broadcast_in_dim3A_349, %add3A_344 : vector<16xi1>, vector<16xi32>
      %add3A_351 = arith.constant 1 : i32
      %add3A_352 = vector.broadcast %add3A_351 : i32 to vector<16xi32>
      %add3A_353 = arith.addi %select_n3A_256, %add3A_352 : vector<16xi32>
      %eq3A_354 = arith.constant 168 : i32
      %eq3A_355 = vector.broadcast %eq3A_354 : i32 to vector<16xi32>
      %eq3A_356 = arith.cmpi eq, %add3A_353, %eq3A_355 : vector<16xi32>
      %jit3A_357 = arith.constant 0 : i32
      %broadcast_in_dim3A_358 = vector.broadcast %jit3A_357 : i32 to vector<16xi32>
      %select_n3A_359 = arith.select %eq3A_356, %broadcast_in_dim3A_358, %add3A_353 : vector<16xi1>, vector<16xi32>
      scf.yield %select_n3A_296, %select_n3A_305, %select_n3A_314, %select_n3A_323, %select_n3A_332, %select_n3A_341, %select_n3A_350, %select_n3A_359 : vector<16xi32>, vector<16xi32>, vector<16xi32>, vector<16xi32>, vector<16xi32>, vector<16xi32>, vector<16xi32>, vector<16xi32>
    }
    %scan3A_109 = arith.constant 100 : i32
    %dma_wait3A = arith.constant 0 : i32
    %dma_wait3A_110 = arith.constant 0 : i32
    %dma_wait3A_111 = arith.constant 0 : i32
    %dma_wait3A_112 = arith.constant 0 : i32
    %dma_wait3A_113 = arith.constant 0 : i32
    %dma_wait3A_114 = tpu.memref_slice %arg9[%dma_wait3A, %dma_wait3A_111, %dma_wait3A_112, %dma_wait3A_113] : memref<2x8x8x128xf32, #tpu.memory_space<vmem>> -> memref<1x8x8x128xf32, #tpu.memory_space<vmem>>
    %dma_wait3A_115 = tpu.memref_squeeze %dma_wait3A_114 : memref<1x8x8x128xf32, #tpu.memory_space<vmem>> -> memref<8x8x128xf32, #tpu.memory_space<vmem>>
    %dma_wait3A_116 = arith.constant 0 : i32
    %dma_wait3A_117 = arith.constant 0 : i32
    %dma_wait3A_118 = arith.constant 0 : i32
    %dma_wait3A_119 = tpu.memref_slice %arg5[%dma_wait3A_110, %dma_wait3A_116, %add3A, %dma_wait3A_117, %dma_wait3A_118] : memref<200x8x32x8x128xf32, #tpu.memory_space<hbm>> -> memref<1x8x1x8x128xf32, #tpu.memory_space<hbm>>
    %dma_wait3A_120 = tpu.memref_squeeze %dma_wait3A_119 : memref<1x8x1x8x128xf32, #tpu.memory_space<hbm>> -> memref<8x8x128xf32, #tpu.memory_space<hbm>>
    %dma_wait3A_121 = arith.constant 0 : i32
    %dma_wait3A_122 = arith.constant 0 : i32
    %dma_wait3A_123 = arith.constant 0 : i32
    %dma_wait3A_124 = tpu.memref_slice %arg5[%dma_wait3A_110, %dma_wait3A_121, %add3A, %dma_wait3A_122, %dma_wait3A_123] : memref<200x8x32x8x128xf32, #tpu.memory_space<hbm>> -> memref<1x8x1x8x128xf32, #tpu.memory_space<hbm>>
    %dma_wait3A_125 = tpu.memref_squeeze %dma_wait3A_124 : memref<1x8x1x8x128xf32, #tpu.memory_space<hbm>> -> memref<8x8x128xf32, #tpu.memory_space<hbm>>
    %dma_wait3A_126 = arith.constant 0 : i32
    %dma_wait3A_127 = arith.constant 0 : i32
    %dma_wait3A_128 = arith.constant 0 : i32
    %dma_wait3A_129 = tpu.memref_slice %arg9[%dma_wait3A, %dma_wait3A_126, %dma_wait3A_127, %dma_wait3A_128] : memref<2x8x8x128xf32, #tpu.memory_space<vmem>> -> memref<1x8x8x128xf32, #tpu.memory_space<vmem>>
    %dma_wait3A_130 = tpu.memref_squeeze %dma_wait3A_129 : memref<1x8x8x128xf32, #tpu.memory_space<vmem>> -> memref<8x8x128xf32, #tpu.memory_space<vmem>>
    tpu.wait_dma2 semaphore(%arg10 : memref<!tpu.dma_semaphore, #tpu.memory_space<semaphore_mem>>) src(%dma_wait3A_130 : memref<8x8x128xf32, #tpu.memory_space<vmem>>) dst(%dma_wait3A_125 : memref<8x8x128xf32, #tpu.memory_space<hbm>>)
    %dma_wait3A_131 = arith.constant 1 : i32
    %dma_wait3A_132 = arith.constant 0 : i32
    %dma_wait3A_133 = arith.constant 0 : i32
    %dma_wait3A_134 = arith.constant 0 : i32
    %dma_wait3A_135 = arith.constant 0 : i32
    %dma_wait3A_136 = tpu.memref_slice %arg9[%dma_wait3A_131, %dma_wait3A_133, %dma_wait3A_134, %dma_wait3A_135] : memref<2x8x8x128xf32, #tpu.memory_space<vmem>> -> memref<1x8x8x128xf32, #tpu.memory_space<vmem>>
    %dma_wait3A_137 = tpu.memref_squeeze %dma_wait3A_136 : memref<1x8x8x128xf32, #tpu.memory_space<vmem>> -> memref<8x8x128xf32, #tpu.memory_space<vmem>>
    %dma_wait3A_138 = arith.constant 0 : i32
    %dma_wait3A_139 = arith.constant 0 : i32
    %dma_wait3A_140 = arith.constant 0 : i32
    %dma_wait3A_141 = tpu.memref_slice %arg5[%dma_wait3A_132, %dma_wait3A_138, %add3A, %dma_wait3A_139, %dma_wait3A_140] : memref<200x8x32x8x128xf32, #tpu.memory_space<hbm>> -> memref<1x8x1x8x128xf32, #tpu.memory_space<hbm>>
    %dma_wait3A_142 = tpu.memref_squeeze %dma_wait3A_141 : memref<1x8x1x8x128xf32, #tpu.memory_space<hbm>> -> memref<8x8x128xf32, #tpu.memory_space<hbm>>
    %dma_wait3A_143 = arith.constant 0 : i32
    %dma_wait3A_144 = arith.constant 0 : i32
    %dma_wait3A_145 = arith.constant 0 : i32
    %dma_wait3A_146 = tpu.memref_slice %arg5[%dma_wait3A_132, %dma_wait3A_143, %add3A, %dma_wait3A_144, %dma_wait3A_145] : memref<200x8x32x8x128xf32, #tpu.memory_space<hbm>> -> memref<1x8x1x8x128xf32, #tpu.memory_space<hbm>>
    %dma_wait3A_147 = tpu.memref_squeeze %dma_wait3A_146 : memref<1x8x1x8x128xf32, #tpu.memory_space<hbm>> -> memref<8x8x128xf32, #tpu.memory_space<hbm>>
    %dma_wait3A_148 = arith.constant 0 : i32
    %dma_wait3A_149 = arith.constant 0 : i32
    %dma_wait3A_150 = arith.constant 0 : i32
    %dma_wait3A_151 = tpu.memref_slice %arg9[%dma_wait3A_131, %dma_wait3A_148, %dma_wait3A_149, %dma_wait3A_150] : memref<2x8x8x128xf32, #tpu.memory_space<vmem>> -> memref<1x8x8x128xf32, #tpu.memory_space<vmem>>
    %dma_wait3A_152 = tpu.memref_squeeze %dma_wait3A_151 : memref<1x8x8x128xf32, #tpu.memory_space<vmem>> -> memref<8x8x128xf32, #tpu.memory_space<vmem>>
    tpu.wait_dma2 semaphore(%arg10 : memref<!tpu.dma_semaphore, #tpu.memory_space<semaphore_mem>>) src(%dma_wait3A_152 : memref<8x8x128xf32, #tpu.memory_space<vmem>>) dst(%dma_wait3A_147 : memref<8x8x128xf32, #tpu.memory_space<hbm>>)
    return
  }
}

</mosaic_0001>

<sc_bundles>
// kernel: _run.3.cloned.1.call-start
scs
__scs_entry_jumppad:
0x0: {  	(pc) =	sbr.rel $0x88, $3  }
0x1: {  	(tag) =	ssettag $0x0;
	lr =	simm.s32 $0x1  }
0x2: {  	[smem:$0x3F9E] =	sst lr;
	_ =	strace $0xD0000000  }
0x3: {  	_ = 	snop  }
0x4: {  	_ = 	snop  }
0x5: {  	_ = 	snop  }
0x6: {  	_ = 	snop  }
0x7: {  	_ = 	snop  }
__scs_overlays_trampoline_lowered:
0x8: {  	[smem:$0x3FAD] =	sst s0  }
0x9: {  	[smem:$0x3FAE] =	sst s1  }
0xa: {  	[smem:$0x3FAF] =	sst s2  }
0xb: {  	[smem:$0x3FB0] =	sst s3  }
0xc: {  	[smem:$0x3FB1] =	sst s4  }
0xd: {  	[smem:$0x3FB2] =	sst s5  }
0xe: {  	[smem:$0x3FB3] =	sst s6  }
0xf: {  	[smem:$0x3FB4] =	sst s7  }
0x10: {  	[smem:$0x3FB5] =	sst s8  }
0x11: {  	[smem:$0x3FB6] =	sst s9;
	s0 =	simm.s32 @!p0 $0x0  }
0x12: {  	s1 =	sld [smem:$0x3F9C];
	s0 =	simm.s32 @p0 $0x1  }
0x13: {  	[smem:$0x3FB7] =	sst s0;
	s0 =	simm.s32 @!p1 $0x0  }
0x14: {  	s2 =	sld [smem:$0x3F9B];
	s0 =	simm.s32 @p1 $0x1  }
0x15: {  	[smem:$0x3FB8] =	sst s0;
	s0 =	simm.s32 @!p2 $0x0  }
0x16: {  	s3 =	sld [smem:$0x3FDB];
	s0 =	simm.s32 @p2 $0x1  }
0x17: {  	s4 =	simm.s32 $0x1BF5;
	[smem:$0x3FBA] =	sst s0  }
0x18: {  	s0 =	sld [smem:$0x3F9D];
	_ =	swait.ge [sflag:s4], $0x0  }
0x19: {  	s7 =	sld [smem:$0x3F9E]  }
0x1a: {  	s8 =	sadd.s32 $0xFFFFE003, lr  }
0x1b: {  	s9 =	sadd.s32 $0xFFFFFEF7, lr;
	s5 =	simm.s32 $0xFFFFFFFF;
	p2 =	slt.u32 s8, $0xFFFFF086  }
0x1c: {  	p1 =	slt.u32 s9, $0xF7A;
	s5 =	simm.s32 @!p2 $0x0  }
0x1d: {  	s5 =	simm.s32 @p1 $0x1;
	p0 =	seq.s32 s7, s2  }
0x1e: {  	s7 =	smul.u32 @!p0 $0xF7A, s2;
	p2 =	seq.s32 @!p0 s5, $0x0  }
0x1f: {  	s9 =	smul.u32 $0xF7A, s1;
	s8 =	simm.s32 @!p0 $0x1BF5;
	p2 =	por !p2, p0  }
0x20: {  	[sflag:s8] =	ssyncset.s32 @!p0 $0xFFFFF086;
	s6 =	sadd.s32 @!p0 s3, s7;
	s7 =	simm.s32 @!p0 $0x108  }
0x21: {  	s3 =	sadd.s32 s3, s9;
	s6 =	sadd.s32 @!p0 $0x88, s6;
	s7 =	simm.s32 @p2 $0x1082  }
0x22: {  	[simem:s7], [sflag:s8] =	dma.local @!p0 [hbm:s6], $0xF7A  }
0x23: {  	s9 =	sor.u32 $0xD0000000, s2;
	s6 =	simm.s32 $0x108;
	_ =	swait.ge @!p0 [sflag:s8], $0x0  }
0x24: {  	s3 =	sadd.s32 $0x88, s3;
	s6 =	simm.s32 @!p1 $0x1082;
	[sflag:s4] =	ssyncset.s32 $0xFFFFF086  }
0x25: {  	[simem:s6], [sflag:s4] =	dma.local [hbm:s3], $0xF7A  }
0x26: {  	[smem:$0x3F9E] =	sst s1;
	(tag) =	ssettag s2;
	_ =	strace s9  }
0x27: {  	s1 =	sld [smem:$0x3FAE]  }
0x28: {  	s2 =	sld [smem:$0x3FAF]  }
0x29: {  	s4 =	sld [smem:$0x3FB1]  }
0x2a: {  	p0 =	seq.s32 s5, $0x0;
	s5 =	sld [smem:$0x3FB2]  }
0x2b: {  	s6 =	sld [smem:$0x3FB3]  }
0x2c: {  	s7 =	sld [smem:$0x3FB4]  }
0x2d: {  	s3 =	simm.s32 $0x108;
	s8 =	sld [smem:$0x3FB5]  }
0x2e: {  	s3 =	simm.s32 @!p0 $0x1082;
	s9 =	sld [smem:$0x3FB6]  }
0x2f: {  	lr =	sadd.s32 s0, s3;
	s0 =	sld [smem:$0x3FAD]  }
0x30: {  	s3 =	sld [smem:$0x3FB0]  }
0x31: {  	[smem:$0x3FB9] =	sst s10  }
0x32: {  	s10 =	sld [smem:$0x3FB7];
	_ =	sdelay $0x3  }
0x33: {  	p0 =	seq.s32 s10, $0x1;
	s10 =	sld [smem:$0x3FB9];
	_ =	sdelay $0x3  }
0x34: {  	[smem:$0x3FB9] =	sst s10  }
0x35: {  	s10 =	sld [smem:$0x3FB8];
	_ =	sdelay $0x3  }
0x36: {  	p1 =	seq.s32 s10, $0x1;
	s10 =	sld [smem:$0x3FB9];
	_ =	sdelay $0x3  }
0x37: {  	[smem:$0x3FB9] =	sst s10  }
0x38: {  	s10 =	sld [smem:$0x3FBA]  }
0x39: {  	_ = 	snop;
	(pc) =	sbr.ind lr, $3  }
0x3a: {  	_ = 	snop  }
0x3b: {  	_ = 	snop  }
0x3c: {  	p2 =	seq.s32 s10, $0x1;
	s10 =	sld [smem:$0x3FB9]  }
0x3d: {  	_ =	shalt  }
0x3e: {  	_ =	shalt  }
0x3f: {  	_ =	shalt  }
0x40: {  	_ =	shalt  }
0x41: {  	_ =	shalt  }
0x42: {  	_ =	shalt  }
0x43: {  	_ =	shalt  }
0x44: {  	_ =	shalt  }
0x45: {  	_ =	shalt  }
0x46: {  	_ =	shalt  }
0x47: {  	_ =	shalt  }
0x48: {  	_ =	shalt  }
0x49: {  	_ =	shalt  }
0x4a: {  	_ =	shalt  }
0x4b: {  	_ =	shalt  }
0x4c: {  	_ =	shalt  }
0x4d: {  	_ =	shalt  }
0x4e: {  	_ =	shalt  }
0x4f: {  	_ =	shalt  }
0x50: {  	_ =	shalt  }
0x51: {  	_ =	shalt  }
0x52: {  	_ =	shalt  }
0x53: {  	_ =	shalt  }
0x54: {  	_ =	shalt  }
0x55: {  	_ =	shalt  }
0x56: {  	_ =	shalt  }
0x57: {  	_ =	shalt  }
0x58: {  	_ =	shalt  }
0x59: {  	_ =	shalt  }
0x5a: {  	_ =	shalt  }
0x5b: {  	_ =	shalt  }
0x5c: {  	_ =	shalt  }
0x5d: {  	_ =	shalt  }
0x5e: {  	_ =	shalt  }
0x5f: {  	_ =	shalt  }
0x60: {  	_ =	shalt  }
0x61: {  	_ =	shalt  }
0x62: {  	_ =	shalt  }
0x63: {  	_ =	shalt  }
0x64: {  	_ =	shalt  }
0x65: {  	_ =	shalt  }
0x66: {  	_ =	shalt  }
0x67: {  	_ =	shalt  }
0x68: {  	_ =	shalt  }
0x69: {  	_ =	shalt  }
0x6a: {  	_ =	shalt  }
0x6b: {  	_ =	shalt  }
0x6c: {  	_ =	shalt  }
0x6d: {  	_ =	shalt  }
0x6e: {  	_ =	shalt  }
0x6f: {  	_ =	shalt  }
0x70: {  	_ =	shalt  }
0x71: {  	_ =	shalt  }
0x72: {  	_ =	shalt  }
0x73: {  	_ =	shalt  }
0x74: {  	_ =	shalt  }
0x75: {  	_ =	shalt  }
0x76: {  	_ =	shalt  }
0x77: {  	_ =	shalt  }
0x78: {  	_ =	shalt  }
0x79: {  	_ =	shalt  }
0x7a: {  	_ =	shalt  }
0x7b: {  	_ =	shalt  }
0x7c: {  	_ =	shalt  }
0x7d: {  	_ =	shalt  }
0x7e: {  	_ =	shalt  }
0x7f: {  	_ =	shalt  }
0x80: {  	_ =	shalt  }
0x81: {  	_ =	shalt  }
0x82: {  	_ =	shalt  }
0x83: {  	_ =	shalt  }
0x84: {  	_ =	shalt  }
0x85: {  	_ =	shalt  }
0x86: {  	_ =	shalt  }
0x87: {  	_ =	shalt  }
.Lfunc_end0:
.L_simem_size_0:
called_computation_lowered:
.L_overlay_start_0:
0x88: {  	s2 =	sld [smem:$0x3FD9]  }
0x89: {  	s3 =	sld [smem:$0x3FFE];
	_ =	sdelay $0x1  }
0x8a: {  	s1 =	srdreg.scid  }
0x8b: {  	s0 =	sand.u32 $0x1, s1  }
0x8c: {  	s17 =	sshll.u32 s0, $0xA;
	s2 =	sadd.s32 s3, s2  }
0x8d: {  	s2 =	sadd.s32 s2, s17  }
0x8e: {  	[smem:$0x3FC5] =	sst s2  }
0x8f: {  	_ = 	snop  }
0x90: {  	s2 =	sld [smem:$0x3FC9]  }
0x91: {  	s18 =	sld [smem:$0x3FD0];
	(tm) =	ssettm $0x1  }
0x92: {  	s4 =	sld [smem:$0x3FFB];
	_ =	sdelay $0x3  }
0x93: {  	_ =	strace s4  }
0x94: {  	s4 =	sld [smem:$0x3FFC];
	_ =	sdelay $0x3  }
0x95: {  	_ =	strace s4  }
0x96: {  	s4 =	sld [smem:$0x3FFD];
	_ =	sdelay $0x3  }
0x97: {  	_ =	strace s4  }
0x98: {  	_ =	strace $0x8FFFFFFF  }
0x99: {  	s19 =	sld [smem:$0x3FDB];
	_ =	sdelay $0x1  }
0x9a: {  	s5 =	simm.s32 $_scs_section_size  }
0x9b: {  	s6 =	simm.s32 $_size__tile_overlayer_lowered;
	s7 =	simm.s32 $_tile_overlayer_lowered  }
0x9c: {  	s22 =	simm.s32 $0x1BFF;
	s21 =	sshll.u32 s7, $0x1;
	s4 =	sadd.s32 s5, s19  }
0x9d: {  	s8 =	simm.s32 $0x0;
	s20 =	sshll.u32 s6, $0x1;
	s6 =	sadd.s32 s21, s4  }
0x9e: {  	[timem:s8], [sflag:s22] =	dma.local [hbm:s6], s20  }
0x9f: {  	_ =	swait.ge [sflag:s22], s20  }
0xa0: {  	s5 =	ssub.s32 $0x0, s20;
	[sflag:s22] =	ssyncset.done $0x0  }
0xa1: {  	[sflag:s22] =	ssyncadd.s32 s5;
	_ =	sdelay $0x1  }
0xa2: {  	s23 =	simm.s32 $0x1B8B  }
0xa3: {  	_ =	swait.ge [sflag:s23], $0x1  }
0xa4: {  	[sflag:s23] =	ssyncset.done $0x0  }
0xa5: {  	s25 =	simm.s32 $0x1B8E;
	s24 =	sld [smem:$0x3FFE];
	[sflag:s23] =	ssyncadd.s32 $0xFFFFFFFF  }
0xa6: {  	s26 =	simm.s32 $execute0_lowered;
	[smem:$0x3FD2] =	sst s25  }
0xa7: {  	s6 =	sshll.u32 s26, $0x1;
	_ =	strace $0x80000046;
	[dreg:$0x1] =	wrdreg $0xFFFFFFFF  }
0xa8: {  	s28 =	simm.s32 $_size_execute0_lowered;
	s4 =	sadd.s32 s4, s6;
	[dreg:$0x0] =	wrdreg $0x0  }
0xa9: {  	s6 =	sshll.u32 s28, $0x1;
	[dreg:$0x2] =	wrdreg s4  }
0xaa: {  	[dreg:$0x3] =	wrdreg s6  }
0xab: {  	[dreg:$0x4] =	wrdreg $0xC0  }
0xac: {  	_ =	task [dreg:s8], $0x5FFFF  }
0xad: {  	[dreg:$0x1] =	wrdreg $0xFFFFFFFF  }
0xae: {  	[dreg:$0x0] =	wrdreg $0x60  }
0xaf: {  	[dreg:$0x2] =	wrdreg s2  }
0xb0: {  	[dreg:$0x3] =	wrdreg s24  }
0xb1: {  	[dreg:$0x4] =	wrdreg s18  }
0xb2: {  	[dreg:$0x5] =	wrdreg $0x9  }
0xb3: {  	_ =	task.clear_ibuf [dreg:s8], $0x6FFFF;
	_ =	strace $0x90000046  }
0xb4: {  	s29 =	simm.s32 $0x9;
	_ =	strace $0x80000048  }
0xb5: {  	_ =	swait.ge [sflag:s29], $0x1  }
0xb6: {  	[sflag:s29] =	ssyncadd.s32 $0xFFFFFFFF  }
0xb7: {  	_ =	strace $0x90000048  }
0xb8: {  	_ =	sfence  }
0xb9: {  	s30 =	sld [smem:$0x0];
	_ =	sdelay $0x2  }
0xba: {  	s31 =	sshll.u32 s1, $0xD;
	s1 =	sshrl.u32 s1, $0x2  }
0xbb: {  	s3 =	sand.u32 $0x4000, s31;
	s1 =	sadd.s32 s1, s30  }
0xbc: {  	s0 =	sor.u32 s3, s0;
	s1 =	sshll.u32 s1, $0x11  }
0xbd: {  	s0 =	sor.u32 s1, s0  }
0xbe: {  	s0 =	sadd.s32 $0x8F2B, s0  }
0xbf: {  	[sflag:s0] =	ssyncadd.remote.s32 $0x1  }
0xc0: {  	_ =	sfence.sel $0xFFFF  }
0xc1: {  	[dreg:$0x0] =	wrdreg $0xFFFFFFFF;
	(pc) =	sbr.abs _section_cstart, $3  }
0xc2: {  	[dreg:$0x1] =	wrdreg $0xFFFFFFFF  }
0xc3: {  	_ =	task.clear_ibuf [dreg:s8], $0x2FFFF;
	_ =	strace $0x9FFFFFFF  }
0xc4: {  	(tm) =	ssettm $0x7FFFFFFF  }
0xc5: {  	_ =	shalt  }
tec
execute0_lowered:
.L_overlay_start_1:
0x0: {  	(tag) =	ssettag $0x1  }
0x1: {  	s0 =	rddreg [dreg:$0x0]  }
0x2: {  	s1 =	rddreg [dreg:$0x1]  }
0x3: {  	s7 =	rddreg [dreg:$0x2]  }
0x4: {  	s3 =	simm.s32 $0x0;
	s2 =	srdreg.scid;
	s4 =	stileid.u32  }
0x5: {  	[smem:$0x7FF] =	sst s3;
	s2 =	sand.u32 $0x1, s2;
	s28 =	sadd.s32 $0x400, s1  }
0x6: {  	s1 =	sadd.s32 $0xA00, s1;
	_ =	strace $0x80000047;
	[dreg:$0x4] =	wrdreg s28  }
0x7: {  	v0 =	vimm.s32 $0xECA86420;
	v1 =	vlaneseq.u32;
	vm0 =	vmmov $0xff;
	s4 =	sshll.u32 s4, $0x1;
	s11 =	sadd.s32 $0x8000, s7;
	[dreg:$0x5] =	wrdreg s1  }
0x8: {  	v2 =	vimm.s32 $0x0;
	vm2 =	vcmask $0x1310;
	vm12 =	vcmask $0xF0C;
	s5 =	ssub.s32 $0x2, s2;
	s2 =	sor.u32 s2, s4;
	[dreg:$0x8] =	wrdreg s11  }
0x9: {  	vm5 =	vcmask $0x2320;
	vm13 =	vcmask $0x1714;
	vm6 =	vcmask $0x2B28;
	s29 =	sshrl.u32 s5, $0x1;
	s6 =	sshll.u32 s2, $0x4;
	s10 =	sshll.u32 s2, $0x7  }
0xa: {  	vm7 =	vcmask $0x3330;
	vm14 =	vcmask $0x1F1C;
	v0 =	vunpack.c.l.s4.s8 v0;
	s30 =	ssub.s32 s5, s29;
	s0 =	sadd.s32 s0, s6;
	[dreg:$0x7] =	wrdreg s10  }
0xb: {  	vm8 =	vcmask $0x3B38;
	vm15 =	vcmask $0x2724;
	v2 =	vsel vm0, $0xFFFFFFFF, v2;
	[dreg:$0x6] =	wrdreg s0;
	s31 =	smax.u32 s30, $0x1  }
0xc: {  	vm3 =	vcmask $0x3734;
	v1 =	vmul.u32 $0x2, v1;
	[tilespmem:$0x1FFF0] =	vst v2;
	v0 =	vunpack.c.0.s8.s32 v0;
	s2 =	simm.s32 $0x0;
	[dreg:$0x9] =	wrdreg s31  }
.LBB2_1:
0xd: {  	[dreg:$0xa] =	wrdreg s2  }
0xe: {  	s0 =	rddreg [dreg:$0x4];
	s1 =	simm.s32 $0x2  }
0xf: {  	[tilespmem:s3], [sflag:$0x2] =	stream.linear.gather [hbm4b:s0+s3], $0x2A00, $0x38;
	[tilespmem:$0x6B00] =	vst v63  }
0x10: {  	_ =	swait.ge [sflag:s1], $0x2A00  }
0x11: {  	[sflag:s1] =	ssyncset.done $0x0  }
0x12: {  	s26 =	simm.s32 $0x2A00;
	s25 =	rddreg [dreg:$0x6];
	[sflag:s1] =	ssyncadd.s32 $0xFFFFD600  }
0x13: {  	[tilespmem:s26], [sflag:$0x2] =	stream.linear.gather [hbm4b:s25+s3], $0x80, $0x38;
	[tilespmem:$0x6B00] =	vst v63  }
0x14: {  	_ =	swait.ge [sflag:s1], $0x80  }
0x15: {  	[sflag:s1] =	ssyncset.done $0x0  }
0x16: {  	s29 =	simm.s32 $0x2A80;
	s28 =	rddreg [dreg:$0x5];
	[sflag:s1] =	ssyncadd.s32 $0xFFFFFF80  }
0x17: {  	[tilespmem:s29], [sflag:$0x2] =	stream.linear.gather [hbm4b:s28+s3], $0x80, $0x38;
	[tilespmem:$0x6B00] =	vst v63  }
0x18: {  	_ =	swait.ge [sflag:s1], $0x80  }
0x19: {  	[sflag:s1] =	ssyncset.done $0x0  }
0x1a: {  	[sflag:s1] =	ssyncadd.s32 $0xFFFFFF80  }
0x1b: {  	v8 =	vld [tilespmem:$0x2A80]  }
0x1c: {  	v2 =	vld [tilespmem:$0x2A00];
	_ =	sdelay $0x4  }
0x1d: {  	v2 =	vadd.s32 v8, v2  }
0x1e: {  	(v2sf) =	vpush v2, $0xD;
	_ =	sdelay $0x1  }
0x1f: {  	(v2sf) =	vpush v2, $0xC;
	_ =	sdelay $0x1  }
0x20: {  	(v2sf) =	vpush v2, $0xE;
	_ =	sdelay $0x1  }
0x21: {  	(v2sf) =	vpush v2, $0xF;
	_ =	sdelay $0x1  }
0x22: {  	(v2sf) =	vpush v2, $0x9;
	_ =	sdelay $0x1  }
0x23: {  	(v2sf) =	vpush v2, $0x8;
	_ =	sdelay $0x1  }
0x24: {  	(v2sf) =	vpush v2, $0xA;
	_ =	sdelay $0x1  }
0x25: {  	(v2sf) =	vpush v2, $0xB  }
0x26: {  	s30 =	spop (v2sf)  }
0x27: {  	(v2sf) =	vpush v2, $0x0;
	s31 =	smulhi.u32 $0x30C30C31, s30;
	s0 =	sshra.s32 s30, $0x1F  }
0x28: {  	s2 =	spop (v2sf);
	s17 =	smul.u32 $0x30C30C31, s0  }
0x29: {  	(v2sf) =	vpush v2, $0x1;
	s15 =	smulhi.u32 $0x30C30C31, s2;
	s0 =	sshra.s32 s2, $0x1F  }
0x2a: {  	s4 =	spop (v2sf);
	s18 =	smul.u32 $0x30C30C31, s0  }
0x2b: {  	(v2sf) =	vpush v2, $0x2;
	s16 =	smulhi.u32 $0x30C30C31, s4;
	s0 =	sshra.s32 s4, $0x1F  }
0x2c: {  	s5 =	spop (v2sf);
	s20 =	smul.u32 $0x30C30C31, s0  }
0x2d: {  	(v2sf) =	vpush v2, $0x3;
	s19 =	smulhi.u32 $0x30C30C31, s5;
	s0 =	sshra.s32 s5, $0x1F  }
0x2e: {  	s6 =	spop (v2sf);
	s22 =	smul.u32 $0x30C30C31, s0  }
0x2f: {  	(v2sf) =	vpush v2, $0x4;
	s21 =	smulhi.u32 $0x30C30C31, s6;
	s0 =	sshra.s32 s6, $0x1F  }
0x30: {  	s7 =	spop (v2sf);
	s24 =	smul.u32 $0x30C30C31, s0  }
0x31: {  	v3 =	vld [tilespmem:$0x2A10];
	(v2sf) =	vpush v2, $0x5;
	s23 =	smulhi.u32 $0x30C30C31, s7;
	s0 =	sshra.s32 s7, $0x1F  }
0x32: {  	s8 =	spop (v2sf);
	(v2sf) =	vpush v2, $0x6;
	s26 =	smul.u32 $0x30C30C31, s0  }
0x33: {  	s25 =	smulhi.u32 $0x30C30C31, s8;
	s0 =	sshra.s32 s8, $0x1F  }
0x34: {  	s9 =	spop (v2sf);
	s29 =	smul.u32 $0x30C30C31, s0  }
0x35: {  	[smem:$0x740] =	sst s31;
	(v2sf) =	vpush v2, $0x7;
	s28 =	smulhi.u32 $0x30C30C31, s9;
	s0 =	sshra.s32 s9, $0x1F  }
0x36: {  	v3 =	vadd.s32 v8, v3;
	s10 =	spop (v2sf);
	s31 =	smul.u32 $0x30C30C31, s0  }
0x37: {  	(v2sf) =	vpush v3, $0xD;
	s30 =	smulhi.u32 $0x30C30C31, s10;
	s0 =	sshra.s32 s10, $0x1F  }
0x38: {  	s11 =	spop (v2sf);
	s10 =	smul.u32 $0x30C30C31, s0  }
0x39: {  	s12 =	smulhi.u32 $0x30C30C31, s11;
	s0 =	sshra.s32 s11, $0x1F  }
0x3a: {  	s2 =	smul.u32 $0x30C30C31, s0;
	s13 =	spop (v2sf)  }
0x3b: {  	(v2sf) =	vpush v3, $0xC;
	s14 =	smulhi.u32 $0x30C30C31, s13;
	s0 =	sshra.s32 s13, $0x1F  }
0x3c: {  	s4 =	spop (v2sf);
	s5 =	smul.u32 $0x30C30C31, s0  }
0x3d: {  	s6 =	smulhi.u32 $0x30C30C31, s4;
	s0 =	sshra.s32 s4, $0x1F  }
0x3e: {  	(v2sf) =	vpush v3, $0xE;
	s7 =	spop (v2sf);
	s1 =	smul.u32 $0x30C30C31, s0  }
0x3f: {  	s4 =	smulhi.u32 $0x30C30C31, s7  }
0x40: {  	(v2sf) =	vpush v3, $0xF;
	s8 =	spop (v2sf);
	[smem:$0x743] =	sst s6  }
0x41: {  	s0 =	sshra.s32 s7, $0x1F;
	s6 =	smulhi.u32 $0x30C30C31, s8;
	s9 =	spop (v2sf)  }
0x42: {  	(v2sf) =	vpush v3, $0x9;
	[smem:$0x744] =	sst s4;
	s4 =	smul.u32 $0x30C30C31, s0  }
0x43: {  	[smem:$0x741] =	sst s12;
	s0 =	sshra.s32 s8, $0x1F;
	s11 =	smulhi.u32 $0x30C30C31, s9  }
0x44: {  	s12 =	spop (v2sf);
	s7 =	smul.u32 $0x30C30C31, s0  }
0x45: {  	[smem:$0x742] =	sst s14;
	(v2sf) =	vpush v3, $0x8;
	s0 =	sshra.s32 s9, $0x1F;
	s13 =	smulhi.u32 $0x30C30C31, s12  }
0x46: {  	s14 =	spop (v2sf);
	s8 =	smul.u32 $0x30C30C31, s0  }
0x47: {  	(v2sf) =	vpush v3, $0xA;
	[smem:$0x746] =	sst s11;
	s0 =	sshra.s32 s12, $0x1F;
	s11 =	smulhi.u32 $0x30C30C31, s14  }
0x48: {  	s9 =	smul.u32 $0x30C30C31, s0;
	s0 =	sshra.s32 s14, $0x1F  }
0x49: {  	s0 =	smul.u32 $0x30C30C31, s0  }
0x4a: {  	s12 =	spop (v2sf);
	[smem:$0x747] =	sst s13  }
0x4b: {  	s13 =	smulhi.u32 $0x30C30C31, s12;
	[smem:$0x749] =	sst s0;
	s0 =	sshra.s32 s12, $0x1F  }
0x4c: {  	(v2sf) =	vpush v3, $0xB;
	s0 =	smul.u32 $0x30C30C31, s0  }
0x4d: {  	(v2sf) =	vpush v3, $0x0;
	[smem:$0x748] =	sst s11;
	s14 =	spop (v2sf)  }
0x4e: {  	[smem:$0x74B] =	sst s0;
	s11 =	smulhi.u32 $0x30C30C31, s14;
	s0 =	sshra.s32 s14, $0x1F  }
0x4f: {  	s12 =	spop (v2sf);
	s0 =	smul.u32 $0x30C30C31, s0  }
0x50: {  	(v2sf) =	vpush v3, $0x1;
	[smem:$0x74A] =	sst s13;
	s13 =	smulhi.u32 $0x30C30C31, s12  }
0x51: {  	s14 =	spop (v2sf);
	[smem:$0x74D] =	sst s0;
	s0 =	sshra.s32 s12, $0x1F  }
0x52: {  	(v2sf) =	vpush v3, $0x2;
	[smem:$0x74C] =	sst s11;
	s0 =	smul.u32 $0x30C30C31, s0  }
0x53: {  	s11 =	smulhi.u32 $0x30C30C31, s14;
	[smem:$0x74E] =	sst s13  }
0x54: {  	(v2sf) =	vpush v3, $0x3;
	s12 =	spop (v2sf);
	[smem:$0x74F] =	sst s0;
	s0 =	sshra.s32 s14, $0x1F  }
0x55: {  	[smem:$0x750] =	sst s11;
	s0 =	smul.u32 $0x30C30C31, s0  }
0x56: {  	s13 =	smulhi.u32 $0x30C30C31, s12;
	s14 =	spop (v2sf)  }
0x57: {  	(v2sf) =	vpush v3, $0x4;
	s11 =	smulhi.u32 $0x30C30C31, s14;
	[smem:$0x751] =	sst s0;
	s0 =	sshra.s32 s12, $0x1F  }
0x58: {  	[smem:$0x752] =	sst s13;
	s0 =	smul.u32 $0x30C30C31, s0  }
0x59: {  	[smem:$0x754] =	sst s11  }
0x5a: {  	[smem:$0x753] =	sst s0;
	s0 =	sshra.s32 s14, $0x1F  }
0x5b: {  	(v2sf) =	vpush v3, $0x5;
	s12 =	spop (v2sf);
	s0 =	smul.u32 $0x30C30C31, s0  }
0x5c: {  	s13 =	smulhi.u32 $0x30C30C31, s12;
	s14 =	spop (v2sf)  }
0x5d: {  	s11 =	smulhi.u32 $0x30C30C31, s14;
	[smem:$0x755] =	sst s0;
	s0 =	sshra.s32 s12, $0x1F  }
0x5e: {  	[smem:$0x756] =	sst s13;
	s0 =	smul.u32 $0x30C30C31, s0  }
0x5f: {  	(v2sf) =	vpush v3, $0x6;
	[smem:$0x758] =	sst s11;
	s12 =	spop (v2sf)  }
0x60: {  	s13 =	smulhi.u32 $0x30C30C31, s12;
	[smem:$0x757] =	sst s0;
	s0 =	sshra.s32 s14, $0x1F  }
0x61: {  	v4 =	vld [tilespmem:$0x2A20];
	s14 =	spop (v2sf);
	s11 =	smul.u32 $0x30C30C31, s0  }
0x62: {  	[smem:$0x759] =	sst s13;
	s0 =	sshra.s32 s12, $0x1F;
	s13 =	smulhi.u32 $0x30C30C31, s14  }
0x63: {  	(v2sf) =	vpush v3, $0x7;
	s12 =	smul.u32 $0x30C30C31, s0;
	s0 =	sshra.s32 s14, $0x1F;
	s14 =	spop (v2sf)  }
0x64: {  	[smem:$0x75A] =	sst s13;
	s13 =	smulhi.u32 $0x30C30C31, s14  }
0x65: {  	[smem:$0x745] =	sst s6;
	s6 =	smul.u32 $0x30C30C31, s0  }
0x66: {  	v4 =	vadd.s32 v8, v4;
	[smem:$0x75B] =	sst s13;
	s13 =	spop (v2sf)  }
0x67: {  	(v2sf) =	vpush v4, $0xD;
	s0 =	sshra.s32 s14, $0x1F;
	s14 =	smulhi.u32 $0x30C30C31, s13;
	s13 =	sshra.s32 s13, $0x1F  }
0x68: {  	s13 =	smul.u32 $0x30C30C31, s13;
	_ =	sdelay $0x1  }
0x69: {  	[smem:$0x75D] =	sst s13;
	s13 =	spop (v2sf)  }
0x6a: {  	(v2sf) =	vpush v4, $0xC;
	[smem:$0x75C] =	sst s14;
	s14 =	smulhi.u32 $0x30C30C31, s13;
	s13 =	sshra.s32 s13, $0x1F  }
0x6b: {  	s13 =	smul.u32 $0x30C30C31, s13;
	_ =	sdelay $0x1  }
0x6c: {  	[smem:$0x75F] =	sst s13;
	s13 =	spop (v2sf)  }
0x6d: {  	(v2sf) =	vpush v4, $0xE;
	[smem:$0x75E] =	sst s14;
	s14 =	smulhi.u32 $0x30C30C31, s13;
	s13 =	sshra.s32 s13, $0x1F  }
0x6e: {  	s13 =	smul.u32 $0x30C30C31, s13;
	_ =	sdelay $0x1  }
0x6f: {  	[smem:$0x761] =	sst s13;
	s13 =	spop (v2sf)  }
0x70: {  	(v2sf) =	vpush v4, $0xF;
	[smem:$0x760] =	sst s14;
	s14 =	smulhi.u32 $0x30C30C31, s13;
	s13 =	sshra.s32 s13, $0x1F  }
0x71: {  	s13 =	smul.u32 $0x30C30C31, s13;
	_ =	sdelay $0x1  }
0x72: {  	[smem:$0x763] =	sst s13;
	s13 =	spop (v2sf)  }
0x73: {  	(v2sf) =	vpush v4, $0x9;
	[smem:$0x762] =	sst s14;
	s14 =	smulhi.u32 $0x30C30C31, s13;
	s13 =	sshra.s32 s13, $0x1F  }
0x74: {  	s13 =	smul.u32 $0x30C30C31, s13;
	_ =	sdelay $0x1  }
0x75: {  	[smem:$0x765] =	sst s13;
	s13 =	spop (v2sf)  }
0x76: {  	(v2sf) =	vpush v4, $0x8;
	[smem:$0x764] =	sst s14;
	s14 =	smulhi.u32 $0x30C30C31, s13;
	s13 =	sshra.s32 s13, $0x1F  }
0x77: {  	s13 =	smul.u32 $0x30C30C31, s13;
	_ =	sdelay $0x1  }
0x78: {  	[smem:$0x767] =	sst s13;
	s13 =	spop (v2sf)  }
0x79: {  	(v2sf) =	vpush v4, $0xA;
	[smem:$0x766] =	sst s14;
	s14 =	smulhi.u32 $0x30C30C31, s13;
	s13 =	sshra.s32 s13, $0x1F  }
0x7a: {  	s13 =	smul.u32 $0x30C30C31, s13;
	_ =	sdelay $0x1  }
0x7b: {  	[smem:$0x769] =	sst s13;
	s13 =	spop (v2sf)  }
0x7c: {  	(v2sf) =	vpush v4, $0xB;
	[smem:$0x768] =	sst s14;
	s14 =	smulhi.u32 $0x30C30C31, s13;
	s13 =	sshra.s32 s13, $0x1F  }
0x7d: {  	s13 =	smul.u32 $0x30C30C31, s13;
	_ =	sdelay $0x1  }
0x7e: {  	[smem:$0x76B] =	sst s13;
	s13 =	spop (v2sf)  }
0x7f: {  	(v2sf) =	vpush v4, $0x0;
	[smem:$0x76A] =	sst s14;
	s14 =	smulhi.u32 $0x30C30C31, s13;
	s13 =	sshra.s32 s13, $0x1F  }
0x80: {  	s13 =	smul.u32 $0x30C30C31, s13;
	_ =	sdelay $0x1  }
0x81: {  	[smem:$0x76D] =	sst s13;
	s13 =	spop (v2sf)  }
0x82: {  	(v2sf) =	vpush v4, $0x1;
	[smem:$0x76C] =	sst s14;
	s14 =	smulhi.u32 $0x30C30C31, s13;
	s13 =	sshra.s32 s13, $0x1F  }
0x83: {  	s13 =	smul.u32 $0x30C30C31, s13;
	_ =	sdelay $0x1  }
0x84: {  	[smem:$0x76F] =	sst s13;
	s13 =	spop (v2sf)  }
0x85: {  	(v2sf) =	vpush v4, $0x2;
	[smem:$0x76E] =	sst s14;
	s14 =	smulhi.u32 $0x30C30C31, s13;
	s13 =	sshra.s32 s13, $0x1F  }
0x86: {  	s13 =	smul.u32 $0x30C30C31, s13;
	_ =	sdelay $0x1  }
0x87: {  	[smem:$0x771] =	sst s13;
	s13 =	spop (v2sf)  }
0x88: {  	(v2sf) =	vpush v4, $0x3;
	[smem:$0x770] =	sst s14;
	s14 =	smulhi.u32 $0x30C30C31, s13;
	s13 =	sshra.s32 s13, $0x1F  }
0x89: {  	s13 =	smul.u32 $0x30C30C31, s13;
	_ =	sdelay $0x1  }
0x8a: {  	[smem:$0x773] =	sst s13;
	s13 =	spop (v2sf)  }
0x8b: {  	(v2sf) =	vpush v4, $0x4;
	[smem:$0x772] =	sst s14;
	s14 =	smulhi.u32 $0x30C30C31, s13;
	s13 =	sshra.s32 s13, $0x1F  }
0x8c: {  	s13 =	smul.u32 $0x30C30C31, s13;
	_ =	sdelay $0x1  }
0x8d: {  	[smem:$0x775] =	sst s13;
	s13 =	spop (v2sf)  }
0x8e: {  	(v2sf) =	vpush v4, $0x5;
	[smem:$0x774] =	sst s14;
	s14 =	smulhi.u32 $0x30C30C31, s13;
	s13 =	sshra.s32 s13, $0x1F  }
0x8f: {  	s13 =	smul.u32 $0x30C30C31, s13;
	_ =	sdelay $0x1  }
0x90: {  	[smem:$0x777] =	sst s13;
	s13 =	spop (v2sf)  }
0x91: {  	(v2sf) =	vpush v4, $0x6;
	[smem:$0x776] =	sst s14;
	s14 =	smulhi.u32 $0x30C30C31, s13;
	s13 =	sshra.s32 s13, $0x1F  }
0x92: {  	s13 =	smul.u32 $0x30C30C31, s13  }
0x93: {  	v5 =	vld [tilespmem:$0x2A30]  }
0x94: {  	[smem:$0x779] =	sst s13;
	s13 =	spop (v2sf)  }
0x95: {  	(v2sf) =	vpush v4, $0x7;
	[smem:$0x778] =	sst s14;
	s14 =	smulhi.u32 $0x30C30C31, s13;
	s13 =	sshra.s32 s13, $0x1F  }
0x96: {  	s13 =	smul.u32 $0x30C30C31, s13;
	_ =	sdelay $0x1  }
0x97: {  	v5 =	vadd.s32 v8, v5;
	[smem:$0x77B] =	sst s13;
	s13 =	spop (v2sf)  }
0x98: {  	(v2sf) =	vpush v5, $0xD;
	[smem:$0x77A] =	sst s14;
	s14 =	smulhi.u32 $0x30C30C31, s13;
	s13 =	sshra.s32 s13, $0x1F  }
0x99: {  	s13 =	smul.u32 $0x30C30C31, s13;
	_ =	sdelay $0x1  }
0x9a: {  	[smem:$0x77D] =	sst s13;
	s13 =	spop (v2sf)  }
0x9b: {  	(v2sf) =	vpush v5, $0xC;
	[smem:$0x77C] =	sst s14;
	s14 =	smulhi.u32 $0x30C30C31, s13;
	s13 =	sshra.s32 s13, $0x1F  }
0x9c: {  	s13 =	smul.u32 $0x30C30C31, s13;
	_ =	sdelay $0x1  }
0x9d: {  	[smem:$0x77F] =	sst s13;
	s13 =	spop (v2sf)  }
0x9e: {  	(v2sf) =	vpush v5, $0xE;
	[smem:$0x77E] =	sst s14;
	s14 =	smulhi.u32 $0x30C30C31, s13;
	s13 =	sshra.s32 s13, $0x1F  }
0x9f: {  	s13 =	smul.u32 $0x30C30C31, s13;
	_ =	sdelay $0x1  }
0xa0: {  	[smem:$0x781] =	sst s13;
	s13 =	spop (v2sf)  }
0xa1: {  	(v2sf) =	vpush v5, $0xF;
	[smem:$0x780] =	sst s14;
	s14 =	smulhi.u32 $0x30C30C31, s13;
	s13 =	sshra.s32 s13, $0x1F  }
0xa2: {  	s13 =	smul.u32 $0x30C30C31, s13;
	_ =	sdelay $0x1  }
0xa3: {  	[smem:$0x783] =	sst s13;
	s13 =	spop (v2sf)  }
0xa4: {  	[smem:$0x782] =	sst s14;
	s14 =	smulhi.u32 $0x30C30C31, s13;
	s13 =	sshra.s32 s13, $0x1F  }
0xa5: {  	s13 =	smul.u32 $0x30C30C31, s13;
	_ =	sdelay $0x1  }
0xa6: {  	[smem:$0x785] =	sst s13;
	s13 =	spop (v2sf)  }
0xa7: {  	[smem:$0x784] =	sst s14;
	s14 =	smulhi.u32 $0x30C30C31, s13;
	s13 =	sshra.s32 s13, $0x1F  }
0xa8: {  	s13 =	smul.u32 $0x30C30C31, s13;
	_ =	sdelay $0x1  }
0xa9: {  	(v2sf) =	vpush v5, $0x9;
	[smem:$0x787] =	sst s13;
	s13 =	spop (v2sf)  }
0xaa: {  	[smem:$0x786] =	sst s14;
	s14 =	smulhi.u32 $0x30C30C31, s13;
	s13 =	sshra.s32 s13, $0x1F  }
0xab: {  	(v2sf) =	vpush v5, $0x8;
	s13 =	smul.u32 $0x30C30C31, s13  }
0xac: {  	(v2sf) =	vpush v5, $0xA  }
0xad: {  	(v2sf) =	vpush v5, $0xB;
	[smem:$0x789] =	sst s13;
	s13 =	spop (v2sf)  }
0xae: {  	(v2sf) =	vpush v5, $0x0;
	[smem:$0x788] =	sst s14;
	s14 =	smulhi.u32 $0x30C30C31, s13;
	s13 =	sshra.s32 s13, $0x1F  }
0xaf: {  	(v2sf) =	vpush v5, $0x1;
	s13 =	smul.u32 $0x30C30C31, s13  }
0xb0: {  	(v2sf) =	vpush v5, $0x2;
	[smem:$0x78A] =	sst s14  }
0xb1: {  	s15 =	sadd.s32 s18, s15;
	(v2sf) =	vpush v5, $0x3;
	[smem:$0x78B] =	sst s13  }
0xb2: {  	s18 =	sadd.s32 s20, s16;
	[smem:$0x7B7] =	sst s15  }
0xb3: {  	s19 =	sadd.s32 s22, s19;
	[smem:$0x7B9] =	sst s18  }
0xb4: {  	s22 =	sadd.s32 s26, s23;
	[smem:$0x7BB] =	sst s19  }
0xb5: {  	s23 =	sadd.s32 s29, s25;
	[smem:$0x7BD] =	sst s22  }
0xb6: {  	s25 =	sadd.s32 s31, s28;
	[smem:$0x7C1] =	sst s23  }
0xb7: {  	s10 =	sadd.s32 s10, s30;
	[smem:$0x7C3] =	sst s25  }
0xb8: {  	[smem:$0x7B8] =	sst s10;
	s13 =	spop (v2sf)  }
0xb9: {  	s28 =	sld [smem:$0x741];
	s14 =	smulhi.u32 $0x30C30C31, s13;
	s13 =	sshra.s32 s13, $0x1F  }
0xba: {  	s30 =	sld [smem:$0x742];
	s13 =	smul.u32 $0x30C30C31, s13  }
0xbb: {  	s23 =	sld [smem:$0x743]  }
0xbc: {  	[smem:$0x78D] =	sst s13;
	s13 =	spop (v2sf)  }
0xbd: {  	[smem:$0x78C] =	sst s14;
	s14 =	smulhi.u32 $0x30C30C31, s13;
	s13 =	sshra.s32 s13, $0x1F  }
0xbe: {  	s25 =	sld [smem:$0x744];
	s13 =	smul.u32 $0x30C30C31, s13  }
0xbf: {  	s2 =	sadd.s32 s2, s28;
	s28 =	sld [smem:$0x745]  }
0xc0: {  	[smem:$0x78F] =	sst s13;
	s13 =	spop (v2sf)  }
0xc1: {  	[smem:$0x78E] =	sst s14;
	s14 =	smulhi.u32 $0x30C30C31, s13;
	s13 =	sshra.s32 s13, $0x1F  }
0xc2: {  	s1 =	sadd.s32 s1, s23;
	s23 =	sld [smem:$0x749];
	s13 =	smul.u32 $0x30C30C31, s13  }
0xc3: {  	[smem:$0x7BA] =	sst s2  }
0xc4: {  	[smem:$0x791] =	sst s13;
	s13 =	spop (v2sf)  }
0xc5: {  	(v2sf) =	vpush v5, $0x4;
	s5 =	sadd.s32 s5, s30;
	[smem:$0x790] =	sst s14;
	s14 =	smulhi.u32 $0x30C30C31, s13  }
0xc6: {  	(v2sf) =	vpush v5, $0x5;
	[smem:$0x7BC] =	sst s5  }
0xc7: {  	[smem:$0x792] =	sst s14  }
0xc8: {  	s14 =	sld [smem:$0x740]  }
0xc9: {  	[smem:$0x7BE] =	sst s1  }
0xca: {  	s2 =	sadd.s32 s4, s25;
	s4 =	sld [smem:$0x748];
	(v2sf) =	vpush v5, $0x6;
	s13 =	sshra.s32 s13, $0x1F  }
0xcb: {  	s14 =	sadd.s32 s17, s14;
	s17 =	smul.u32 $0x30C30C31, s13;
	s13 =	spop (v2sf)  }
0xcc: {  	s25 =	sld [smem:$0x74A];
	(v2sf) =	vpush v5, $0x7;
	s15 =	smulhi.u32 $0x30C30C31, s13;
	s13 =	sshra.s32 s13, $0x1F  }
0xcd: {  	s20 =	spop (v2sf);
	s16 =	smul.u32 $0x30C30C31, s13  }
0xce: {  	[smem:$0x7C0] =	sst s2;
	s18 =	smulhi.u32 $0x30C30C31, s20  }
0xcf: {  	s13 =	sshra.s32 s20, $0x1F;
	s20 =	sadd.s32 s24, s21;
	s21 =	spop (v2sf)  }
0xd0: {  	v6 =	vld [tilespmem:$0x2A40];
	s2 =	sadd.s32 s7, s28;
	[smem:$0x7BF] =	sst s20;
	s20 =	smul.u32 $0x30C30C31, s13  }
0xd1: {  	[smem:$0x7C2] =	sst s2;
	s19 =	smulhi.u32 $0x30C30C31, s21;
	s13 =	sshra.s32 s21, $0x1F  }
0xd2: {  	s24 =	spop (v2sf);
	s21 =	smul.u32 $0x30C30C31, s13  }
0xd3: {  	[smem:$0x7B5] =	sst s14;
	s14 =	smulhi.u32 $0x30C30C31, s24;
	s13 =	sshra.s32 s24, $0x1F  }
0xd4: {  	s26 =	spop (v2sf);
	s16 =	sadd.s32 s16, s15;
	s22 =	smul.u32 $0x30C30C31, s13  }
0xd5: {  	v6 =	vadd.s32 v8, v6;
	s13 =	smulhi.u32 $0x30C30C31, s26;
	s29 =	sshra.s32 s26, $0x1F;
	s31 =	spop (v2sf)  }
0xd6: {  	(v2sf) =	vpush v6, $0xD;
	[smem:$0x7E6] =	sst s16;
	s10 =	smul.u32 $0x30C30C31, s29;
	s24 =	sshra.s32 s31, $0x1F  }
0xd7: {  	s29 =	sld [smem:$0x746];
	s1 =	smul.u32 $0x30C30C31, s24  }
0xd8: {  	(v2sf) =	vpush v6, $0xC;
	s5 =	smulhi.u32 $0x30C30C31, s31;
	s31 =	sld [smem:$0x747]  }
0xd9: {  	s26 =	spop (v2sf);
	[smem:$0x793] =	sst s1  }
0xda: {  	s7 =	smulhi.u32 $0x30C30C31, s26;
	s1 =	sshra.s32 s26, $0x1F;
	s26 =	sld [smem:$0x74B]  }
0xdb: {  	s2 =	sadd.s32 s8, s29;
	s30 =	spop (v2sf);
	s29 =	sld [smem:$0x74C]  }
0xdc: {  	[smem:$0x7C4] =	sst s2;
	s8 =	smul.u32 $0x30C30C31, s1;
	s2 =	sadd.s32 s9, s31  }
0xdd: {  	s9 =	smulhi.u32 $0x30C30C31, s30;
	s1 =	sshra.s32 s30, $0x1F;
	s30 =	sld [smem:$0x74D]  }
0xde: {  	(v2sf) =	vpush v6, $0xE;
	s16 =	sld [smem:$0x793]  }
0xdf: {  	[smem:$0x7B6] =	sst s2  }
0xe0: {  	s2 =	sadd.s32 s23, s4;
	s23 =	sld [smem:$0x74E]  }
0xe1: {  	s1 =	smul.u32 $0x30C30C31, s1;
	[smem:$0x7C5] =	sst s2  }
0xe2: {  	s2 =	sadd.s32 s26, s25;
	s26 =	sld [smem:$0x750]  }
0xe3: {  	[smem:$0x794] =	sst s1  }
0xe4: {  	[smem:$0x7C6] =	sst s2  }
0xe5: {  	s2 =	sadd.s32 s30, s29;
	s30 =	sld [smem:$0x752];
	s24 =	spop (v2sf)  }
0xe6: {  	[smem:$0x7C8] =	sst s2;
	s28 =	smulhi.u32 $0x30C30C31, s24  }
0xe7: {  	s1 =	sshra.s32 s24, $0x1F;
	s31 =	spop (v2sf);
	s24 =	sld [smem:$0x74F]  }
0xe8: {  	s1 =	smul.u32 $0x30C30C31, s1;
	[smem:$0x795] =	sst s28  }
0xe9: {  	s25 =	smulhi.u32 $0x30C30C31, s31;
	s28 =	sld [smem:$0x751]  }
0xea: {  	[smem:$0x796] =	sst s1  }
0xeb: {  	(v2sf) =	vpush v6, $0xF;
	[smem:$0x797] =	sst s25  }
0xec: {  	s1 =	sshra.s32 s31, $0x1F;
	s31 =	sld [smem:$0x753]  }
0xed: {  	s29 =	spop (v2sf);
	s2 =	sadd.s32 s24, s23;
	s24 =	sld [smem:$0x754]  }
0xee: {  	s23 =	smulhi.u32 $0x30C30C31, s29;
	s25 =	sld [smem:$0x755]  }
0xef: {  	(v2sf) =	vpush v6, $0x9;
	[smem:$0x7CA] =	sst s2  }
0xf0: {  	(v2sf) =	vpush v6, $0x8;
	[smem:$0x799] =	sst s23  }
0xf1: {  	s2 =	sadd.s32 s28, s26;
	s28 =	sld [smem:$0x756]  }
0xf2: {  	s1 =	smul.u32 $0x30C30C31, s1;
	s23 =	sld [smem:$0x759]  }
0xf3: {  	[smem:$0x7CD] =	sst s2  }
0xf4: {  	[smem:$0x798] =	sst s1  }
0xf5: {  	s1 =	sshra.s32 s29, $0x1F;
	s29 =	sld [smem:$0x757]  }
0xf6: {  	s2 =	sadd.s32 s31, s30;
	s30 =	sld [smem:$0x758]  }
0xf7: {  	[smem:$0x7CC] =	sst s2  }
0xf8: {  	(v2sf) =	vpush v6, $0xA;
	s2 =	sadd.s32 s25, s24;
	s1 =	smul.u32 $0x30C30C31, s1;
	s24 =	sld [smem:$0x75A]  }
0xf9: {  	[smem:$0x7CF] =	sst s2  }
0xfa: {  	s26 =	spop (v2sf);
	[smem:$0x79A] =	sst s1  }
0xfb: {  	s4 =	smulhi.u32 $0x30C30C31, s26;
	s1 =	sshra.s32 s26, $0x1F;
	s26 =	sld [smem:$0x75B]  }
0xfc: {  	s2 =	sadd.s32 s29, s28;
	s29 =	sld [smem:$0x75C]  }
0xfd: {  	[smem:$0x7D1] =	sst s2  }
0xfe: {  	(v2sf) =	vpush v6, $0xB;
	s31 =	spop (v2sf);
	s2 =	sadd.s32 s11, s30;
	s30 =	sld [smem:$0x75D]  }
0xff: {  	s25 =	spop (v2sf);
	[smem:$0x7C9] =	sst s2  }
0x100: {  	s1 =	smul.u32 $0x30C30C31, s1;
	s2 =	sadd.s32 s12, s23;
	s23 =	sld [smem:$0x75F]  }
0x101: {  	s28 =	sshra.s32 s25, $0x1F;
	s12 =	smulhi.u32 $0x30C30C31, s25;
	s25 =	sld [smem:$0x760]  }
0x102: {  	s0 =	smul.u32 $0x30C30C31, s0;
	[smem:$0x79B] =	sst s1  }
0x103: {  	[smem:$0x7CB] =	sst s2  }
0x104: {  	s2 =	sadd.s32 s6, s24;
	s0 =	sadd.s32 s0, s26;
	s26 =	sld [smem:$0x761]  }
0x105: {  	[smem:$0x7CE] =	sst s2  }
0x106: {  	s11 =	smulhi.u32 $0x30C30C31, s31;
	[smem:$0x7D0] =	sst s0  }
0x107: {  	s1 =	sshra.s32 s31, $0x1F;
	s31 =	spop (v2sf);
	s2 =	sld [smem:$0x75E]  }
0x108: {  	s6 =	smul.u32 $0x30C30C31, s1;
	s1 =	sadd.s32 s30, s29;
	s29 =	sld [smem:$0x762]  }
0x109: {  	(v2sf) =	vpush v6, $0x0;
	s0 =	smul.u32 $0x30C30C31, s28;
	s30 =	sld [smem:$0x763]  }
0x10a: {  	s24 =	smulhi.u32 $0x30C30C31, s31;
	[smem:$0x7D2] =	sst s1  }
0x10b: {  	[smem:$0x79C] =	sst s0  }
0x10c: {  	[smem:$0x79D] =	sst s24  }
0x10d: {  	s28 =	spop (v2sf);
	s1 =	sadd.s32 s23, s2;
	s2 =	sld [smem:$0x764]  }
0x10e: {  	s0 =	sshra.s32 s31, $0x1F;
	s31 =	smulhi.u32 $0x30C30C31, s28;
	s23 =	sld [smem:$0x765]  }
0x10f: {  	[smem:$0x7D3] =	sst s1  }
0x110: {  	[smem:$0x79F] =	sst s31  }
0x111: {  	s1 =	sadd.s32 s26, s25;
	s25 =	sld [smem:$0x766]  }
0x112: {  	s0 =	smul.u32 $0x30C30C31, s0;
	s26 =	sld [smem:$0x767]  }
0x113: {  	[smem:$0x7D4] =	sst s1  }
0x114: {  	(v2sf) =	vpush v6, $0x1;
	[smem:$0x79E] =	sst s0  }
0x115: {  	s1 =	sadd.s32 s30, s29;
	s29 =	sld [smem:$0x768]  }
0x116: {  	s30 =	sld [smem:$0x769]  }
0x117: {  	[smem:$0x7C7] =	sst s1  }
0x118: {  	s24 =	spop (v2sf);
	s1 =	sadd.s32 s23, s2;
	s2 =	sld [smem:$0x76A]  }
0x119: {  	s0 =	sshra.s32 s28, $0x1F;
	s28 =	smulhi.u32 $0x30C30C31, s24;
	s23 =	sld [smem:$0x76B]  }
0x11a: {  	[smem:$0x7D9] =	sst s1  }
0x11b: {  	[smem:$0x7A1] =	sst s28  }
0x11c: {  	s0 =	smul.u32 $0x30C30C31, s0;
	s1 =	sadd.s32 s26, s25;
	s25 =	sld [smem:$0x76C]  }
0x11d: {  	s26 =	sld [smem:$0x76D]  }
0x11e: {  	(v2sf) =	vpush v6, $0x2;
	[smem:$0x7A0] =	sst s0  }
0x11f: {  	[smem:$0x7D8] =	sst s1  }
0x120: {  	s1 =	sadd.s32 s30, s29;
	s29 =	sld [smem:$0x76E]  }
0x121: {  	s30 =	sld [smem:$0x76F]  }
0x122: {  	[smem:$0x7DB] =	sst s1  }
0x123: {  	s31 =	spop (v2sf);
	s1 =	sadd.s32 s23, s2;
	s2 =	sld [smem:$0x770]  }
0x124: {  	s0 =	sshra.s32 s24, $0x1F;
	s24 =	smulhi.u32 $0x30C30C31, s31;
	s23 =	sld [smem:$0x771]  }
0x125: {  	[smem:$0x7DC] =	sst s1  }
0x126: {  	[smem:$0x7A3] =	sst s24  }
0x127: {  	s0 =	smul.u32 $0x30C30C31, s0;
	s1 =	sadd.s32 s26, s25;
	s25 =	sld [smem:$0x772]  }
0x128: {  	s26 =	sld [smem:$0x773]  }
0x129: {  	(v2sf) =	vpush v6, $0x3;
	[smem:$0x7A2] =	sst s0  }
0x12a: {  	[smem:$0x7E0] =	sst s1  }
0x12b: {  	s1 =	sadd.s32 s30, s29;
	s29 =	sld [smem:$0x774]  }
0x12c: {  	s30 =	sld [smem:$0x775]  }
0x12d: {  	s28 =	spop (v2sf);
	s0 =	sshra.s32 s31, $0x1F;
	[smem:$0x7DE] =	sst s1  }
0x12e: {  	s31 =	smulhi.u32 $0x30C30C31, s28;
	s1 =	sadd.s32 s23, s2;
	s2 =	sld [smem:$0x776]  }
0x12f: {  	s23 =	sld [smem:$0x777]  }
0x130: {  	[smem:$0x7A5] =	sst s31  }
0x131: {  	[smem:$0x7E2] =	sst s1  }
0x132: {  	s0 =	smul.u32 $0x30C30C31, s0;
	s1 =	sadd.s32 s26, s25;
	s25 =	sld [smem:$0x778]  }
0x133: {  	(v2sf) =	vpush v6, $0x4;
	s26 =	sld [smem:$0x779]  }
0x134: {  	[smem:$0x7A4] =	sst s0  }
0x135: {  	[smem:$0x7E4] =	sst s1  }
0x136: {  	s1 =	sadd.s32 s30, s29;
	s29 =	sld [smem:$0x77A]  }
0x137: {  	s30 =	sld [smem:$0x77B]  }
0x138: {  	(v2sf) =	vpush v6, $0x5;
	s24 =	spop (v2sf);
	s0 =	sshra.s32 s28, $0x1F;
	[smem:$0x7D6] =	sst s1  }
0x139: {  	(v2sf) =	vpush v6, $0x6;
	s28 =	smulhi.u32 $0x30C30C31, s24;
	s1 =	sadd.s32 s23, s2;
	s2 =	sld [smem:$0x77C]  }
0x13a: {  	s23 =	sld [smem:$0x77D]  }
0x13b: {  	v7 =	vld [tilespmem:$0x2A50];
	[smem:$0x7A7] =	sst s28  }
0x13c: {  	(v2sf) =	vpush v6, $0x7;
	[smem:$0x7D7] =	sst s1  }
0x13d: {  	s0 =	smul.u32 $0x30C30C31, s0;
	s1 =	sadd.s32 s26, s25;
	s25 =	sld [smem:$0x77E]  }
0x13e: {  	s26 =	sld [smem:$0x77F]  }
0x13f: {  	[smem:$0x7A6] =	sst s0  }
0x140: {  	v7 =	vadd.s32 v8, v7;
	[smem:$0x7DA] =	sst s1  }
0x141: {  	(v2sf) =	vpush v7, $0xD;
	s1 =	sadd.s32 s30, s29;
	s29 =	sld [smem:$0x780]  }
0x142: {  	s31 =	spop (v2sf);
	s30 =	sld [smem:$0x781]  }
0x143: {  	s0 =	sshra.s32 s24, $0x1F;
	s24 =	smulhi.u32 $0x30C30C31, s31;
	[smem:$0x7DD] =	sst s1  }
0x144: {  	s1 =	sadd.s32 s23, s2;
	s23 =	sld [smem:$0x782]  }
0x145: {  	[smem:$0x7A9] =	sst s24  }
0x146: {  	s0 =	smul.u32 $0x30C30C31, s0;
	[smem:$0x7DF] =	sst s1  }
0x147: {  	s28 =	spop (v2sf);
	s1 =	sadd.s32 s26, s25;
	s26 =	sld [smem:$0x784]  }
0x148: {  	s24 =	spop (v2sf);
	[smem:$0x7A8] =	sst s0  }
0x149: {  	s0 =	sshra.s32 s31, $0x1F;
	s31 =	smulhi.u32 $0x30C30C31, s28;
	[smem:$0x7E1] =	sst s1  }
0x14a: {  	s1 =	sadd.s32 s30, s29;
	s30 =	sld [smem:$0x786];
	s0 =	smul.u32 $0x30C30C31, s0  }
0x14b: {  	[smem:$0x7AB] =	sst s31;
	s31 =	spop (v2sf)  }
0x14c: {  	[smem:$0x7AA] =	sst s0;
	s0 =	sshra.s32 s28, $0x1F;
	s28 =	smulhi.u32 $0x30C30C31, s24  }
0x14d: {  	[smem:$0x7E3] =	sst s1;
	s25 =	smulhi.u32 $0x30C30C31, s31  }
0x14e: {  	[smem:$0x7AD] =	sst s28  }
0x14f: {  	s0 =	smul.u32 $0x30C30C31, s0;
	[smem:$0x7AF] =	sst s25  }
0x150: {  	s29 =	spop (v2sf);
	s28 =	sld [smem:$0x785]  }
0x151: {  	(v2sf) =	vpush v7, $0xC;
	s2 =	smulhi.u32 $0x30C30C31, s29;
	[smem:$0x7AC] =	sst s0  }
0x152: {  	s0 =	sshra.s32 s24, $0x1F;
	s24 =	sld [smem:$0x783]  }
0x153: {  	[smem:$0x7B1] =	sst s2;
	s0 =	smul.u32 $0x30C30C31, s0  }
0x154: {  	s2 =	sld [smem:$0x792]  }
0x155: {  	[smem:$0x7AE] =	sst s0  }
0x156: {  	s0 =	sshra.s32 s31, $0x1F;
	s31 =	sld [smem:$0x787]  }
0x157: {  	(v2sf) =	vpush v7, $0xE;
	s1 =	sadd.s32 s24, s23;
	s23 =	sld [smem:$0x788]  }
0x158: {  	s24 =	sld [smem:$0x789]  }
0x159: {  	[smem:$0x7D5] =	sst s1  }
0x15a: {  	s1 =	sadd.s32 s28, s26;
	s26 =	sld [smem:$0x78A]  }
0x15b: {  	s0 =	smul.u32 $0x30C30C31, s0;
	s28 =	sld [smem:$0x78B]  }
0x15c: {  	[smem:$0x7E8] =	sst s1  }
0x15d: {  	[smem:$0x7B0] =	sst s0  }
0x15e: {  	s1 =	sadd.s32 s31, s30;
	s30 =	sld [smem:$0x78C]  }
0x15f: {  	s31 =	sld [smem:$0x78D]  }
0x160: {  	s25 =	spop (v2sf);
	s0 =	sshra.s32 s29, $0x1F;
	[smem:$0x7E5] =	sst s1  }
0x161: {  	(v2sf) =	vpush v7, $0xF;
	s29 =	smulhi.u32 $0x30C30C31, s25;
	s1 =	sadd.s32 s24, s23;
	s24 =	sld [smem:$0x78E]  }
0x162: {  	[smem:$0x7E9] =	sst s1  }
0x163: {  	[smem:$0x7B3] =	sst s29  }
0x164: {  	s0 =	smul.u32 $0x30C30C31, s0;
	s1 =	sadd.s32 s28, s26;
	s28 =	sld [smem:$0x790]  }
0x165: {  	(v2sf) =	vpush v7, $0x9;
	s29 =	sld [smem:$0x791]  }
0x166: {  	s23 =	spop (v2sf);
	[smem:$0x7B2] =	sst s0  }
0x167: {  	s26 =	smulhi.u32 $0x30C30C31, s23;
	[smem:$0x7EB] =	sst s1  }
0x168: {  	(v2sf) =	vpush v7, $0x8;
	s0 =	sshra.s32 s25, $0x1F;
	s1 =	sadd.s32 s31, s30;
	s25 =	sld [smem:$0x78F]  }
0x169: {  	[smem:$0x7EF] =	sst s1;
	s30 =	smul.u32 $0x30C30C31, s0  }
0x16a: {  	[smem:$0x7B4] =	sst s26;
	s0 =	sshra.s32 s23, $0x1F;
	s23 =	sadd.s32 s20, s18  }
0x16b: {  	[smem:$0x7EA] =	sst s23;
	s1 =	sadd.s32 s25, s24  }
0x16c: {  	s24 =	sadd.s32 s21, s19;
	[smem:$0x7ED] =	sst s1  }
0x16d: {  	s1 =	sadd.s32 s29, s28;
	[smem:$0x7EC] =	sst s24  }
0x16e: {  	[smem:$0x7F1] =	sst s1;
	s1 =	sadd.s32 s17, s2  }
0x16f: {  	(v2sf) =	vpush v7, $0xA;
	s2 =	sadd.s32 s22, s14;
	s14 =	sadd.s32 s10, s13;
	s10 =	sld [smem:$0x799]  }
0x170: {  	s31 =	spop (v2sf);
	s13 =	sld [smem:$0x79A]  }
0x171: {  	s28 =	smul.u32 $0x30C30C31, s0;
	[smem:$0x7F3] =	sst s1  }
0x172: {  	(v2sf) =	vpush v7, $0xB;
	s29 =	smulhi.u32 $0x30C30C31, s31;
	s0 =	sshra.s32 s31, $0x1F;
	[smem:$0x7EE] =	sst s2  }
0x173: {  	s25 =	smul.u32 $0x30C30C31, s0;
	[smem:$0x7F0] =	sst s14  }
0x174: {  	s17 =	spop (v2sf);
	s2 =	sld [smem:$0x795]  }
0x175: {  	(v2sf) =	vpush v7, $0x0;
	s26 =	smulhi.u32 $0x30C30C31, s17;
	s1 =	sadd.s32 s16, s5;
	s5 =	sld [smem:$0x796]  }
0x176: {  	s0 =	sshra.s32 s17, $0x1F;
	s17 =	sadd.s32 s8, s7;
	s8 =	sld [smem:$0x797]  }
0x177: {  	s31 =	spop (v2sf);
	s16 =	sld [smem:$0x79B]  }
0x178: {  	(v2sf) =	vpush v7, $0x1;
	s23 =	smul.u32 $0x30C30C31, s0;
	[smem:$0x7F2] =	sst s1  }
0x179: {  	s24 =	smulhi.u32 $0x30C30C31, s31;
	s0 =	sshra.s32 s31, $0x1F;
	s31 =	sld [smem:$0x794]  }
0x17a: {  	(v2sf) =	vpush v7, $0x2;
	[smem:$0x7F4] =	sst s17;
	s25 =	sadd.s32 s25, s29  }
0x17b: {  	[dreg:$0x13] =	wrdreg s25  }
0x17c: {  	(v2sf) =	vpush v7, $0x3;
	s1 =	sadd.s32 s31, s9;
	s9 =	sld [smem:$0x798]  }
0x17d: {  	s23 =	sadd.s32 s23, s26;
	s31 =	sadd.s32 s6, s11;
	s6 =	sld [smem:$0x79E]  }
0x17e: {  	s15 =	spop (v2sf);
	[dreg:$0x15] =	wrdreg s23  }
0x17f: {  	s21 =	smul.u32 $0x30C30C31, s0;
	[smem:$0x7E7] =	sst s1  }
0x180: {  	s22 =	smulhi.u32 $0x30C30C31, s15;
	s0 =	sshra.s32 s15, $0x1F;
	[dreg:$0x1a] =	wrdreg s31  }
0x181: {  	s18 =	spop (v2sf);
	s1 =	sadd.s32 s5, s2;
	s5 =	sld [smem:$0x79D]  }
0x182: {  	s19 =	smul.u32 $0x30C30C31, s0;
	s21 =	sadd.s32 s21, s24;
	s31 =	sld [smem:$0x7A2]  }
0x183: {  	(v2sf) =	vpush v7, $0x4;
	s20 =	smulhi.u32 $0x30C30C31, s18;
	s0 =	sshra.s32 s18, $0x1F;
	[dreg:$0x12] =	wrdreg s21  }
0x184: {  	s7 =	spop (v2sf);
	s19 =	sadd.s32 s19, s22;
	[dreg:$0x1d] =	wrdreg s1  }
0x185: {  	s18 =	smul.u32 $0x30C30C31, s0;
	[dreg:$0xf] =	wrdreg s19  }
0x186: {  	s17 =	smulhi.u32 $0x30C30C31, s7;
	s1 =	sadd.s32 s9, s8;
	s8 =	sld [smem:$0x79F]  }
0x187: {  	s0 =	sshra.s32 s7, $0x1F;
	s14 =	spop (v2sf);
	s9 =	sld [smem:$0x7A0]  }
0x188: {  	(v2sf) =	vpush v7, $0x5;
	s15 =	smul.u32 $0x30C30C31, s0;
	[smem:$0x7F5] =	sst s1;
	s1 =	sadd.s32 s13, s10  }
0x189: {  	s0 =	sshra.s32 s14, $0x1F;
	s2 =	spop (v2sf);
	[dreg:$0x1f] =	wrdreg s1  }
0x18a: {  	s13 =	smul.u32 $0x30C30C31, s0;
	s1 =	sadd.s32 s16, s4;
	s4 =	sld [smem:$0x79C]  }
0x18b: {  	s0 =	sshra.s32 s2, $0x1F;
	s10 =	sld [smem:$0x7A1];
	s7 =	spop (v2sf)  }
0x18c: {  	s11 =	smul.u32 $0x30C30C31, s0;
	[dreg:$0x1c] =	wrdreg s1;
	s0 =	sshra.s32 s7, $0x1F  }
0x18d: {  	s1 =	sadd.s32 s4, s12;
	s12 =	smulhi.u32 $0x30C30C31, s7;
	s7 =	sld [smem:$0x7A5]  }
0x18e: {  	[dreg:$0x1e] =	wrdreg s1  }
0x18f: {  	(v2sf) =	vpush v7, $0x6;
	s1 =	sadd.s32 s6, s5;
	s5 =	sld [smem:$0x7A3]  }
0x190: {  	s6 =	sld [smem:$0x7A4]  }
0x191: {  	[dreg:$0x1b] =	wrdreg s1  }
0x192: {  	s1 =	sadd.s32 s9, s8;
	s4 =	spop (v2sf);
	s8 =	sld [smem:$0x7A6]  }
0x193: {  	[dreg:$0x19] =	wrdreg s1;
	s1 =	sadd.s32 s31, s10;
	s10 =	smul.u32 $0x30C30C31, s0  }
0x194: {  	s9 =	smulhi.u32 $0x30C30C31, s4;
	s0 =	sshra.s32 s4, $0x1F;
	s4 =	sld [smem:$0x7A7]  }
0x195: {  	[smem:$0x7F6] =	sst s1  }
0x196: {  	s1 =	sadd.s32 s6, s5;
	s5 =	sld [smem:$0x7A8]  }
0x197: {  	s31 =	spop (v2sf);
	s6 =	sld [smem:$0x7A9]  }
0x198: {  	[smem:$0x7F7] =	sst s1;
	s1 =	sadd.s32 s8, s7;
	s8 =	smul.u32 $0x30C30C31, s0  }
0x199: {  	s7 =	smulhi.u32 $0x30C30C31, s31;
	s0 =	sshra.s32 s31, $0x1F;
	s31 =	sld [smem:$0x7AA]  }
0x19a: {  	[smem:$0x7F8] =	sst s1  }
0x19b: {  	v9 =	vld [tilespmem:$0x2A60];
	s1 =	sadd.s32 s5, s4;
	s5 =	sld [smem:$0x7AB]  }
0x19c: {  	[smem:$0x7FA] =	sst s1  }
0x19d: {  	s18 =	sadd.s32 s18, s20;
	s1 =	sadd.s32 s31, s6;
	s31 =	sld [smem:$0x7AC]  }
0x19e: {  	(v2sf) =	vpush v7, $0x7;
	[dreg:$0x10] =	wrdreg s18;
	s4 =	spop (v2sf)  }
0x19f: {  	s6 =	smul.u32 $0x30C30C31, s0;
	s0 =	sshra.s32 s4, $0x1F;
	[smem:$0x7FB] =	sst s1  }
0x1a0: {  	v9 =	vadd.s32 v8, v9;
	s1 =	sadd.s32 s31, s5;
	s5 =	smulhi.u32 $0x30C30C31, s4;
	s4 =	sld [smem:$0x7AD]  }
0x1a1: {  	(v2sf) =	vpush v9, $0xD;
	s16 =	smulhi.u32 $0x30C30C31, s14;
	s31 =	sld [smem:$0x7AE]  }
0x1a2: {  	s14 =	smulhi.u32 $0x30C30C31, s2;
	s2 =	sld [smem:$0x7AF]  }
0x1a3: {  	(v2sf) =	vpush v9, $0xC;
	[smem:$0x7FC] =	sst s1  }
0x1a4: {  	s15 =	sadd.s32 s15, s17;
	s1 =	sadd.s32 s31, s4;
	s31 =	sld [smem:$0x7B0]  }
0x1a5: {  	(v2sf) =	vpush v9, $0xE;
	[dreg:$0x18] =	wrdreg s15  }
0x1a6: {  	[smem:$0x7FD] =	sst s1  }
0x1a7: {  	(v2sf) =	vpush v9, $0xF;
	s1 =	sadd.s32 s31, s2;
	s31 =	sld [smem:$0x7B2]  }
0x1a8: {  	[smem:$0x7F9] =	sst s1  }
0x1a9: {  	s13 =	sadd.s32 s13, s16;
	(v2sf) =	vpush v9, $0x9;
	s1 =	sld [smem:$0x7B1]  }
0x1aa: {  	[dreg:$0x11] =	wrdreg s13;
	(v2sf) =	vpush v9, $0x8;
	s8 =	sadd.s32 s8, s9  }
0x1ab: {  	[dreg:$0xe] =	wrdreg s8  }
0x1ac: {  	(v2sf) =	vpush v9, $0xA;
	s1 =	sadd.s32 s31, s1;
	s31 =	sld [smem:$0x7B3]  }
0x1ad: {  	s4 =	smul.u32 $0x30C30C31, s0;
	s0 =	spop (v2sf)  }
0x1ae: {  	(v2sf) =	vpush v9, $0xB;
	s2 =	smulhi.u32 $0x30C30C31, s0;
	[dreg:$0x16] =	wrdreg s1  }
0x1af: {  	s0 =	sshra.s32 s0, $0x1F;
	s30 =	sadd.s32 s30, s31;
	s31 =	sld [smem:$0x7B4]  }
0x1b0: {  	s17 =	sadd.s32 s11, s14;
	s1 =	smul.u32 $0x30C30C31, s0;
	s0 =	spop (v2sf)  }
0x1b1: {  	[dreg:$0x17] =	wrdreg s30;
	s30 =	smulhi.u32 $0x30C30C31, s0;
	s0 =	sshra.s32 s0, $0x1F  }
0x1b2: {  	s0 =	smul.u32 $0x30C30C31, s0;
	s28 =	sadd.s32 s28, s31;
	s31 =	spop (v2sf)  }
0x1b3: {  	(v2sf) =	vpush v9, $0x0;
	[dreg:$0x14] =	wrdreg s28;
	s25 =	smulhi.u32 $0x30C30C31, s31;
	s28 =	sshra.s32 s31, $0x1F  }
0x1b4: {  	s6 =	sadd.s32 s6, s7;
	s23 =	smul.u32 $0x30C30C31, s28;
	s28 =	spop (v2sf)  }
0x1b5: {  	[dreg:$0xd] =	wrdreg s6;
	(v2sf) =	vpush v9, $0x1;
	s21 =	smulhi.u32 $0x30C30C31, s28;
	s29 =	sshra.s32 s28, $0x1F  }
0x1b6: {  	s4 =	sadd.s32 s4, s5;
	s31 =	spop (v2sf);
	s19 =	smul.u32 $0x30C30C31, s29  }
0x1b7: {  	[dreg:$0xc] =	wrdreg s4;
	s18 =	smulhi.u32 $0x30C30C31, s31;
	s24 =	sshra.s32 s31, $0x1F  }
0x1b8: {  	s16 =	sadd.s32 s10, s12;
	s26 =	spop (v2sf);
	s15 =	smul.u32 $0x30C30C31, s24  }
0x1b9: {  	s13 =	smulhi.u32 $0x30C30C31, s26;
	s28 =	sshra.s32 s26, $0x1F;
	s29 =	spop (v2sf)  }
0x1ba: {  	s26 =	sadd.s32 s0, s30;
	s30 =	sadd.s32 s23, s25;
	s11 =	smul.u32 $0x30C30C31, s28  }
0x1bb: {  	s10 =	smulhi.u32 $0x30C30C31, s29;
	s31 =	sshra.s32 s29, $0x1F;
	s12 =	spop (v2sf)  }
0x1bc: {  	s28 =	sadd.s32 s19, s21;
	s19 =	sld [smem:$0x7B5];
	s8 =	smul.u32 $0x30C30C31, s31  }
0x1bd: {  	s6 =	smulhi.u32 $0x30C30C31, s12;
	s14 =	sshra.s32 s12, $0x1F;
	s22 =	spop (v2sf)  }
0x1be: {  	s31 =	sadd.s32 s1, s2;
	s25 =	sadd.s32 s15, s18;
	s20 =	smul.u32 $0x30C30C31, s14  }
0x1bf: {  	s15 =	sld [smem:$0x7B6];
	s24 =	smulhi.u32 $0x30C30C31, s22;
	s29 =	sshra.s32 s22, $0x1F  }
0x1c0: {  	s5 =	smul.u32 $0x30C30C31, s29;
	s29 =	sadd.s32 s8, s10;
	s8 =	sld [smem:$0x7B7]  }
0x1c1: {  	s22 =	sadd.s32 s11, s13;
	s23 =	sshrl.u32 s19, $0x1F;
	s10 =	sld [smem:$0x7B8]  }
0x1c2: {  	s9 =	spop (v2sf);
	s21 =	sadd.s32 s20, s6;
	s6 =	sld [smem:$0x7BB]  }
0x1c3: {  	s12 =	smulhi.u32 $0x30C30C31, s9;
	s2 =	sshra.s32 s9, $0x1F;
	s0 =	sadd.s32 s5, s24  }
0x1c4: {  	s2 =	smul.u32 $0x30C30C31, s2;
	s9 =	sshrl.u32 s8, $0x1F;
	s14 =	spop (v2sf)  }
0x1c5: {  	s11 =	sshrl.u32 s10, $0x1F;
	s18 =	smulhi.u32 $0x30C30C31, s14;
	s7 =	sshra.s32 s14, $0x1F  }
0x1c6: {  	s13 =	sshra.s32 s10, $0x1F;
	v11 =	vmov s9;
	s9 =	sld [smem:$0x7B9];
	s7 =	smul.u32 $0x30C30C31, s7  }
0x1c7: {  	s24 =	sadd.s32 s2, s12;
	s12 =	sshra.s32 s10, $0x5;
	s10 =	sld [smem:$0x7BC]  }
0x1c8: {  	s1 =	sshra.s32 s19, $0x5;
	s20 =	sadd.s32 s7, s18;
	s18 =	sld [smem:$0x7BA]  }
0x1c9: {  	vm11 =	vcmask $0x300;
	vm1 =	vcmask $0xB08;
	[dreg:$0xb] =	wrdreg s0;
	s2 =	sshra.s32 s8, $0x5;
	s7 =	sshra.s32 s15, $0x1F  }
0x1ca: {  	v12 =	vmov s11;
	v11 =	vsel vm1, s23, v11;
	s8 =	sshrl.u32 s6, $0x1F;
	s14 =	sshrl.u32 s9, $0x1F;
	s11 =	sshrl.u32 s10, $0x1F;
	v10 =	vmov s7  }
0x1cb: {  	vm10 =	vcmask $0x704;
	v11 =	vsel vm2, s14, v11;
	s14 =	sshra.s32 s10, $0x5;
	v10 =	vsel vm11, s12, v10;
	s19 =	sshrl.u32 s18, $0x1F;
	s23 =	sshra.s32 s18, $0x5  }
0x1cc: {  	vm4 =	vcmask $0x1B18;
	v12 =	vnsel vm11, $0x0, v12;
	v10 =	vsel vm10, s13, v10;
	s7 =	sshra.s32 s18, $0x1F;
	s18 =	sshra.s32 s10, $0x1F;
	s10 =	sld [smem:$0x7C1]  }
0x1cd: {  	v12 =	vsel vm1, s19, v12;
	v13 =	vsel vm1, s23, v10;
	v10 =	vsel vm4, s8, v11;
	s8 =	sld [smem:$0x7BE]  }
0x1ce: {  	v11 =	vsel vm2, s11, v12;
	s11 =	sld [smem:$0x7BD]  }
0x1cf: {  	v58 =	vsel vm12, s7, v13;
	s7 =	sld [smem:$0x7BF]  }
0x1d0: {  	v12 =	vsel vm2, s14, v58;
	s14 =	sld [smem:$0x7C0];
	s13 =	sshrl.u32 s8, $0x1F  }
0x1d1: {  	s12 =	sshrl.u32 s11, $0x1F;
	v11 =	vsel vm4, s13, v11;
	s13 =	sld [smem:$0x7C2]  }
0x1d2: {  	v12 =	vsel vm13, s18, v12;
	s18 =	sshra.s32 s8, $0x1F;
	v59 =	vmov s12;
	s12 =	sshra.s32 s8, $0x5;
	s8 =	sld [smem:$0x7C3]  }
0x1d3: {  	v14 =	vsel vm4, s12, v12;
	s12 =	sld [smem:$0x7C4]  }
0x1d4: {  	s0 =	sshra.s32 s9, $0x5;
	s19 =	sshrl.u32 s7, $0x1F;
	s23 =	sshrl.u32 s14, $0x1F  }
0x1d5: {  	s9 =	sshrl.u32 s15, $0x1F;
	s4 =	sshrl.u32 s10, $0x1F;
	v13 =	vsel vm1, s19, v59;
	v11 =	vsel vm5, s23, v11;
	s5 =	sshrl.u32 s13, $0x1F  }
0x1d6: {  	v13 =	vsel vm2, s4, v13;
	v60 =	vsel vm14, s18, v14;
	s18 =	sshra.s32 s14, $0x5;
	v11 =	vsel vm6, s5, v11;
	s19 =	sshrl.u32 s8, $0x1F;
	s23 =	sshrl.u32 s12, $0x1F  }
0x1d7: {  	v12 =	vsel vm4, s19, v13;
	v13 =	vsel vm5, s18, v60;
	s19 =	sshra.s32 s11, $0x5;
	s18 =	sshra.s32 s8, $0x5;
	s8 =	sshra.s32 s15, $0x5;
	v11 =	vsel vm7, s23, v11  }
0x1d8: {  	s15 =	sld [smem:$0x7C8];
	s23 =	sshra.s32 s14, $0x1F;
	v15 =	vmov s19;
	v11 =	vsel vm8, s9, v11;
	s9 =	sshra.s32 s7, $0x5  }
0x1d9: {  	s14 =	sshra.s32 s13, $0x5;
	v13 =	vsel vm15, s23, v13;
	v15 =	vsel vm1, s9, v15;
	s9 =	sld [smem:$0x7C5]  }
0x1da: {  	s11 =	sshra.s32 s10, $0x5;
	v13 =	vsel vm6, s14, v13;
	s14 =	sld [smem:$0x7C7]  }
0x1db: {  	vm9 =	vcmask $0x2F2C;
	s5 =	sshra.s32 s12, $0x1F;
	s19 =	sshra.s32 s13, $0x1F;
	v16 =	vsel vm2, s11, v15;
	s11 =	sld [smem:$0x7C6]  }
0x1dc: {  	v61 =	vmov s2;
	s23 =	sshra.s32 s12, $0x5;
	s2 =	sshra.s32 s15, $0x5;
	v13 =	vsel vm9, s19, v13;
	s19 =	sld [smem:$0x7C9]  }
0x1dd: {  	v14 =	vsel vm1, s1, v61;
	s10 =	sshrl.u32 s9, $0x1F;
	s1 =	sshra.s32 s9, $0x5;
	s13 =	sshra.s32 s14, $0x1F  }
0x1de: {  	v14 =	vsel vm2, s0, v14;
	v16 =	vsel vm4, s18, v16;
	s12 =	sshrl.u32 s11, $0x1F;
	s0 =	sshra.s32 s11, $0x5;
	s11 =	sld [smem:$0x7CA]  }
0x1df: {  	v13 =	vsel vm7, s23, v13;
	v18 =	vmov s13;
	s23 =	sshra.s32 s19, $0x5;
	s9 =	sshrl.u32 s19, $0x1F;
	s13 =	sld [smem:$0x7CB];
	v17 =	vmov s12  }
0x1e0: {  	s18 =	sshrl.u32 s15, $0x1F;
	v37 =	vsel vm11, s23, v18;
	v38 =	vmov s9;
	s9 =	sld [smem:$0x7CE];
	v36 =	vsel vm1, s10, v17;
	s10 =	sshra.s32 s19, $0x1F  }
0x1e1: {  	v13 =	vsel vm3, s5, v13;
	v17 =	vsel vm10, s10, v37;
	s12 =	sshrl.u32 s11, $0x1F;
	s5 =	sshra.s32 s11, $0x5;
	s10 =	sld [smem:$0x7CC]  }
0x1e2: {  	(v2sf) =	vpush v9, $0x2;
	v63 =	vsel vm8, s8, v13;
	v13 =	vsel vm2, s18, v36;
	s15 =	sshra.s32 s13, $0x5;
	s18 =	sshrl.u32 s13, $0x1F;
	s11 =	sld [smem:$0x7CD]  }
0x1e3: {  	s19 =	sshra.s32 s13, $0x1F;
	v13 =	vsel vm4, s12, v13;
	s12 =	sshrl.u32 s9, $0x1F;
	s13 =	sshra.s32 s9, $0x5  }
0x1e4: {  	v17 =	vsel vm1, s15, v17;
	s15 =	sshra.s32 s9, $0x1F;
	s9 =	sld [smem:$0x7CF];
	s23 =	sshrl.u32 s10, $0x1F  }
0x1e5: {  	v18 =	vnsel vm11, $0x0, v38;
	v17 =	vsel vm12, s19, v17;
	s19 =	sld [smem:$0x7D0];
	s8 =	sshrl.u32 s11, $0x1F;
	v19 =	vmov s23  }
0x1e6: {  	v18 =	vsel vm1, s18, v18;
	v19 =	vsel vm1, s8, v19;
	s8 =	sld [smem:$0x7D1]  }
0x1e7: {  	s4 =	sshra.s32 s6, $0x5;
	v18 =	vsel vm2, s12, v18;
	s12 =	sld [smem:$0x7D2];
	v17 =	vsel vm2, s13, v17;
	s18 =	sshrl.u32 s9, $0x1F  }
0x1e8: {  	v62 =	vsel vm4, s4, v14;
	s4 =	sshra.s32 s11, $0x5;
	s11 =	sld [smem:$0x7D3];
	v20 =	vsel vm13, s15, v17;
	v19 =	vsel vm2, s18, v19;
	s18 =	sshra.s32 s19, $0x5  }
0x1e9: {  	s23 =	sshrl.u32 s19, $0x1F;
	s19 =	sshra.s32 s19, $0x1F;
	v39 =	vsel vm4, s18, v20;
	s7 =	sshrl.u32 s8, $0x1F  }
0x1ea: {  	s18 =	sshra.s32 s12, $0x5;
	v17 =	vsel vm4, s7, v19;
	v19 =	vsel vm14, s19, v39  }
0x1eb: {  	s13 =	sshra.s32 s10, $0x5;
	s10 =	sld [smem:$0x7D4];
	s19 =	sshra.s32 s12, $0x1F;
	v19 =	vsel vm5, s18, v19  }
0x1ec: {  	v40 =	vmov s0;
	v41 =	vmov s13;
	s7 =	sshra.s32 s11, $0x5;
	v21 =	vsel vm15, s19, v19  }
0x1ed: {  	s15 =	sshrl.u32 s12, $0x1F;
	v18 =	vsel vm4, s23, v18;
	v20 =	vsel vm1, s1, v40;
	s1 =	sshra.s32 s9, $0x5;
	s9 =	sshra.s32 s11, $0x1F;
	v21 =	vsel vm6, s7, v21  }
0x1ee: {  	s23 =	sshrl.u32 s11, $0x1F;
	v18 =	vsel vm5, s15, v18;
	v20 =	vsel vm2, s2, v20;
	s12 =	sld [smem:$0x7D5];
	s18 =	sshra.s32 s10, $0x5;
	v21 =	vsel vm9, s9, v21  }
0x1ef: {  	s15 =	sshrl.u32 s10, $0x1F;
	v19 =	vsel vm4, s5, v20;
	v20 =	vsel vm1, s4, v41;
	s19 =	sld [smem:$0x7D6];
	s4 =	sshra.s32 s10, $0x1F;
	v23 =	vsel vm7, s18, v21  }
0x1f0: {  	v18 =	vsel vm6, s23, v18;
	s23 =	sshrl.u32 s14, $0x1F;
	s2 =	sshra.s32 s8, $0x5;
	v20 =	vsel vm2, s1, v20;
	s7 =	sshra.s32 s14, $0x5;
	v42 =	vsel vm3, s4, v23  }
0x1f1: {  	s8 =	spop (v2sf);
	v18 =	vsel vm7, s15, v18;
	s11 =	sshra.s32 s12, $0x1F;
	v21 =	vsel vm4, s2, v20;
	v20 =	vsel vm8, s7, v42;
	s7 =	sld [smem:$0x7D8]  }
0x1f2: {  	s6 =	sld [smem:$0x7DB];
	s13 =	smulhi.u32 $0x30C30C31, s8;
	v18 =	vsel vm8, s23, v18;
	v22 =	vmov s11;
	s23 =	sshra.s32 s19, $0x5  }
0x1f3: {  	s15 =	sshra.s32 s8, $0x1F;
	s9 =	sld [smem:$0x7D7];
	s5 =	sshra.s32 s19, $0x1F;
	v22 =	vsel vm11, s23, v22  }
0x1f4: {  	s0 =	smul.u32 $0x30C30C31, s15;
	v22 =	vsel vm10, s5, v22;
	s5 =	sld [smem:$0x7D9];
	s11 =	sshrl.u32 s7, $0x1F  }
0x1f5: {  	s8 =	sshrl.u32 s19, $0x1F;
	v24 =	vmov s11;
	s11 =	sld [smem:$0x7DD]  }
0x1f6: {  	s18 =	sld [smem:$0x7DA];
	s23 =	sadd.s32 s0, s13;
	s10 =	sshra.s32 s9, $0x5  }
0x1f7: {  	v43 =	vmov s8;
	s0 =	sld [smem:$0x7DC];
	s13 =	sshra.s32 s9, $0x1F;
	s14 =	sshrl.u32 s9, $0x1F;
	v22 =	vsel vm1, s10, v22  }
0x1f8: {  	v23 =	vnsel vm11, $0x0, v43;
	s9 =	sshrl.u32 s6, $0x1F;
	v22 =	vsel vm12, s13, v22;
	s15 =	sshrl.u32 s5, $0x1F;
	s13 =	sshrl.u32 s11, $0x1F  }
0x1f9: {  	v23 =	vsel vm1, s14, v23;
	v24 =	vsel vm1, s15, v24;
	s14 =	sshra.s32 s11, $0x5;
	s15 =	sshra.s32 s11, $0x1F;
	s11 =	sld [smem:$0x7DE]  }
0x1fa: {  	s19 =	sshra.s32 s18, $0x5;
	v24 =	vsel vm2, s9, v24;
	s9 =	sld [smem:$0x7E0]  }
0x1fb: {  	s2 =	sshrl.u32 s18, $0x1F;
	s8 =	sshra.s32 s18, $0x1F;
	v22 =	vsel vm2, s19, v22;
	s19 =	sld [smem:$0x7DF]  }
0x1fc: {  	v23 =	vsel vm2, s2, v23;
	v25 =	vsel vm13, s8, v22;
	s18 =	sshrl.u32 s11, $0x1F  }
0x1fd: {  	s10 =	sshrl.u32 s0, $0x1F;
	v23 =	vsel vm4, s13, v23;
	v44 =	vsel vm4, s14, v25;
	s14 =	sld [smem:$0x7E1];
	s13 =	sshrl.u32 s9, $0x1F;
	v45 =	vmov s18  }
0x1fe: {  	v22 =	vsel vm4, s10, v24;
	s10 =	sshrl.u32 s19, $0x1F;
	v25 =	vsel vm1, s13, v45;
	s13 =	sld [smem:$0x7E3]  }
0x1ff: {  	v23 =	vsel vm5, s10, v23;
	s10 =	sld [smem:$0x7E2]  }
0x200: {  	v24 =	vsel vm14, s15, v44;
	s15 =	sshrl.u32 s14, $0x1F  }
0x201: {  	s2 =	sshra.s32 s5, $0x5;
	s18 =	sshra.s32 s19, $0x5;
	v23 =	vsel vm6, s15, v23;
	s8 =	sshrl.u32 s13, $0x1F  }
0x202: {  	s19 =	sshra.s32 s19, $0x1F;
	v24 =	vsel vm5, s18, v24;
	s4 =	sshrl.u32 s10, $0x1F;
	v23 =	vsel vm7, s8, v23;
	s8 =	sld [smem:$0x7E4]  }
0x203: {  	s18 =	sshrl.u32 s12, $0x1F;
	v25 =	vsel vm2, s4, v25;
	v24 =	vsel vm15, s19, v24;
	s19 =	sshra.s32 s14, $0x5;
	s4 =	sshra.s32 s9, $0x5  }
0x204: {  	s9 =	sshra.s32 s10, $0x5;
	v24 =	vsel vm6, s19, v24;
	s19 =	sshra.s32 s14, $0x1F;
	s14 =	sshra.s32 s12, $0x5  }
0x205: {  	s12 =	sld [smem:$0x7E7];
	v23 =	vsel vm8, s18, v23;
	s18 =	sshra.s32 s11, $0x5;
	s15 =	sshrl.u32 s8, $0x1F  }
0x206: {  	s5 =	sshra.s32 s13, $0x5;
	v27 =	vmov s18;
	s18 =	sld [smem:$0x7E6];
	v25 =	vsel vm4, s15, v25;
	s15 =	sshra.s32 s7, $0x5  }
0x207: {  	s10 =	sshra.s32 s13, $0x1F;
	s13 =	sshra.s32 s8, $0x5;
	s8 =	sld [smem:$0x7E5];
	v26 =	vmov s15  }
0x208: {  	v27 =	vsel vm1, s4, v27;
	s4 =	sld [smem:$0x7E8];
	s7 =	sshra.s32 s6, $0x5;
	v26 =	vsel vm1, s2, v26  }
0x209: {  	s11 =	sshra.s32 s0, $0x5;
	v26 =	vsel vm2, s7, v26  }
0x20a: {  	s0 =	sshra.s32 s12, $0x1F;
	v28 =	vsel vm2, s9, v27;
	s15 =	sshrl.u32 s8, $0x1F;
	v27 =	vsel vm4, s11, v26;
	s11 =	sld [smem:$0x7EA]  }
0x20b: {  	v30 =	vmov s0;
	s0 =	sld [smem:$0x7EB];
	s6 =	sshrl.u32 s4, $0x1F;
	v46 =	vmov s15;
	s7 =	sshra.s32 s18, $0x5  }
0x20c: {  	s9 =	sshra.s32 s18, $0x1F;
	v26 =	vsel vm1, s6, v46;
	v30 =	vsel vm11, s7, v30;
	s6 =	sld [smem:$0x7E9]  }
0x20d: {  	v24 =	vsel vm9, s19, v24;
	v28 =	vsel vm4, s13, v28;
	s19 =	sshrl.u32 s18, $0x1F;
	v30 =	vsel vm10, s9, v30;
	s9 =	sld [smem:$0x7EC];
	s13 =	sshrl.u32 s11, $0x1F  }
0x20e: {  	v29 =	vmov s19;
	s18 =	sshra.s32 s11, $0x5;
	s19 =	sshra.s32 s11, $0x1F;
	s11 =	sld [smem:$0x7ED]  }
0x20f: {  	v29 =	vnsel vm11, $0x0, v29;
	v30 =	vsel vm1, s18, v30;
	s18 =	sld [smem:$0x7EE]  }
0x210: {  	v24 =	vsel vm7, s5, v24;
	v29 =	vsel vm1, s13, v29;
	s15 =	sshrl.u32 s9, $0x1F  }
0x211: {  	v24 =	vsel vm3, s10, v24;
	s10 =	sshrl.u32 s6, $0x1F;
	v29 =	vsel vm2, s15, v29;
	s15 =	sld [smem:$0x7F0];
	s7 =	sshrl.u32 s11, $0x1F  }
0x212: {  	v24 =	vsel vm8, s14, v24;
	s14 =	sshrl.u32 s0, $0x1F;
	v26 =	vsel vm2, s10, v26;
	s10 =	sshrl.u32 s18, $0x1F;
	v31 =	vmov s7;
	s7 =	sld [smem:$0x7EF]  }
0x213: {  	v30 =	vsel vm12, s19, v30;
	s19 =	sshra.s32 s9, $0x5;
	v29 =	vsel vm4, s10, v29;
	s10 =	sshra.s32 s9, $0x1F;
	s9 =	sld [smem:$0x7F1]  }
0x214: {  	v26 =	vsel vm4, s14, v26;
	s14 =	sshrl.u32 s15, $0x1F  }
0x215: {  	v30 =	vsel vm2, s19, v30;
	v29 =	vsel vm5, s14, v29;
	s14 =	sld [smem:$0x7F2];
	s13 =	sshrl.u32 s7, $0x1F  }
0x216: {  	v30 =	vsel vm13, s10, v30;
	s10 =	sld [smem:$0x7F3];
	v31 =	vsel vm1, s13, v31;
	s13 =	sshrl.u32 s9, $0x1F  }
0x217: {  	v31 =	vsel vm2, s13, v31;
	s13 =	sld [smem:$0x7F4]  }
0x218: {  	s8 =	sshra.s32 s8, $0x5;
	s19 =	sshrl.u32 s14, $0x1F  }
0x219: {  	s2 =	sshra.s32 s4, $0x5;
	v47 =	vmov s8;
	s8 =	sshra.s32 s6, $0x5;
	v29 =	vsel vm6, s19, v29;
	s19 =	sshra.s32 s18, $0x5  }
0x21a: {  	s4 =	sshrl.u32 s10, $0x1F;
	s18 =	sshra.s32 s18, $0x1F;
	v32 =	vsel vm4, s19, v30;
	s5 =	sshrl.u32 s13, $0x1F  }
0x21b: {  	s19 =	sshrl.u32 s12, $0x1F;
	v32 =	vsel vm14, s18, v32;
	s18 =	sshra.s32 s11, $0x5;
	v29 =	vsel vm7, s5, v29;
	s5 =	sshra.s32 s7, $0x5  }
0x21c: {  	s7 =	sshra.s32 s9, $0x5;
	s9 =	sshra.s32 s14, $0x5;
	v30 =	vsel vm8, s19, v29;
	s19 =	sshra.s32 s15, $0x5;
	v29 =	vsel vm1, s2, v47  }
0x21d: {  	v33 =	vmov s18;
	v29 =	vsel vm2, s8, v29;
	s8 =	sshra.s32 s10, $0x5;
	s10 =	sshra.s32 s14, $0x1F;
	s14 =	sld [smem:$0x7F5]  }
0x21e: {  	s6 =	sshra.s32 s15, $0x1F;
	v33 =	vsel vm1, s5, v33;
	v32 =	vsel vm5, s19, v32;
	s19 =	rddreg [dreg:$0x1d]  }
0x21f: {  	v48 =	vsel vm2, s7, v33;
	s7 =	sld [smem:$0x7F6];
	v32 =	vsel vm15, s6, v32  }
0x220: {  	s0 =	sshra.s32 s0, $0x5;
	s11 =	sshra.s32 s13, $0x5;
	s5 =	sshrl.u32 s19, $0x1F;
	v32 =	vsel vm6, s9, v32  }
0x221: {  	v31 =	vsel vm4, s4, v31;
	v34 =	vsel vm4, s0, v29;
	s4 =	sshra.s32 s19, $0x5;
	s19 =	sld [smem:$0x7F7];
	s15 =	sshrl.u32 s14, $0x1F;
	v49 =	vsel vm9, s10, v32  }
0x222: {  	v35 =	vsel vm4, s8, v48;
	s8 =	sshrl.u32 s7, $0x1F;
	v50 =	vmov s15;
	v29 =	vsel vm7, s11, v49;
	s11 =	rddreg [dreg:$0x1f]  }
0x223: {  	s18 =	sshra.s32 s13, $0x1F;
	v51 =	vmov s8;
	s8 =	rddreg [dreg:$0x1c];
	v32 =	vsel vm1, s5, v50;
	s10 =	sshrl.u32 s11, $0x1F  }
0x224: {  	s9 =	sshra.s32 s12, $0x5;
	v29 =	vsel vm3, s18, v29;
	s12 =	sshrl.u32 s8, $0x1F;
	s18 =	sld [smem:$0x7F8];
	v32 =	vsel vm2, s10, v32  }
0x225: {  	v37 =	vsel vm8, s9, v29;
	v29 =	vsel vm4, s12, v32;
	s12 =	sld [smem:$0x7F9]  }
0x226: {  	s9 =	rddreg [dreg:$0x1e]  }
0x227: {  	s1 =	sshra.s32 s14, $0x5;
	s13 =	sshrl.u32 s19, $0x1F;
	v33 =	vnsel vm11, $0x0, v51;
	s14 =	sshrl.u32 s9, $0x1F  }
0x228: {  	v52 =	vsel vm1, s13, v33;
	s15 =	sshrl.u32 s18, $0x1F;
	v53 =	vmov s14;
	s14 =	sld [smem:$0x7FA];
	s0 =	sshra.s32 s12, $0x1F  }
0x229: {  	v32 =	vsel vm2, s15, v52;
	s15 =	sshra.s32 s7, $0x5;
	v36 =	vmov s0;
	s0 =	rddreg [dreg:$0x1a]  }
0x22a: {  	v36 =	vsel vm11, s15, v36;
	s15 =	sld [smem:$0x7FB]  }
0x22b: {  	s2 =	sshra.s32 s7, $0x1F;
	s7 =	rddreg [dreg:$0x1b];
	s10 =	sshrl.u32 s0, $0x1F  }
0x22c: {  	s13 =	sshrl.u32 s14, $0x1F;
	v33 =	vsel vm1, s10, v53;
	s10 =	sshrl.u32 s7, $0x1F  }
0x22d: {  	v32 =	vsel vm4, s13, v32;
	v33 =	vsel vm2, s10, v33;
	s10 =	rddreg [dreg:$0x19];
	s13 =	sshrl.u32 s15, $0x1F  }
0x22e: {  	v36 =	vsel vm10, s2, v36;
	s2 =	sshrl.u32 s10, $0x1F;
	v32 =	vsel vm5, s13, v32;
	s13 =	sld [smem:$0x7FC]  }
0x22f: {  	v33 =	vsel vm4, s2, v33;
	s2 =	sshra.s32 s11, $0x5;
	s11 =	sld [smem:$0x7FD]  }
0x230: {  	s6 =	sshra.s32 s19, $0x5;
	v38 =	vmov s1;
	s1 =	sshra.s32 s8, $0x5;
	s8 =	sshrl.u32 s12, $0x1F  }
0x231: {  	v38 =	vsel vm1, s4, v38;
	s4 =	sshra.s32 s0, $0x5;
	v36 =	vsel vm1, s6, v36;
	s6 =	sshra.s32 s10, $0x5;
	s5 =	sshrl.u32 s13, $0x1F  }
0x232: {  	s10 =	sshra.s32 s14, $0x5;
	v32 =	vsel vm6, s5, v32;
	s5 =	sshra.s32 s19, $0x1F;
	s19 =	sshrl.u32 s11, $0x1F  }
0x233: {  	s0 =	sshra.s32 s15, $0x1F;
	v38 =	vsel vm2, s2, v38;
	s2 =	sshra.s32 s7, $0x5;
	v32 =	vsel vm7, s19, v32;
	v36 =	vsel vm12, s5, v36;
	s19 =	sshra.s32 s18, $0x5  }
0x234: {  	(v2sf) =	vpush v9, $0x3;
	s7 =	sshra.s32 s11, $0x1F;
	v32 =	vsel vm8, s8, v32;
	v36 =	vsel vm2, s19, v36;
	s8 =	sshra.s32 s9, $0x5;
	s9 =	sshra.s32 s18, $0x1F  }
0x235: {  	(v2sf) =	vpush v9, $0x4;
	v39 =	vld [tilespmem:$0x2A70];
	s18 =	sshra.s32 s14, $0x1F;
	s19 =	sshra.s32 s15, $0x5;
	s15 =	rddreg [dreg:$0x16];
	v40 =	vsel vm13, s9, v36  }
0x236: {  	v36 =	vsel vm4, s1, v38;
	v55 =	vmov s8;
	s9 =	sshra.s32 s13, $0x5;
	s13 =	sshra.s32 s13, $0x1F;
	s1 =	rddreg [dreg:$0x14];
	v54 =	vsel vm4, s10, v40  }
0x237: {  	(v2sf) =	vpush v9, $0x5;
	s10 =	sshra.s32 s11, $0x5;
	v40 =	vsel vm1, s4, v55;
	s11 =	sshra.s32 s12, $0x5;
	v38 =	vsel vm14, s18, v54;
	s18 =	rddreg [dreg:$0x17]  }
0x238: {  	(v2sf) =	vpush v9, $0x6;
	s12 =	sshrl.u32 s15, $0x1F;
	s4 =	sshra.s32 s15, $0x5;
	v56 =	vsel vm2, s2, v40;
	s2 =	rddreg [dreg:$0x13]  }
0x239: {  	(v2sf) =	vpush v9, $0x7;
	v12 =	vcombine.low v12, v10;
	v38 =	vsel vm5, s19, v38;
	s19 =	sshrl.u32 s18, $0x1F;
	s8 =	sshra.s32 s18, $0x5;
	s18 =	rddreg [dreg:$0x15]  }
0x23a: {  	v8 =	vadd.s32 v8, v39;
	s14 =	sshrl.u32 s1, $0x1F;
	s5 =	sshra.s32 s1, $0x5;
	v39 =	vsel vm4, s6, v56;
	s6 =	rddreg [dreg:$0xf];
	v38 =	vsel vm15, s0, v38  }
0x23b: {  	v12 =	vperm.xlane v12, v0;
	s15 =	sshrl.u32 s2, $0x1F;
	s1 =	sshra.s32 s2, $0x5;
	v57 =	vmov s19;
	s19 =	rddreg [dreg:$0x12];
	v38 =	vsel vm6, s9, v38  }
0x23c: {  	v11 =	vperm.xlane v11, v1;
	s2 =	sshra.s32 s18, $0x5;
	v40 =	vsel vm1, s12, v57;
	s9 =	sshra.s32 s19, $0x5;
	s12 =	sshrl.u32 s6, $0x1F;
	v38 =	vsel vm9, s13, v38  }
0x23d: {  	v15 =	vcombine.low v16, v62;
	v14 =	vperm.xlane v63, v1;
	s6 =	sshra.s32 s6, $0x5;
	s13 =	sshrl.u32 s18, $0x1F;
	s18 =	rddreg [dreg:$0x18];
	v38 =	vsel vm7, s10, v38  }
0x23e: {  	(v2sf) =	vpush v8, $0xD;
	v45 =	vmov s9;
	s10 =	sshrl.u32 s19, $0x1F;
	s0 =	sshrl.u32 s18, $0x1F;
	v38 =	vsel vm3, s7, v38;
	s7 =	rddreg [dreg:$0x10]  }
0x23f: {  	(v2sf) =	vpush v8, $0xC;
	s19 =	sshra.s32 s31, $0x1F;
	v45 =	vsel vm1, s2, v45;
	s2 =	sshrl.u32 s26, $0x1F;
	v41 =	vmov s0;
	s0 =	rddreg [dreg:$0x11]  }
0x240: {  	v40 =	vsel vm2, s14, v40;
	v43 =	vmov s19;
	s19 =	sshra.s32 s18, $0x5;
	v58 =	vsel vm2, s6, v45;
	s6 =	sshrl.u32 s25, $0x1F;
	s14 =	sshrl.u32 s7, $0x1F  }
0x241: {  	v40 =	vsel vm4, s15, v40;
	v42 =	vmov s10;
	v38 =	vsel vm8, s11, v38;
	s7 =	sshra.s32 s7, $0x5;
	s15 =	sshrl.u32 s0, $0x1F;
	s11 =	sshra.s32 s18, $0x1F  }
0x242: {  	(v2sf) =	vpush v8, $0xE;
	v41 =	vnsel vm11, $0x0, v41;
	s18 =	sshrl.u32 s17, $0x1F;
	v42 =	vsel vm1, s13, v42;
	s10 =	sshra.s32 s0, $0x5;
	s13 =	sshra.s32 s0, $0x1F  }
0x243: {  	v63 =	vld [tilespmem:$0x1FFF0];
	(v2sf) =	vpush v8, $0xF;
	v43 =	vsel vm11, s19, v43;
	s19 =	smov.u32 s16;
	s16 =	sshrl.u32 s16, $0x1F;
	s0 =	rddreg [dreg:$0xd];
	v41 =	vsel vm1, s15, v41  }
0x244: {  	v43 =	vsel vm10, s11, v43;
	s11 =	sshra.s32 s17, $0x5;
	s15 =	sshra.s32 s17, $0x1F;
	v42 =	vsel vm2, s12, v42;
	v41 =	vsel vm2, s18, v41;
	s18 =	rddreg [dreg:$0xe]  }
0x245: {  	v43 =	vsel vm1, s10, v43;
	s10 =	sshra.s32 s19, $0x5;
	v42 =	vsel vm4, s14, v42;
	s14 =	sshra.s32 s0, $0x1F;
	v41 =	vsel vm4, s16, v41;
	s17 =	sshrl.u32 s18, $0x1F  }
0x246: {  	(v2sf) =	vpush v8, $0x9;
	s16 =	sshra.s32 s19, $0x1F;
	s19 =	sshrl.u32 s0, $0x1F;
	v43 =	vsel vm12, s13, v43;
	s12 =	sshra.s32 s18, $0x5;
	v41 =	vsel vm5, s17, v41  }
0x247: {  	v15 =	vperm.xlane v15, v0;
	s13 =	sshra.s32 s18, $0x1F;
	v43 =	vsel vm2, s11, v43;
	s11 =	spop (v2sf);
	v41 =	vsel vm6, s19, v41;
	s19 =	rddreg [dreg:$0xc]  }
0x248: {  	vm0 =	vnez.u8 v63;
	v44 =	vmov s8;
	v43 =	vsel vm13, s15, v43;
	s15 =	smulhi.u32 $0x30C30C31, s11;
	s8 =	sshra.s32 s11, $0x1F;
	s18 =	sshrl.u32 s19, $0x1F  }
0x249: {  	v11 =	vsel vm0, v11, v12;
	s17 =	sshrl.u32 s31, $0x1F;
	v43 =	vsel vm4, s10, v43;
	s10 =	sshra.s32 s19, $0x5;
	s8 =	smul.u32 $0x30C30C31, s8;
	v41 =	vsel vm7, s18, v41  }
0x24a: {  	v44 =	vsel vm1, s4, v44;
	s18 =	sshra.s32 s0, $0x5;
	s0 =	smov.u32 s19;
	v43 =	vsel vm14, s16, v43;
	v41 =	vsel vm8, s17, v41;
	s17 =	spop (v2sf)  }
0x24b: {  	v14 =	vsel vm0, v14, v15;
	v44 =	vsel vm2, s5, v44;
	s4 =	sshra.s32 s0, $0x1F;
	v43 =	vsel vm5, s12, v43;
	s0 =	sshrl.u32 s29, $0x1F;
	s19 =	spop (v2sf)  }
0x24c: {  	v45 =	vsel vm4, s7, v58;
	(v2sf) =	vpush v8, $0x8;
	s5 =	smulhi.u32 $0x30C30C31, s17;
	s17 =	sshra.s32 s17, $0x1F;
	v43 =	vsel vm15, s13, v43;
	s13 =	sshra.s32 s31, $0x5  }
0x24d: {  	(v2sf) =	vpush v8, $0xA;
	s31 =	sshrl.u32 s30, $0x1F;
	v47 =	vmov s0;
	s0 =	sshrl.u32 s20, $0x1F;
	s17 =	smul.u32 $0x30C30C31, s17;
	v46 =	vsel vm6, s18, v43  }
0x24e: {  	s16 =	spop (v2sf);
	(v2sf) =	vpush v8, $0xB;
	v43 =	vsel vm4, s1, v44;
	s1 =	sshrl.u32 s28, $0x1F;
	s18 =	smulhi.u32 $0x30C30C31, s19;
	v46 =	vsel vm9, s14, v46  }
0x24f: {  	v60 =	vmov s31;
	s31 =	rddreg [dreg:$0xb];
	s12 =	spop (v2sf);
	(v2sf) =	vpush v8, $0x0;
	s14 =	sshrl.u32 s22, $0x1F;
	v59 =	vsel vm7, s10, v46  }
0x250: {  	s11 =	spop (v2sf);
	(v2sf) =	vpush v8, $0x1;
	v46 =	vsel vm1, s2, v60;
	v44 =	vsel vm3, s4, v59;
	s4 =	sshra.s32 s19, $0x1F;
	s19 =	sshrl.u32 s24, $0x1F  }
0x251: {  	s7 =	sshrl.u32 s31, $0x1F;
	s10 =	sshrl.u32 s21, $0x1F;
	v47 =	vsel vm1, s14, v47;
	s9 =	spop (v2sf);
	v46 =	vsel vm2, s1, v46;
	v48 =	vmov s19  }
0x252: {  	v44 =	vsel vm8, s13, v44;
	s2 =	smul.u32 $0x30C30C31, s4;
	s13 =	sshrl.u32 s23, $0x1F;
	v46 =	vsel vm4, s6, v46;
	s6 =	sadd.s32 s8, s15;
	v48 =	vnsel vm11, $0x0, v48  }
0x253: {  	v47 =	vsel vm2, s10, v47;
	(v2sf) =	vpush v8, $0x2;
	s8 =	smulhi.u32 $0x30C30C31, s16;
	s19 =	sshra.s32 s16, $0x1F;
	s14 =	spop (v2sf);
	v61 =	vsel vm1, s0, v48  }
0x254: {  	v10 =	vsel vm4, s7, v47;
	(v2sf) =	vpush v8, $0x3;
	s10 =	smul.u32 $0x30C30C31, s19;
	s15 =	spop (v2sf);
	s16 =	sshrl.u32 s6, $0x1F;
	v47 =	vsel vm2, s13, v61  }
0x255: {  	v14 =	vadd.s32 v11, v14;
	s19 =	sshra.s32 s30, $0x5;
	s0 =	smulhi.u32 $0x30C30C31, s12;
	v62 =	vsel vm4, s16, v47;
	s16 =	spop (v2sf);
	(v2sf) =	vpush v8, $0x4  }
0x256: {  	v14 =	vmul.u32 $0xA8, v14;
	v13 =	vcombine.low v17, v13;
	s12 =	sshra.s32 s12, $0x1F;
	v48 =	vmov s19;
	s19 =	sshra.s32 s29, $0x5;
	s29 =	smulhi.u32 $0x30C30C31, s11  }
0x257: {  	s4 =	sadd.s32 s17, s5;
	s11 =	sshra.s32 s11, $0x1F;
	s7 =	smul.u32 $0x30C30C31, s12  }
0x258: {  	v2 =	vsub.s32 v2, v14;
	v18 =	vperm.xlane v18, v1;
	v13 =	vperm.xlane v13, v0;
	s17 =	sshrl.u32 s4, $0x1F;
	s5 =	sadd.s32 s2, s18;
	s11 =	smul.u32 $0x30C30C31, s11  }
0x259: {  	v63 =	vperm.xlane v30, v1;
	v55 =	vcombine.low v25, v22;
	s2 =	sadd.s32 s10, s8;
	s18 =	sshrl.u32 s5, $0x1F;
	v51 =	vmov s19;
	s19 =	smulhi.u32 $0x30C30C31, s15  }
0x25a: {  	v13 =	vsel vm0, v18, v13;
	v52 =	vcombine.low v21, v19;
	v33 =	vcombine.low v33, v29;
	s30 =	sshrl.u32 s2, $0x1F;
	s1 =	sadd.s32 s7, s0;
	s0 =	sshra.s32 s26, $0x5  }
0x25b: {  	v14 =	vperm.xlane v55, v0;
	v56 =	vperm.xlane v23, v1;
	v16 =	vsel vm5, s17, v62;
	s17 =	sshra.s32 s28, $0x5;
	s26 =	sshra.s32 s24, $0x5;
	s28 =	sshra.s32 s24, $0x1F  }
0x25c: {  	v54 =	vperm.xlane v20, v1;
	v57 =	vcombine.low v28, v27;
	s24 =	sshra.s32 s23, $0x5;
	v16 =	vsel vm6, s18, v16;
	s10 =	sshrl.u32 s1, $0x1F;
	s18 =	sshra.s32 s25, $0x5  }
0x25d: {  	v23 =	vperm.xlane v37, v1;
	v14 =	vsel vm0, v56, v14;
	v50 =	vsel vm1, s0, v48;
	s25 =	sshra.s32 s1, $0x1F;
	s0 =	sshra.s32 s20, $0x5;
	s13 =	spop (v2sf)  }
0x25e: {  	v19 =	vperm.xlane v57, v0;
	v58 =	vadd.s32 $0xA8, v2;
	s20 =	sshra.s32 s20, $0x1F;
	v49 =	vsel vm7, s30, v16;
	s30 =	sshra.s32 s22, $0x5;
	s12 =	spop (v2sf)  }
0x25f: {  	v37 =	vcombine.low v42, v40;
	v53 =	vmov s25;
	s22 =	smulhi.u32 $0x30C30C31, s9;
	s9 =	sshra.s32 s9, $0x1F;
	v12 =	vsel vm8, s10, v49;
	s10 =	spop (v2sf)  }
0x260: {  	v40 =	vperm.xlane v32, v1;
	vm9 =	vlt.s32 v2, $0x0;
	v17 =	vsel vm11, s26, v53;
	s25 =	smul.u32 $0x30C30C31, s9;
	s9 =	sadd.s32 s11, s29;
	s8 =	spop (v2sf)  }
0x261: {  	v42 =	vperm.xlane v38, v1;
	v2 =	vsel vm9, v58, v2;
	v17 =	vsel vm10, s28, v17;
	s28 =	smulhi.u32 $0x30C30C31, s14;
	s14 =	sshra.s32 s14, $0x1F;
	s7 =	spop (v2sf)  }
0x262: {  	v15 =	vsel vm1, s30, v51;
	s30 =	sshra.s32 s15, $0x1F;
	v17 =	vsel vm1, s0, v17;
	s29 =	smul.u32 $0x30C30C31, s14;
	(v2sf) =	vpush v8, $0x5;
	s14 =	spop (v2sf)  }
0x263: {  	v59 =	vperm.xlane v24, v1;
	s15 =	sadd.s32 s25, s22;
	s25 =	smulhi.u32 $0x30C30C31, s16;
	v17 =	vsel vm12, s20, v17;
	(v2sf) =	vpush v8, $0x6;
	s11 =	spop (v2sf)  }
0x264: {  	s21 =	sshra.s32 s21, $0x5;
	v11 =	vsel vm2, s17, v50;
	v17 =	vsel vm2, s24, v17;
	s24 =	smul.u32 $0x30C30C31, s30;
	s0 =	spop (v2sf);
	(v2sf) =	vpush v8, $0x7  }
0x265: {  	v60 =	vcombine.low v31, v26;
	v61 =	vsel vm0, v59, v19;
	v11 =	vsel vm4, s18, v11;
	s26 =	sshra.s32 s23, $0x1F;
	s18 =	sadd.s32 s29, s28;
	s28 =	smulhi.u32 $0x30C30C31, s13  }
0x266: {  	v10 =	vcombine.low v10, v46;
	v14 =	vadd.s32 v14, v61;
	v62 =	vcombine.low v35, v34;
	s23 =	sshra.s32 s6, $0x5;
	s16 =	sshra.s32 s16, $0x1F;
	s30 =	smulhi.u32 $0x30C30C31, s12  }
0x267: {  	v35 =	vcombine.low v39, v36;
	v15 =	vsel vm2, s21, v15;
	s21 =	sshra.s32 s31, $0x5;
	s29 =	sshra.s32 s13, $0x1F;
	v17 =	vsel vm13, s26, v17;
	s26 =	smul.u32 $0x30C30C31, s16  }
0x268: {  	v10 =	vperm.xlane v10, v0;
	v14 =	vmul.u32 $0xA8, v14;
	v16 =	vperm.xlane v52, v0;
	s31 =	sshra.s32 s12, $0x1F;
	s17 =	smul.u32 $0x30C30C31, s29;
	s29 =	sshrl.u32 s18, $0x1F  }
0x269: {  	v22 =	vperm.xlane v62, v0;
	v19 =	vperm.xlane v35, v0;
	s18 =	sshra.s32 s18, $0x5;
	v17 =	vsel vm4, s23, v17;
	s23 =	sshra.s32 s6, $0x1F;
	s13 =	sadd.s32 s24, s19  }
0x26a: {  	v4 =	vsub.s32 v4, v14;
	v50 =	vperm.xlane v37, v0;
	v49 =	vcombine.low v45, v43;
	s19 =	sshra.s32 s4, $0x5;
	s24 =	sshrl.u32 s15, $0x1F;
	s22 =	smulhi.u32 $0x30C30C31, s7  }
0x26b: {  	v51 =	vperm.xlane v41, v1;
	v16 =	vsel vm0, v54, v16;
	v25 =	vsel vm0, v23, v22;
	s7 =	sshra.s32 s7, $0x1F;
	s6 =	sadd.s32 s26, s25;
	s25 =	smul.u32 $0x30C30C31, s31  }
0x26c: {  	v48 =	vsel vm0, v42, v19;
	v12 =	vperm.xlane v12, v1;
	v13 =	vadd.s32 v13, v16;
	s15 =	sshra.s32 s15, $0x5;
	s12 =	sadd.s32 s17, s28;
	s28 =	smulhi.u32 $0x30C30C31, s10  }
0x26d: {  	v16 =	vperm.xlane v60, v0;
	v13 =	vmul.u32 $0xA8, v13;
	s4 =	sshra.s32 s4, $0x1F;
	s10 =	sshra.s32 s10, $0x1F;
	v26 =	vmov s24;
	s24 =	smulhi.u32 $0x30C30C31, s8  }
0x26e: {  	v54 =	vperm.xlane v44, v1;
	v15 =	vsel vm4, s21, v15;
	v19 =	vperm.xlane v49, v0;
	s31 =	sshrl.u32 s9, $0x1F;
	s8 =	sshra.s32 s8, $0x1F;
	s7 =	smul.u32 $0x30C30C31, s7  }
0x26f: {  	v10 =	vsel vm0, v12, v10;
	v24 =	vsel vm0, v63, v16;
	v3 =	vsub.s32 v3, v13;
	s9 =	sshra.s32 s9, $0x5;
	s26 =	sshrl.u32 s12, $0x1F;
	s10 =	smul.u32 $0x30C30C31, s10  }
0x270: {  	v13 =	vadd.s32 v24, v25;
	v17 =	vsel vm14, s23, v17;
	s23 =	sshrl.u32 s6, $0x1F;
	v16 =	vsel vm1, s31, v26;
	s31 =	smul.u32 $0x30C30C31, s8;
	s12 =	sshra.s32 s12, $0x5  }
0x271: {  	v11 =	vcombine.low v15, v11;
	v19 =	vsel vm0, v54, v19;
	v13 =	vmul.u32 $0xA8, v13;
	s17 =	sadd.s32 s25, s30;
	s16 =	sadd.s32 s10, s28;
	s10 =	spop (v2sf)  }
0x272: {  	vm9 =	vlt.s32 v3, $0x0;
	v39 =	vmov s15;
	v27 =	vmov s26;
	s26 =	smulhi.u32 $0x30C30C31, s14;
	s14 =	sshra.s32 s14, $0x1F;
	s8 =	spop (v2sf)  }
0x273: {  	v13 =	vsub.s32 v5, v13;
	v5 =	vsel vm2, s29, v16;
	v18 =	vsel vm1, s23, v27;
	s30 =	sshrl.u32 s17, $0x1F;
	s14 =	smul.u32 $0x30C30C31, s14;
	s29 =	spop (v2sf)  }
0x274: {  	v28 =	vadd.s32 $0xA8, v3;
	v22 =	vsel vm1, s9, v39;
	s6 =	sshra.s32 s6, $0x5;
	v31 =	vsel vm2, s30, v18;
	s30 =	smulhi.u32 $0x30C30C31, s29;
	s9 =	sshra.s32 s29, $0x1F  }
0x275: {  	v11 =	vperm.xlane v11, v0;
	v3 =	vsel vm9, v28, v3;
	vm9 =	vlt.s32 v4, $0x0;
	s22 =	sadd.s32 s7, s22;
	s20 =	sadd.s32 s31, s24;
	s31 =	smul.u32 $0x30C30C31, s9  }
0x276: {  	v30 =	vsel vm5, s19, v17;
	v17 =	vperm.xlane v33, v0;
	vm10 =	vlt.s32 v13, $0x0;
	s23 =	sshrl.u32 s13, $0x1F;
	s28 =	smulhi.u32 $0x30C30C31, s11;
	s11 =	sshra.s32 s11, $0x1F  }
0x277: {  	v36 =	vadd.s32 $0xA8, v13;
	v22 =	vsel vm2, s18, v22;
	v53 =	vmov s12;
	s13 =	sshra.s32 s13, $0x5;
	s19 =	sshra.s32 s17, $0x5;
	s7 =	sadd.s32 s31, s30  }
0x278: {  	v14 =	vsel vm15, s4, v30;
	v47 =	vsel vm0, v40, v17;
	v17 =	vsel vm0, v51, v50;
	s24 =	sshrl.u32 s22, $0x1F;
	s25 =	sshrl.u32 s16, $0x1F;
	s15 =	sshra.s32 s7, $0x1F  }
0x279: {  	v34 =	vsel vm4, s23, v5;
	v5 =	vadd.s32 $0xA8, v4;
	s11 =	smul.u32 $0x30C30C31, s11;
	s18 =	sshra.s32 s20, $0x5;
	s21 =	sshra.s32 s20, $0x1F;
	v55 =	vmov s15  }
0x27a: {  	s23 =	sshrl.u32 s20, $0x1F;
	s16 =	sshra.s32 s16, $0x5;
	v5 =	vsel vm9, v5, v4;
	s14 =	sadd.s32 s14, s26;
	vm9 =	vcmask $0x704;
	v24 =	vsel vm11, s18, v55  }
0x27b: {  	v52 =	vsel vm4, s13, v22;
	v16 =	vsel vm4, s25, v31;
	s25 =	sshra.s32 s22, $0x5;
	s26 =	sshrl.u32 s14, $0x1F;
	s20 =	smulhi.u32 $0x30C30C31, s8;
	v57 =	vsel vm9, s21, v24  }
0x27c: {  	v22 =	vsel vm1, s6, v53;
	v4 =	vsel vm10, v36, v13;
	s8 =	sshra.s32 s8, $0x1F;
	s9 =	sadd.s32 s11, s28;
	s28 =	sshra.s32 s22, $0x1F;
	v58 =	vsel vm1, s25, v57  }
0x27d: {  	v13 =	vadd.s32 v47, v48;
	v56 =	vsel vm2, s19, v22;
	s29 =	smulhi.u32 $0x30C30C31, s0;
	s0 =	sshra.s32 s0, $0x1F;
	s30 =	sshra.s32 s14, $0x5;
	v12 =	vsel vm12, s28, v58  }
0x27e: {  	v60 =	vmov s23;
	v59 =	vsel vm4, s16, v56;
	s0 =	smul.u32 $0x30C30C31, s0;
	s19 =	sshra.s32 s9, $0x5;
	s14 =	sshra.s32 s14, $0x1F;
	v12 =	vsel vm2, s30, v12  }
0x27f: {  	v16 =	vcombine.low v16, v34;
	v18 =	vnsel vm11, $0x0, v60;
	s31 =	sshrl.u32 s9, $0x1F;
	s18 =	smulhi.u32 $0x30C30C31, s10;
	s10 =	sshra.s32 s10, $0x1F;
	v12 =	vsel vm13, s14, v12  }
0x280: {  	v15 =	vcombine.low v59, v52;
	v18 =	vsel vm1, s24, v18;
	s0 =	sadd.s32 s0, s29;
	s9 =	sshra.s32 s9, $0x1F;
	s10 =	smul.u32 $0x30C30C31, s10;
	v12 =	vsel vm4, s19, v12  }
0x281: {  	v13 =	vmul.u32 $0xA8, v13;
	v18 =	vsel vm2, s26, v18;
	s8 =	smul.u32 $0x30C30C31, s8;
	s21 =	sshra.s32 s0, $0x5;
	v12 =	vsel vm14, s9, v12  }
0x282: {  	v16 =	vperm.xlane v16, v0;
	v61 =	vperm.xlane v15, v0;
	s11 =	sshra.s32 s5, $0x5;
	s22 =	sshra.s32 s0, $0x1F;
	s10 =	sadd.s32 s10, s18;
	v12 =	vsel vm5, s21, v12  }
0x283: {  	s6 =	sshra.s32 s2, $0x5;
	s5 =	sshra.s32 s5, $0x1F;
	v14 =	vsel vm6, s11, v14;
	vm1 =	vcmask $0x2F2C;
	s23 =	sshra.s32 s10, $0x5;
	v12 =	vsel vm15, s22, v12  }
0x284: {  	s4 =	sadd.s32 s8, s20;
	v18 =	vsel vm4, s31, v18;
	s0 =	sshrl.u32 s0, $0x1F;
	v14 =	vsel vm1, s5, v14;
	s25 =	sshra.s32 s10, $0x1F;
	v12 =	vsel vm6, s23, v12  }
0x285: {  	s2 =	sshra.s32 s2, $0x1F;
	v18 =	vsel vm5, s0, v18;
	s28 =	sshra.s32 s4, $0x5;
	v14 =	vsel vm7, s6, v14;
	s24 =	sshrl.u32 s10, $0x1F;
	v12 =	vsel vm1, s25, v12  }
0x286: {  	s1 =	sshra.s32 s1, $0x5;
	s26 =	sshrl.u32 s4, $0x1F;
	s30 =	sshra.s32 s4, $0x1F;
	v14 =	vsel vm3, s2, v14;
	v18 =	vsel vm6, s24, v18;
	v12 =	vsel vm7, s28, v12  }
0x287: {  	s29 =	sshrl.u32 s7, $0x1F;
	s31 =	sshra.s32 s7, $0x5;
	v14 =	vsel vm8, s1, v14;
	v18 =	vsel vm7, s26, v18;
	v12 =	vsel vm3, s30, v12  }
0x288: {  	v14 =	vperm.xlane v14, v1;
	v18 =	vsel vm8, s29, v18;
	v12 =	vsel vm8, s31, v12  }
0x289: {  	v62 =	vadd.s32 v17, v19;
	v18 =	vperm.xlane v18, v1;
	v12 =	vperm.xlane v12, v1  }
0x28a: {  	v6 =	vsub.s32 v6, v13;
	v13 =	vmul.u32 $0xA8, v62;
	v11 =	vsel vm0, v14, v11  }
0x28b: {  	v10 =	vadd.s32 v10, v11;
	v11 =	vsel vm0, v18, v16;
	v12 =	vsel vm0, v12, v61  }
0x28c: {  	v63 =	vsub.s32 v7, v13;
	v10 =	vmul.u32 $0xA8, v10;
	v11 =	vadd.s32 v11, v12  }
0x28d: {  	v7 =	vadd.s32 $0xA8, v6;
	vm9 =	vlt.s32 v6, $0x0;
	v11 =	vmul.u32 $0xA8, v11  }
0x28e: {  	v7 =	vsel vm9, v7, v6;
	vm9 =	vlt.s32 v63, $0x0;
	v6 =	vsub.s32 v9, v10  }
0x28f: {  	s12 =	simm.s32 $0x400;
	s11 =	rddreg [dreg:$0x8];
	v9 =	vadd.s32 $0xA8, v63;
	vm10 =	vlt.s32 v6, $0x0;
	v10 =	vsub.s32 v8, v11  }
0x290: {  	s13 =	simm.s32 $0x8000;
	s15 =	simm.s32 $0x4B00;
	s10 =	rddreg [dreg:$0x7];
	v8 =	vadd.s32 $0xA8, v6;
	vm11 =	vlt.s32 v10, $0x0;
	v11 =	vadd.s32 $0xA8, v10  }
0x291: {  	s14 =	simm.s32 $0x2B00;
	s19 =	simm.s32 $0x0;
	s9 =	rddreg [dreg:$0x2];
	v9 =	vsel vm9, v9, v63;
	v8 =	vsel vm10, v8, v6;
	v6 =	vsel vm11, v11, v10  }
.LBB2_2:
0x292: {  	s0 =	simm.s32 $0x0  }
0x293: {  	p0 =	seq.s32 s19, $0x0;
	v10 =	vadd.s32 s0, v2  }
0x294: {  	s1 =	simm.s32 @!p0 $0x1  }
0x295: {  	s2 =	simm.s32 $0x540;
	_ =	swait.ge @!p0 [sflag:s1], $0x2000  }
0x296: {  	v11 =	vadd.s32 s2, v2;
	[sflag:s1] =	ssyncset.done @!p0 $0x0  }
0x297: {  	[sflag:s1] =	ssyncadd.s32 @!p0 $0xFFFFE000  }
0x298: {  	v10 =	vld.idx.msk [tilespmem:v10+s3+$0x0], $0xffff  }
0x299: {  	v12 =	vadd.s32 s0, v3;
	_ =	sdelay $0x1  }
0x29a: {  	v11 =	vld.idx.msk [tilespmem:v11+s3+$0x0], $0xffff  }
0x29b: {  	s20 =	simm.s32 $0x2F00;
	v13 =	vadd.s32 s2, v3  }
0x29c: {  	[tilespmem:s20+$0xFFFFFC00] =	vst v10  }
0x29d: {  	v10 =	vld.idx.msk [tilespmem:v12+s3+$0x0], $0xffff  }
0x29e: {  	v12 =	vadd.s32 s0, v5  }
0x29f: {  	[tilespmem:s20+$0x0] =	vst v11  }
0x2a0: {  	v11 =	vld.idx.msk [tilespmem:v13+s3+$0x0], $0xffff  }
0x2a1: {  	v13 =	vadd.s32 s2, v5  }
0x2a2: {  	[tilespmem:s20+$0xFFFFFC10] =	vst v10  }
0x2a3: {  	v10 =	vld.idx.msk [tilespmem:v12+s3+$0x0], $0xffff  }
0x2a4: {  	v12 =	vadd.s32 s0, v4  }
0x2a5: {  	[tilespmem:s20+$0x10] =	vst v11  }
0x2a6: {  	v11 =	vld.idx.msk [tilespmem:v13+s3+$0x0], $0xffff  }
0x2a7: {  	v13 =	vadd.s32 s2, v4  }
0x2a8: {  	[tilespmem:s20+$0xFFFFFC20] =	vst v10  }
0x2a9: {  	v10 =	vld.idx.msk [tilespmem:v12+s3+$0x0], $0xffff  }
0x2aa: {  	v12 =	vadd.s32 s0, v7  }
0x2ab: {  	[tilespmem:s20+$0x20] =	vst v11  }
0x2ac: {  	v11 =	vld.idx.msk [tilespmem:v13+s3+$0x0], $0xffff  }
0x2ad: {  	v13 =	vadd.s32 s2, v7  }
0x2ae: {  	[tilespmem:s20+$0xFFFFFC30] =	vst v10  }
0x2af: {  	v10 =	vld.idx.msk [tilespmem:v12+s3+$0x0], $0xffff  }
0x2b0: {  	v12 =	vadd.s32 s0, v9  }
0x2b1: {  	[tilespmem:s20+$0x30] =	vst v11  }
0x2b2: {  	v11 =	vld.idx.msk [tilespmem:v13+s3+$0x0], $0xffff  }
0x2b3: {  	v13 =	vadd.s32 s2, v9  }
0x2b4: {  	[tilespmem:s20+$0xFFFFFC40] =	vst v10  }
0x2b5: {  	v10 =	vld.idx.msk [tilespmem:v12+s3+$0x0], $0xffff  }
0x2b6: {  	v12 =	vadd.s32 s0, v8  }
0x2b7: {  	[tilespmem:s20+$0x40] =	vst v11  }
0x2b8: {  	v11 =	vld.idx.msk [tilespmem:v13+s3+$0x0], $0xffff  }
0x2b9: {  	v13 =	vadd.s32 s2, v8  }
0x2ba: {  	[tilespmem:s20+$0xFFFFFC50] =	vst v10  }
0x2bb: {  	v10 =	vld.idx.msk [tilespmem:v12+s3+$0x0], $0xffff  }
0x2bc: {  	v12 =	vadd.s32 s0, v6  }
0x2bd: {  	[tilespmem:s20+$0x50] =	vst v11  }
0x2be: {  	v11 =	vld.idx.msk [tilespmem:v13+s3+$0x0], $0xffff  }
0x2bf: {  	v13 =	vadd.s32 s2, v6  }
0x2c0: {  	[tilespmem:s20+$0xFFFFFC60] =	vst v10  }
0x2c1: {  	s21 =	simm.s32 $0xA8;
	v10 =	vld.idx.msk [tilespmem:v12+s3+$0x0], $0xffff  }
0x2c2: {  	v12 =	vadd.s32 s21, v2  }
0x2c3: {  	[tilespmem:s20+$0x60] =	vst v11  }
0x2c4: {  	s22 =	simm.s32 $0x5E8;
	v11 =	vld.idx.msk [tilespmem:v13+s3+$0x0], $0xffff  }
0x2c5: {  	v13 =	vadd.s32 s22, v2  }
0x2c6: {  	[tilespmem:s20+$0xFFFFFC70] =	vst v10  }
0x2c7: {  	v10 =	vld.idx.msk [tilespmem:v12+s3+$0x0], $0xffff  }
0x2c8: {  	v12 =	vadd.s32 s21, v3  }
0x2c9: {  	[tilespmem:s20+$0x70] =	vst v11  }
0x2ca: {  	v11 =	vld.idx.msk [tilespmem:v13+s3+$0x0], $0xffff  }
0x2cb: {  	v13 =	vadd.s32 s22, v3  }
0x2cc: {  	[tilespmem:s20+$0xFFFFFC80] =	vst v10  }
0x2cd: {  	v10 =	vld.idx.msk [tilespmem:v12+s3+$0x0], $0xffff  }
0x2ce: {  	v12 =	vadd.s32 s21, v5  }
0x2cf: {  	[tilespmem:s20+$0x80] =	vst v11  }
0x2d0: {  	v11 =	vld.idx.msk [tilespmem:v13+s3+$0x0], $0xffff  }
0x2d1: {  	v13 =	vadd.s32 s22, v5  }
0x2d2: {  	[tilespmem:s20+$0xFFFFFC90] =	vst v10  }
0x2d3: {  	v10 =	vld.idx.msk [tilespmem:v12+s3+$0x0], $0xffff  }
0x2d4: {  	v12 =	vadd.s32 s21, v4  }
0x2d5: {  	[tilespmem:s20+$0x90] =	vst v11  }
0x2d6: {  	v11 =	vld.idx.msk [tilespmem:v13+s3+$0x0], $0xffff  }
0x2d7: {  	v13 =	vadd.s32 s22, v4  }
0x2d8: {  	[tilespmem:s20+$0xFFFFFCA0] =	vst v10  }
0x2d9: {  	v10 =	vld.idx.msk [tilespmem:v12+s3+$0x0], $0xffff  }
0x2da: {  	v12 =	vadd.s32 s21, v7  }
0x2db: {  	[tilespmem:s20+$0xA0] =	vst v11  }
0x2dc: {  	v11 =	vld.idx.msk [tilespmem:v13+s3+$0x0], $0xffff  }
0x2dd: {  	v13 =	vadd.s32 s22, v7  }
0x2de: {  	[tilespmem:s20+$0xFFFFFCB0] =	vst v10  }
0x2df: {  	v10 =	vld.idx.msk [tilespmem:v12+s3+$0x0], $0xffff  }
0x2e0: {  	v12 =	vadd.s32 s21, v9  }
0x2e1: {  	[tilespmem:s20+$0xB0] =	vst v11  }
0x2e2: {  	v11 =	vld.idx.msk [tilespmem:v13+s3+$0x0], $0xffff  }
0x2e3: {  	v13 =	vadd.s32 s22, v9  }
0x2e4: {  	[tilespmem:s20+$0xFFFFFCC0] =	vst v10  }
0x2e5: {  	v10 =	vld.idx.msk [tilespmem:v12+s3+$0x0], $0xffff  }
0x2e6: {  	v12 =	vadd.s32 s21, v8  }
0x2e7: {  	[tilespmem:s20+$0xC0] =	vst v11  }
0x2e8: {  	v11 =	vld.idx.msk [tilespmem:v13+s3+$0x0], $0xffff  }
0x2e9: {  	v13 =	vadd.s32 s22, v8  }
0x2ea: {  	[tilespmem:s20+$0xFFFFFCD0] =	vst v10  }
0x2eb: {  	v10 =	vld.idx.msk [tilespmem:v12+s3+$0x0], $0xffff  }
0x2ec: {  	v12 =	vadd.s32 s21, v6  }
0x2ed: {  	[tilespmem:s20+$0xD0] =	vst v11  }
0x2ee: {  	v11 =	vld.idx.msk [tilespmem:v13+s3+$0x0], $0xffff  }
0x2ef: {  	v13 =	vadd.s32 s22, v6  }
0x2f0: {  	[tilespmem:s20+$0xFFFFFCE0] =	vst v10  }
0x2f1: {  	s23 =	simm.s32 $0x150;
	v10 =	vld.idx.msk [tilespmem:v12+s3+$0x0], $0xffff  }
0x2f2: {  	v12 =	vadd.s32 s23, v2  }
0x2f3: {  	[tilespmem:s20+$0xE0] =	vst v11  }
0x2f4: {  	s24 =	simm.s32 $0x690;
	v11 =	vld.idx.msk [tilespmem:v13+s3+$0x0], $0xffff  }
0x2f5: {  	v13 =	vadd.s32 s24, v2  }
0x2f6: {  	[tilespmem:s20+$0xFFFFFCF0] =	vst v10  }
0x2f7: {  	v10 =	vld.idx.msk [tilespmem:v12+s3+$0x0], $0xffff  }
0x2f8: {  	v12 =	vadd.s32 s23, v3  }
0x2f9: {  	[tilespmem:s20+$0xF0] =	vst v11  }
0x2fa: {  	v11 =	vld.idx.msk [tilespmem:v13+s3+$0x0], $0xffff  }
0x2fb: {  	v13 =	vadd.s32 s24, v3  }
0x2fc: {  	[tilespmem:s20+$0xFFFFFD00] =	vst v10  }
0x2fd: {  	v10 =	vld.idx.msk [tilespmem:v12+s3+$0x0], $0xffff  }
0x2fe: {  	v12 =	vadd.s32 s23, v5  }
0x2ff: {  	[tilespmem:s20+$0x100] =	vst v11  }
0x300: {  	v11 =	vld.idx.msk [tilespmem:v13+s3+$0x0], $0xffff  }
0x301: {  	s25 =	simm.s32 $0xA80;
	v13 =	vadd.s32 s24, v5  }
0x302: {  	s4 =	simm.s32 $0xFC0;
	v14 =	vadd.s32 s25, v2;
	[tilespmem:s20+$0xFFFFFD10] =	vst v10  }
0x303: {  	v10 =	vadd.s32 s4, v2;
	v12 =	vld.idx.msk [tilespmem:v12+s3+$0x0], $0xffff  }
0x304: {  	v15 =	vadd.s32 s23, v4  }
0x305: {  	[tilespmem:s20+$0x110] =	vst v11  }
0x306: {  	v11 =	vld.idx.msk [tilespmem:v13+s3+$0x0], $0xffff  }
0x307: {  	v14 =	vld.idx.msk [tilespmem:v14+s3+$0x0], $0xffff;
	v13 =	vadd.s32 s24, v4  }
0x308: {  	v16 =	vadd.s32 s25, v3;
	v10 =	vld.idx.msk [tilespmem:v10+s3+$0x0], $0xffff;
	[tilespmem:s20+$0xFFFFFD20] =	vst v12  }
0x309: {  	v12 =	vadd.s32 s4, v3;
	v15 =	vld.idx.msk [tilespmem:v15+s3+$0x0], $0xffff  }
0x30a: {  	v17 =	vadd.s32 s23, v7  }
0x30b: {  	s21 =	simm.s32 $0x3700;
	[tilespmem:s20+$0x120] =	vst v11  }
0x30c: {  	[tilespmem:s21+$0xFFFFFC00] =	vst v14;
	v11 =	vld.idx.msk [tilespmem:v13+s3+$0x0], $0xffff  }
0x30d: {  	v14 =	vld.idx.msk [tilespmem:v16+s3+$0x0], $0xffff;
	v13 =	vadd.s32 s24, v7;
	[tilespmem:s21+$0x0] =	vst v10  }
0x30e: {  	v10 =	vld.idx.msk [tilespmem:v12+s3+$0x0], $0xffff;
	v12 =	vadd.s32 s25, v5;
	[tilespmem:s20+$0xFFFFFD30] =	vst v15  }
0x30f: {  	v15 =	vadd.s32 s4, v5;
	v16 =	vld.idx.msk [tilespmem:v17+s3+$0x0], $0xffff  }
0x310: {  	v17 =	vadd.s32 s23, v9  }
0x311: {  	[tilespmem:s20+$0x130] =	vst v11  }
0x312: {  	[tilespmem:s21+$0xFFFFFC10] =	vst v14;
	v11 =	vld.idx.msk [tilespmem:v13+s3+$0x0], $0xffff  }
0x313: {  	v13 =	vadd.s32 s24, v9;
	v12 =	vld.idx.msk [tilespmem:v12+s3+$0x0], $0xffff;
	[tilespmem:s21+$0x10] =	vst v10  }
0x314: {  	v14 =	vadd.s32 s25, v4;
	v10 =	vld.idx.msk [tilespmem:v15+s3+$0x0], $0xffff;
	[tilespmem:s20+$0xFFFFFD40] =	vst v16  }
0x315: {  	v15 =	vadd.s32 s4, v4;
	v16 =	vld.idx.msk [tilespmem:v17+s3+$0x0], $0xffff  }
0x316: {  	v17 =	vadd.s32 s23, v8  }
0x317: {  	[tilespmem:s20+$0x140] =	vst v11  }
0x318: {  	v11 =	vld.idx.msk [tilespmem:v13+s3+$0x0], $0xffff;
	[tilespmem:s21+$0xFFFFFC20] =	vst v12  }
0x319: {  	v12 =	vadd.s32 s24, v8;
	v13 =	vld.idx.msk [tilespmem:v14+s3+$0x0], $0xffff;
	[tilespmem:s21+$0x20] =	vst v10  }
0x31a: {  	v14 =	vadd.s32 s25, v7;
	v10 =	vld.idx.msk [tilespmem:v15+s3+$0x0], $0xffff;
	[tilespmem:s20+$0xFFFFFD50] =	vst v16  }
0x31b: {  	v15 =	vadd.s32 s4, v7;
	v16 =	vld.idx.msk [tilespmem:v17+s3+$0x0], $0xffff  }
0x31c: {  	v17 =	vadd.s32 s23, v6  }
0x31d: {  	[tilespmem:s20+$0x150] =	vst v11  }
0x31e: {  	v11 =	vld.idx.msk [tilespmem:v12+s3+$0x0], $0xffff;
	[tilespmem:s21+$0xFFFFFC30] =	vst v13  }
0x31f: {  	v12 =	vadd.s32 s24, v6;
	v13 =	vld.idx.msk [tilespmem:v14+s3+$0x0], $0xffff;
	[tilespmem:s21+$0x30] =	vst v10  }
0x320: {  	v14 =	vadd.s32 s25, v9;
	v10 =	vld.idx.msk [tilespmem:v15+s3+$0x0], $0xffff;
	[tilespmem:s20+$0xFFFFFD60] =	vst v16  }
0x321: {  	s26 =	simm.s32 $0x1F8;
	v15 =	vadd.s32 s4, v9;
	v16 =	vld.idx.msk [tilespmem:v17+s3+$0x0], $0xffff  }
0x322: {  	v17 =	vadd.s32 s26, v2  }
0x323: {  	[tilespmem:s20+$0x160] =	vst v11  }
0x324: {  	s30 =	simm.s32 $0x738;
	v11 =	vld.idx.msk [tilespmem:v12+s3+$0x0], $0xffff;
	[tilespmem:s21+$0xFFFFFC40] =	vst v13  }
0x325: {  	v12 =	vadd.s32 s30, v2;
	v13 =	vld.idx.msk [tilespmem:v14+s3+$0x0], $0xffff;
	[tilespmem:s21+$0x40] =	vst v10  }
0x326: {  	v14 =	vadd.s32 s25, v8;
	v10 =	vld.idx.msk [tilespmem:v15+s3+$0x0], $0xffff;
	[tilespmem:s20+$0xFFFFFD70] =	vst v16  }
0x327: {  	v15 =	vadd.s32 s4, v8;
	v16 =	vld.idx.msk [tilespmem:v17+s3+$0x0], $0xffff  }
0x328: {  	v17 =	vadd.s32 s26, v3  }
0x329: {  	[tilespmem:s20+$0x170] =	vst v11  }
0x32a: {  	v11 =	vld.idx.msk [tilespmem:v12+s3+$0x0], $0xffff;
	[tilespmem:s21+$0xFFFFFC50] =	vst v13  }
0x32b: {  	v12 =	vadd.s32 s30, v3;
	v13 =	vld.idx.msk [tilespmem:v14+s3+$0x0], $0xffff;
	[tilespmem:s21+$0x50] =	vst v10  }
0x32c: {  	v14 =	vadd.s32 s25, v6;
	v10 =	vld.idx.msk [tilespmem:v15+s3+$0x0], $0xffff;
	[tilespmem:s20+$0xFFFFFD80] =	vst v16  }
0x32d: {  	v15 =	vadd.s32 s4, v6;
	v16 =	vld.idx.msk [tilespmem:v17+s3+$0x0], $0xffff  }
0x32e: {  	v17 =	vadd.s32 s26, v5  }
0x32f: {  	[tilespmem:s20+$0x180] =	vst v11  }
0x330: {  	v11 =	vld.idx.msk [tilespmem:v12+s3+$0x0], $0xffff;
	[tilespmem:s21+$0xFFFFFC60] =	vst v13  }
0x331: {  	s31 =	simm.s32 $0xB28;
	v12 =	vadd.s32 s30, v5;
	v13 =	vld.idx.msk [tilespmem:v14+s3+$0x0], $0xffff;
	[tilespmem:s21+$0x60] =	vst v10  }
0x332: {  	s5 =	simm.s32 $0x1068;
	v14 =	vadd.s32 s31, v2;
	v10 =	vld.idx.msk [tilespmem:v15+s3+$0x0], $0xffff;
	[tilespmem:s20+$0xFFFFFD90] =	vst v16  }
0x333: {  	v15 =	vadd.s32 s5, v2;
	v16 =	vld.idx.msk [tilespmem:v17+s3+$0x0], $0xffff  }
0x334: {  	v17 =	vadd.s32 s26, v4  }
0x335: {  	[tilespmem:s20+$0x190] =	vst v11  }
0x336: {  	v11 =	vld.idx.msk [tilespmem:v12+s3+$0x0], $0xffff;
	[tilespmem:s21+$0xFFFFFC70] =	vst v13  }
0x337: {  	v12 =	vadd.s32 s30, v4;
	v13 =	vld.idx.msk [tilespmem:v14+s3+$0x0], $0xffff;
	[tilespmem:s21+$0x70] =	vst v10  }
0x338: {  	v14 =	vadd.s32 s31, v3;
	v10 =	vld.idx.msk [tilespmem:v15+s3+$0x0], $0xffff;
	[tilespmem:s20+$0xFFFFFDA0] =	vst v16  }
0x339: {  	v15 =	vadd.s32 s5, v3;
	v16 =	vld.idx.msk [tilespmem:v17+s3+$0x0], $0xffff  }
0x33a: {  	v17 =	vadd.s32 s26, v7  }
0x33b: {  	[tilespmem:s20+$0x1A0] =	vst v11  }
0x33c: {  	v11 =	vld.idx.msk [tilespmem:v12+s3+$0x0], $0xffff;
	[tilespmem:s21+$0xFFFFFC80] =	vst v13  }
0x33d: {  	v12 =	vadd.s32 s30, v7;
	v13 =	vld.idx.msk [tilespmem:v14+s3+$0x0], $0xffff;
	[tilespmem:s21+$0x80] =	vst v10  }
0x33e: {  	v14 =	vadd.s32 s31, v5;
	v10 =	vld.idx.msk [tilespmem:v15+s3+$0x0], $0xffff;
	[tilespmem:s20+$0xFFFFFDB0] =	vst v16  }
0x33f: {  	v15 =	vadd.s32 s5, v5;
	v16 =	vld.idx.msk [tilespmem:v17+s3+$0x0], $0xffff  }
0x340: {  	v17 =	vadd.s32 s26, v9  }
0x341: {  	[tilespmem:s20+$0x1B0] =	vst v11  }
0x342: {  	v11 =	vld.idx.msk [tilespmem:v12+s3+$0x0], $0xffff;
	[tilespmem:s21+$0xFFFFFC90] =	vst v13  }
0x343: {  	v12 =	vadd.s32 s30, v9;
	v13 =	vld.idx.msk [tilespmem:v14+s3+$0x0], $0xffff;
	[tilespmem:s21+$0x90] =	vst v10  }
0x344: {  	v14 =	vadd.s32 s31, v4;
	v10 =	vld.idx.msk [tilespmem:v15+s3+$0x0], $0xffff;
	[tilespmem:s20+$0xFFFFFDC0] =	vst v16  }
0x345: {  	v15 =	vadd.s32 s5, v4;
	v16 =	vld.idx.msk [tilespmem:v17+s3+$0x0], $0xffff  }
0x346: {  	v17 =	vadd.s32 s26, v8  }
0x347: {  	[tilespmem:s20+$0x1C0] =	vst v11  }
0x348: {  	v11 =	vld.idx.msk [tilespmem:v12+s3+$0x0], $0xffff;
	[tilespmem:s21+$0xFFFFFCA0] =	vst v13  }
0x349: {  	v12 =	vadd.s32 s30, v8;
	v13 =	vld.idx.msk [tilespmem:v14+s3+$0x0], $0xffff;
	[tilespmem:s21+$0xA0] =	vst v10  }
0x34a: {  	v14 =	vadd.s32 s31, v7;
	v10 =	vld.idx.msk [tilespmem:v15+s3+$0x0], $0xffff;
	[tilespmem:s20+$0xFFFFFDD0] =	vst v16  }
0x34b: {  	v15 =	vadd.s32 s5, v7;
	v16 =	vld.idx.msk [tilespmem:v17+s3+$0x0], $0xffff  }
0x34c: {  	v17 =	vadd.s32 s26, v6  }
0x34d: {  	[tilespmem:s20+$0x1D0] =	vst v11  }
0x34e: {  	v11 =	vld.idx.msk [tilespmem:v12+s3+$0x0], $0xffff;
	[tilespmem:s21+$0xFFFFFCB0] =	vst v13  }
0x34f: {  	v12 =	vadd.s32 s30, v6;
	v13 =	vld.idx.msk [tilespmem:v14+s3+$0x0], $0xffff;
	[tilespmem:s21+$0xB0] =	vst v10  }
0x350: {  	v14 =	vadd.s32 s31, v9;
	v10 =	vld.idx.msk [tilespmem:v15+s3+$0x0], $0xffff;
	[tilespmem:s20+$0xFFFFFDE0] =	vst v16  }
0x351: {  	s2 =	simm.s32 $0x2A0;
	v15 =	vadd.s32 s5, v9;
	v16 =	vld.idx.msk [tilespmem:v17+s3+$0x0], $0xffff  }
0x352: {  	v17 =	vadd.s32 s2, v2  }
0x353: {  	[tilespmem:s20+$0x1E0] =	vst v11  }
0x354: {  	s7 =	simm.s32 $0x7E0;
	v11 =	vld.idx.msk [tilespmem:v12+s3+$0x0], $0xffff;
	[tilespmem:s21+$0xFFFFFCC0] =	vst v13  }
0x355: {  	v12 =	vadd.s32 s7, v2;
	v13 =	vld.idx.msk [tilespmem:v14+s3+$0x0], $0xffff;
	[tilespmem:s21+$0xC0] =	vst v10  }
0x356: {  	v14 =	vadd.s32 s31, v8;
	v10 =	vld.idx.msk [tilespmem:v15+s3+$0x0], $0xffff;
	[tilespmem:s20+$0xFFFFFDF0] =	vst v16  }
0x357: {  	v15 =	vadd.s32 s5, v8;
	v16 =	vld.idx.msk [tilespmem:v17+s3+$0x0], $0xffff  }
0x358: {  	v17 =	vadd.s32 s2, v3  }
0x359: {  	[tilespmem:s20+$0x1F0] =	vst v11  }
0x35a: {  	v11 =	vld.idx.msk [tilespmem:v12+s3+$0x0], $0xffff;
	[tilespmem:s21+$0xFFFFFCD0] =	vst v13  }
0x35b: {  	v12 =	vadd.s32 s7, v3;
	v13 =	vld.idx.msk [tilespmem:v14+s3+$0x0], $0xffff;
	[tilespmem:s21+$0xD0] =	vst v10  }
0x35c: {  	v14 =	vadd.s32 s31, v6;
	v10 =	vld.idx.msk [tilespmem:v15+s3+$0x0], $0xffff;
	[tilespmem:s20+$0xFFFFFE00] =	vst v16  }
0x35d: {  	v15 =	vadd.s32 s5, v6;
	v16 =	vld.idx.msk [tilespmem:v17+s3+$0x0], $0xffff  }
0x35e: {  	v17 =	vadd.s32 s2, v5  }
0x35f: {  	[tilespmem:s20+$0x200] =	vst v11  }
0x360: {  	v11 =	vld.idx.msk [tilespmem:v12+s3+$0x0], $0xffff;
	[tilespmem:s21+$0xFFFFFCE0] =	vst v13  }
0x361: {  	s8 =	simm.s32 $0xBD0;
	v12 =	vadd.s32 s7, v5;
	v13 =	vld.idx.msk [tilespmem:v14+s3+$0x0], $0xffff;
	[tilespmem:s21+$0xE0] =	vst v10  }
0x362: {  	s6 =	simm.s32 $0x1110;
	v14 =	vadd.s32 s8, v2;
	v10 =	vld.idx.msk [tilespmem:v15+s3+$0x0], $0xffff;
	[tilespmem:s20+$0xFFFFFE10] =	vst v16  }
0x363: {  	v15 =	vadd.s32 s6, v2;
	v16 =	vld.idx.msk [tilespmem:v17+s3+$0x0], $0xffff  }
0x364: {  	v17 =	vadd.s32 s2, v4  }
0x365: {  	[tilespmem:s20+$0x210] =	vst v11  }
0x366: {  	v11 =	vld.idx.msk [tilespmem:v12+s3+$0x0], $0xffff;
	[tilespmem:s21+$0xFFFFFCF0] =	vst v13  }
0x367: {  	v12 =	vadd.s32 s7, v4;
	v13 =	vld.idx.msk [tilespmem:v14+s3+$0x0], $0xffff;
	[tilespmem:s21+$0xF0] =	vst v10  }
0x368: {  	v14 =	vadd.s32 s8, v3;
	v10 =	vld.idx.msk [tilespmem:v15+s3+$0x0], $0xffff;
	[tilespmem:s20+$0xFFFFFE20] =	vst v16  }
0x369: {  	v15 =	vadd.s32 s6, v3;
	v16 =	vld.idx.msk [tilespmem:v17+s3+$0x0], $0xffff  }
0x36a: {  	v17 =	vadd.s32 s2, v7  }
0x36b: {  	[tilespmem:s20+$0x220] =	vst v11  }
0x36c: {  	v11 =	vld.idx.msk [tilespmem:v12+s3+$0x0], $0xffff;
	[tilespmem:s21+$0xFFFFFD00] =	vst v13  }
0x36d: {  	v12 =	vadd.s32 s7, v7;
	v13 =	vld.idx.msk [tilespmem:v14+s3+$0x0], $0xffff;
	[tilespmem:s21+$0x100] =	vst v10  }
0x36e: {  	v14 =	vadd.s32 s8, v5;
	v10 =	vld.idx.msk [tilespmem:v15+s3+$0x0], $0xffff;
	[tilespmem:s20+$0xFFFFFE30] =	vst v16  }
0x36f: {  	v15 =	vadd.s32 s6, v5;
	v16 =	vld.idx.msk [tilespmem:v17+s3+$0x0], $0xffff  }
0x370: {  	s16 =	simm.s32 $0x1500;
	v17 =	vadd.s32 s2, v9  }
0x371: {  	s17 =	simm.s32 $0x1A40;
	[tilespmem:s20+$0x230] =	vst v11;
	v11 =	vadd.s32 s16, v2  }
0x372: {  	v12 =	vld.idx.msk [tilespmem:v12+s3+$0x0], $0xffff;
	[tilespmem:s21+$0xFFFFFD10] =	vst v13;
	v13 =	vadd.s32 s17, v2  }
0x373: {  	v14 =	vld.idx.msk [tilespmem:v14+s3+$0x0], $0xffff;
	[tilespmem:s21+$0x110] =	vst v10;
	v10 =	vadd.s32 s7, v9  }
0x374: {  	v18 =	vadd.s32 s8, v4;
	v15 =	vld.idx.msk [tilespmem:v15+s3+$0x0], $0xffff;
	[tilespmem:s20+$0xFFFFFE40] =	vst v16  }
0x375: {  	v16 =	vadd.s32 s6, v4;
	v17 =	vld.idx.msk [tilespmem:v17+s3+$0x0], $0xffff  }
0x376: {  	v19 =	vadd.s32 s2, v8;
	v11 =	vld.idx.msk [tilespmem:v11+s3+$0x0], $0xffff  }
0x377: {  	[tilespmem:s20+$0x240] =	vst v12;
	v12 =	vld.idx.msk [tilespmem:v13+s3+$0x0], $0xffff;
	v13 =	vadd.s32 s16, v3  }
0x378: {  	[tilespmem:s21+$0xFFFFFD20] =	vst v14;
	v10 =	vld.idx.msk [tilespmem:v10+s3+$0x0], $0xffff;
	v14 =	vadd.s32 s17, v3  }
0x379: {  	v18 =	vld.idx.msk [tilespmem:v18+s3+$0x0], $0xffff;
	[tilespmem:s21+$0x120] =	vst v15;
	v15 =	vadd.s32 s7, v8  }
0x37a: {  	v20 =	vadd.s32 s8, v7;
	s22 =	simm.s32 $0x3F00;
	v16 =	vld.idx.msk [tilespmem:v16+s3+$0x0], $0xffff;
	[tilespmem:s20+$0xFFFFFE50] =	vst v17  }
0x37b: {  	[tilespmem:s22+$0xFFFFFC00] =	vst v11;
	v11 =	vadd.s32 s6, v7;
	v17 =	vld.idx.msk [tilespmem:v19+s3+$0x0], $0xffff  }
0x37c: {  	v13 =	vld.idx.msk [tilespmem:v13+s3+$0x0], $0xffff;
	[tilespmem:s22+$0x0] =	vst v12;
	v12 =	vadd.s32 s2, v6  }
0x37d: {  	v14 =	vld.idx.msk [tilespmem:v14+s3+$0x0], $0xffff;
	[tilespmem:s20+$0x250] =	vst v10;
	v10 =	vadd.s32 s16, v5  }
0x37e: {  	[tilespmem:s21+$0xFFFFFD30] =	vst v18;
	v15 =	vld.idx.msk [tilespmem:v15+s3+$0x0], $0xffff;
	v18 =	vadd.s32 s17, v5  }
0x37f: {  	v19 =	vld.idx.msk [tilespmem:v20+s3+$0x0], $0xffff;
	[tilespmem:s21+$0x130] =	vst v16;
	v16 =	vadd.s32 s7, v6  }
0x380: {  	v20 =	vadd.s32 s8, v9;
	v11 =	vld.idx.msk [tilespmem:v11+s3+$0x0], $0xffff;
	[tilespmem:s20+$0xFFFFFE60] =	vst v17  }
0x381: {  	s18 =	simm.s32 $0x348;
	[tilespmem:s22+$0xFFFFFC10] =	vst v13;
	v13 =	vadd.s32 s6, v9;
	v12 =	vld.idx.msk [tilespmem:v12+s3+$0x0], $0xffff  }
0x382: {  	v10 =	vld.idx.msk [tilespmem:v10+s3+$0x0], $0xffff;
	[tilespmem:s22+$0x10] =	vst v14;
	v14 =	vadd.s32 s18, v2  }
0x383: {  	v17 =	vld.idx.msk [tilespmem:v18+s3+$0x0], $0xffff;
	[tilespmem:s20+$0x260] =	vst v15;
	v15 =	vadd.s32 s16, v4  }
0x384: {  	s23 =	simm.s32 $0x888;
	v18 =	vadd.s32 s17, v4;
	[tilespmem:s21+$0xFFFFFD40] =	vst v19;
	v16 =	vld.idx.msk [tilespmem:v16+s3+$0x0], $0xffff  }
0x385: {  	v19 =	vld.idx.msk [tilespmem:v20+s3+$0x0], $0xffff;
	[tilespmem:s21+$0x140] =	vst v11;
	v11 =	vadd.s32 s23, v2  }
0x386: {  	v20 =	vadd.s32 s8, v8;
	v13 =	vld.idx.msk [tilespmem:v13+s3+$0x0], $0xffff;
	[tilespmem:s20+$0xFFFFFE70] =	vst v12  }
0x387: {  	[tilespmem:s22+$0xFFFFFC20] =	vst v10;
	v10 =	vadd.s32 s6, v8;
	v12 =	vld.idx.msk [tilespmem:v14+s3+$0x0], $0xffff  }
0x388: {  	v14 =	vld.idx.msk [tilespmem:v15+s3+$0x0], $0xffff;
	[tilespmem:s22+$0x20] =	vst v17;
	v15 =	vadd.s32 s18, v3  }
0x389: {  	v17 =	vld.idx.msk [tilespmem:v18+s3+$0x0], $0xffff;
	[tilespmem:s20+$0x270] =	vst v16;
	v16 =	vadd.s32 s16, v7  }
0x38a: {  	v18 =	vadd.s32 s17, v7;
	[tilespmem:s21+$0xFFFFFD50] =	vst v19;
	v11 =	vld.idx.msk [tilespmem:v11+s3+$0x0], $0xffff  }
0x38b: {  	v19 =	vld.idx.msk [tilespmem:v20+s3+$0x0], $0xffff;
	[tilespmem:s21+$0x150] =	vst v13;
	v13 =	vadd.s32 s23, v3  }
0x38c: {  	v20 =	vadd.s32 s8, v6;
	v10 =	vld.idx.msk [tilespmem:v10+s3+$0x0], $0xffff;
	[tilespmem:s20+$0xFFFFFE80] =	vst v12  }
0x38d: {  	[tilespmem:s22+$0xFFFFFC30] =	vst v14;
	v12 =	vadd.s32 s6, v6;
	v14 =	vld.idx.msk [tilespmem:v15+s3+$0x0], $0xffff  }
0x38e: {  	v15 =	vld.idx.msk [tilespmem:v16+s3+$0x0], $0xffff;
	[tilespmem:s22+$0x30] =	vst v17;
	v16 =	vadd.s32 s18, v5  }
0x38f: {  	v17 =	vld.idx.msk [tilespmem:v18+s3+$0x0], $0xffff;
	[tilespmem:s20+$0x280] =	vst v11;
	v11 =	vadd.s32 s16, v9  }
0x390: {  	v18 =	vadd.s32 s17, v9;
	[tilespmem:s21+$0xFFFFFD60] =	vst v19;
	v13 =	vld.idx.msk [tilespmem:v13+s3+$0x0], $0xffff  }
0x391: {  	s24 =	simm.s32 $0xC78;
	v19 =	vld.idx.msk [tilespmem:v20+s3+$0x0], $0xffff;
	[tilespmem:s21+$0x160] =	vst v10;
	v10 =	vadd.s32 s23, v5  }
0x392: {  	s25 =	simm.s32 $0x11B8;
	v20 =	vadd.s32 s24, v2;
	v12 =	vld.idx.msk [tilespmem:v12+s3+$0x0], $0xffff;
	[tilespmem:s20+$0xFFFFFE90] =	vst v14  }
0x393: {  	[tilespmem:s22+$0xFFFFFC40] =	vst v15;
	v14 =	vadd.s32 s25, v2;
	v15 =	vld.idx.msk [tilespmem:v16+s3+$0x0], $0xffff  }
0x394: {  	v11 =	vld.idx.msk [tilespmem:v11+s3+$0x0], $0xffff;
	[tilespmem:s22+$0x40] =	vst v17;
	v16 =	vadd.s32 s18, v4  }
0x395: {  	v17 =	vld.idx.msk [tilespmem:v18+s3+$0x0], $0xffff;
	[tilespmem:s20+$0x290] =	vst v13;
	v13 =	vadd.s32 s16, v8  }
0x396: {  	v18 =	vadd.s32 s17, v8;
	[tilespmem:s21+$0xFFFFFD70] =	vst v19;
	v10 =	vld.idx.msk [tilespmem:v10+s3+$0x0], $0xffff  }
0x397: {  	v19 =	vld.idx.msk [tilespmem:v20+s3+$0x0], $0xffff;
	[tilespmem:s21+$0x170] =	vst v12;
	v12 =	vadd.s32 s23, v4  }
0x398: {  	v20 =	vadd.s32 s24, v3;
	v14 =	vld.idx.msk [tilespmem:v14+s3+$0x0], $0xffff;
	[tilespmem:s20+$0xFFFFFEA0] =	vst v15  }
0x399: {  	[tilespmem:s22+$0xFFFFFC50] =	vst v11;
	v11 =	vadd.s32 s25, v3;
	v15 =	vld.idx.msk [tilespmem:v16+s3+$0x0], $0xffff  }
0x39a: {  	v13 =	vld.idx.msk [tilespmem:v13+s3+$0x0], $0xffff;
	[tilespmem:s22+$0x50] =	vst v17;
	v16 =	vadd.s32 s18, v7  }
0x39b: {  	v17 =	vld.idx.msk [tilespmem:v18+s3+$0x0], $0xffff;
	[tilespmem:s20+$0x2A0] =	vst v10;
	v10 =	vadd.s32 s16, v6  }
0x39c: {  	v18 =	vadd.s32 s17, v6;
	[tilespmem:s21+$0xFFFFFD80] =	vst v19;
	v12 =	vld.idx.msk [tilespmem:v12+s3+$0x0], $0xffff  }
0x39d: {  	v19 =	vld.idx.msk [tilespmem:v20+s3+$0x0], $0xffff;
	[tilespmem:s21+$0x180] =	vst v14;
	v14 =	vadd.s32 s23, v7  }
0x39e: {  	v20 =	vadd.s32 s24, v5;
	v11 =	vld.idx.msk [tilespmem:v11+s3+$0x0], $0xffff;
	[tilespmem:s20+$0xFFFFFEB0] =	vst v15  }
0x39f: {  	[tilespmem:s22+$0xFFFFFC60] =	vst v13;
	v13 =	vadd.s32 s25, v5;
	v15 =	vld.idx.msk [tilespmem:v16+s3+$0x0], $0xffff  }
0x3a0: {  	s30 =	simm.s32 $0x15A8;
	v10 =	vld.idx.msk [tilespmem:v10+s3+$0x0], $0xffff;
	[tilespmem:s22+$0x60] =	vst v17;
	v16 =	vadd.s32 s18, v9  }
0x3a1: {  	s7 =	simm.s32 $0x1AE8;
	v17 =	vld.idx.msk [tilespmem:v18+s3+$0x0], $0xffff;
	[tilespmem:s20+$0x2B0] =	vst v12;
	v12 =	vadd.s32 s30, v2  }
0x3a2: {  	v18 =	vadd.s32 s7, v2;
	[tilespmem:s21+$0xFFFFFD90] =	vst v19;
	v14 =	vld.idx.msk [tilespmem:v14+s3+$0x0], $0xffff  }
0x3a3: {  	v19 =	vld.idx.msk [tilespmem:v20+s3+$0x0], $0xffff;
	[tilespmem:s21+$0x190] =	vst v11;
	v11 =	vadd.s32 s23, v9  }
0x3a4: {  	v20 =	vadd.s32 s24, v4;
	v13 =	vld.idx.msk [tilespmem:v13+s3+$0x0], $0xffff;
	[tilespmem:s20+$0xFFFFFEC0] =	vst v15  }
0x3a5: {  	[tilespmem:s22+$0xFFFFFC70] =	vst v10;
	v10 =	vadd.s32 s25, v4;
	v15 =	vld.idx.msk [tilespmem:v16+s3+$0x0], $0xffff  }
0x3a6: {  	v12 =	vld.idx.msk [tilespmem:v12+s3+$0x0], $0xffff;
	[tilespmem:s22+$0x70] =	vst v17;
	v16 =	vadd.s32 s18, v8  }
0x3a7: {  	v17 =	vld.idx.msk [tilespmem:v18+s3+$0x0], $0xffff;
	[tilespmem:s20+$0x2C0] =	vst v14;
	v14 =	vadd.s32 s30, v3  }
0x3a8: {  	v18 =	vadd.s32 s7, v3;
	[tilespmem:s21+$0xFFFFFDA0] =	vst v19;
	v11 =	vld.idx.msk [tilespmem:v11+s3+$0x0], $0xffff  }
0x3a9: {  	v19 =	vld.idx.msk [tilespmem:v20+s3+$0x0], $0xffff;
	[tilespmem:s21+$0x1A0] =	vst v13;
	v13 =	vadd.s32 s23, v8  }
0x3aa: {  	v20 =	vadd.s32 s24, v7;
	v10 =	vld.idx.msk [tilespmem:v10+s3+$0x0], $0xffff;
	[tilespmem:s20+$0xFFFFFED0] =	vst v15  }
0x3ab: {  	[tilespmem:s22+$0xFFFFFC80] =	vst v12;
	v12 =	vadd.s32 s25, v7;
	v15 =	vld.idx.msk [tilespmem:v16+s3+$0x0], $0xffff  }
0x3ac: {  	v14 =	vld.idx.msk [tilespmem:v14+s3+$0x0], $0xffff;
	[tilespmem:s22+$0x80] =	vst v17;
	v16 =	vadd.s32 s18, v6  }
0x3ad: {  	v17 =	vld.idx.msk [tilespmem:v18+s3+$0x0], $0xffff;
	[tilespmem:s20+$0x2D0] =	vst v11;
	v11 =	vadd.s32 s30, v5  }
0x3ae: {  	v18 =	vadd.s32 s7, v5;
	[tilespmem:s21+$0xFFFFFDB0] =	vst v19;
	v13 =	vld.idx.msk [tilespmem:v13+s3+$0x0], $0xffff  }
0x3af: {  	v19 =	vld.idx.msk [tilespmem:v20+s3+$0x0], $0xffff;
	[tilespmem:s21+$0x1B0] =	vst v10;
	v10 =	vadd.s32 s23, v6  }
0x3b0: {  	v20 =	vadd.s32 s24, v9;
	v12 =	vld.idx.msk [tilespmem:v12+s3+$0x0], $0xffff;
	[tilespmem:s20+$0xFFFFFEE0] =	vst v15  }
0x3b1: {  	s26 =	simm.s32 $0x3F0;
	[tilespmem:s22+$0xFFFFFC90] =	vst v14;
	v14 =	vadd.s32 s25, v9;
	v15 =	vld.idx.msk [tilespmem:v16+s3+$0x0], $0xffff  }
0x3b2: {  	v11 =	vld.idx.msk [tilespmem:v11+s3+$0x0], $0xffff;
	[tilespmem:s22+$0x90] =	vst v17;
	v16 =	vadd.s32 s26, v2  }
0x3b3: {  	v17 =	vld.idx.msk [tilespmem:v18+s3+$0x0], $0xffff;
	[tilespmem:s20+$0x2E0] =	vst v13;
	v13 =	vadd.s32 s30, v4  }
0x3b4: {  	s31 =	simm.s32 $0x930;
	v18 =	vadd.s32 s7, v4;
	[tilespmem:s21+$0xFFFFFDC0] =	vst v19;
	v10 =	vld.idx.msk [tilespmem:v10+s3+$0x0], $0xffff  }
0x3b5: {  	v19 =	vld.idx.msk [tilespmem:v20+s3+$0x0], $0xffff;
	[tilespmem:s21+$0x1C0] =	vst v12;
	v12 =	vadd.s32 s31, v2  }
0x3b6: {  	v20 =	vadd.s32 s24, v8;
	v14 =	vld.idx.msk [tilespmem:v14+s3+$0x0], $0xffff;
	[tilespmem:s20+$0xFFFFFEF0] =	vst v15  }
0x3b7: {  	[tilespmem:s22+$0xFFFFFCA0] =	vst v11;
	v11 =	vadd.s32 s25, v8;
	v15 =	vld.idx.msk [tilespmem:v16+s3+$0x0], $0xffff  }
0x3b8: {  	v13 =	vld.idx.msk [tilespmem:v13+s3+$0x0], $0xffff;
	[tilespmem:s22+$0xA0] =	vst v17;
	v16 =	vadd.s32 s26, v3  }
0x3b9: {  	v17 =	vld.idx.msk [tilespmem:v18+s3+$0x0], $0xffff;
	[tilespmem:s20+$0x2F0] =	vst v10;
	v10 =	vadd.s32 s30, v7  }
0x3ba: {  	v18 =	vadd.s32 s7, v7;
	[tilespmem:s21+$0xFFFFFDD0] =	vst v19;
	v12 =	vld.idx.msk [tilespmem:v12+s3+$0x0], $0xffff  }
0x3bb: {  	v19 =	vld.idx.msk [tilespmem:v20+s3+$0x0], $0xffff;
	[tilespmem:s21+$0x1D0] =	vst v14;
	v14 =	vadd.s32 s31, v3  }
0x3bc: {  	v20 =	vadd.s32 s24, v6;
	v11 =	vld.idx.msk [tilespmem:v11+s3+$0x0], $0xffff;
	[tilespmem:s20+$0xFFFFFF00] =	vst v15  }
0x3bd: {  	[tilespmem:s22+$0xFFFFFCB0] =	vst v13;
	v13 =	vadd.s32 s25, v6;
	v15 =	vld.idx.msk [tilespmem:v16+s3+$0x0], $0xffff  }
0x3be: {  	v10 =	vld.idx.msk [tilespmem:v10+s3+$0x0], $0xffff;
	[tilespmem:s22+$0xB0] =	vst v17;
	v16 =	vadd.s32 s26, v5  }
0x3bf: {  	v17 =	vld.idx.msk [tilespmem:v18+s3+$0x0], $0xffff;
	[tilespmem:s20+$0x300] =	vst v12;
	v12 =	vadd.s32 s30, v9  }
0x3c0: {  	v18 =	vadd.s32 s7, v9;
	[tilespmem:s21+$0xFFFFFDE0] =	vst v19;
	v14 =	vld.idx.msk [tilespmem:v14+s3+$0x0], $0xffff  }
0x3c1: {  	s0 =	simm.s32 $0xD20;
	v19 =	vld.idx.msk [tilespmem:v20+s3+$0x0], $0xffff;
	[tilespmem:s21+$0x1E0] =	vst v11;
	v11 =	vadd.s32 s31, v5  }
0x3c2: {  	s1 =	simm.s32 $0x1260;
	v20 =	vadd.s32 s0, v2;
	v13 =	vld.idx.msk [tilespmem:v13+s3+$0x0], $0xffff;
	[tilespmem:s20+$0xFFFFFF10] =	vst v15  }
0x3c3: {  	[tilespmem:s22+$0xFFFFFCC0] =	vst v10;
	v10 =	vadd.s32 s1, v2;
	v15 =	vld.idx.msk [tilespmem:v16+s3+$0x0], $0xffff  }
0x3c4: {  	v12 =	vld.idx.msk [tilespmem:v12+s3+$0x0], $0xffff;
	[tilespmem:s22+$0xC0] =	vst v17;
	v16 =	vadd.s32 s26, v4  }
0x3c5: {  	v17 =	vld.idx.msk [tilespmem:v18+s3+$0x0], $0xffff;
	[tilespmem:s20+$0x310] =	vst v14;
	v14 =	vadd.s32 s30, v8  }
0x3c6: {  	v18 =	vadd.s32 s7, v8;
	[tilespmem:s21+$0xFFFFFDF0] =	vst v19;
	v11 =	vld.idx.msk [tilespmem:v11+s3+$0x0], $0xffff  }
0x3c7: {  	v19 =	vld.idx.msk [tilespmem:v20+s3+$0x0], $0xffff;
	[tilespmem:s21+$0x1F0] =	vst v13;
	v13 =	vadd.s32 s31, v4  }
0x3c8: {  	v20 =	vadd.s32 s0, v3;
	v10 =	vld.idx.msk [tilespmem:v10+s3+$0x0], $0xffff;
	[tilespmem:s20+$0xFFFFFF20] =	vst v15  }
0x3c9: {  	[tilespmem:s22+$0xFFFFFCD0] =	vst v12;
	v12 =	vadd.s32 s1, v3;
	v15 =	vld.idx.msk [tilespmem:v16+s3+$0x0], $0xffff  }
0x3ca: {  	v14 =	vld.idx.msk [tilespmem:v14+s3+$0x0], $0xffff;
	[tilespmem:s22+$0xD0] =	vst v17;
	v16 =	vadd.s32 s26, v7  }
0x3cb: {  	v17 =	vld.idx.msk [tilespmem:v18+s3+$0x0], $0xffff;
	[tilespmem:s20+$0x320] =	vst v11;
	v11 =	vadd.s32 s30, v6  }
0x3cc: {  	v18 =	vadd.s32 s7, v6;
	[tilespmem:s21+$0xFFFFFE00] =	vst v19;
	v13 =	vld.idx.msk [tilespmem:v13+s3+$0x0], $0xffff  }
0x3cd: {  	v19 =	vld.idx.msk [tilespmem:v20+s3+$0x0], $0xffff;
	[tilespmem:s21+$0x200] =	vst v10;
	v10 =	vadd.s32 s31, v7  }
0x3ce: {  	v20 =	vadd.s32 s0, v5;
	v12 =	vld.idx.msk [tilespmem:v12+s3+$0x0], $0xffff;
	[tilespmem:s20+$0xFFFFFF30] =	vst v15  }
0x3cf: {  	[tilespmem:s22+$0xFFFFFCE0] =	vst v14;
	v14 =	vadd.s32 s1, v5;
	v15 =	vld.idx.msk [tilespmem:v16+s3+$0x0], $0xffff  }
0x3d0: {  	s2 =	simm.s32 $0x1650;
	v11 =	vld.idx.msk [tilespmem:v11+s3+$0x0], $0xffff;
	[tilespmem:s22+$0xE0] =	vst v17;
	v16 =	vadd.s32 s26, v9  }
0x3d1: {  	s4 =	simm.s32 $0x1B90;
	v17 =	vld.idx.msk [tilespmem:v18+s3+$0x0], $0xffff;
	[tilespmem:s20+$0x330] =	vst v13;
	v13 =	vadd.s32 s2, v2  }
0x3d2: {  	v18 =	vadd.s32 s4, v2;
	[tilespmem:s21+$0xFFFFFE10] =	vst v19;
	v10 =	vld.idx.msk [tilespmem:v10+s3+$0x0], $0xffff  }
0x3d3: {  	v19 =	vld.idx.msk [tilespmem:v20+s3+$0x0], $0xffff;
	[tilespmem:s21+$0x210] =	vst v12;
	v12 =	vadd.s32 s31, v9  }
0x3d4: {  	v20 =	vadd.s32 s0, v4;
	v14 =	vld.idx.msk [tilespmem:v14+s3+$0x0], $0xffff;
	[tilespmem:s20+$0xFFFFFF40] =	vst v15  }
0x3d5: {  	[tilespmem:s22+$0xFFFFFCF0] =	vst v11;
	v11 =	vadd.s32 s1, v4;
	v15 =	vld.idx.msk [tilespmem:v16+s3+$0x0], $0xffff  }
0x3d6: {  	v13 =	vld.idx.msk [tilespmem:v13+s3+$0x0], $0xffff;
	[tilespmem:s22+$0xF0] =	vst v17;
	v16 =	vadd.s32 s26, v8  }
0x3d7: {  	v17 =	vld.idx.msk [tilespmem:v18+s3+$0x0], $0xffff;
	[tilespmem:s20+$0x340] =	vst v10;
	v18 =	vadd.s32 s2, v3  }
0x3d8: {  	[tilespmem:s21+$0xFFFFFE20] =	vst v19;
	v12 =	vld.idx.msk [tilespmem:v12+s3+$0x0], $0xffff;
	v19 =	vadd.s32 s4, v3  }
0x3d9: {  	v20 =	vld.idx.msk [tilespmem:v20+s3+$0x0], $0xffff;
	[tilespmem:s21+$0x220] =	vst v14;
	v14 =	vadd.s32 s31, v8  }
0x3da: {  	v22 =	vadd.s32 s0, v7;
	v21 =	vld.idx.msk [tilespmem:v11+s3+$0x0], $0xffff;
	[tilespmem:s20+$0xFFFFFF50] =	vst v15  }
0x3db: {  	[tilespmem:s22+$0xFFFFFD00] =	vst v13;
	v15 =	vadd.s32 s1, v7;
	v10 =	vld.idx.msk [tilespmem:v16+s3+$0x0], $0xffff  }
0x3dc: {  	v16 =	vld.idx.msk [tilespmem:v18+s3+$0x0], $0xffff;
	[tilespmem:s22+$0x100] =	vst v17  }
0x3dd: {  	v17 =	vld.idx.msk [tilespmem:v19+s3+$0x0], $0xffff;
	[tilespmem:s20+$0x350] =	vst v12  }
0x3de: {  	v18 =	vadd.s32 s2, v5;
	[tilespmem:s21+$0xFFFFFE30] =	vst v20;
	v11 =	vld.idx.msk [tilespmem:v14+s3+$0x0], $0xffff  }
0x3df: {  	s28 =	simm.s32 $0x4;
	s29 =	simm.s32 $0x2958;
	v19 =	vadd.s32 s4, v5;
	v14 =	vld.idx.msk [tilespmem:v22+s3+$0x0], $0xffff;
	[tilespmem:s21+$0x230] =	vst v21  }
0x3e0: {  	s23 =	simm.s32 $0x1ED8;
	s24 =	simm.s32 $0x1458;
	s25 =	simm.s32 $0x9D8;
	v13 =	vadd.s32 s0, v9;
	v12 =	vadd.s32 s31, v6;
	v15 =	vld.idx.msk [tilespmem:v15+s3+$0x0], $0xffff  }
.LBB2_3:
0x3e1: {  	s5 =	sadd.s32 $0xFFFFF628, s29;
	s28 =	sadd.s32 $0x2, s28;
	s30 =	smov.u32 s22  }
0x3e2: {  	s8 =	sadd.s32 $0xFFFFFB68, s29;
	v20 =	vadd.s32 s5, v2;
	p1 =	slt.u32 s28, $0x6;
	[tilespmem:s22+$0xFFFFFD10] =	vst v16  }
0x3e3: {  	v16 =	vadd.s32 s8, v2;
	v18 =	vld.idx.msk [tilespmem:v18+s3+$0x0], $0xffff;
	[tilespmem:s22+$0x110] =	vst v17  }
0x3e4: {  	v17 =	vld.idx.msk [tilespmem:v19+s3+$0x0], $0xffff;
	v19 =	vadd.s32 s1, v9;
	[tilespmem:s20+$0x360] =	vst v11  }
0x3e5: {  	v11 =	vadd.s32 s2, v4;
	[tilespmem:s21+$0xFFFFFE40] =	vst v14;
	v12 =	vld.idx.msk [tilespmem:v12+s3+$0x0], $0xffff  }
0x3e6: {  	v14 =	vadd.s32 s4, v4;
	v13 =	vld.idx.msk [tilespmem:v13+s3+$0x0], $0xffff;
	[tilespmem:s21+$0x240] =	vst v15  }
0x3e7: {  	v15 =	vld.idx.msk [tilespmem:v20+s3+$0x0], $0xffff;
	v20 =	vadd.s32 s25, v2  }
0x3e8: {  	v21 =	vadd.s32 s0, v8;
	v16 =	vld.idx.msk [tilespmem:v16+s3+$0x0], $0xffff;
	[tilespmem:s20+$0xFFFFFF60] =	vst v10  }
0x3e9: {  	v10 =	vadd.s32 s5, v3;
	[tilespmem:s22+$0xFFFFFD20] =	vst v18;
	v18 =	vld.idx.msk [tilespmem:v19+s3+$0x0], $0xffff  }
0x3ea: {  	v19 =	vadd.s32 s8, v3;
	v11 =	vld.idx.msk [tilespmem:v11+s3+$0x0], $0xffff;
	[tilespmem:s22+$0x120] =	vst v17  }
0x3eb: {  	v17 =	vadd.s32 s1, v8;
	v14 =	vld.idx.msk [tilespmem:v14+s3+$0x0], $0xffff;
	[tilespmem:s20+$0x370] =	vst v12  }
0x3ec: {  	s22 =	sadd.s32 $0x800, s22;
	v12 =	vadd.s32 s2, v7;
	[tilespmem:s21+$0xFFFFFE50] =	vst v13;
	v13 =	vld.idx.msk [tilespmem:v20+s3+$0x0], $0xffff  }
0x3ed: {  	[tilespmem:s22+$0xFFFFFC00] =	vst v15;
	v15 =	vadd.s32 s4, v7;
	v20 =	vld.idx.msk [tilespmem:v21+s3+$0x0], $0xffff  }
0x3ee: {  	v10 =	vld.idx.msk [tilespmem:v10+s3+$0x0], $0xffff;
	[tilespmem:s22+$0x0] =	vst v16;
	v16 =	vadd.s32 s25, v3  }
0x3ef: {  	v21 =	vadd.s32 s0, v6;
	v19 =	vld.idx.msk [tilespmem:v19+s3+$0x0], $0xffff;
	[tilespmem:s21+$0x250] =	vst v18  }
0x3f0: {  	v18 =	vadd.s32 s5, v5;
	[tilespmem:s30+$0xFFFFFD30] =	vst v11;
	v11 =	vld.idx.msk [tilespmem:v17+s3+$0x0], $0xffff  }
0x3f1: {  	v17 =	vadd.s32 s8, v5;
	v12 =	vld.idx.msk [tilespmem:v12+s3+$0x0], $0xffff;
	[tilespmem:s30+$0x130] =	vst v14  }
0x3f2: {  	v14 =	vld.idx.msk [tilespmem:v15+s3+$0x0], $0xffff;
	v15 =	vadd.s32 s1, v6;
	[tilespmem:s20+$0x380] =	vst v13  }
0x3f3: {  	v13 =	vadd.s32 s2, v9;
	[tilespmem:s21+$0xFFFFFE60] =	vst v20;
	v16 =	vld.idx.msk [tilespmem:v16+s3+$0x0], $0xffff  }
0x3f4: {  	[tilespmem:s22+$0xFFFFFC10] =	vst v10;
	v10 =	vadd.s32 s4, v9;
	v20 =	vld.idx.msk [tilespmem:v21+s3+$0x0], $0xffff  }
0x3f5: {  	s1 =	sadd.s32 $0xFFFFF970, s24;
	v18 =	vld.idx.msk [tilespmem:v18+s3+$0x0], $0xffff;
	[tilespmem:s22+$0x10] =	vst v19;
	v19 =	vadd.s32 s25, v5  }
0x3f6: {  	v21 =	vadd.s32 s1, v2;
	v17 =	vld.idx.msk [tilespmem:v17+s3+$0x0], $0xffff;
	[tilespmem:s21+$0x260] =	vst v11  }
0x3f7: {  	v11 =	vadd.s32 s5, v4;
	[tilespmem:s30+$0xFFFFFD40] =	vst v12;
	v12 =	vld.idx.msk [tilespmem:v15+s3+$0x0], $0xffff  }
0x3f8: {  	s7 =	sadd.s32 $0xFFFFFEB0, s24;
	v15 =	vadd.s32 s8, v4;
	v13 =	vld.idx.msk [tilespmem:v13+s3+$0x0], $0xffff;
	[tilespmem:s30+$0x140] =	vst v14  }
0x3f9: {  	v14 =	vadd.s32 s7, v2;
	v10 =	vld.idx.msk [tilespmem:v10+s3+$0x0], $0xffff;
	[tilespmem:s20+$0x390] =	vst v16  }
0x3fa: {  	v16 =	vadd.s32 s2, v8;
	[tilespmem:s21+$0xFFFFFE70] =	vst v20;
	v19 =	vld.idx.msk [tilespmem:v19+s3+$0x0], $0xffff  }
0x3fb: {  	[tilespmem:s22+$0xFFFFFC20] =	vst v18;
	v18 =	vadd.s32 s4, v8;
	v20 =	vld.idx.msk [tilespmem:v21+s3+$0x0], $0xffff  }
0x3fc: {  	v11 =	vld.idx.msk [tilespmem:v11+s3+$0x0], $0xffff;
	[tilespmem:s22+$0x20] =	vst v17;
	v17 =	vadd.s32 s25, v4  }
0x3fd: {  	v21 =	vadd.s32 s1, v3;
	v15 =	vld.idx.msk [tilespmem:v15+s3+$0x0], $0xffff;
	[tilespmem:s21+$0x270] =	vst v12  }
0x3fe: {  	v12 =	vadd.s32 s5, v7;
	[tilespmem:s30+$0xFFFFFD50] =	vst v13;
	v13 =	vld.idx.msk [tilespmem:v14+s3+$0x0], $0xffff  }
0x3ff: {  	v14 =	vadd.s32 s8, v7;
	v16 =	vld.idx.msk [tilespmem:v16+s3+$0x0], $0xffff;
	[tilespmem:s30+$0x150] =	vst v10  }
0x400: {  	v10 =	vld.idx.msk [tilespmem:v18+s3+$0x0], $0xffff;
	v18 =	vadd.s32 s7, v3;
	[tilespmem:s20+$0x3A0] =	vst v19  }
0x401: {  	v19 =	vadd.s32 s2, v6;
	[tilespmem:s21+$0xFFFFFE80] =	vst v20;
	v17 =	vld.idx.msk [tilespmem:v17+s3+$0x0], $0xffff  }
0x402: {  	[tilespmem:s22+$0xFFFFFC30] =	vst v11;
	v11 =	vadd.s32 s4, v6;
	v20 =	vld.idx.msk [tilespmem:v21+s3+$0x0], $0xffff  }
0x403: {  	v12 =	vld.idx.msk [tilespmem:v12+s3+$0x0], $0xffff;
	[tilespmem:s22+$0x30] =	vst v15;
	v15 =	vadd.s32 s25, v7  }
0x404: {  	v21 =	vadd.s32 s1, v5;
	v14 =	vld.idx.msk [tilespmem:v14+s3+$0x0], $0xffff;
	[tilespmem:s21+$0x280] =	vst v13  }
0x405: {  	v13 =	vadd.s32 s5, v9;
	[tilespmem:s30+$0xFFFFFD60] =	vst v16;
	v16 =	vld.idx.msk [tilespmem:v18+s3+$0x0], $0xffff  }
0x406: {  	v18 =	vadd.s32 s8, v9;
	v19 =	vld.idx.msk [tilespmem:v19+s3+$0x0], $0xffff;
	[tilespmem:s30+$0x160] =	vst v10  }
0x407: {  	s0 =	sadd.s32 $0xFFFFF820, s23;
	v10 =	vld.idx.msk [tilespmem:v11+s3+$0x0], $0xffff;
	v11 =	vadd.s32 s7, v5;
	[tilespmem:s20+$0x3B0] =	vst v17  }
0x408: {  	s6 =	sadd.s32 $0xFFFFFD60, s23;
	v17 =	vadd.s32 s0, v2;
	[tilespmem:s21+$0xFFFFFE90] =	vst v20;
	v15 =	vld.idx.msk [tilespmem:v15+s3+$0x0], $0xffff  }
0x409: {  	[tilespmem:s22+$0xFFFFFC40] =	vst v12;
	v12 =	vadd.s32 s6, v2;
	v20 =	vld.idx.msk [tilespmem:v21+s3+$0x0], $0xffff  }
0x40a: {  	v13 =	vld.idx.msk [tilespmem:v13+s3+$0x0], $0xffff;
	[tilespmem:s22+$0x40] =	vst v14;
	v14 =	vadd.s32 s25, v9  }
0x40b: {  	v21 =	vadd.s32 s1, v4;
	v18 =	vld.idx.msk [tilespmem:v18+s3+$0x0], $0xffff;
	[tilespmem:s21+$0x290] =	vst v16  }
0x40c: {  	v16 =	vadd.s32 s5, v8;
	[tilespmem:s30+$0xFFFFFD70] =	vst v19;
	v11 =	vld.idx.msk [tilespmem:v11+s3+$0x0], $0xffff  }
0x40d: {  	v19 =	vadd.s32 s8, v8;
	v17 =	vld.idx.msk [tilespmem:v17+s3+$0x0], $0xffff;
	[tilespmem:s30+$0x170] =	vst v10  }
0x40e: {  	v10 =	vld.idx.msk [tilespmem:v12+s3+$0x0], $0xffff;
	v12 =	vadd.s32 s7, v4;
	[tilespmem:s20+$0x3C0] =	vst v15  }
0x40f: {  	v15 =	vadd.s32 s0, v3;
	[tilespmem:s21+$0xFFFFFEA0] =	vst v20;
	v14 =	vld.idx.msk [tilespmem:v14+s3+$0x0], $0xffff  }
0x410: {  	[tilespmem:s22+$0xFFFFFC50] =	vst v13;
	v13 =	vadd.s32 s6, v3;
	v20 =	vld.idx.msk [tilespmem:v21+s3+$0x0], $0xffff  }
0x411: {  	v16 =	vld.idx.msk [tilespmem:v16+s3+$0x0], $0xffff;
	[tilespmem:s22+$0x50] =	vst v18;
	v18 =	vadd.s32 s25, v8  }
0x412: {  	v21 =	vadd.s32 s1, v7;
	v19 =	vld.idx.msk [tilespmem:v19+s3+$0x0], $0xffff;
	[tilespmem:s21+$0x2A0] =	vst v11  }
0x413: {  	v11 =	vadd.s32 s5, v6;
	[tilespmem:s30+$0xFFFFFD80] =	vst v17;
	v12 =	vld.idx.msk [tilespmem:v12+s3+$0x0], $0xffff  }
0x414: {  	v17 =	vadd.s32 s8, v6;
	v15 =	vld.idx.msk [tilespmem:v15+s3+$0x0], $0xffff;
	[tilespmem:s30+$0x180] =	vst v10  }
0x415: {  	v10 =	vld.idx.msk [tilespmem:v13+s3+$0x0], $0xffff;
	v13 =	vadd.s32 s7, v7;
	[tilespmem:s20+$0x3D0] =	vst v14  }
0x416: {  	v14 =	vadd.s32 s0, v5;
	[tilespmem:s21+$0xFFFFFEB0] =	vst v20;
	v18 =	vld.idx.msk [tilespmem:v18+s3+$0x0], $0xffff  }
0x417: {  	[tilespmem:s22+$0xFFFFFC60] =	vst v16;
	v16 =	vadd.s32 s6, v5;
	v20 =	vld.idx.msk [tilespmem:v21+s3+$0x0], $0xffff  }
0x418: {  	v11 =	vld.idx.msk [tilespmem:v11+s3+$0x0], $0xffff;
	[tilespmem:s22+$0x60] =	vst v19;
	v19 =	vadd.s32 s25, v6  }
0x419: {  	s2 =	sadd.s32 $0xFFFFF6D0, s29;
	v21 =	vadd.s32 s1, v9;
	v17 =	vld.idx.msk [tilespmem:v17+s3+$0x0], $0xffff;
	[tilespmem:s21+$0x2B0] =	vst v12  }
0x41a: {  	s4 =	sadd.s32 $0xFFFFFC10, s29;
	v12 =	vadd.s32 s2, v2;
	[tilespmem:s30+$0xFFFFFD90] =	vst v15;
	v13 =	vld.idx.msk [tilespmem:v13+s3+$0x0], $0xffff  }
0x41b: {  	v15 =	vadd.s32 s4, v2;
	v14 =	vld.idx.msk [tilespmem:v14+s3+$0x0], $0xffff;
	[tilespmem:s30+$0x190] =	vst v10  }
0x41c: {  	v10 =	vld.idx.msk [tilespmem:v16+s3+$0x0], $0xffff;
	v16 =	vadd.s32 s7, v9;
	[tilespmem:s20+$0x3E0] =	vst v18  }
0x41d: {  	v18 =	vadd.s32 s0, v4;
	[tilespmem:s21+$0xFFFFFEC0] =	vst v20;
	v19 =	vld.idx.msk [tilespmem:v19+s3+$0x0], $0xffff  }
0x41e: {  	[tilespmem:s22+$0xFFFFFC70] =	vst v11;
	v11 =	vadd.s32 s6, v4;
	v20 =	vld.idx.msk [tilespmem:v21+s3+$0x0], $0xffff  }
0x41f: {  	v12 =	vld.idx.msk [tilespmem:v12+s3+$0x0], $0xffff;
	[tilespmem:s22+$0x70] =	vst v17;
	v17 =	vadd.s32 s26, v6  }
0x420: {  	v21 =	vadd.s32 s1, v8;
	v15 =	vld.idx.msk [tilespmem:v15+s3+$0x0], $0xffff;
	[tilespmem:s21+$0x2C0] =	vst v13  }
0x421: {  	v13 =	vadd.s32 s2, v3;
	[tilespmem:s30+$0xFFFFFDA0] =	vst v14;
	v14 =	vld.idx.msk [tilespmem:v16+s3+$0x0], $0xffff  }
0x422: {  	v16 =	vadd.s32 s4, v3;
	v18 =	vld.idx.msk [tilespmem:v18+s3+$0x0], $0xffff;
	[tilespmem:s30+$0x1A0] =	vst v10  }
0x423: {  	v10 =	vld.idx.msk [tilespmem:v11+s3+$0x0], $0xffff;
	v11 =	vadd.s32 s7, v8;
	[tilespmem:s20+$0x3F0] =	vst v19  }
0x424: {  	v19 =	vadd.s32 s0, v7;
	[tilespmem:s21+$0xFFFFFED0] =	vst v20;
	v17 =	vld.idx.msk [tilespmem:v17+s3+$0x0], $0xffff  }
0x425: {  	s5 =	sadd.s32 $0xFFFFFAC0, s25;
	s25 =	smov.u32 s24;
	s24 =	smov.u32 s23;
	[tilespmem:s22+$0xFFFFFC80] =	vst v12;
	v12 =	vadd.s32 s6, v7;
	v20 =	vld.idx.msk [tilespmem:v21+s3+$0x0], $0xffff  }
0x426: {  	s23 =	smov.u32 s29;
	v13 =	vld.idx.msk [tilespmem:v13+s3+$0x0], $0xffff;
	[tilespmem:s22+$0x80] =	vst v15;
	v15 =	vadd.s32 s5, v2  }
0x427: {  	v21 =	vadd.s32 s1, v6;
	v16 =	vld.idx.msk [tilespmem:v16+s3+$0x0], $0xffff;
	[tilespmem:s21+$0x2D0] =	vst v14  }
0x428: {  	v14 =	vadd.s32 s2, v5;
	[tilespmem:s30+$0xFFFFFDB0] =	vst v18;
	v11 =	vld.idx.msk [tilespmem:v11+s3+$0x0], $0xffff  }
0x429: {  	v18 =	vadd.s32 s4, v5;
	v19 =	vld.idx.msk [tilespmem:v19+s3+$0x0], $0xffff;
	[tilespmem:s30+$0x1B0] =	vst v10  }
0x42a: {  	v10 =	vld.idx.msk [tilespmem:v12+s3+$0x0], $0xffff;
	v12 =	vadd.s32 s7, v6;
	[tilespmem:s20+$0xFFFFFF70] =	vst v17  }
0x42b: {  	v17 =	vadd.s32 s0, v9;
	[tilespmem:s21+$0xFFFFFEE0] =	vst v20;
	v15 =	vld.idx.msk [tilespmem:v15+s3+$0x0], $0xffff  }
0x42c: {  	[tilespmem:s22+$0xFFFFFC90] =	vst v13;
	v13 =	vadd.s32 s6, v9;
	v20 =	vld.idx.msk [tilespmem:v21+s3+$0x0], $0xffff  }
0x42d: {  	s26 =	sadd.s32 $0xFFFFFA18, s25;
	v14 =	vld.idx.msk [tilespmem:v14+s3+$0x0], $0xffff;
	[tilespmem:s22+$0x90] =	vst v16;
	v16 =	vadd.s32 s5, v3  }
0x42e: {  	v21 =	vadd.s32 s26, v2;
	v18 =	vld.idx.msk [tilespmem:v18+s3+$0x0], $0xffff;
	[tilespmem:s21+$0x2E0] =	vst v11  }
0x42f: {  	v11 =	vadd.s32 s2, v4;
	[tilespmem:s30+$0xFFFFFDC0] =	vst v19;
	v12 =	vld.idx.msk [tilespmem:v12+s3+$0x0], $0xffff  }
0x430: {  	s7 =	sadd.s32 $0xFFFFFF58, s25;
	v19 =	vadd.s32 s4, v4;
	v17 =	vld.idx.msk [tilespmem:v17+s3+$0x0], $0xffff;
	[tilespmem:s30+$0x1C0] =	vst v10  }
0x431: {  	v10 =	vld.idx.msk [tilespmem:v13+s3+$0x0], $0xffff;
	v13 =	vadd.s32 s7, v2;
	[tilespmem:s20+$0xFFFFFF80] =	vst v15  }
0x432: {  	v15 =	vadd.s32 s0, v8;
	[tilespmem:s21+$0xFFFFFEF0] =	vst v20;
	v16 =	vld.idx.msk [tilespmem:v16+s3+$0x0], $0xffff  }
0x433: {  	[tilespmem:s22+$0xFFFFFCA0] =	vst v14;
	v14 =	vadd.s32 s6, v8;
	v20 =	vld.idx.msk [tilespmem:v21+s3+$0x0], $0xffff  }
0x434: {  	v11 =	vld.idx.msk [tilespmem:v11+s3+$0x0], $0xffff;
	[tilespmem:s22+$0xA0] =	vst v18;
	v18 =	vadd.s32 s5, v5  }
0x435: {  	v21 =	vadd.s32 s26, v3;
	v19 =	vld.idx.msk [tilespmem:v19+s3+$0x0], $0xffff;
	[tilespmem:s21+$0x2F0] =	vst v12  }
0x436: {  	v12 =	vadd.s32 s2, v7;
	[tilespmem:s30+$0xFFFFFDD0] =	vst v17;
	v13 =	vld.idx.msk [tilespmem:v13+s3+$0x0], $0xffff  }
0x437: {  	v17 =	vadd.s32 s4, v7;
	v15 =	vld.idx.msk [tilespmem:v15+s3+$0x0], $0xffff;
	[tilespmem:s30+$0x1D0] =	vst v10  }
0x438: {  	v10 =	vld.idx.msk [tilespmem:v14+s3+$0x0], $0xffff;
	v14 =	vadd.s32 s7, v3;
	[tilespmem:s20+$0xFFFFFF90] =	vst v16  }
0x439: {  	v16 =	vadd.s32 s0, v6;
	[tilespmem:s21+$0xFFFFFF00] =	vst v20;
	v18 =	vld.idx.msk [tilespmem:v18+s3+$0x0], $0xffff  }
0x43a: {  	[tilespmem:s22+$0xFFFFFCB0] =	vst v11;
	v11 =	vadd.s32 s6, v6;
	v20 =	vld.idx.msk [tilespmem:v21+s3+$0x0], $0xffff  }
0x43b: {  	v12 =	vld.idx.msk [tilespmem:v12+s3+$0x0], $0xffff;
	[tilespmem:s22+$0xB0] =	vst v19;
	v19 =	vadd.s32 s5, v4  }
0x43c: {  	v21 =	vadd.s32 s26, v5;
	v17 =	vld.idx.msk [tilespmem:v17+s3+$0x0], $0xffff;
	[tilespmem:s21+$0x300] =	vst v13  }
0x43d: {  	v22 =	vadd.s32 s2, v9;
	[tilespmem:s30+$0xFFFFFDE0] =	vst v15;
	v14 =	vld.idx.msk [tilespmem:v14+s3+$0x0], $0xffff  }
0x43e: {  	v15 =	vadd.s32 s4, v9;
	v16 =	vld.idx.msk [tilespmem:v16+s3+$0x0], $0xffff;
	[tilespmem:s30+$0x1E0] =	vst v10  }
0x43f: {  	s0 =	sadd.s32 $0xFFFFF8C8, s24;
	v10 =	vld.idx.msk [tilespmem:v11+s3+$0x0], $0xffff;
	v11 =	vadd.s32 s7, v5;
	[tilespmem:s20+$0xFFFFFFA0] =	vst v18  }
0x440: {  	s1 =	sadd.s32 $0xFFFFFE08, s24;
	v13 =	vadd.s32 s0, v9;
	v18 =	vadd.s32 s0, v2;
	[tilespmem:s21+$0xFFFFFF10] =	vst v20;
	v19 =	vld.idx.msk [tilespmem:v19+s3+$0x0], $0xffff  }
0x441: {  	[tilespmem:s22+$0xFFFFFCC0] =	vst v12;
	v12 =	vadd.s32 s1, v2;
	v20 =	vld.idx.msk [tilespmem:v21+s3+$0x0], $0xffff  }
0x442: {  	v21 =	vld.idx.msk [tilespmem:v22+s3+$0x0], $0xffff;
	[tilespmem:s22+$0xC0] =	vst v17;
	v17 =	vadd.s32 s5, v7  }
0x443: {  	v22 =	vadd.s32 s26, v4;
	v15 =	vld.idx.msk [tilespmem:v15+s3+$0x0], $0xffff;
	[tilespmem:s21+$0x310] =	vst v14  }
0x444: {  	v14 =	vadd.s32 s2, v8;
	[tilespmem:s30+$0xFFFFFDF0] =	vst v16;
	v11 =	vld.idx.msk [tilespmem:v11+s3+$0x0], $0xffff  }
0x445: {  	v16 =	vadd.s32 s4, v8;
	v18 =	vld.idx.msk [tilespmem:v18+s3+$0x0], $0xffff;
	[tilespmem:s30+$0x1F0] =	vst v10  }
0x446: {  	v10 =	vld.idx.msk [tilespmem:v12+s3+$0x0], $0xffff;
	v12 =	vadd.s32 s7, v4;
	[tilespmem:s20+$0xFFFFFFB0] =	vst v19  }
0x447: {  	v19 =	vadd.s32 s0, v3;
	[tilespmem:s21+$0xFFFFFF20] =	vst v20;
	v17 =	vld.idx.msk [tilespmem:v17+s3+$0x0], $0xffff  }
0x448: {  	v20 =	vadd.s32 s1, v3;
	[tilespmem:s22+$0xFFFFFCD0] =	vst v21;
	v21 =	vld.idx.msk [tilespmem:v22+s3+$0x0], $0xffff  }
0x449: {  	v14 =	vld.idx.msk [tilespmem:v14+s3+$0x0], $0xffff;
	[tilespmem:s22+$0xD0] =	vst v15;
	v15 =	vadd.s32 s5, v9  }
0x44a: {  	v22 =	vadd.s32 s26, v7;
	v16 =	vld.idx.msk [tilespmem:v16+s3+$0x0], $0xffff;
	[tilespmem:s21+$0x320] =	vst v11  }
0x44b: {  	v11 =	vadd.s32 s2, v6;
	[tilespmem:s30+$0xFFFFFE00] =	vst v18;
	v12 =	vld.idx.msk [tilespmem:v12+s3+$0x0], $0xffff  }
0x44c: {  	v18 =	vadd.s32 s4, v6;
	v19 =	vld.idx.msk [tilespmem:v19+s3+$0x0], $0xffff;
	[tilespmem:s30+$0x200] =	vst v10  }
0x44d: {  	v10 =	vld.idx.msk [tilespmem:v20+s3+$0x0], $0xffff;
	v20 =	vadd.s32 s7, v7;
	[tilespmem:s20+$0xFFFFFFC0] =	vst v17  }
0x44e: {  	v17 =	vadd.s32 s0, v5;
	[tilespmem:s21+$0xFFFFFF30] =	vst v21;
	v15 =	vld.idx.msk [tilespmem:v15+s3+$0x0], $0xffff  }
0x44f: {  	[tilespmem:s22+$0xFFFFFCE0] =	vst v14;
	v14 =	vadd.s32 s1, v5;
	v21 =	vld.idx.msk [tilespmem:v22+s3+$0x0], $0xffff  }
0x450: {  	v11 =	vld.idx.msk [tilespmem:v11+s3+$0x0], $0xffff;
	[tilespmem:s22+$0xE0] =	vst v16;
	v16 =	vadd.s32 s5, v8  }
0x451: {  	s2 =	sadd.s32 $0xFFFFF778, s29;
	v22 =	vadd.s32 s26, v9;
	v18 =	vld.idx.msk [tilespmem:v18+s3+$0x0], $0xffff;
	[tilespmem:s21+$0x330] =	vst v12  }
0x452: {  	s4 =	sadd.s32 $0xFFFFFCB8, s29;
	v12 =	vadd.s32 s2, v2;
	[tilespmem:s30+$0xFFFFFE10] =	vst v19;
	v19 =	vld.idx.msk [tilespmem:v20+s3+$0x0], $0xffff  }
0x453: {  	v20 =	vadd.s32 s4, v2;
	v17 =	vld.idx.msk [tilespmem:v17+s3+$0x0], $0xffff;
	[tilespmem:s30+$0x210] =	vst v10  }
0x454: {  	v10 =	vld.idx.msk [tilespmem:v14+s3+$0x0], $0xffff;
	v14 =	vadd.s32 s7, v9;
	[tilespmem:s20+$0xFFFFFFD0] =	vst v15  }
0x455: {  	v15 =	vadd.s32 s0, v4;
	[tilespmem:s21+$0xFFFFFF40] =	vst v21;
	v16 =	vld.idx.msk [tilespmem:v16+s3+$0x0], $0xffff  }
0x456: {  	[tilespmem:s22+$0xFFFFFCF0] =	vst v11;
	v11 =	vadd.s32 s1, v4;
	v21 =	vld.idx.msk [tilespmem:v22+s3+$0x0], $0xffff  }
0x457: {  	v12 =	vld.idx.msk [tilespmem:v12+s3+$0x0], $0xffff;
	[tilespmem:s22+$0xF0] =	vst v18;
	v18 =	vadd.s32 s5, v6  }
0x458: {  	v22 =	vadd.s32 s26, v8;
	v20 =	vld.idx.msk [tilespmem:v20+s3+$0x0], $0xffff;
	[tilespmem:s21+$0x340] =	vst v19  }
0x459: {  	v19 =	vadd.s32 s2, v3;
	[tilespmem:s30+$0xFFFFFE20] =	vst v17;
	v14 =	vld.idx.msk [tilespmem:v14+s3+$0x0], $0xffff  }
0x45a: {  	v17 =	vadd.s32 s4, v3;
	v15 =	vld.idx.msk [tilespmem:v15+s3+$0x0], $0xffff;
	[tilespmem:s30+$0x220] =	vst v10  }
0x45b: {  	v23 =	vld.idx.msk [tilespmem:v11+s3+$0x0], $0xffff;
	v11 =	vadd.s32 s7, v8;
	[tilespmem:s20+$0xFFFFFFE0] =	vst v16  }
0x45c: {  	v24 =	vadd.s32 s0, v7;
	[tilespmem:s21+$0xFFFFFF50] =	vst v21;
	v21 =	vld.idx.msk [tilespmem:v18+s3+$0x0], $0xffff  }
0x45d: {  	[tilespmem:s22+$0xFFFFFD00] =	vst v12;
	v12 =	vadd.s32 s1, v7;
	v10 =	vld.idx.msk [tilespmem:v22+s3+$0x0], $0xffff  }
.Ltmp0:
0x45e: {  	v16 =	vld.idx.msk [tilespmem:v19+s3+$0x0], $0xffff;
	[tilespmem:s22+$0x100] =	vst v20;
	(pc) =	sbr.rel @p1 .LBB2_3-.Ltmp0, $4  }
0x45f: {  	v17 =	vld.idx.msk [tilespmem:v17+s3+$0x0], $0xffff;
	[tilespmem:s21+$0x350] =	vst v14  }
0x460: {  	v18 =	vadd.s32 s2, v5;
	[tilespmem:s30+$0xFFFFFE30] =	vst v15;
	v11 =	vld.idx.msk [tilespmem:v11+s3+$0x0], $0xffff  }
0x461: {  	v19 =	vadd.s32 s4, v5;
	v14 =	vld.idx.msk [tilespmem:v24+s3+$0x0], $0xffff;
	[tilespmem:s30+$0x230] =	vst v23  }
0x462: {  	s29 =	sadd.s32 $0xA80, s29;
	v15 =	vld.idx.msk [tilespmem:v12+s3+$0x0], $0xffff;
	v12 =	vadd.s32 s7, v6;
	[tilespmem:s20+$0xFFFFFFF0] =	vst v21;
	s20 =	smov.u32 s21;
	s21 =	smov.u32 s30  }
0x463: {  	_ =	sdelay $0x2  }
0x464: {  	[tilespmem:s22+$0x110] =	vst v17  }
0x465: {  	[tilespmem:s22+$0xFFFFFD10] =	vst v16;
	v16 =	vld.idx.msk [tilespmem:v19+s3+$0x0], $0xffff  }
0x466: {  	v17 =	vld.idx.msk [tilespmem:v18+s3+$0x0], $0xffff;
	v18 =	vadd.s32 s4, v4  }
0x467: {  	v19 =	vadd.s32 s2, v4;
	_ =	sdelay $0x2  }
0x468: {  	[tilespmem:s22+$0x120] =	vst v16  }
0x469: {  	[tilespmem:s22+$0xFFFFFD20] =	vst v17;
	v16 =	vld.idx.msk [tilespmem:v18+s3+$0x0], $0xffff  }
0x46a: {  	v17 =	vld.idx.msk [tilespmem:v19+s3+$0x0], $0xffff;
	v18 =	vadd.s32 s4, v7  }
0x46b: {  	v19 =	vadd.s32 s2, v7;
	_ =	sdelay $0x2  }
0x46c: {  	[tilespmem:s22+$0x130] =	vst v16  }
0x46d: {  	[tilespmem:s22+$0xFFFFFD30] =	vst v17;
	v16 =	vld.idx.msk [tilespmem:v18+s3+$0x0], $0xffff  }
0x46e: {  	v17 =	vld.idx.msk [tilespmem:v19+s3+$0x0], $0xffff;
	v18 =	vadd.s32 s4, v9  }
0x46f: {  	v19 =	vadd.s32 s2, v9;
	_ =	sdelay $0x2  }
0x470: {  	[tilespmem:s22+$0x140] =	vst v16  }
0x471: {  	[tilespmem:s22+$0xFFFFFD40] =	vst v17;
	v16 =	vld.idx.msk [tilespmem:v18+s3+$0x0], $0xffff  }
0x472: {  	v17 =	vld.idx.msk [tilespmem:v19+s3+$0x0], $0xffff;
	v18 =	vadd.s32 s4, v8  }
0x473: {  	v19 =	vadd.s32 s2, v8;
	_ =	sdelay $0x2  }
0x474: {  	[tilespmem:s22+$0x150] =	vst v16  }
0x475: {  	[tilespmem:s22+$0xFFFFFD50] =	vst v17;
	v16 =	vld.idx.msk [tilespmem:v18+s3+$0x0], $0xffff  }
0x476: {  	v17 =	vld.idx.msk [tilespmem:v19+s3+$0x0], $0xffff;
	v18 =	vadd.s32 s4, v6  }
0x477: {  	v19 =	vadd.s32 s2, v6;
	_ =	sdelay $0x2  }
0x478: {  	v20 =	vadd.s32 s1, v9;
	[tilespmem:s22+$0x160] =	vst v16  }
0x479: {  	s16 =	sadd.s32 $0xFFFFFD60, s23;
	[tilespmem:s22+$0xFFFFFD60] =	vst v17;
	v16 =	vld.idx.msk [tilespmem:v18+s3+$0x0], $0xffff  }
0x47a: {  	s17 =	sadd.s32 $0xFFFFF820, s23;
	v17 =	vld.idx.msk [tilespmem:v19+s3+$0x0], $0xffff;
	v18 =	vadd.s32 s16, v2  }
0x47b: {  	v19 =	vadd.s32 s17, v2  }
0x47c: {  	[tilespmem:s21+$0x240] =	vst v15  }
0x47d: {  	v15 =	vld.idx.msk [tilespmem:v20+s3+$0x0], $0xffff  }
0x47e: {  	v20 =	vadd.s32 s1, v8;
	[tilespmem:s22+$0x170] =	vst v16  }
0x47f: {  	[tilespmem:s22+$0xFFFFFD70] =	vst v17;
	v16 =	vld.idx.msk [tilespmem:v18+s3+$0x0], $0xffff  }
0x480: {  	v17 =	vld.idx.msk [tilespmem:v19+s3+$0x0], $0xffff;
	v18 =	vadd.s32 s16, v3  }
0x481: {  	v19 =	vadd.s32 s17, v3  }
0x482: {  	[tilespmem:s21+$0x250] =	vst v15  }
0x483: {  	v15 =	vld.idx.msk [tilespmem:v20+s3+$0x0], $0xffff  }
0x484: {  	v20 =	vadd.s32 s1, v6;
	[tilespmem:s22+$0x180] =	vst v16  }
0x485: {  	[tilespmem:s22+$0xFFFFFD80] =	vst v17;
	v16 =	vld.idx.msk [tilespmem:v18+s3+$0x0], $0xffff  }
0x486: {  	v17 =	vld.idx.msk [tilespmem:v19+s3+$0x0], $0xffff;
	v18 =	vadd.s32 s16, v5  }
0x487: {  	v19 =	vadd.s32 s17, v5  }
0x488: {  	[tilespmem:s21+$0x260] =	vst v15  }
0x489: {  	s18 =	sadd.s32 $0xFFFFFEB0, s24;
	v15 =	vld.idx.msk [tilespmem:v20+s3+$0x0], $0xffff  }
0x48a: {  	v20 =	vadd.s32 s18, v2;
	[tilespmem:s22+$0x190] =	vst v16  }
0x48b: {  	[tilespmem:s22+$0xFFFFFD90] =	vst v17;
	v16 =	vld.idx.msk [tilespmem:v18+s3+$0x0], $0xffff  }
0x48c: {  	v17 =	vld.idx.msk [tilespmem:v19+s3+$0x0], $0xffff;
	v18 =	vadd.s32 s16, v4  }
0x48d: {  	v19 =	vadd.s32 s17, v4  }
0x48e: {  	[tilespmem:s21+$0x270] =	vst v15  }
0x48f: {  	v15 =	vld.idx.msk [tilespmem:v20+s3+$0x0], $0xffff  }
0x490: {  	v20 =	vadd.s32 s18, v3;
	[tilespmem:s22+$0x1A0] =	vst v16  }
0x491: {  	[tilespmem:s22+$0xFFFFFDA0] =	vst v17;
	v16 =	vld.idx.msk [tilespmem:v18+s3+$0x0], $0xffff  }
0x492: {  	v17 =	vld.idx.msk [tilespmem:v19+s3+$0x0], $0xffff;
	v18 =	vadd.s32 s16, v7  }
0x493: {  	v19 =	vadd.s32 s17, v7  }
0x494: {  	[tilespmem:s21+$0x280] =	vst v15  }
0x495: {  	[tilespmem:s21+$0xFFFFFE40] =	vst v14;
	v14 =	vld.idx.msk [tilespmem:v20+s3+$0x0], $0xffff  }
0x496: {  	v13 =	vld.idx.msk [tilespmem:v13+s3+$0x0], $0xffff;
	v15 =	vadd.s32 s18, v5;
	[tilespmem:s22+$0x1B0] =	vst v16  }
0x497: {  	[tilespmem:s22+$0xFFFFFDB0] =	vst v17;
	v16 =	vadd.s32 s0, v8;
	v17 =	vld.idx.msk [tilespmem:v18+s3+$0x0], $0xffff  }
0x498: {  	v18 =	vld.idx.msk [tilespmem:v19+s3+$0x0], $0xffff;
	v19 =	vadd.s32 s16, v9  }
0x499: {  	v20 =	vadd.s32 s17, v9  }
0x49a: {  	[tilespmem:s21+$0x290] =	vst v14  }
0x49b: {  	[tilespmem:s21+$0xFFFFFE50] =	vst v13;
	v13 =	vld.idx.msk [tilespmem:v15+s3+$0x0], $0xffff  }
0x49c: {  	v15 =	vadd.s32 s18, v4;
	v14 =	vld.idx.msk [tilespmem:v16+s3+$0x0], $0xffff;
	[tilespmem:s22+$0x1C0] =	vst v17  }
0x49d: {  	v16 =	vadd.s32 s0, v6;
	[tilespmem:s22+$0xFFFFFDC0] =	vst v18;
	v17 =	vld.idx.msk [tilespmem:v19+s3+$0x0], $0xffff  }
0x49e: {  	v18 =	vld.idx.msk [tilespmem:v20+s3+$0x0], $0xffff;
	v19 =	vadd.s32 s16, v8  }
0x49f: {  	v20 =	vadd.s32 s17, v8  }
0x4a0: {  	[tilespmem:s21+$0x2A0] =	vst v13  }
0x4a1: {  	v13 =	vld.idx.msk [tilespmem:v15+s3+$0x0], $0xffff;
	[tilespmem:s21+$0xFFFFFE60] =	vst v14  }
0x4a2: {  	s31 =	sadd.s32 $0xFFFFF970, s24;
	v15 =	vadd.s32 s18, v7;
	v14 =	vld.idx.msk [tilespmem:v16+s3+$0x0], $0xffff;
	[tilespmem:s22+$0x1D0] =	vst v17  }
0x4a3: {  	v16 =	vadd.s32 s31, v2;
	[tilespmem:s22+$0xFFFFFDD0] =	vst v18;
	v17 =	vld.idx.msk [tilespmem:v19+s3+$0x0], $0xffff  }
0x4a4: {  	v18 =	vld.idx.msk [tilespmem:v20+s3+$0x0], $0xffff;
	v19 =	vadd.s32 s16, v6  }
0x4a5: {  	v20 =	vadd.s32 s17, v6  }
0x4a6: {  	[tilespmem:s21+$0x2B0] =	vst v13  }
0x4a7: {  	v13 =	vld.idx.msk [tilespmem:v15+s3+$0x0], $0xffff;
	[tilespmem:s21+$0xFFFFFE70] =	vst v14  }
0x4a8: {  	v15 =	vadd.s32 s18, v9;
	v14 =	vld.idx.msk [tilespmem:v16+s3+$0x0], $0xffff;
	[tilespmem:s22+$0x1E0] =	vst v17  }
0x4a9: {  	s4 =	sadd.s32 $0xFFFFFE08, s23;
	v16 =	vadd.s32 s31, v3;
	[tilespmem:s22+$0xFFFFFDE0] =	vst v18;
	v17 =	vld.idx.msk [tilespmem:v19+s3+$0x0], $0xffff  }
0x4aa: {  	s5 =	sadd.s32 $0xFFFFF8C8, s23;
	v18 =	vld.idx.msk [tilespmem:v20+s3+$0x0], $0xffff;
	v19 =	vadd.s32 s4, v2  }
0x4ab: {  	v20 =	vadd.s32 s5, v2  }
0x4ac: {  	[tilespmem:s21+$0x2C0] =	vst v13  }
0x4ad: {  	v13 =	vld.idx.msk [tilespmem:v15+s3+$0x0], $0xffff;
	[tilespmem:s21+$0xFFFFFE80] =	vst v14  }
0x4ae: {  	v15 =	vadd.s32 s18, v8;
	v14 =	vld.idx.msk [tilespmem:v16+s3+$0x0], $0xffff;
	[tilespmem:s22+$0x1F0] =	vst v17  }
0x4af: {  	v16 =	vadd.s32 s31, v5;
	[tilespmem:s22+$0xFFFFFDF0] =	vst v18;
	v17 =	vld.idx.msk [tilespmem:v19+s3+$0x0], $0xffff  }
0x4b0: {  	v18 =	vld.idx.msk [tilespmem:v20+s3+$0x0], $0xffff;
	v19 =	vadd.s32 s4, v3  }
0x4b1: {  	v20 =	vadd.s32 s5, v3  }
0x4b2: {  	[tilespmem:s21+$0x2D0] =	vst v13  }
0x4b3: {  	v13 =	vld.idx.msk [tilespmem:v15+s3+$0x0], $0xffff;
	[tilespmem:s21+$0xFFFFFE90] =	vst v14  }
0x4b4: {  	v15 =	vadd.s32 s18, v6;
	v14 =	vld.idx.msk [tilespmem:v16+s3+$0x0], $0xffff;
	[tilespmem:s22+$0x200] =	vst v17  }
0x4b5: {  	v16 =	vadd.s32 s31, v4;
	[tilespmem:s22+$0xFFFFFE00] =	vst v18;
	v17 =	vld.idx.msk [tilespmem:v19+s3+$0x0], $0xffff  }
0x4b6: {  	v18 =	vld.idx.msk [tilespmem:v20+s3+$0x0], $0xffff;
	v19 =	vadd.s32 s4, v5  }
0x4b7: {  	v20 =	vadd.s32 s5, v5  }
0x4b8: {  	[tilespmem:s21+$0x2E0] =	vst v13  }
0x4b9: {  	s6 =	sadd.s32 $0xFFFFFF58, s24;
	v13 =	vld.idx.msk [tilespmem:v15+s3+$0x0], $0xffff;
	[tilespmem:s21+$0xFFFFFEA0] =	vst v14  }
0x4ba: {  	v15 =	vadd.s32 s6, v2;
	v14 =	vld.idx.msk [tilespmem:v16+s3+$0x0], $0xffff;
	[tilespmem:s22+$0x210] =	vst v17  }
0x4bb: {  	v16 =	vadd.s32 s31, v7;
	[tilespmem:s22+$0xFFFFFE10] =	vst v18;
	v17 =	vld.idx.msk [tilespmem:v19+s3+$0x0], $0xffff  }
0x4bc: {  	v18 =	vld.idx.msk [tilespmem:v20+s3+$0x0], $0xffff;
	v19 =	vadd.s32 s4, v4  }
0x4bd: {  	v20 =	vadd.s32 s5, v4  }
0x4be: {  	[tilespmem:s21+$0x2F0] =	vst v13  }
0x4bf: {  	v13 =	vld.idx.msk [tilespmem:v15+s3+$0x0], $0xffff;
	[tilespmem:s21+$0xFFFFFEB0] =	vst v14  }
0x4c0: {  	v15 =	vadd.s32 s6, v3;
	v14 =	vld.idx.msk [tilespmem:v16+s3+$0x0], $0xffff;
	[tilespmem:s22+$0x220] =	vst v17  }
0x4c1: {  	v16 =	vadd.s32 s31, v9;
	[tilespmem:s22+$0xFFFFFE20] =	vst v18;
	v17 =	vld.idx.msk [tilespmem:v19+s3+$0x0], $0xffff  }
0x4c2: {  	v18 =	vld.idx.msk [tilespmem:v20+s3+$0x0], $0xffff;
	v19 =	vadd.s32 s4, v7  }
0x4c3: {  	v20 =	vadd.s32 s5, v7  }
0x4c4: {  	[tilespmem:s21+$0x300] =	vst v13  }
0x4c5: {  	v13 =	vld.idx.msk [tilespmem:v15+s3+$0x0], $0xffff;
	[tilespmem:s21+$0xFFFFFEC0] =	vst v14  }
0x4c6: {  	v15 =	vadd.s32 s6, v5;
	v14 =	vld.idx.msk [tilespmem:v16+s3+$0x0], $0xffff;
	[tilespmem:s22+$0x230] =	vst v17  }
0x4c7: {  	v16 =	vadd.s32 s31, v8;
	[tilespmem:s22+$0xFFFFFE30] =	vst v18;
	v17 =	vld.idx.msk [tilespmem:v19+s3+$0x0], $0xffff  }
0x4c8: {  	v18 =	vld.idx.msk [tilespmem:v20+s3+$0x0], $0xffff;
	v19 =	vadd.s32 s4, v9  }
0x4c9: {  	v20 =	vadd.s32 s5, v9  }
0x4ca: {  	[tilespmem:s21+$0x310] =	vst v13  }
0x4cb: {  	v13 =	vld.idx.msk [tilespmem:v15+s3+$0x0], $0xffff;
	[tilespmem:s21+$0xFFFFFED0] =	vst v14  }
0x4cc: {  	v15 =	vadd.s32 s6, v4;
	v14 =	vld.idx.msk [tilespmem:v16+s3+$0x0], $0xffff;
	[tilespmem:s22+$0x240] =	vst v17  }
0x4cd: {  	v16 =	vadd.s32 s31, v6;
	[tilespmem:s22+$0xFFFFFE40] =	vst v18;
	v17 =	vld.idx.msk [tilespmem:v19+s3+$0x0], $0xffff  }
0x4ce: {  	v18 =	vld.idx.msk [tilespmem:v20+s3+$0x0], $0xffff;
	v19 =	vadd.s32 s4, v8  }
0x4cf: {  	v20 =	vadd.s32 s5, v8  }
0x4d0: {  	[tilespmem:s21+$0x320] =	vst v13  }
0x4d1: {  	v13 =	vld.idx.msk [tilespmem:v15+s3+$0x0], $0xffff;
	[tilespmem:s21+$0xFFFFFEE0] =	vst v14  }
0x4d2: {  	s7 =	sadd.s32 $0xFFFFFA18, s24;
	v15 =	vadd.s32 s6, v7;
	v14 =	vld.idx.msk [tilespmem:v16+s3+$0x0], $0xffff;
	[tilespmem:s22+$0x250] =	vst v17  }
0x4d3: {  	v16 =	vadd.s32 s7, v2;
	[tilespmem:s22+$0xFFFFFE50] =	vst v18;
	v17 =	vld.idx.msk [tilespmem:v19+s3+$0x0], $0xffff  }
0x4d4: {  	v18 =	vld.idx.msk [tilespmem:v20+s3+$0x0], $0xffff;
	v19 =	vadd.s32 s4, v6  }
0x4d5: {  	v20 =	vadd.s32 s5, v6  }
0x4d6: {  	[tilespmem:s21+$0x330] =	vst v13  }
0x4d7: {  	v13 =	vld.idx.msk [tilespmem:v15+s3+$0x0], $0xffff;
	[tilespmem:s21+$0xFFFFFEF0] =	vst v14  }
0x4d8: {  	v15 =	vadd.s32 s6, v9;
	v14 =	vld.idx.msk [tilespmem:v16+s3+$0x0], $0xffff;
	[tilespmem:s22+$0x260] =	vst v17  }
0x4d9: {  	s8 =	sadd.s32 $0xFFFFFEB0, s23;
	v16 =	vadd.s32 s7, v3;
	[tilespmem:s22+$0xFFFFFE60] =	vst v18;
	v17 =	vld.idx.msk [tilespmem:v19+s3+$0x0], $0xffff  }
0x4da: {  	s16 =	sadd.s32 $0xFFFFF970, s23;
	v18 =	vld.idx.msk [tilespmem:v20+s3+$0x0], $0xffff;
	v19 =	vadd.s32 s8, v2  }
0x4db: {  	v20 =	vadd.s32 s16, v2  }
0x4dc: {  	[tilespmem:s21+$0x340] =	vst v13  }
0x4dd: {  	v13 =	vld.idx.msk [tilespmem:v15+s3+$0x0], $0xffff;
	[tilespmem:s21+$0xFFFFFF00] =	vst v14  }
0x4de: {  	v15 =	vadd.s32 s6, v8;
	v14 =	vld.idx.msk [tilespmem:v16+s3+$0x0], $0xffff;
	[tilespmem:s22+$0x270] =	vst v17  }
0x4df: {  	v16 =	vadd.s32 s7, v5;
	[tilespmem:s22+$0xFFFFFE70] =	vst v18;
	v17 =	vld.idx.msk [tilespmem:v19+s3+$0x0], $0xffff  }
0x4e0: {  	v18 =	vld.idx.msk [tilespmem:v20+s3+$0x0], $0xffff;
	v19 =	vadd.s32 s8, v3  }
0x4e1: {  	v20 =	vadd.s32 s16, v3  }
0x4e2: {  	[tilespmem:s21+$0x350] =	vst v13  }
0x4e3: {  	v13 =	vadd.s32 s26, v6;
	[tilespmem:s21+$0xFFFFFF10] =	vst v14;
	v14 =	vld.idx.msk [tilespmem:v15+s3+$0x0], $0xffff  }
0x4e4: {  	v15 =	vld.idx.msk [tilespmem:v16+s3+$0x0], $0xffff;
	v16 =	vadd.s32 s6, v6;
	[tilespmem:s22+$0x280] =	vst v17  }
0x4e5: {  	v17 =	vadd.s32 s7, v4;
	[tilespmem:s22+$0xFFFFFE80] =	vst v18;
	v18 =	vld.idx.msk [tilespmem:v19+s3+$0x0], $0xffff  }
0x4e6: {  	[tilespmem:s20+$0x360] =	vst v11;
	v11 =	vld.idx.msk [tilespmem:v20+s3+$0x0], $0xffff;
	v19 =	vadd.s32 s8, v5  }
0x4e7: {  	[tilespmem:s20+$0xFFFFFF60] =	vst v10;
	v12 =	vld.idx.msk [tilespmem:v12+s3+$0x0], $0xffff;
	v10 =	vadd.s32 s16, v5  }
0x4e8: {  	s17 =	sadd.s32 $0xFFFFFAC0, s25;
	v13 =	vld.idx.msk [tilespmem:v13+s3+$0x0], $0xffff;
	v20 =	vadd.s32 s25, v2;
	[tilespmem:s21+$0x360] =	vst v14  }
0x4e9: {  	v14 =	vadd.s32 s17, v2;
	[tilespmem:s21+$0xFFFFFF20] =	vst v15;
	v15 =	vld.idx.msk [tilespmem:v16+s3+$0x0], $0xffff  }
0x4ea: {  	v16 =	vld.idx.msk [tilespmem:v17+s3+$0x0], $0xffff;
	v17 =	vadd.s32 s24, v2;
	[tilespmem:s22+$0x290] =	vst v18  }
0x4eb: {  	v18 =	vadd.s32 s7, v7;
	[tilespmem:s22+$0xFFFFFE90] =	vst v11;
	v11 =	vld.idx.msk [tilespmem:v19+s3+$0x0], $0xffff  }
0x4ec: {  	[tilespmem:s20+$0x370] =	vst v12;
	v12 =	vadd.s32 s8, v4;
	v10 =	vld.idx.msk [tilespmem:v10+s3+$0x0], $0xffff  }
0x4ed: {  	[tilespmem:s20+$0xFFFFFF70] =	vst v13;
	v13 =	vadd.s32 s16, v4;
	v19 =	vld.idx.msk [tilespmem:v20+s3+$0x0], $0xffff  }
0x4ee: {  	v20 =	vadd.s32 s25, v3;
	v14 =	vld.idx.msk [tilespmem:v14+s3+$0x0], $0xffff;
	[tilespmem:s21+$0x370] =	vst v15  }
0x4ef: {  	v15 =	vadd.s32 s17, v3;
	[tilespmem:s21+$0xFFFFFF30] =	vst v16;
	v16 =	vld.idx.msk [tilespmem:v17+s3+$0x0], $0xffff  }
0x4f0: {  	v17 =	vld.idx.msk [tilespmem:v18+s3+$0x0], $0xffff;
	v18 =	vadd.s32 s24, v3;
	[tilespmem:s22+$0x2A0] =	vst v11  }
0x4f1: {  	v11 =	vadd.s32 s7, v9;
	[tilespmem:s22+$0xFFFFFEA0] =	vst v10;
	v10 =	vld.idx.msk [tilespmem:v12+s3+$0x0], $0xffff  }
0x4f2: {  	[tilespmem:s20+$0x380] =	vst v19;
	v12 =	vld.idx.msk [tilespmem:v13+s3+$0x0], $0xffff;
	v13 =	vadd.s32 s8, v7  }
0x4f3: {  	v19 =	vld.idx.msk [tilespmem:v20+s3+$0x0], $0xffff;
	[tilespmem:s20+$0xFFFFFF80] =	vst v14;
	v14 =	vadd.s32 s16, v7  }
0x4f4: {  	v20 =	vadd.s32 s25, v5;
	v15 =	vld.idx.msk [tilespmem:v15+s3+$0x0], $0xffff;
	[tilespmem:s21+$0x380] =	vst v16  }
0x4f5: {  	v16 =	vadd.s32 s17, v5;
	[tilespmem:s21+$0xFFFFFF40] =	vst v17;
	v17 =	vld.idx.msk [tilespmem:v18+s3+$0x0], $0xffff  }
0x4f6: {  	v18 =	vadd.s32 s24, v5;
	v11 =	vld.idx.msk [tilespmem:v11+s3+$0x0], $0xffff;
	[tilespmem:s22+$0x2B0] =	vst v10  }
0x4f7: {  	v10 =	vadd.s32 s7, v8;
	[tilespmem:s22+$0xFFFFFEB0] =	vst v12;
	v12 =	vld.idx.msk [tilespmem:v13+s3+$0x0], $0xffff  }
0x4f8: {  	[tilespmem:s20+$0x390] =	vst v19;
	v13 =	vld.idx.msk [tilespmem:v14+s3+$0x0], $0xffff;
	v14 =	vadd.s32 s8, v9  }
0x4f9: {  	v19 =	vld.idx.msk [tilespmem:v20+s3+$0x0], $0xffff;
	[tilespmem:s20+$0xFFFFFF90] =	vst v15;
	v15 =	vadd.s32 s16, v9  }
0x4fa: {  	v20 =	vadd.s32 s25, v4;
	v16 =	vld.idx.msk [tilespmem:v16+s3+$0x0], $0xffff;
	[tilespmem:s21+$0x390] =	vst v17  }
0x4fb: {  	v17 =	vadd.s32 s17, v4;
	[tilespmem:s21+$0xFFFFFF50] =	vst v11;
	v11 =	vld.idx.msk [tilespmem:v18+s3+$0x0], $0xffff  }
0x4fc: {  	v18 =	vadd.s32 s24, v4;
	v10 =	vld.idx.msk [tilespmem:v10+s3+$0x0], $0xffff;
	[tilespmem:s22+$0x2C0] =	vst v12  }
0x4fd: {  	[tilespmem:s22+$0xFFFFFEC0] =	vst v13;
	v12 =	vadd.s32 s7, v6;
	v13 =	vld.idx.msk [tilespmem:v14+s3+$0x0], $0xffff  }
0x4fe: {  	[tilespmem:s20+$0x3A0] =	vst v19;
	v14 =	vld.idx.msk [tilespmem:v15+s3+$0x0], $0xffff;
	v15 =	vadd.s32 s8, v8  }
0x4ff: {  	v19 =	vld.idx.msk [tilespmem:v20+s3+$0x0], $0xffff;
	[tilespmem:s20+$0xFFFFFFA0] =	vst v16;
	v16 =	vadd.s32 s16, v8  }
0x500: {  	v20 =	vadd.s32 s25, v7;
	v17 =	vld.idx.msk [tilespmem:v17+s3+$0x0], $0xffff;
	[tilespmem:s21+$0x3A0] =	vst v11  }
0x501: {  	v11 =	vadd.s32 s17, v7;
	[tilespmem:s21+$0xFFFFFF60] =	vst v10;
	v10 =	vld.idx.msk [tilespmem:v18+s3+$0x0], $0xffff  }
0x502: {  	s18 =	sadd.s32 $0xFFFFFAC0, s24;
	v18 =	vadd.s32 s24, v7;
	v12 =	vld.idx.msk [tilespmem:v12+s3+$0x0], $0xffff;
	[tilespmem:s22+$0x2D0] =	vst v13  }
0x503: {  	[tilespmem:s22+$0xFFFFFED0] =	vst v14;
	v13 =	vadd.s32 s18, v2;
	v14 =	vld.idx.msk [tilespmem:v15+s3+$0x0], $0xffff  }
0x504: {  	[tilespmem:s20+$0x3B0] =	vst v19;
	v15 =	vld.idx.msk [tilespmem:v16+s3+$0x0], $0xffff;
	v16 =	vadd.s32 s8, v6  }
0x505: {  	v19 =	vld.idx.msk [tilespmem:v20+s3+$0x0], $0xffff;
	[tilespmem:s20+$0xFFFFFFB0] =	vst v17;
	v17 =	vadd.s32 s16, v6  }
0x506: {  	v20 =	vadd.s32 s25, v9;
	v11 =	vld.idx.msk [tilespmem:v11+s3+$0x0], $0xffff;
	[tilespmem:s21+$0x3B0] =	vst v10  }
0x507: {  	v10 =	vadd.s32 s17, v9;
	v18 =	vld.idx.msk [tilespmem:v18+s3+$0x0], $0xffff;
	[tilespmem:s21+$0xFFFFFF70] =	vst v12  }
0x508: {  	v12 =	vadd.s32 s24, v9;
	v13 =	vld.idx.msk [tilespmem:v13+s3+$0x0], $0xffff;
	[tilespmem:s22+$0x2E0] =	vst v14  }
0x509: {  	s26 =	sadd.s32 $0xFFFFFF58, s23;
	[tilespmem:s22+$0xFFFFFEE0] =	vst v15;
	v14 =	vadd.s32 s18, v3;
	v15 =	vld.idx.msk [tilespmem:v16+s3+$0x0], $0xffff  }
0x50a: {  	s31 =	sadd.s32 $0xFFFFFA18, s23;
	[tilespmem:s20+$0x3C0] =	vst v19;
	v16 =	vld.idx.msk [tilespmem:v17+s3+$0x0], $0xffff;
	v17 =	vadd.s32 s26, v2  }
0x50b: {  	v19 =	vld.idx.msk [tilespmem:v20+s3+$0x0], $0xffff;
	[tilespmem:s20+$0xFFFFFFC0] =	vst v11;
	v11 =	vadd.s32 s31, v2  }
0x50c: {  	v20 =	vadd.s32 s25, v8;
	v10 =	vld.idx.msk [tilespmem:v10+s3+$0x0], $0xffff;
	[tilespmem:s21+$0x3C0] =	vst v18  }
0x50d: {  	v18 =	vadd.s32 s17, v8;
	v12 =	vld.idx.msk [tilespmem:v12+s3+$0x0], $0xffff;
	[tilespmem:s21+$0xFFFFFF80] =	vst v13  }
0x50e: {  	v13 =	vadd.s32 s24, v8;
	v14 =	vld.idx.msk [tilespmem:v14+s3+$0x0], $0xffff;
	[tilespmem:s22+$0x2F0] =	vst v15  }
0x50f: {  	[tilespmem:s22+$0xFFFFFEF0] =	vst v16;
	v15 =	vadd.s32 s18, v5;
	v16 =	vld.idx.msk [tilespmem:v17+s3+$0x0], $0xffff  }
0x510: {  	[tilespmem:s20+$0x3D0] =	vst v19;
	v11 =	vld.idx.msk [tilespmem:v11+s3+$0x0], $0xffff;
	v17 =	vadd.s32 s26, v3  }
0x511: {  	v19 =	vld.idx.msk [tilespmem:v20+s3+$0x0], $0xffff;
	[tilespmem:s20+$0xFFFFFFD0] =	vst v10;
	v10 =	vadd.s32 s31, v3  }
0x512: {  	v20 =	vadd.s32 s25, v6;
	v18 =	vld.idx.msk [tilespmem:v18+s3+$0x0], $0xffff;
	[tilespmem:s21+$0x3D0] =	vst v12  }
0x513: {  	v12 =	vadd.s32 s17, v6;
	v13 =	vld.idx.msk [tilespmem:v13+s3+$0x0], $0xffff;
	[tilespmem:s21+$0xFFFFFF90] =	vst v14  }
0x514: {  	v14 =	vadd.s32 s24, v6;
	v15 =	vld.idx.msk [tilespmem:v15+s3+$0x0], $0xffff;
	[tilespmem:s22+$0x300] =	vst v16  }
0x515: {  	[tilespmem:s22+$0xFFFFFF00] =	vst v11;
	v11 =	vadd.s32 s18, v4;
	v16 =	vld.idx.msk [tilespmem:v17+s3+$0x0], $0xffff  }
0x516: {  	[tilespmem:s20+$0x3E0] =	vst v19;
	v10 =	vld.idx.msk [tilespmem:v10+s3+$0x0], $0xffff;
	v17 =	vadd.s32 s26, v5  }
0x517: {  	v19 =	vld.idx.msk [tilespmem:v20+s3+$0x0], $0xffff;
	[tilespmem:s20+$0xFFFFFFE0] =	vst v18;
	v18 =	vadd.s32 s31, v5  }
0x518: {  	v12 =	vld.idx.msk [tilespmem:v12+s3+$0x0], $0xffff;
	[tilespmem:s21+$0x3E0] =	vst v13  }
0x519: {  	v13 =	vld.idx.msk [tilespmem:v14+s3+$0x0], $0xffff;
	[tilespmem:s21+$0xFFFFFFA0] =	vst v15  }
0x51a: {  	v11 =	vld.idx.msk [tilespmem:v11+s3+$0x0], $0xffff;
	[tilespmem:s22+$0x310] =	vst v16  }
0x51b: {  	[tilespmem:s22+$0xFFFFFF10] =	vst v10;
	v10 =	vld.idx.msk [tilespmem:v17+s3+$0x0], $0xffff  }
0x51c: {  	v15 =	vadd.s32 s26, v4;
	[tilespmem:s20+$0x3F0] =	vst v19;
	v14 =	vld.idx.msk [tilespmem:v18+s3+$0x0], $0xffff  }
0x51d: {  	[tilespmem:s20+$0xFFFFFFF0] =	vst v12;
	v12 =	vadd.s32 s31, v4  }
0x51e: {  	[tilespmem:s21+$0x3F0] =	vst v13  }
0x51f: {  	[tilespmem:s21+$0xFFFFFFB0] =	vst v11  }
0x520: {  	[tilespmem:s22+$0x320] =	vst v10  }
0x521: {  	[tilespmem:s22+$0xFFFFFF20] =	vst v14;
	v10 =	vld.idx.msk [tilespmem:v15+s3+$0x0], $0xffff  }
0x522: {  	v11 =	vld.idx.msk [tilespmem:v12+s3+$0x0], $0xffff;
	v12 =	vadd.s32 s26, v7  }
0x523: {  	v13 =	vadd.s32 s31, v7;
	_ =	sdelay $0x2  }
0x524: {  	[tilespmem:s22+$0x330] =	vst v10  }
0x525: {  	[tilespmem:s22+$0xFFFFFF30] =	vst v11;
	v10 =	vld.idx.msk [tilespmem:v12+s3+$0x0], $0xffff  }
0x526: {  	v11 =	vld.idx.msk [tilespmem:v13+s3+$0x0], $0xffff;
	v12 =	vadd.s32 s26, v9  }
0x527: {  	v13 =	vadd.s32 s31, v9;
	_ =	sdelay $0x2  }
0x528: {  	[tilespmem:s22+$0x340] =	vst v10  }
0x529: {  	[tilespmem:s22+$0xFFFFFF40] =	vst v11;
	v10 =	vld.idx.msk [tilespmem:v12+s3+$0x0], $0xffff  }
0x52a: {  	v11 =	vld.idx.msk [tilespmem:v13+s3+$0x0], $0xffff;
	v12 =	vadd.s32 s26, v8  }
0x52b: {  	v13 =	vadd.s32 s31, v8;
	_ =	sdelay $0x2  }
0x52c: {  	[tilespmem:s22+$0x350] =	vst v10  }
0x52d: {  	[tilespmem:s22+$0xFFFFFF50] =	vst v11;
	v10 =	vld.idx.msk [tilespmem:v12+s3+$0x0], $0xffff  }
0x52e: {  	v11 =	vld.idx.msk [tilespmem:v13+s3+$0x0], $0xffff;
	v12 =	vadd.s32 s26, v6  }
0x52f: {  	v13 =	vadd.s32 s31, v6;
	_ =	sdelay $0x2  }
0x530: {  	[tilespmem:s22+$0x360] =	vst v10  }
0x531: {  	[tilespmem:s22+$0xFFFFFF60] =	vst v11;
	v10 =	vld.idx.msk [tilespmem:v12+s3+$0x0], $0xffff  }
0x532: {  	s2 =	sadd.s32 $0xFFFFFAC0, s23;
	v11 =	vadd.s32 s23, v2;
	v12 =	vld.idx.msk [tilespmem:v13+s3+$0x0], $0xffff  }
0x533: {  	v13 =	vadd.s32 s2, v2;
	_ =	sdelay $0x2  }
0x534: {  	[tilespmem:s22+$0x370] =	vst v10  }
0x535: {  	[tilespmem:s22+$0xFFFFFF70] =	vst v12;
	v10 =	vld.idx.msk [tilespmem:v11+s3+$0x0], $0xffff  }
0x536: {  	v11 =	vadd.s32 s23, v3;
	v12 =	vld.idx.msk [tilespmem:v13+s3+$0x0], $0xffff  }
0x537: {  	v13 =	vadd.s32 s2, v3;
	_ =	sdelay $0x2  }
0x538: {  	[tilespmem:s22+$0x380] =	vst v10  }
0x539: {  	[tilespmem:s22+$0xFFFFFF80] =	vst v12;
	v10 =	vld.idx.msk [tilespmem:v11+s3+$0x0], $0xffff  }
0x53a: {  	v11 =	vadd.s32 s23, v5;
	v12 =	vld.idx.msk [tilespmem:v13+s3+$0x0], $0xffff  }
0x53b: {  	v13 =	vadd.s32 s2, v5;
	_ =	sdelay $0x2  }
0x53c: {  	[tilespmem:s22+$0x390] =	vst v10  }
0x53d: {  	[tilespmem:s22+$0xFFFFFF90] =	vst v12;
	v10 =	vld.idx.msk [tilespmem:v11+s3+$0x0], $0xffff  }
0x53e: {  	v11 =	vadd.s32 s23, v4;
	v12 =	vld.idx.msk [tilespmem:v13+s3+$0x0], $0xffff  }
0x53f: {  	v13 =	vadd.s32 s2, v4;
	_ =	sdelay $0x2  }
0x540: {  	[tilespmem:s22+$0x3A0] =	vst v10  }
0x541: {  	v10 =	vadd.s32 s18, v7;
	[tilespmem:s22+$0xFFFFFFA0] =	vst v12;
	v11 =	vld.idx.msk [tilespmem:v11+s3+$0x0], $0xffff  }
0x542: {  	v12 =	vadd.s32 s23, v7;
	v13 =	vld.idx.msk [tilespmem:v13+s3+$0x0], $0xffff  }
0x543: {  	v14 =	vadd.s32 s2, v7;
	_ =	sdelay $0x2  }
0x544: {  	v10 =	vld.idx.msk [tilespmem:v10+s3+$0x0], $0xffff;
	[tilespmem:s22+$0x3B0] =	vst v11  }
0x545: {  	v11 =	vadd.s32 s18, v9;
	[tilespmem:s22+$0xFFFFFFB0] =	vst v13;
	v12 =	vld.idx.msk [tilespmem:v12+s3+$0x0], $0xffff  }
0x546: {  	v13 =	vadd.s32 s23, v9;
	v14 =	vld.idx.msk [tilespmem:v14+s3+$0x0], $0xffff  }
0x547: {  	v15 =	vadd.s32 s2, v9;
	_ =	sdelay $0x1  }
0x548: {  	[tilespmem:s21+$0xFFFFFFC0] =	vst v10  }
0x549: {  	v10 =	vld.idx.msk [tilespmem:v11+s3+$0x0], $0xffff;
	[tilespmem:s22+$0x3C0] =	vst v12  }
0x54a: {  	v11 =	vadd.s32 s18, v8;
	[tilespmem:s22+$0xFFFFFFC0] =	vst v14;
	v12 =	vld.idx.msk [tilespmem:v13+s3+$0x0], $0xffff  }
0x54b: {  	v13 =	vadd.s32 s23, v8;
	v14 =	vld.idx.msk [tilespmem:v15+s3+$0x0], $0xffff  }
0x54c: {  	v15 =	vadd.s32 s2, v8;
	_ =	sdelay $0x1  }
0x54d: {  	[tilespmem:s21+$0xFFFFFFD0] =	vst v10  }
0x54e: {  	v10 =	vld.idx.msk [tilespmem:v11+s3+$0x0], $0xffff;
	[tilespmem:s22+$0x3D0] =	vst v12  }
0x54f: {  	v11 =	vadd.s32 s18, v6;
	[tilespmem:s22+$0xFFFFFFD0] =	vst v14;
	v12 =	vld.idx.msk [tilespmem:v13+s3+$0x0], $0xffff  }
0x550: {  	v13 =	vadd.s32 s23, v6;
	v14 =	vld.idx.msk [tilespmem:v15+s3+$0x0], $0xffff  }
0x551: {  	v15 =	vadd.s32 s2, v6;
	_ =	sdelay $0x1  }
0x552: {  	[tilespmem:s21+$0xFFFFFFE0] =	vst v10  }
0x553: {  	v10 =	vld.idx.msk [tilespmem:v11+s3+$0x0], $0xffff;
	[tilespmem:s22+$0x3E0] =	vst v12  }
0x554: {  	[tilespmem:s22+$0xFFFFFFE0] =	vst v14;
	v11 =	vld.idx.msk [tilespmem:v13+s3+$0x0], $0xffff  }
0x555: {  	v12 =	vld.idx.msk [tilespmem:v15+s3+$0x0], $0xffff;
	_ =	sdelay $0x1  }
0x556: {  	v2 =	vadd.s32 $0x1, v2  }
0x557: {  	s4 =	sshll.u32 s19, $0x10;
	vm9 =	veq.s32 v2, $0xA8;
	[tilespmem:s21+$0xFFFFFFF0] =	vst v10  }
0x558: {  	s6 =	simm.s32 $0x0;
	s20 =	sor.u32 s10, s4;
	v2 =	vsel vm9, $0x0, v2;
	[tilespmem:s22+$0x3F0] =	vst v11  }
0x559: {  	s5 =	sadd.s32 s9, s20;
	s2 =	simm.s32 @!p0 $0x1;
	v10 =	vadd.s32 s6, v2;
	[tilespmem:s22+$0xFFFFFFF0] =	vst v12  }
0x55a: {  	[hbm4b:s5+s12] =	stream.strided.scatter [tilespmem:s14], [sflag:$0x1], $0x2000, s13, s12, $0x38;
	[tilespmem:$0x6B00] =	vst v63  }
0x55b: {  	s7 =	simm.s32 $0x540;
	_ =	swait.ge @!p0 [sflag:s2], $0x2000  }
0x55c: {  	v3 =	vadd.s32 $0x1, v3;
	v11 =	vadd.s32 s7, v2;
	[sflag:s2] =	ssyncset.done @!p0 $0x0  }
0x55d: {  	vm9 =	veq.s32 v3, $0xA8;
	[sflag:s2] =	ssyncadd.s32 @!p0 $0xFFFFE000  }
0x55e: {  	v3 =	vsel vm9, $0x0, v3;
	v10 =	vld.idx.msk [tilespmem:v10+s3+$0x0], $0xffff  }
0x55f: {  	v12 =	vadd.s32 s6, v3;
	_ =	sdelay $0x1  }
0x560: {  	v11 =	vld.idx.msk [tilespmem:v11+s3+$0x0], $0xffff  }
0x561: {  	v5 =	vadd.s32 $0x1, v5;
	v13 =	vadd.s32 s7, v3;
	s21 =	simm.s32 $0x52F0  }
0x562: {  	vm9 =	veq.s32 v5, $0xA8;
	[tilespmem:s21+$0xFFFFF810] =	vst v10  }
0x563: {  	v5 =	vsel vm9, $0x0, v5;
	v10 =	vld.idx.msk [tilespmem:v12+s3+$0x0], $0xffff  }
0x564: {  	v12 =	vadd.s32 s6, v5  }
0x565: {  	[tilespmem:s21+$0xFFFFFC10] =	vst v11  }
0x566: {  	v11 =	vld.idx.msk [tilespmem:v13+s3+$0x0], $0xffff  }
0x567: {  	v4 =	vadd.s32 $0x1, v4;
	v13 =	vadd.s32 s7, v5  }
0x568: {  	vm9 =	veq.s32 v4, $0xA8;
	[tilespmem:s21+$0xFFFFF820] =	vst v10  }
0x569: {  	v4 =	vsel vm9, $0x0, v4;
	v10 =	vld.idx.msk [tilespmem:v12+s3+$0x0], $0xffff  }
0x56a: {  	v12 =	vadd.s32 s6, v4  }
0x56b: {  	[tilespmem:s21+$0xFFFFFC20] =	vst v11  }
0x56c: {  	v11 =	vld.idx.msk [tilespmem:v13+s3+$0x0], $0xffff  }
0x56d: {  	v7 =	vadd.s32 $0x1, v7;
	v13 =	vadd.s32 s7, v4  }
0x56e: {  	vm9 =	veq.s32 v7, $0xA8;
	[tilespmem:s21+$0xFFFFF830] =	vst v10  }
0x56f: {  	v7 =	vsel vm9, $0x0, v7;
	v10 =	vld.idx.msk [tilespmem:v12+s3+$0x0], $0xffff  }
0x570: {  	v12 =	vadd.s32 s6, v7  }
0x571: {  	[tilespmem:s21+$0xFFFFFC30] =	vst v11  }
0x572: {  	v11 =	vld.idx.msk [tilespmem:v13+s3+$0x0], $0xffff  }
0x573: {  	v9 =	vadd.s32 $0x1, v9;
	v13 =	vadd.s32 s7, v7  }
0x574: {  	vm9 =	veq.s32 v9, $0xA8;
	[tilespmem:s21+$0xFFFFF840] =	vst v10  }
0x575: {  	v9 =	vsel vm9, $0x0, v9;
	v10 =	vld.idx.msk [tilespmem:v12+s3+$0x0], $0xffff  }
0x576: {  	v12 =	vadd.s32 s6, v9  }
0x577: {  	[tilespmem:s21+$0xFFFFFC40] =	vst v11  }
0x578: {  	v11 =	vld.idx.msk [tilespmem:v13+s3+$0x0], $0xffff  }
0x579: {  	v8 =	vadd.s32 $0x1, v8;
	v13 =	vadd.s32 s7, v9  }
0x57a: {  	vm9 =	veq.s32 v8, $0xA8;
	[tilespmem:s21+$0xFFFFF850] =	vst v10  }
0x57b: {  	v8 =	vsel vm9, $0x0, v8;
	v10 =	vld.idx.msk [tilespmem:v12+s3+$0x0], $0xffff  }
0x57c: {  	v12 =	vadd.s32 s6, v8  }
0x57d: {  	[tilespmem:s21+$0xFFFFFC50] =	vst v11  }
0x57e: {  	v11 =	vld.idx.msk [tilespmem:v13+s3+$0x0], $0xffff  }
0x57f: {  	v6 =	vadd.s32 $0x1, v6;
	v13 =	vadd.s32 s7, v8  }
0x580: {  	vm9 =	veq.s32 v6, $0xA8;
	[tilespmem:s21+$0xFFFFF860] =	vst v10  }
0x581: {  	v6 =	vsel vm9, $0x0, v6;
	v10 =	vld.idx.msk [tilespmem:v12+s3+$0x0], $0xffff  }
0x582: {  	v12 =	vadd.s32 s6, v6  }
0x583: {  	[tilespmem:s21+$0xFFFFFC60] =	vst v11  }
0x584: {  	v11 =	vld.idx.msk [tilespmem:v13+s3+$0x0], $0xffff  }
0x585: {  	v13 =	vadd.s32 s7, v6  }
0x586: {  	[tilespmem:s21+$0xFFFFF870] =	vst v10  }
0x587: {  	s8 =	simm.s32 $0xA8;
	v10 =	vld.idx.msk [tilespmem:v12+s3+$0x0], $0xffff  }
0x588: {  	v12 =	vadd.s32 s8, v2  }
0x589: {  	[tilespmem:s21+$0xFFFFFC70] =	vst v11  }
0x58a: {  	s16 =	simm.s32 $0x5E8;
	v11 =	vld.idx.msk [tilespmem:v13+s3+$0x0], $0xffff  }
0x58b: {  	v13 =	vadd.s32 s16, v2  }
0x58c: {  	[tilespmem:s21+$0xFFFFF880] =	vst v10  }
0x58d: {  	v10 =	vld.idx.msk [tilespmem:v12+s3+$0x0], $0xffff  }
0x58e: {  	v12 =	vadd.s32 s8, v3  }
0x58f: {  	[tilespmem:s21+$0xFFFFFC80] =	vst v11  }
0x590: {  	v11 =	vld.idx.msk [tilespmem:v13+s3+$0x0], $0xffff  }
0x591: {  	v13 =	vadd.s32 s16, v3  }
0x592: {  	[tilespmem:s21+$0xFFFFF890] =	vst v10  }
0x593: {  	v10 =	vld.idx.msk [tilespmem:v12+s3+$0x0], $0xffff  }
0x594: {  	v12 =	vadd.s32 s8, v5  }
0x595: {  	[tilespmem:s21+$0xFFFFFC90] =	vst v11  }
0x596: {  	v11 =	vld.idx.msk [tilespmem:v13+s3+$0x0], $0xffff  }
0x597: {  	v13 =	vadd.s32 s16, v5  }
0x598: {  	[tilespmem:s21+$0xFFFFF8A0] =	vst v10  }
0x599: {  	v10 =	vld.idx.msk [tilespmem:v12+s3+$0x0], $0xffff  }
0x59a: {  	v12 =	vadd.s32 s8, v4  }
0x59b: {  	[tilespmem:s21+$0xFFFFFCA0] =	vst v11  }
0x59c: {  	v11 =	vld.idx.msk [tilespmem:v13+s3+$0x0], $0xffff  }
0x59d: {  	v13 =	vadd.s32 s16, v4  }
0x59e: {  	[tilespmem:s21+$0xFFFFF8B0] =	vst v10  }
0x59f: {  	v10 =	vld.idx.msk [tilespmem:v12+s3+$0x0], $0xffff  }
0x5a0: {  	v12 =	vadd.s32 s8, v7  }
0x5a1: {  	[tilespmem:s21+$0xFFFFFCB0] =	vst v11  }
0x5a2: {  	v11 =	vld.idx.msk [tilespmem:v13+s3+$0x0], $0xffff  }
0x5a3: {  	v13 =	vadd.s32 s16, v7  }
0x5a4: {  	[tilespmem:s21+$0xFFFFF8C0] =	vst v10  }
0x5a5: {  	v10 =	vld.idx.msk [tilespmem:v12+s3+$0x0], $0xffff  }
0x5a6: {  	v12 =	vadd.s32 s8, v9  }
0x5a7: {  	[tilespmem:s21+$0xFFFFFCC0] =	vst v11  }
0x5a8: {  	v11 =	vld.idx.msk [tilespmem:v13+s3+$0x0], $0xffff  }
0x5a9: {  	v13 =	vadd.s32 s16, v9  }
0x5aa: {  	[tilespmem:s21+$0xFFFFF8D0] =	vst v10  }
0x5ab: {  	v10 =	vld.idx.msk [tilespmem:v12+s3+$0x0], $0xffff  }
0x5ac: {  	v12 =	vadd.s32 s8, v8  }
0x5ad: {  	[tilespmem:s21+$0xFFFFFCD0] =	vst v11  }
0x5ae: {  	v11 =	vld.idx.msk [tilespmem:v13+s3+$0x0], $0xffff  }
0x5af: {  	v13 =	vadd.s32 s16, v8  }
0x5b0: {  	[tilespmem:s21+$0xFFFFF8E0] =	vst v10  }
0x5b1: {  	v10 =	vld.idx.msk [tilespmem:v12+s3+$0x0], $0xffff  }
0x5b2: {  	v12 =	vadd.s32 s8, v6  }
0x5b3: {  	[tilespmem:s21+$0xFFFFFCE0] =	vst v11  }
0x5b4: {  	v11 =	vld.idx.msk [tilespmem:v13+s3+$0x0], $0xffff  }
0x5b5: {  	v13 =	vadd.s32 s16, v6  }
0x5b6: {  	[tilespmem:s21+$0xFFFFF8F0] =	vst v10  }
0x5b7: {  	s17 =	simm.s32 $0x150;
	v10 =	vld.idx.msk [tilespmem:v12+s3+$0x0], $0xffff  }
0x5b8: {  	v12 =	vadd.s32 s17, v2  }
0x5b9: {  	[tilespmem:s21+$0xFFFFFCF0] =	vst v11  }
0x5ba: {  	s18 =	simm.s32 $0x690;
	v11 =	vld.idx.msk [tilespmem:v13+s3+$0x0], $0xffff  }
0x5bb: {  	v13 =	vadd.s32 s18, v2  }
0x5bc: {  	[tilespmem:s21+$0xFFFFF900] =	vst v10  }
0x5bd: {  	v10 =	vld.idx.msk [tilespmem:v12+s3+$0x0], $0xffff  }
0x5be: {  	v12 =	vadd.s32 s17, v3  }
0x5bf: {  	[tilespmem:s21+$0xFFFFFD00] =	vst v11  }
0x5c0: {  	v11 =	vld.idx.msk [tilespmem:v13+s3+$0x0], $0xffff  }
0x5c1: {  	v13 =	vadd.s32 s18, v3  }
0x5c2: {  	[tilespmem:s21+$0xFFFFF910] =	vst v10  }
0x5c3: {  	v10 =	vld.idx.msk [tilespmem:v12+s3+$0x0], $0xffff  }
0x5c4: {  	v12 =	vadd.s32 s17, v5  }
0x5c5: {  	[tilespmem:s21+$0xFFFFFD10] =	vst v11  }
0x5c6: {  	v11 =	vld.idx.msk [tilespmem:v13+s3+$0x0], $0xffff  }
0x5c7: {  	s23 =	simm.s32 $0xA80;
	v13 =	vadd.s32 s18, v5  }
0x5c8: {  	s24 =	simm.s32 $0xFC0;
	v14 =	vadd.s32 s23, v2;
	[tilespmem:s21+$0xFFFFF920] =	vst v10  }
0x5c9: {  	v10 =	vadd.s32 s24, v2;
	v12 =	vld.idx.msk [tilespmem:v12+s3+$0x0], $0xffff  }
0x5ca: {  	v15 =	vadd.s32 s17, v4  }
0x5cb: {  	[tilespmem:s21+$0xFFFFFD20] =	vst v11  }
0x5cc: {  	v11 =	vld.idx.msk [tilespmem:v13+s3+$0x0], $0xffff  }
0x5cd: {  	v14 =	vld.idx.msk [tilespmem:v14+s3+$0x0], $0xffff;
	v13 =	vadd.s32 s18, v4  }
0x5ce: {  	v16 =	vadd.s32 s23, v3;
	v10 =	vld.idx.msk [tilespmem:v10+s3+$0x0], $0xffff;
	[tilespmem:s21+$0xFFFFF930] =	vst v12  }
0x5cf: {  	v12 =	vadd.s32 s24, v3;
	v15 =	vld.idx.msk [tilespmem:v15+s3+$0x0], $0xffff  }
0x5d0: {  	v17 =	vadd.s32 s17, v7  }
0x5d1: {  	s22 =	simm.s32 $0x5AF0;
	[tilespmem:s21+$0xFFFFFD30] =	vst v11  }
0x5d2: {  	[tilespmem:s22+$0xFFFFF810] =	vst v14;
	v11 =	vld.idx.msk [tilespmem:v13+s3+$0x0], $0xffff  }
0x5d3: {  	v14 =	vld.idx.msk [tilespmem:v16+s3+$0x0], $0xffff;
	v13 =	vadd.s32 s18, v7;
	[tilespmem:s22+$0xFFFFFC10] =	vst v10  }
0x5d4: {  	v10 =	vld.idx.msk [tilespmem:v12+s3+$0x0], $0xffff;
	v12 =	vadd.s32 s23, v5;
	[tilespmem:s21+$0xFFFFF940] =	vst v15  }
0x5d5: {  	v15 =	vadd.s32 s24, v5;
	v16 =	vld.idx.msk [tilespmem:v17+s3+$0x0], $0xffff  }
0x5d6: {  	v17 =	vadd.s32 s17, v9  }
0x5d7: {  	[tilespmem:s21+$0xFFFFFD40] =	vst v11  }
0x5d8: {  	[tilespmem:s22+$0xFFFFF820] =	vst v14;
	v11 =	vld.idx.msk [tilespmem:v13+s3+$0x0], $0xffff  }
0x5d9: {  	v13 =	vadd.s32 s18, v9;
	v12 =	vld.idx.msk [tilespmem:v12+s3+$0x0], $0xffff;
	[tilespmem:s22+$0xFFFFFC20] =	vst v10  }
0x5da: {  	v14 =	vadd.s32 s23, v4;
	v10 =	vld.idx.msk [tilespmem:v15+s3+$0x0], $0xffff;
	[tilespmem:s21+$0xFFFFF950] =	vst v16  }
0x5db: {  	v15 =	vadd.s32 s24, v4;
	v16 =	vld.idx.msk [tilespmem:v17+s3+$0x0], $0xffff  }
0x5dc: {  	v17 =	vadd.s32 s17, v8  }
0x5dd: {  	[tilespmem:s21+$0xFFFFFD50] =	vst v11  }
0x5de: {  	v11 =	vld.idx.msk [tilespmem:v13+s3+$0x0], $0xffff;
	[tilespmem:s22+$0xFFFFF830] =	vst v12  }
0x5df: {  	v12 =	vadd.s32 s18, v8;
	v13 =	vld.idx.msk [tilespmem:v14+s3+$0x0], $0xffff;
	[tilespmem:s22+$0xFFFFFC30] =	vst v10  }
0x5e0: {  	v14 =	vadd.s32 s23, v7;
	v10 =	vld.idx.msk [tilespmem:v15+s3+$0x0], $0xffff;
	[tilespmem:s21+$0xFFFFF960] =	vst v16  }
0x5e1: {  	v15 =	vadd.s32 s24, v7;
	v16 =	vld.idx.msk [tilespmem:v17+s3+$0x0], $0xffff  }
0x5e2: {  	v17 =	vadd.s32 s17, v6  }
0x5e3: {  	[tilespmem:s21+$0xFFFFFD60] =	vst v11  }
0x5e4: {  	v11 =	vld.idx.msk [tilespmem:v12+s3+$0x0], $0xffff;
	[tilespmem:s22+$0xFFFFF840] =	vst v13  }
0x5e5: {  	v12 =	vadd.s32 s18, v6;
	v13 =	vld.idx.msk [tilespmem:v14+s3+$0x0], $0xffff;
	[tilespmem:s22+$0xFFFFFC40] =	vst v10  }
0x5e6: {  	v14 =	vadd.s32 s23, v9;
	v10 =	vld.idx.msk [tilespmem:v15+s3+$0x0], $0xffff;
	[tilespmem:s21+$0xFFFFF970] =	vst v16  }
0x5e7: {  	s25 =	simm.s32 $0x1F8;
	v15 =	vadd.s32 s24, v9;
	v16 =	vld.idx.msk [tilespmem:v17+s3+$0x0], $0xffff  }
0x5e8: {  	v17 =	vadd.s32 s25, v2  }
0x5e9: {  	[tilespmem:s21+$0xFFFFFD70] =	vst v11  }
0x5ea: {  	s26 =	simm.s32 $0x738;
	v11 =	vld.idx.msk [tilespmem:v12+s3+$0x0], $0xffff;
	[tilespmem:s22+$0xFFFFF850] =	vst v13  }
0x5eb: {  	v12 =	vadd.s32 s26, v2;
	v13 =	vld.idx.msk [tilespmem:v14+s3+$0x0], $0xffff;
	[tilespmem:s22+$0xFFFFFC50] =	vst v10  }
0x5ec: {  	v14 =	vadd.s32 s23, v8;
	v10 =	vld.idx.msk [tilespmem:v15+s3+$0x0], $0xffff;
	[tilespmem:s21+$0xFFFFF980] =	vst v16  }
0x5ed: {  	v15 =	vadd.s32 s24, v8;
	v16 =	vld.idx.msk [tilespmem:v17+s3+$0x0], $0xffff  }
0x5ee: {  	v17 =	vadd.s32 s25, v3  }
0x5ef: {  	[tilespmem:s21+$0xFFFFFD80] =	vst v11  }
0x5f0: {  	v11 =	vld.idx.msk [tilespmem:v12+s3+$0x0], $0xffff;
	[tilespmem:s22+$0xFFFFF860] =	vst v13  }
0x5f1: {  	v12 =	vadd.s32 s26, v3;
	v13 =	vld.idx.msk [tilespmem:v14+s3+$0x0], $0xffff;
	[tilespmem:s22+$0xFFFFFC60] =	vst v10  }
0x5f2: {  	v14 =	vadd.s32 s23, v6;
	v10 =	vld.idx.msk [tilespmem:v15+s3+$0x0], $0xffff;
	[tilespmem:s21+$0xFFFFF990] =	vst v16  }
0x5f3: {  	v15 =	vadd.s32 s24, v6;
	v16 =	vld.idx.msk [tilespmem:v17+s3+$0x0], $0xffff  }
0x5f4: {  	v17 =	vadd.s32 s25, v5  }
0x5f5: {  	[tilespmem:s21+$0xFFFFFD90] =	vst v11  }
0x5f6: {  	v11 =	vld.idx.msk [tilespmem:v12+s3+$0x0], $0xffff;
	[tilespmem:s22+$0xFFFFF870] =	vst v13  }
0x5f7: {  	s31 =	simm.s32 $0xB28;
	v12 =	vadd.s32 s26, v5;
	v13 =	vld.idx.msk [tilespmem:v14+s3+$0x0], $0xffff;
	[tilespmem:s22+$0xFFFFFC70] =	vst v10  }
0x5f8: {  	s5 =	simm.s32 $0x1068;
	v14 =	vadd.s32 s31, v2;
	v10 =	vld.idx.msk [tilespmem:v15+s3+$0x0], $0xffff;
	[tilespmem:s21+$0xFFFFF9A0] =	vst v16  }
0x5f9: {  	v15 =	vadd.s32 s5, v2;
	v16 =	vld.idx.msk [tilespmem:v17+s3+$0x0], $0xffff  }
0x5fa: {  	v17 =	vadd.s32 s25, v4  }
0x5fb: {  	[tilespmem:s21+$0xFFFFFDA0] =	vst v11  }
0x5fc: {  	v11 =	vld.idx.msk [tilespmem:v12+s3+$0x0], $0xffff;
	[tilespmem:s22+$0xFFFFF880] =	vst v13  }
0x5fd: {  	v12 =	vadd.s32 s26, v4;
	v13 =	vld.idx.msk [tilespmem:v14+s3+$0x0], $0xffff;
	[tilespmem:s22+$0xFFFFFC80] =	vst v10  }
0x5fe: {  	v14 =	vadd.s32 s31, v3;
	v10 =	vld.idx.msk [tilespmem:v15+s3+$0x0], $0xffff;
	[tilespmem:s21+$0xFFFFF9B0] =	vst v16  }
0x5ff: {  	v15 =	vadd.s32 s5, v3;
	v16 =	vld.idx.msk [tilespmem:v17+s3+$0x0], $0xffff  }
0x600: {  	v17 =	vadd.s32 s25, v7  }
0x601: {  	[tilespmem:s21+$0xFFFFFDB0] =	vst v11  }
0x602: {  	v11 =	vld.idx.msk [tilespmem:v12+s3+$0x0], $0xffff;
	[tilespmem:s22+$0xFFFFF890] =	vst v13  }
0x603: {  	v12 =	vadd.s32 s26, v7;
	v13 =	vld.idx.msk [tilespmem:v14+s3+$0x0], $0xffff;
	[tilespmem:s22+$0xFFFFFC90] =	vst v10  }
0x604: {  	v14 =	vadd.s32 s31, v5;
	v10 =	vld.idx.msk [tilespmem:v15+s3+$0x0], $0xffff;
	[tilespmem:s21+$0xFFFFF9C0] =	vst v16  }
0x605: {  	v15 =	vadd.s32 s5, v5;
	v16 =	vld.idx.msk [tilespmem:v17+s3+$0x0], $0xffff  }
0x606: {  	v17 =	vadd.s32 s25, v9  }
0x607: {  	[tilespmem:s21+$0xFFFFFDC0] =	vst v11  }
0x608: {  	v11 =	vld.idx.msk [tilespmem:v12+s3+$0x0], $0xffff;
	[tilespmem:s22+$0xFFFFF8A0] =	vst v13  }
0x609: {  	v12 =	vadd.s32 s26, v9;
	v13 =	vld.idx.msk [tilespmem:v14+s3+$0x0], $0xffff;
	[tilespmem:s22+$0xFFFFFCA0] =	vst v10  }
0x60a: {  	v14 =	vadd.s32 s31, v4;
	v10 =	vld.idx.msk [tilespmem:v15+s3+$0x0], $0xffff;
	[tilespmem:s21+$0xFFFFF9D0] =	vst v16  }
0x60b: {  	v15 =	vadd.s32 s5, v4;
	v16 =	vld.idx.msk [tilespmem:v17+s3+$0x0], $0xffff  }
0x60c: {  	v17 =	vadd.s32 s25, v8  }
0x60d: {  	[tilespmem:s21+$0xFFFFFDD0] =	vst v11  }
0x60e: {  	v11 =	vld.idx.msk [tilespmem:v12+s3+$0x0], $0xffff;
	[tilespmem:s22+$0xFFFFF8B0] =	vst v13  }
0x60f: {  	v12 =	vadd.s32 s26, v8;
	v13 =	vld.idx.msk [tilespmem:v14+s3+$0x0], $0xffff;
	[tilespmem:s22+$0xFFFFFCB0] =	vst v10  }
0x610: {  	v14 =	vadd.s32 s31, v7;
	v10 =	vld.idx.msk [tilespmem:v15+s3+$0x0], $0xffff;
	[tilespmem:s21+$0xFFFFF9E0] =	vst v16  }
0x611: {  	v15 =	vadd.s32 s5, v7;
	v16 =	vld.idx.msk [tilespmem:v17+s3+$0x0], $0xffff  }
0x612: {  	v17 =	vadd.s32 s25, v6  }
0x613: {  	[tilespmem:s21+$0xFFFFFDE0] =	vst v11  }
0x614: {  	v11 =	vld.idx.msk [tilespmem:v12+s3+$0x0], $0xffff;
	[tilespmem:s22+$0xFFFFF8C0] =	vst v13  }
0x615: {  	v12 =	vadd.s32 s26, v6;
	v13 =	vld.idx.msk [tilespmem:v14+s3+$0x0], $0xffff;
	[tilespmem:s22+$0xFFFFFCC0] =	vst v10  }
0x616: {  	v14 =	vadd.s32 s31, v9;
	v10 =	vld.idx.msk [tilespmem:v15+s3+$0x0], $0xffff;
	[tilespmem:s21+$0xFFFFF9F0] =	vst v16  }
0x617: {  	s0 =	simm.s32 $0x2A0;
	v15 =	vadd.s32 s5, v9;
	v16 =	vld.idx.msk [tilespmem:v17+s3+$0x0], $0xffff  }
0x618: {  	v17 =	vadd.s32 s0, v2  }
0x619: {  	[tilespmem:s21+$0xFFFFFDF0] =	vst v11  }
0x61a: {  	s2 =	simm.s32 $0x7E0;
	v11 =	vld.idx.msk [tilespmem:v12+s3+$0x0], $0xffff;
	[tilespmem:s22+$0xFFFFF8D0] =	vst v13  }
0x61b: {  	v12 =	vadd.s32 s2, v2;
	v13 =	vld.idx.msk [tilespmem:v14+s3+$0x0], $0xffff;
	[tilespmem:s22+$0xFFFFFCD0] =	vst v10  }
0x61c: {  	v14 =	vadd.s32 s31, v8;
	v10 =	vld.idx.msk [tilespmem:v15+s3+$0x0], $0xffff;
	[tilespmem:s21+$0xFFFFFA00] =	vst v16  }
0x61d: {  	v15 =	vadd.s32 s5, v8;
	v16 =	vld.idx.msk [tilespmem:v17+s3+$0x0], $0xffff  }
0x61e: {  	v17 =	vadd.s32 s0, v3  }
0x61f: {  	[tilespmem:s21+$0xFFFFFE00] =	vst v11  }
0x620: {  	v11 =	vld.idx.msk [tilespmem:v12+s3+$0x0], $0xffff;
	[tilespmem:s22+$0xFFFFF8E0] =	vst v13  }
0x621: {  	v12 =	vadd.s32 s2, v3;
	v13 =	vld.idx.msk [tilespmem:v14+s3+$0x0], $0xffff;
	[tilespmem:s22+$0xFFFFFCE0] =	vst v10  }
0x622: {  	v14 =	vadd.s32 s31, v6;
	v10 =	vld.idx.msk [tilespmem:v15+s3+$0x0], $0xffff;
	[tilespmem:s21+$0xFFFFFA10] =	vst v16  }
0x623: {  	v15 =	vadd.s32 s5, v6;
	v16 =	vld.idx.msk [tilespmem:v17+s3+$0x0], $0xffff  }
0x624: {  	v17 =	vadd.s32 s0, v5  }
0x625: {  	[tilespmem:s21+$0xFFFFFE10] =	vst v11  }
0x626: {  	v11 =	vld.idx.msk [tilespmem:v12+s3+$0x0], $0xffff;
	[tilespmem:s22+$0xFFFFF8F0] =	vst v13  }
0x627: {  	s7 =	simm.s32 $0xBD0;
	v12 =	vadd.s32 s2, v5;
	v13 =	vld.idx.msk [tilespmem:v14+s3+$0x0], $0xffff;
	[tilespmem:s22+$0xFFFFFCF0] =	vst v10  }
0x628: {  	s6 =	simm.s32 $0x1110;
	v14 =	vadd.s32 s7, v2;
	v10 =	vld.idx.msk [tilespmem:v15+s3+$0x0], $0xffff;
	[tilespmem:s21+$0xFFFFFA20] =	vst v16  }
0x629: {  	v15 =	vadd.s32 s6, v2;
	v16 =	vld.idx.msk [tilespmem:v17+s3+$0x0], $0xffff  }
0x62a: {  	v17 =	vadd.s32 s0, v4  }
0x62b: {  	[tilespmem:s21+$0xFFFFFE20] =	vst v11  }
0x62c: {  	v11 =	vld.idx.msk [tilespmem:v12+s3+$0x0], $0xffff;
	[tilespmem:s22+$0xFFFFF900] =	vst v13  }
0x62d: {  	v12 =	vadd.s32 s2, v4;
	v13 =	vld.idx.msk [tilespmem:v14+s3+$0x0], $0xffff;
	[tilespmem:s22+$0xFFFFFD00] =	vst v10  }
0x62e: {  	v14 =	vadd.s32 s7, v3;
	v10 =	vld.idx.msk [tilespmem:v15+s3+$0x0], $0xffff;
	[tilespmem:s21+$0xFFFFFA30] =	vst v16  }
0x62f: {  	v15 =	vadd.s32 s6, v3;
	v16 =	vld.idx.msk [tilespmem:v17+s3+$0x0], $0xffff  }
0x630: {  	v17 =	vadd.s32 s0, v7  }
0x631: {  	[tilespmem:s21+$0xFFFFFE30] =	vst v11  }
0x632: {  	v11 =	vld.idx.msk [tilespmem:v12+s3+$0x0], $0xffff;
	[tilespmem:s22+$0xFFFFF910] =	vst v13  }
0x633: {  	v12 =	vadd.s32 s2, v7;
	v13 =	vld.idx.msk [tilespmem:v14+s3+$0x0], $0xffff;
	[tilespmem:s22+$0xFFFFFD10] =	vst v10  }
0x634: {  	v14 =	vadd.s32 s7, v5;
	v10 =	vld.idx.msk [tilespmem:v15+s3+$0x0], $0xffff;
	[tilespmem:s21+$0xFFFFFA40] =	vst v16  }
0x635: {  	v15 =	vadd.s32 s6, v5;
	v16 =	vld.idx.msk [tilespmem:v17+s3+$0x0], $0xffff  }
0x636: {  	s8 =	simm.s32 $0x1500;
	v17 =	vadd.s32 s0, v9  }
0x637: {  	s16 =	simm.s32 $0x1A40;
	[tilespmem:s21+$0xFFFFFE40] =	vst v11;
	v11 =	vadd.s32 s8, v2  }
0x638: {  	v12 =	vld.idx.msk [tilespmem:v12+s3+$0x0], $0xffff;
	[tilespmem:s22+$0xFFFFF920] =	vst v13;
	v13 =	vadd.s32 s16, v2  }
0x639: {  	v14 =	vld.idx.msk [tilespmem:v14+s3+$0x0], $0xffff;
	[tilespmem:s22+$0xFFFFFD20] =	vst v10;
	v10 =	vadd.s32 s2, v9  }
0x63a: {  	v18 =	vadd.s32 s7, v4;
	v15 =	vld.idx.msk [tilespmem:v15+s3+$0x0], $0xffff;
	[tilespmem:s21+$0xFFFFFA50] =	vst v16  }
0x63b: {  	v16 =	vadd.s32 s6, v4;
	v17 =	vld.idx.msk [tilespmem:v17+s3+$0x0], $0xffff  }
0x63c: {  	v19 =	vadd.s32 s0, v8;
	v11 =	vld.idx.msk [tilespmem:v11+s3+$0x0], $0xffff  }
0x63d: {  	[tilespmem:s21+$0xFFFFFE50] =	vst v12;
	v12 =	vld.idx.msk [tilespmem:v13+s3+$0x0], $0xffff;
	v13 =	vadd.s32 s8, v3  }
0x63e: {  	[tilespmem:s22+$0xFFFFF930] =	vst v14;
	v10 =	vld.idx.msk [tilespmem:v10+s3+$0x0], $0xffff;
	v14 =	vadd.s32 s16, v3  }
0x63f: {  	v18 =	vld.idx.msk [tilespmem:v18+s3+$0x0], $0xffff;
	[tilespmem:s22+$0xFFFFFD30] =	vst v15;
	v15 =	vadd.s32 s2, v8  }
0x640: {  	v20 =	vadd.s32 s7, v7;
	s23 =	simm.s32 $0x62F0;
	v16 =	vld.idx.msk [tilespmem:v16+s3+$0x0], $0xffff;
	[tilespmem:s21+$0xFFFFFA60] =	vst v17  }
0x641: {  	[tilespmem:s23+$0xFFFFF810] =	vst v11;
	v11 =	vadd.s32 s6, v7;
	v17 =	vld.idx.msk [tilespmem:v19+s3+$0x0], $0xffff  }
0x642: {  	v13 =	vld.idx.msk [tilespmem:v13+s3+$0x0], $0xffff;
	[tilespmem:s23+$0xFFFFFC10] =	vst v12;
	v12 =	vadd.s32 s0, v6  }
0x643: {  	v14 =	vld.idx.msk [tilespmem:v14+s3+$0x0], $0xffff;
	[tilespmem:s21+$0xFFFFFE60] =	vst v10;
	v10 =	vadd.s32 s8, v5  }
0x644: {  	[tilespmem:s22+$0xFFFFF940] =	vst v18;
	v15 =	vld.idx.msk [tilespmem:v15+s3+$0x0], $0xffff;
	v18 =	vadd.s32 s16, v5  }
0x645: {  	v19 =	vld.idx.msk [tilespmem:v20+s3+$0x0], $0xffff;
	[tilespmem:s22+$0xFFFFFD40] =	vst v16;
	v16 =	vadd.s32 s2, v6  }
0x646: {  	v20 =	vadd.s32 s7, v9;
	v11 =	vld.idx.msk [tilespmem:v11+s3+$0x0], $0xffff;
	[tilespmem:s21+$0xFFFFFA70] =	vst v17  }
0x647: {  	s17 =	simm.s32 $0x348;
	[tilespmem:s23+$0xFFFFF820] =	vst v13;
	v13 =	vadd.s32 s6, v9;
	v12 =	vld.idx.msk [tilespmem:v12+s3+$0x0], $0xffff  }
0x648: {  	v10 =	vld.idx.msk [tilespmem:v10+s3+$0x0], $0xffff;
	[tilespmem:s23+$0xFFFFFC20] =	vst v14;
	v14 =	vadd.s32 s17, v2  }
0x649: {  	v17 =	vld.idx.msk [tilespmem:v18+s3+$0x0], $0xffff;
	[tilespmem:s21+$0xFFFFFE70] =	vst v15;
	v15 =	vadd.s32 s8, v4  }
0x64a: {  	s18 =	simm.s32 $0x888;
	v18 =	vadd.s32 s16, v4;
	[tilespmem:s22+$0xFFFFF950] =	vst v19;
	v16 =	vld.idx.msk [tilespmem:v16+s3+$0x0], $0xffff  }
0x64b: {  	v19 =	vld.idx.msk [tilespmem:v20+s3+$0x0], $0xffff;
	[tilespmem:s22+$0xFFFFFD50] =	vst v11;
	v11 =	vadd.s32 s18, v2  }
0x64c: {  	v20 =	vadd.s32 s7, v8;
	v13 =	vld.idx.msk [tilespmem:v13+s3+$0x0], $0xffff;
	[tilespmem:s21+$0xFFFFFA80] =	vst v12  }
0x64d: {  	[tilespmem:s23+$0xFFFFF830] =	vst v10;
	v10 =	vadd.s32 s6, v8;
	v12 =	vld.idx.msk [tilespmem:v14+s3+$0x0], $0xffff  }
0x64e: {  	v14 =	vld.idx.msk [tilespmem:v15+s3+$0x0], $0xffff;
	[tilespmem:s23+$0xFFFFFC30] =	vst v17;
	v15 =	vadd.s32 s17, v3  }
0x64f: {  	v17 =	vld.idx.msk [tilespmem:v18+s3+$0x0], $0xffff;
	[tilespmem:s21+$0xFFFFFE80] =	vst v16;
	v16 =	vadd.s32 s8, v7  }
0x650: {  	v18 =	vadd.s32 s16, v7;
	[tilespmem:s22+$0xFFFFF960] =	vst v19;
	v11 =	vld.idx.msk [tilespmem:v11+s3+$0x0], $0xffff  }
0x651: {  	v19 =	vld.idx.msk [tilespmem:v20+s3+$0x0], $0xffff;
	[tilespmem:s22+$0xFFFFFD60] =	vst v13;
	v13 =	vadd.s32 s18, v3  }
0x652: {  	v20 =	vadd.s32 s7, v6;
	v10 =	vld.idx.msk [tilespmem:v10+s3+$0x0], $0xffff;
	[tilespmem:s21+$0xFFFFFA90] =	vst v12  }
0x653: {  	[tilespmem:s23+$0xFFFFF840] =	vst v14;
	v12 =	vadd.s32 s6, v6;
	v14 =	vld.idx.msk [tilespmem:v15+s3+$0x0], $0xffff  }
0x654: {  	v15 =	vld.idx.msk [tilespmem:v16+s3+$0x0], $0xffff;
	[tilespmem:s23+$0xFFFFFC40] =	vst v17;
	v16 =	vadd.s32 s17, v5  }
0x655: {  	v17 =	vld.idx.msk [tilespmem:v18+s3+$0x0], $0xffff;
	[tilespmem:s21+$0xFFFFFE90] =	vst v11;
	v11 =	vadd.s32 s8, v9  }
0x656: {  	v18 =	vadd.s32 s16, v9;
	[tilespmem:s22+$0xFFFFF970] =	vst v19;
	v13 =	vld.idx.msk [tilespmem:v13+s3+$0x0], $0xffff  }
0x657: {  	s24 =	simm.s32 $0xC78;
	v19 =	vld.idx.msk [tilespmem:v20+s3+$0x0], $0xffff;
	[tilespmem:s22+$0xFFFFFD70] =	vst v10;
	v10 =	vadd.s32 s18, v5  }
0x658: {  	s25 =	simm.s32 $0x11B8;
	v20 =	vadd.s32 s24, v2;
	v12 =	vld.idx.msk [tilespmem:v12+s3+$0x0], $0xffff;
	[tilespmem:s21+$0xFFFFFAA0] =	vst v14  }
0x659: {  	[tilespmem:s23+$0xFFFFF850] =	vst v15;
	v14 =	vadd.s32 s25, v2;
	v15 =	vld.idx.msk [tilespmem:v16+s3+$0x0], $0xffff  }
0x65a: {  	v11 =	vld.idx.msk [tilespmem:v11+s3+$0x0], $0xffff;
	[tilespmem:s23+$0xFFFFFC50] =	vst v17;
	v16 =	vadd.s32 s17, v4  }
0x65b: {  	v17 =	vld.idx.msk [tilespmem:v18+s3+$0x0], $0xffff;
	[tilespmem:s21+$0xFFFFFEA0] =	vst v13;
	v13 =	vadd.s32 s8, v8  }
0x65c: {  	v18 =	vadd.s32 s16, v8;
	[tilespmem:s22+$0xFFFFF980] =	vst v19;
	v10 =	vld.idx.msk [tilespmem:v10+s3+$0x0], $0xffff  }
0x65d: {  	v19 =	vld.idx.msk [tilespmem:v20+s3+$0x0], $0xffff;
	[tilespmem:s22+$0xFFFFFD80] =	vst v12;
	v12 =	vadd.s32 s18, v4  }
0x65e: {  	v20 =	vadd.s32 s24, v3;
	v14 =	vld.idx.msk [tilespmem:v14+s3+$0x0], $0xffff;
	[tilespmem:s21+$0xFFFFFAB0] =	vst v15  }
0x65f: {  	[tilespmem:s23+$0xFFFFF860] =	vst v11;
	v11 =	vadd.s32 s25, v3;
	v15 =	vld.idx.msk [tilespmem:v16+s3+$0x0], $0xffff  }
0x660: {  	v13 =	vld.idx.msk [tilespmem:v13+s3+$0x0], $0xffff;
	[tilespmem:s23+$0xFFFFFC60] =	vst v17;
	v16 =	vadd.s32 s17, v7  }
0x661: {  	v17 =	vld.idx.msk [tilespmem:v18+s3+$0x0], $0xffff;
	[tilespmem:s21+$0xFFFFFEB0] =	vst v10;
	v10 =	vadd.s32 s8, v6  }
0x662: {  	v18 =	vadd.s32 s16, v6;
	[tilespmem:s22+$0xFFFFF990] =	vst v19;
	v12 =	vld.idx.msk [tilespmem:v12+s3+$0x0], $0xffff  }
0x663: {  	v19 =	vld.idx.msk [tilespmem:v20+s3+$0x0], $0xffff;
	[tilespmem:s22+$0xFFFFFD90] =	vst v14;
	v14 =	vadd.s32 s18, v7  }
0x664: {  	v20 =	vadd.s32 s24, v5;
	v11 =	vld.idx.msk [tilespmem:v11+s3+$0x0], $0xffff;
	[tilespmem:s21+$0xFFFFFAC0] =	vst v15  }
0x665: {  	[tilespmem:s23+$0xFFFFF870] =	vst v13;
	v13 =	vadd.s32 s25, v5;
	v15 =	vld.idx.msk [tilespmem:v16+s3+$0x0], $0xffff  }
0x666: {  	s26 =	simm.s32 $0x15A8;
	v10 =	vld.idx.msk [tilespmem:v10+s3+$0x0], $0xffff;
	[tilespmem:s23+$0xFFFFFC70] =	vst v17;
	v16 =	vadd.s32 s17, v9  }
0x667: {  	s7 =	simm.s32 $0x1AE8;
	v17 =	vld.idx.msk [tilespmem:v18+s3+$0x0], $0xffff;
	[tilespmem:s21+$0xFFFFFEC0] =	vst v12;
	v12 =	vadd.s32 s26, v2  }
0x668: {  	v18 =	vadd.s32 s7, v2;
	[tilespmem:s22+$0xFFFFF9A0] =	vst v19;
	v14 =	vld.idx.msk [tilespmem:v14+s3+$0x0], $0xffff  }
0x669: {  	v19 =	vld.idx.msk [tilespmem:v20+s3+$0x0], $0xffff;
	[tilespmem:s22+$0xFFFFFDA0] =	vst v11;
	v11 =	vadd.s32 s18, v9  }
0x66a: {  	v20 =	vadd.s32 s24, v4;
	v13 =	vld.idx.msk [tilespmem:v13+s3+$0x0], $0xffff;
	[tilespmem:s21+$0xFFFFFAD0] =	vst v15  }
0x66b: {  	[tilespmem:s23+$0xFFFFF880] =	vst v10;
	v10 =	vadd.s32 s25, v4;
	v15 =	vld.idx.msk [tilespmem:v16+s3+$0x0], $0xffff  }
0x66c: {  	v12 =	vld.idx.msk [tilespmem:v12+s3+$0x0], $0xffff;
	[tilespmem:s23+$0xFFFFFC80] =	vst v17;
	v16 =	vadd.s32 s17, v8  }
0x66d: {  	v17 =	vld.idx.msk [tilespmem:v18+s3+$0x0], $0xffff;
	[tilespmem:s21+$0xFFFFFED0] =	vst v14;
	v14 =	vadd.s32 s26, v3  }
0x66e: {  	v18 =	vadd.s32 s7, v3;
	[tilespmem:s22+$0xFFFFF9B0] =	vst v19;
	v11 =	vld.idx.msk [tilespmem:v11+s3+$0x0], $0xffff  }
0x66f: {  	v19 =	vld.idx.msk [tilespmem:v20+s3+$0x0], $0xffff;
	[tilespmem:s22+$0xFFFFFDB0] =	vst v13;
	v13 =	vadd.s32 s18, v8  }
0x670: {  	v20 =	vadd.s32 s24, v7;
	v10 =	vld.idx.msk [tilespmem:v10+s3+$0x0], $0xffff;
	[tilespmem:s21+$0xFFFFFAE0] =	vst v15  }
0x671: {  	[tilespmem:s23+$0xFFFFF890] =	vst v12;
	v12 =	vadd.s32 s25, v7;
	v15 =	vld.idx.msk [tilespmem:v16+s3+$0x0], $0xffff  }
0x672: {  	v14 =	vld.idx.msk [tilespmem:v14+s3+$0x0], $0xffff;
	[tilespmem:s23+$0xFFFFFC90] =	vst v17;
	v16 =	vadd.s32 s17, v6  }
0x673: {  	v17 =	vld.idx.msk [tilespmem:v18+s3+$0x0], $0xffff;
	[tilespmem:s21+$0xFFFFFEE0] =	vst v11;
	v11 =	vadd.s32 s26, v5  }
0x674: {  	v18 =	vadd.s32 s7, v5;
	[tilespmem:s22+$0xFFFFF9C0] =	vst v19;
	v13 =	vld.idx.msk [tilespmem:v13+s3+$0x0], $0xffff  }
0x675: {  	v19 =	vld.idx.msk [tilespmem:v20+s3+$0x0], $0xffff;
	[tilespmem:s22+$0xFFFFFDC0] =	vst v10;
	v10 =	vadd.s32 s18, v6  }
0x676: {  	v20 =	vadd.s32 s24, v9;
	v12 =	vld.idx.msk [tilespmem:v12+s3+$0x0], $0xffff;
	[tilespmem:s21+$0xFFFFFAF0] =	vst v15  }
0x677: {  	s28 =	simm.s32 $0x3F0;
	[tilespmem:s23+$0xFFFFF8A0] =	vst v14;
	v14 =	vadd.s32 s25, v9;
	v15 =	vld.idx.msk [tilespmem:v16+s3+$0x0], $0xffff  }
0x678: {  	v11 =	vld.idx.msk [tilespmem:v11+s3+$0x0], $0xffff;
	[tilespmem:s23+$0xFFFFFCA0] =	vst v17;
	v16 =	vadd.s32 s28, v2  }
0x679: {  	v17 =	vld.idx.msk [tilespmem:v18+s3+$0x0], $0xffff;
	[tilespmem:s21+$0xFFFFFEF0] =	vst v13;
	v13 =	vadd.s32 s26, v4  }
0x67a: {  	s31 =	simm.s32 $0x930;
	v18 =	vadd.s32 s7, v4;
	[tilespmem:s22+$0xFFFFF9D0] =	vst v19;
	v10 =	vld.idx.msk [tilespmem:v10+s3+$0x0], $0xffff  }
0x67b: {  	v19 =	vld.idx.msk [tilespmem:v20+s3+$0x0], $0xffff;
	[tilespmem:s22+$0xFFFFFDD0] =	vst v12;
	v12 =	vadd.s32 s31, v2  }
0x67c: {  	v20 =	vadd.s32 s24, v8;
	v14 =	vld.idx.msk [tilespmem:v14+s3+$0x0], $0xffff;
	[tilespmem:s21+$0xFFFFFB00] =	vst v15  }
0x67d: {  	[tilespmem:s23+$0xFFFFF8B0] =	vst v11;
	v11 =	vadd.s32 s25, v8;
	v15 =	vld.idx.msk [tilespmem:v16+s3+$0x0], $0xffff  }
0x67e: {  	v13 =	vld.idx.msk [tilespmem:v13+s3+$0x0], $0xffff;
	[tilespmem:s23+$0xFFFFFCB0] =	vst v17;
	v16 =	vadd.s32 s28, v3  }
0x67f: {  	v17 =	vld.idx.msk [tilespmem:v18+s3+$0x0], $0xffff;
	[tilespmem:s21+$0xFFFFFF00] =	vst v10;
	v10 =	vadd.s32 s26, v7  }
0x680: {  	v18 =	vadd.s32 s7, v7;
	[tilespmem:s22+$0xFFFFF9E0] =	vst v19;
	v12 =	vld.idx.msk [tilespmem:v12+s3+$0x0], $0xffff  }
0x681: {  	v19 =	vld.idx.msk [tilespmem:v20+s3+$0x0], $0xffff;
	[tilespmem:s22+$0xFFFFFDE0] =	vst v14;
	v14 =	vadd.s32 s31, v3  }
0x682: {  	v20 =	vadd.s32 s24, v6;
	v11 =	vld.idx.msk [tilespmem:v11+s3+$0x0], $0xffff;
	[tilespmem:s21+$0xFFFFFB10] =	vst v15  }
0x683: {  	[tilespmem:s23+$0xFFFFF8C0] =	vst v13;
	v13 =	vadd.s32 s25, v6;
	v15 =	vld.idx.msk [tilespmem:v16+s3+$0x0], $0xffff  }
0x684: {  	v10 =	vld.idx.msk [tilespmem:v10+s3+$0x0], $0xffff;
	[tilespmem:s23+$0xFFFFFCC0] =	vst v17;
	v16 =	vadd.s32 s28, v5  }
0x685: {  	v17 =	vld.idx.msk [tilespmem:v18+s3+$0x0], $0xffff;
	[tilespmem:s21+$0xFFFFFF10] =	vst v12;
	v12 =	vadd.s32 s26, v9  }
0x686: {  	v18 =	vadd.s32 s7, v9;
	[tilespmem:s22+$0xFFFFF9F0] =	vst v19;
	v14 =	vld.idx.msk [tilespmem:v14+s3+$0x0], $0xffff  }
0x687: {  	s0 =	simm.s32 $0xD20;
	v19 =	vld.idx.msk [tilespmem:v20+s3+$0x0], $0xffff;
	[tilespmem:s22+$0xFFFFFDF0] =	vst v11;
	v11 =	vadd.s32 s31, v5  }
0x688: {  	s1 =	simm.s32 $0x1260;
	v20 =	vadd.s32 s0, v2;
	v13 =	vld.idx.msk [tilespmem:v13+s3+$0x0], $0xffff;
	[tilespmem:s21+$0xFFFFFB20] =	vst v15  }
0x689: {  	[tilespmem:s23+$0xFFFFF8D0] =	vst v10;
	v10 =	vadd.s32 s1, v2;
	v15 =	vld.idx.msk [tilespmem:v16+s3+$0x0], $0xffff  }
0x68a: {  	v12 =	vld.idx.msk [tilespmem:v12+s3+$0x0], $0xffff;
	[tilespmem:s23+$0xFFFFFCD0] =	vst v17;
	v16 =	vadd.s32 s28, v4  }
0x68b: {  	v17 =	vld.idx.msk [tilespmem:v18+s3+$0x0], $0xffff;
	[tilespmem:s21+$0xFFFFFF20] =	vst v14;
	v14 =	vadd.s32 s26, v8  }
0x68c: {  	v18 =	vadd.s32 s7, v8;
	[tilespmem:s22+$0xFFFFFA00] =	vst v19;
	v11 =	vld.idx.msk [tilespmem:v11+s3+$0x0], $0xffff  }
0x68d: {  	v19 =	vld.idx.msk [tilespmem:v20+s3+$0x0], $0xffff;
	[tilespmem:s22+$0xFFFFFE00] =	vst v13;
	v13 =	vadd.s32 s31, v4  }
0x68e: {  	v20 =	vadd.s32 s0, v3;
	v10 =	vld.idx.msk [tilespmem:v10+s3+$0x0], $0xffff;
	[tilespmem:s21+$0xFFFFFB30] =	vst v15  }
0x68f: {  	[tilespmem:s23+$0xFFFFF8E0] =	vst v12;
	v12 =	vadd.s32 s1, v3;
	v15 =	vld.idx.msk [tilespmem:v16+s3+$0x0], $0xffff  }
0x690: {  	v14 =	vld.idx.msk [tilespmem:v14+s3+$0x0], $0xffff;
	[tilespmem:s23+$0xFFFFFCE0] =	vst v17;
	v16 =	vadd.s32 s28, v7  }
0x691: {  	v17 =	vld.idx.msk [tilespmem:v18+s3+$0x0], $0xffff;
	[tilespmem:s21+$0xFFFFFF30] =	vst v11;
	v11 =	vadd.s32 s26, v6  }
0x692: {  	v18 =	vadd.s32 s7, v6;
	[tilespmem:s22+$0xFFFFFA10] =	vst v19;
	v13 =	vld.idx.msk [tilespmem:v13+s3+$0x0], $0xffff  }
0x693: {  	v19 =	vld.idx.msk [tilespmem:v20+s3+$0x0], $0xffff;
	[tilespmem:s22+$0xFFFFFE10] =	vst v10;
	v10 =	vadd.s32 s31, v7  }
0x694: {  	v20 =	vadd.s32 s0, v5;
	v12 =	vld.idx.msk [tilespmem:v12+s3+$0x0], $0xffff;
	[tilespmem:s21+$0xFFFFFB40] =	vst v15  }
0x695: {  	[tilespmem:s23+$0xFFFFF8F0] =	vst v14;
	v14 =	vadd.s32 s1, v5;
	v15 =	vld.idx.msk [tilespmem:v16+s3+$0x0], $0xffff  }
0x696: {  	s2 =	simm.s32 $0x1650;
	v11 =	vld.idx.msk [tilespmem:v11+s3+$0x0], $0xffff;
	[tilespmem:s23+$0xFFFFFCF0] =	vst v17;
	v16 =	vadd.s32 s28, v9  }
0x697: {  	s4 =	simm.s32 $0x1B90;
	v17 =	vld.idx.msk [tilespmem:v18+s3+$0x0], $0xffff;
	[tilespmem:s21+$0xFFFFFF40] =	vst v13;
	v13 =	vadd.s32 s2, v2  }
0x698: {  	v18 =	vadd.s32 s4, v2;
	[tilespmem:s22+$0xFFFFFA20] =	vst v19;
	v10 =	vld.idx.msk [tilespmem:v10+s3+$0x0], $0xffff  }
0x699: {  	v19 =	vld.idx.msk [tilespmem:v20+s3+$0x0], $0xffff;
	[tilespmem:s22+$0xFFFFFE20] =	vst v12;
	v12 =	vadd.s32 s31, v9  }
0x69a: {  	v20 =	vadd.s32 s0, v4;
	v14 =	vld.idx.msk [tilespmem:v14+s3+$0x0], $0xffff;
	[tilespmem:s21+$0xFFFFFB50] =	vst v15  }
0x69b: {  	[tilespmem:s23+$0xFFFFF900] =	vst v11;
	v11 =	vadd.s32 s1, v4;
	v15 =	vld.idx.msk [tilespmem:v16+s3+$0x0], $0xffff  }
0x69c: {  	v13 =	vld.idx.msk [tilespmem:v13+s3+$0x0], $0xffff;
	[tilespmem:s23+$0xFFFFFD00] =	vst v17;
	v16 =	vadd.s32 s28, v8  }
0x69d: {  	v17 =	vld.idx.msk [tilespmem:v18+s3+$0x0], $0xffff;
	[tilespmem:s21+$0xFFFFFF50] =	vst v10;
	v18 =	vadd.s32 s2, v3  }
0x69e: {  	[tilespmem:s22+$0xFFFFFA30] =	vst v19;
	v12 =	vld.idx.msk [tilespmem:v12+s3+$0x0], $0xffff;
	v19 =	vadd.s32 s4, v3  }
0x69f: {  	v20 =	vld.idx.msk [tilespmem:v20+s3+$0x0], $0xffff;
	[tilespmem:s22+$0xFFFFFE30] =	vst v14;
	v14 =	vadd.s32 s31, v8  }
0x6a0: {  	v22 =	vadd.s32 s0, v7;
	v21 =	vld.idx.msk [tilespmem:v11+s3+$0x0], $0xffff;
	[tilespmem:s21+$0xFFFFFB60] =	vst v15  }
0x6a1: {  	[tilespmem:s23+$0xFFFFF910] =	vst v13;
	v15 =	vadd.s32 s1, v7;
	v10 =	vld.idx.msk [tilespmem:v16+s3+$0x0], $0xffff  }
0x6a2: {  	v16 =	vld.idx.msk [tilespmem:v18+s3+$0x0], $0xffff;
	[tilespmem:s23+$0xFFFFFD10] =	vst v17  }
0x6a3: {  	v17 =	vld.idx.msk [tilespmem:v19+s3+$0x0], $0xffff;
	[tilespmem:s21+$0xFFFFFF60] =	vst v12  }
0x6a4: {  	v18 =	vadd.s32 s2, v5;
	[tilespmem:s22+$0xFFFFFA40] =	vst v20;
	v11 =	vld.idx.msk [tilespmem:v14+s3+$0x0], $0xffff  }
0x6a5: {  	s29 =	simm.s32 $0x4;
	s30 =	simm.s32 $0x2958;
	v19 =	vadd.s32 s4, v5;
	v14 =	vld.idx.msk [tilespmem:v22+s3+$0x0], $0xffff;
	[tilespmem:s22+$0xFFFFFE40] =	vst v21  }
0x6a6: {  	s24 =	simm.s32 $0x1458;
	s25 =	simm.s32 $0x1ED8;
	s26 =	simm.s32 $0x9D8;
	v13 =	vadd.s32 s0, v9;
	v12 =	vadd.s32 s31, v6;
	v15 =	vld.idx.msk [tilespmem:v15+s3+$0x0], $0xffff  }
.LBB2_5:
0x6a7: {  	s5 =	sadd.s32 $0xFFFFF628, s30;
	s29 =	sadd.s32 $0x2, s29;
	s31 =	smov.u32 s23  }
0x6a8: {  	s8 =	sadd.s32 $0xFFFFFB68, s30;
	v20 =	vadd.s32 s5, v2;
	p0 =	slt.u32 s29, $0x6;
	[tilespmem:s23+$0xFFFFF920] =	vst v16  }
0x6a9: {  	v16 =	vadd.s32 s8, v2;
	v18 =	vld.idx.msk [tilespmem:v18+s3+$0x0], $0xffff;
	[tilespmem:s23+$0xFFFFFD20] =	vst v17  }
0x6aa: {  	v17 =	vld.idx.msk [tilespmem:v19+s3+$0x0], $0xffff;
	v19 =	vadd.s32 s1, v9;
	[tilespmem:s21+$0xFFFFFF70] =	vst v11  }
0x6ab: {  	v11 =	vadd.s32 s2, v4;
	[tilespmem:s22+$0xFFFFFA50] =	vst v14;
	v12 =	vld.idx.msk [tilespmem:v12+s3+$0x0], $0xffff  }
0x6ac: {  	v14 =	vadd.s32 s4, v4;
	v13 =	vld.idx.msk [tilespmem:v13+s3+$0x0], $0xffff;
	[tilespmem:s22+$0xFFFFFE50] =	vst v15  }
0x6ad: {  	v15 =	vld.idx.msk [tilespmem:v20+s3+$0x0], $0xffff;
	v20 =	vadd.s32 s26, v2  }
0x6ae: {  	v21 =	vadd.s32 s0, v8;
	v16 =	vld.idx.msk [tilespmem:v16+s3+$0x0], $0xffff;
	[tilespmem:s21+$0xFFFFFB70] =	vst v10  }
0x6af: {  	v10 =	vadd.s32 s5, v3;
	[tilespmem:s23+$0xFFFFF930] =	vst v18;
	v18 =	vld.idx.msk [tilespmem:v19+s3+$0x0], $0xffff  }
0x6b0: {  	v19 =	vadd.s32 s8, v3;
	v11 =	vld.idx.msk [tilespmem:v11+s3+$0x0], $0xffff;
	[tilespmem:s23+$0xFFFFFD30] =	vst v17  }
0x6b1: {  	v17 =	vadd.s32 s1, v8;
	v14 =	vld.idx.msk [tilespmem:v14+s3+$0x0], $0xffff;
	[tilespmem:s21+$0xFFFFFF80] =	vst v12  }
0x6b2: {  	s23 =	sadd.s32 $0x800, s23;
	v12 =	vadd.s32 s2, v7;
	[tilespmem:s22+$0xFFFFFA60] =	vst v13;
	v13 =	vld.idx.msk [tilespmem:v20+s3+$0x0], $0xffff  }
0x6b3: {  	[tilespmem:s23+$0xFFFFF810] =	vst v15;
	v15 =	vadd.s32 s4, v7;
	v20 =	vld.idx.msk [tilespmem:v21+s3+$0x0], $0xffff  }
0x6b4: {  	v10 =	vld.idx.msk [tilespmem:v10+s3+$0x0], $0xffff;
	[tilespmem:s23+$0xFFFFFC10] =	vst v16;
	v16 =	vadd.s32 s26, v3  }
0x6b5: {  	v21 =	vadd.s32 s0, v6;
	v19 =	vld.idx.msk [tilespmem:v19+s3+$0x0], $0xffff;
	[tilespmem:s22+$0xFFFFFE60] =	vst v18  }
0x6b6: {  	v18 =	vadd.s32 s5, v5;
	[tilespmem:s31+$0xFFFFF940] =	vst v11;
	v11 =	vld.idx.msk [tilespmem:v17+s3+$0x0], $0xffff  }
0x6b7: {  	v17 =	vadd.s32 s8, v5;
	v12 =	vld.idx.msk [tilespmem:v12+s3+$0x0], $0xffff;
	[tilespmem:s31+$0xFFFFFD40] =	vst v14  }
0x6b8: {  	v14 =	vld.idx.msk [tilespmem:v15+s3+$0x0], $0xffff;
	v15 =	vadd.s32 s1, v6;
	[tilespmem:s21+$0xFFFFFF90] =	vst v13  }
0x6b9: {  	v13 =	vadd.s32 s2, v9;
	[tilespmem:s22+$0xFFFFFA70] =	vst v20;
	v16 =	vld.idx.msk [tilespmem:v16+s3+$0x0], $0xffff  }
0x6ba: {  	[tilespmem:s23+$0xFFFFF820] =	vst v10;
	v10 =	vadd.s32 s4, v9;
	v20 =	vld.idx.msk [tilespmem:v21+s3+$0x0], $0xffff  }
0x6bb: {  	s1 =	sadd.s32 $0xFFFFF970, s24;
	v18 =	vld.idx.msk [tilespmem:v18+s3+$0x0], $0xffff;
	[tilespmem:s23+$0xFFFFFC20] =	vst v19;
	v19 =	vadd.s32 s26, v5  }
0x6bc: {  	v21 =	vadd.s32 s1, v2;
	v17 =	vld.idx.msk [tilespmem:v17+s3+$0x0], $0xffff;
	[tilespmem:s22+$0xFFFFFE70] =	vst v11  }
0x6bd: {  	v11 =	vadd.s32 s5, v4;
	[tilespmem:s31+$0xFFFFF950] =	vst v12;
	v12 =	vld.idx.msk [tilespmem:v15+s3+$0x0], $0xffff  }
0x6be: {  	s7 =	sadd.s32 $0xFFFFFEB0, s24;
	v15 =	vadd.s32 s8, v4;
	v13 =	vld.idx.msk [tilespmem:v13+s3+$0x0], $0xffff;
	[tilespmem:s31+$0xFFFFFD50] =	vst v14  }
0x6bf: {  	v14 =	vadd.s32 s7, v2;
	v10 =	vld.idx.msk [tilespmem:v10+s3+$0x0], $0xffff;
	[tilespmem:s21+$0xFFFFFFA0] =	vst v16  }
0x6c0: {  	v16 =	vadd.s32 s2, v8;
	[tilespmem:s22+$0xFFFFFA80] =	vst v20;
	v19 =	vld.idx.msk [tilespmem:v19+s3+$0x0], $0xffff  }
0x6c1: {  	[tilespmem:s23+$0xFFFFF830] =	vst v18;
	v18 =	vadd.s32 s4, v8;
	v20 =	vld.idx.msk [tilespmem:v21+s3+$0x0], $0xffff  }
0x6c2: {  	v11 =	vld.idx.msk [tilespmem:v11+s3+$0x0], $0xffff;
	[tilespmem:s23+$0xFFFFFC30] =	vst v17;
	v17 =	vadd.s32 s26, v4  }
0x6c3: {  	v21 =	vadd.s32 s1, v3;
	v15 =	vld.idx.msk [tilespmem:v15+s3+$0x0], $0xffff;
	[tilespmem:s22+$0xFFFFFE80] =	vst v12  }
0x6c4: {  	v12 =	vadd.s32 s5, v7;
	[tilespmem:s31+$0xFFFFF960] =	vst v13;
	v13 =	vld.idx.msk [tilespmem:v14+s3+$0x0], $0xffff  }
0x6c5: {  	v14 =	vadd.s32 s8, v7;
	v16 =	vld.idx.msk [tilespmem:v16+s3+$0x0], $0xffff;
	[tilespmem:s31+$0xFFFFFD60] =	vst v10  }
0x6c6: {  	v10 =	vld.idx.msk [tilespmem:v18+s3+$0x0], $0xffff;
	v18 =	vadd.s32 s7, v3;
	[tilespmem:s21+$0xFFFFFFB0] =	vst v19  }
0x6c7: {  	v19 =	vadd.s32 s2, v6;
	[tilespmem:s22+$0xFFFFFA90] =	vst v20;
	v17 =	vld.idx.msk [tilespmem:v17+s3+$0x0], $0xffff  }
0x6c8: {  	[tilespmem:s23+$0xFFFFF840] =	vst v11;
	v11 =	vadd.s32 s4, v6;
	v20 =	vld.idx.msk [tilespmem:v21+s3+$0x0], $0xffff  }
0x6c9: {  	v12 =	vld.idx.msk [tilespmem:v12+s3+$0x0], $0xffff;
	[tilespmem:s23+$0xFFFFFC40] =	vst v15;
	v15 =	vadd.s32 s26, v7  }
0x6ca: {  	v21 =	vadd.s32 s1, v5;
	v14 =	vld.idx.msk [tilespmem:v14+s3+$0x0], $0xffff;
	[tilespmem:s22+$0xFFFFFE90] =	vst v13  }
0x6cb: {  	v13 =	vadd.s32 s5, v9;
	[tilespmem:s31+$0xFFFFF970] =	vst v16;
	v16 =	vld.idx.msk [tilespmem:v18+s3+$0x0], $0xffff  }
0x6cc: {  	v18 =	vadd.s32 s8, v9;
	v19 =	vld.idx.msk [tilespmem:v19+s3+$0x0], $0xffff;
	[tilespmem:s31+$0xFFFFFD70] =	vst v10  }
0x6cd: {  	s0 =	sadd.s32 $0xFFFFF820, s25;
	v10 =	vld.idx.msk [tilespmem:v11+s3+$0x0], $0xffff;
	v11 =	vadd.s32 s7, v5;
	[tilespmem:s21+$0xFFFFFFC0] =	vst v17  }
0x6ce: {  	s6 =	sadd.s32 $0xFFFFFD60, s25;
	v17 =	vadd.s32 s0, v2;
	[tilespmem:s22+$0xFFFFFAA0] =	vst v20;
	v15 =	vld.idx.msk [tilespmem:v15+s3+$0x0], $0xffff  }
0x6cf: {  	[tilespmem:s23+$0xFFFFF850] =	vst v12;
	v12 =	vadd.s32 s6, v2;
	v20 =	vld.idx.msk [tilespmem:v21+s3+$0x0], $0xffff  }
0x6d0: {  	v13 =	vld.idx.msk [tilespmem:v13+s3+$0x0], $0xffff;
	[tilespmem:s23+$0xFFFFFC50] =	vst v14;
	v14 =	vadd.s32 s26, v9  }
0x6d1: {  	v21 =	vadd.s32 s1, v4;
	v18 =	vld.idx.msk [tilespmem:v18+s3+$0x0], $0xffff;
	[tilespmem:s22+$0xFFFFFEA0] =	vst v16  }
0x6d2: {  	v16 =	vadd.s32 s5, v8;
	[tilespmem:s31+$0xFFFFF980] =	vst v19;
	v11 =	vld.idx.msk [tilespmem:v11+s3+$0x0], $0xffff  }
0x6d3: {  	v19 =	vadd.s32 s8, v8;
	v17 =	vld.idx.msk [tilespmem:v17+s3+$0x0], $0xffff;
	[tilespmem:s31+$0xFFFFFD80] =	vst v10  }
0x6d4: {  	v10 =	vld.idx.msk [tilespmem:v12+s3+$0x0], $0xffff;
	v12 =	vadd.s32 s7, v4;
	[tilespmem:s21+$0xFFFFFFD0] =	vst v15  }
0x6d5: {  	v15 =	vadd.s32 s0, v3;
	[tilespmem:s22+$0xFFFFFAB0] =	vst v20;
	v14 =	vld.idx.msk [tilespmem:v14+s3+$0x0], $0xffff  }
0x6d6: {  	[tilespmem:s23+$0xFFFFF860] =	vst v13;
	v13 =	vadd.s32 s6, v3;
	v20 =	vld.idx.msk [tilespmem:v21+s3+$0x0], $0xffff  }
0x6d7: {  	v16 =	vld.idx.msk [tilespmem:v16+s3+$0x0], $0xffff;
	[tilespmem:s23+$0xFFFFFC60] =	vst v18;
	v18 =	vadd.s32 s26, v8  }
0x6d8: {  	v21 =	vadd.s32 s1, v7;
	v19 =	vld.idx.msk [tilespmem:v19+s3+$0x0], $0xffff;
	[tilespmem:s22+$0xFFFFFEB0] =	vst v11  }
0x6d9: {  	v11 =	vadd.s32 s5, v6;
	[tilespmem:s31+$0xFFFFF990] =	vst v17;
	v12 =	vld.idx.msk [tilespmem:v12+s3+$0x0], $0xffff  }
0x6da: {  	v17 =	vadd.s32 s8, v6;
	v15 =	vld.idx.msk [tilespmem:v15+s3+$0x0], $0xffff;
	[tilespmem:s31+$0xFFFFFD90] =	vst v10  }
0x6db: {  	v10 =	vld.idx.msk [tilespmem:v13+s3+$0x0], $0xffff;
	v13 =	vadd.s32 s7, v7;
	[tilespmem:s21+$0xFFFFFFE0] =	vst v14  }
0x6dc: {  	v14 =	vadd.s32 s0, v5;
	[tilespmem:s22+$0xFFFFFAC0] =	vst v20;
	v18 =	vld.idx.msk [tilespmem:v18+s3+$0x0], $0xffff  }
0x6dd: {  	[tilespmem:s23+$0xFFFFF870] =	vst v16;
	v16 =	vadd.s32 s6, v5;
	v20 =	vld.idx.msk [tilespmem:v21+s3+$0x0], $0xffff  }
0x6de: {  	v11 =	vld.idx.msk [tilespmem:v11+s3+$0x0], $0xffff;
	[tilespmem:s23+$0xFFFFFC70] =	vst v19;
	v19 =	vadd.s32 s26, v6  }
0x6df: {  	s2 =	sadd.s32 $0xFFFFF6D0, s30;
	v21 =	vadd.s32 s1, v9;
	v17 =	vld.idx.msk [tilespmem:v17+s3+$0x0], $0xffff;
	[tilespmem:s22+$0xFFFFFEC0] =	vst v12  }
0x6e0: {  	s4 =	sadd.s32 $0xFFFFFC10, s30;
	v12 =	vadd.s32 s2, v2;
	[tilespmem:s31+$0xFFFFF9A0] =	vst v15;
	v13 =	vld.idx.msk [tilespmem:v13+s3+$0x0], $0xffff  }
0x6e1: {  	v15 =	vadd.s32 s4, v2;
	v14 =	vld.idx.msk [tilespmem:v14+s3+$0x0], $0xffff;
	[tilespmem:s31+$0xFFFFFDA0] =	vst v10  }
0x6e2: {  	v10 =	vld.idx.msk [tilespmem:v16+s3+$0x0], $0xffff;
	v16 =	vadd.s32 s7, v9;
	[tilespmem:s21+$0xFFFFFFF0] =	vst v18  }
0x6e3: {  	v18 =	vadd.s32 s0, v4;
	[tilespmem:s22+$0xFFFFFAD0] =	vst v20;
	v19 =	vld.idx.msk [tilespmem:v19+s3+$0x0], $0xffff  }
0x6e4: {  	[tilespmem:s23+$0xFFFFF880] =	vst v11;
	v11 =	vadd.s32 s6, v4;
	v20 =	vld.idx.msk [tilespmem:v21+s3+$0x0], $0xffff  }
0x6e5: {  	v12 =	vld.idx.msk [tilespmem:v12+s3+$0x0], $0xffff;
	[tilespmem:s23+$0xFFFFFC80] =	vst v17;
	v17 =	vadd.s32 s28, v6  }
0x6e6: {  	v21 =	vadd.s32 s1, v8;
	v15 =	vld.idx.msk [tilespmem:v15+s3+$0x0], $0xffff;
	[tilespmem:s22+$0xFFFFFED0] =	vst v13  }
0x6e7: {  	v13 =	vadd.s32 s2, v3;
	[tilespmem:s31+$0xFFFFF9B0] =	vst v14;
	v14 =	vld.idx.msk [tilespmem:v16+s3+$0x0], $0xffff  }
0x6e8: {  	v16 =	vadd.s32 s4, v3;
	v18 =	vld.idx.msk [tilespmem:v18+s3+$0x0], $0xffff;
	[tilespmem:s31+$0xFFFFFDB0] =	vst v10  }
0x6e9: {  	v10 =	vld.idx.msk [tilespmem:v11+s3+$0x0], $0xffff;
	v11 =	vadd.s32 s7, v8;
	[tilespmem:s21+$0x0] =	vst v19  }
0x6ea: {  	v19 =	vadd.s32 s0, v7;
	[tilespmem:s22+$0xFFFFFAE0] =	vst v20;
	v17 =	vld.idx.msk [tilespmem:v17+s3+$0x0], $0xffff  }
0x6eb: {  	s5 =	sadd.s32 $0xFFFFFAC0, s26;
	s26 =	smov.u32 s24;
	s24 =	smov.u32 s25;
	[tilespmem:s23+$0xFFFFF890] =	vst v12;
	v12 =	vadd.s32 s6, v7;
	v20 =	vld.idx.msk [tilespmem:v21+s3+$0x0], $0xffff  }
0x6ec: {  	s25 =	smov.u32 s30;
	v13 =	vld.idx.msk [tilespmem:v13+s3+$0x0], $0xffff;
	[tilespmem:s23+$0xFFFFFC90] =	vst v15;
	v15 =	vadd.s32 s5, v2  }
0x6ed: {  	v21 =	vadd.s32 s1, v6;
	v16 =	vld.idx.msk [tilespmem:v16+s3+$0x0], $0xffff;
	[tilespmem:s22+$0xFFFFFEE0] =	vst v14  }
0x6ee: {  	v14 =	vadd.s32 s2, v5;
	[tilespmem:s31+$0xFFFFF9C0] =	vst v18;
	v11 =	vld.idx.msk [tilespmem:v11+s3+$0x0], $0xffff  }
0x6ef: {  	v18 =	vadd.s32 s4, v5;
	v19 =	vld.idx.msk [tilespmem:v19+s3+$0x0], $0xffff;
	[tilespmem:s31+$0xFFFFFDC0] =	vst v10  }
0x6f0: {  	v10 =	vld.idx.msk [tilespmem:v12+s3+$0x0], $0xffff;
	v12 =	vadd.s32 s7, v6;
	[tilespmem:s21+$0xFFFFFB80] =	vst v17  }
0x6f1: {  	v17 =	vadd.s32 s0, v9;
	[tilespmem:s22+$0xFFFFFAF0] =	vst v20;
	v15 =	vld.idx.msk [tilespmem:v15+s3+$0x0], $0xffff  }
0x6f2: {  	[tilespmem:s23+$0xFFFFF8A0] =	vst v13;
	v13 =	vadd.s32 s6, v9;
	v20 =	vld.idx.msk [tilespmem:v21+s3+$0x0], $0xffff  }
0x6f3: {  	s28 =	sadd.s32 $0xFFFFFA18, s26;
	v14 =	vld.idx.msk [tilespmem:v14+s3+$0x0], $0xffff;
	[tilespmem:s23+$0xFFFFFCA0] =	vst v16;
	v16 =	vadd.s32 s5, v3  }
0x6f4: {  	v21 =	vadd.s32 s28, v2;
	v18 =	vld.idx.msk [tilespmem:v18+s3+$0x0], $0xffff;
	[tilespmem:s22+$0xFFFFFEF0] =	vst v11  }
0x6f5: {  	v11 =	vadd.s32 s2, v4;
	[tilespmem:s31+$0xFFFFF9D0] =	vst v19;
	v12 =	vld.idx.msk [tilespmem:v12+s3+$0x0], $0xffff  }
0x6f6: {  	s7 =	sadd.s32 $0xFFFFFF58, s26;
	v19 =	vadd.s32 s4, v4;
	v17 =	vld.idx.msk [tilespmem:v17+s3+$0x0], $0xffff;
	[tilespmem:s31+$0xFFFFFDD0] =	vst v10  }
0x6f7: {  	v10 =	vld.idx.msk [tilespmem:v13+s3+$0x0], $0xffff;
	v13 =	vadd.s32 s7, v2;
	[tilespmem:s21+$0xFFFFFB90] =	vst v15  }
0x6f8: {  	v15 =	vadd.s32 s0, v8;
	[tilespmem:s22+$0xFFFFFB00] =	vst v20;
	v16 =	vld.idx.msk [tilespmem:v16+s3+$0x0], $0xffff  }
0x6f9: {  	[tilespmem:s23+$0xFFFFF8B0] =	vst v14;
	v14 =	vadd.s32 s6, v8;
	v20 =	vld.idx.msk [tilespmem:v21+s3+$0x0], $0xffff  }
0x6fa: {  	v11 =	vld.idx.msk [tilespmem:v11+s3+$0x0], $0xffff;
	[tilespmem:s23+$0xFFFFFCB0] =	vst v18;
	v18 =	vadd.s32 s5, v5  }
0x6fb: {  	v21 =	vadd.s32 s28, v3;
	v19 =	vld.idx.msk [tilespmem:v19+s3+$0x0], $0xffff;
	[tilespmem:s22+$0xFFFFFF00] =	vst v12  }
0x6fc: {  	v12 =	vadd.s32 s2, v7;
	[tilespmem:s31+$0xFFFFF9E0] =	vst v17;
	v13 =	vld.idx.msk [tilespmem:v13+s3+$0x0], $0xffff  }
0x6fd: {  	v17 =	vadd.s32 s4, v7;
	v15 =	vld.idx.msk [tilespmem:v15+s3+$0x0], $0xffff;
	[tilespmem:s31+$0xFFFFFDE0] =	vst v10  }
0x6fe: {  	v10 =	vld.idx.msk [tilespmem:v14+s3+$0x0], $0xffff;
	v14 =	vadd.s32 s7, v3;
	[tilespmem:s21+$0xFFFFFBA0] =	vst v16  }
0x6ff: {  	v16 =	vadd.s32 s0, v6;
	[tilespmem:s22+$0xFFFFFB10] =	vst v20;
	v18 =	vld.idx.msk [tilespmem:v18+s3+$0x0], $0xffff  }
0x700: {  	[tilespmem:s23+$0xFFFFF8C0] =	vst v11;
	v11 =	vadd.s32 s6, v6;
	v20 =	vld.idx.msk [tilespmem:v21+s3+$0x0], $0xffff  }
0x701: {  	v12 =	vld.idx.msk [tilespmem:v12+s3+$0x0], $0xffff;
	[tilespmem:s23+$0xFFFFFCC0] =	vst v19;
	v19 =	vadd.s32 s5, v4  }
0x702: {  	v21 =	vadd.s32 s28, v5;
	v17 =	vld.idx.msk [tilespmem:v17+s3+$0x0], $0xffff;
	[tilespmem:s22+$0xFFFFFF10] =	vst v13  }
0x703: {  	v22 =	vadd.s32 s2, v9;
	[tilespmem:s31+$0xFFFFF9F0] =	vst v15;
	v14 =	vld.idx.msk [tilespmem:v14+s3+$0x0], $0xffff  }
0x704: {  	v15 =	vadd.s32 s4, v9;
	v16 =	vld.idx.msk [tilespmem:v16+s3+$0x0], $0xffff;
	[tilespmem:s31+$0xFFFFFDF0] =	vst v10  }
0x705: {  	s0 =	sadd.s32 $0xFFFFF8C8, s24;
	v10 =	vld.idx.msk [tilespmem:v11+s3+$0x0], $0xffff;
	v11 =	vadd.s32 s7, v5;
	[tilespmem:s21+$0xFFFFFBB0] =	vst v18  }
0x706: {  	s1 =	sadd.s32 $0xFFFFFE08, s24;
	v13 =	vadd.s32 s0, v9;
	v18 =	vadd.s32 s0, v2;
	[tilespmem:s22+$0xFFFFFB20] =	vst v20;
	v19 =	vld.idx.msk [tilespmem:v19+s3+$0x0], $0xffff  }
0x707: {  	[tilespmem:s23+$0xFFFFF8D0] =	vst v12;
	v12 =	vadd.s32 s1, v2;
	v20 =	vld.idx.msk [tilespmem:v21+s3+$0x0], $0xffff  }
0x708: {  	v21 =	vld.idx.msk [tilespmem:v22+s3+$0x0], $0xffff;
	[tilespmem:s23+$0xFFFFFCD0] =	vst v17;
	v17 =	vadd.s32 s5, v7  }
0x709: {  	v22 =	vadd.s32 s28, v4;
	v15 =	vld.idx.msk [tilespmem:v15+s3+$0x0], $0xffff;
	[tilespmem:s22+$0xFFFFFF20] =	vst v14  }
0x70a: {  	v14 =	vadd.s32 s2, v8;
	[tilespmem:s31+$0xFFFFFA00] =	vst v16;
	v11 =	vld.idx.msk [tilespmem:v11+s3+$0x0], $0xffff  }
0x70b: {  	v16 =	vadd.s32 s4, v8;
	v18 =	vld.idx.msk [tilespmem:v18+s3+$0x0], $0xffff;
	[tilespmem:s31+$0xFFFFFE00] =	vst v10  }
0x70c: {  	v10 =	vld.idx.msk [tilespmem:v12+s3+$0x0], $0xffff;
	v12 =	vadd.s32 s7, v4;
	[tilespmem:s21+$0xFFFFFBC0] =	vst v19  }
0x70d: {  	v19 =	vadd.s32 s0, v3;
	[tilespmem:s22+$0xFFFFFB30] =	vst v20;
	v17 =	vld.idx.msk [tilespmem:v17+s3+$0x0], $0xffff  }
0x70e: {  	v20 =	vadd.s32 s1, v3;
	[tilespmem:s23+$0xFFFFF8E0] =	vst v21;
	v21 =	vld.idx.msk [tilespmem:v22+s3+$0x0], $0xffff  }
0x70f: {  	v14 =	vld.idx.msk [tilespmem:v14+s3+$0x0], $0xffff;
	[tilespmem:s23+$0xFFFFFCE0] =	vst v15;
	v15 =	vadd.s32 s5, v9  }
0x710: {  	v22 =	vadd.s32 s28, v7;
	v16 =	vld.idx.msk [tilespmem:v16+s3+$0x0], $0xffff;
	[tilespmem:s22+$0xFFFFFF30] =	vst v11  }
0x711: {  	v11 =	vadd.s32 s2, v6;
	[tilespmem:s31+$0xFFFFFA10] =	vst v18;
	v12 =	vld.idx.msk [tilespmem:v12+s3+$0x0], $0xffff  }
0x712: {  	v18 =	vadd.s32 s4, v6;
	v19 =	vld.idx.msk [tilespmem:v19+s3+$0x0], $0xffff;
	[tilespmem:s31+$0xFFFFFE10] =	vst v10  }
0x713: {  	v10 =	vld.idx.msk [tilespmem:v20+s3+$0x0], $0xffff;
	v20 =	vadd.s32 s7, v7;
	[tilespmem:s21+$0xFFFFFBD0] =	vst v17  }
0x714: {  	v17 =	vadd.s32 s0, v5;
	[tilespmem:s22+$0xFFFFFB40] =	vst v21;
	v15 =	vld.idx.msk [tilespmem:v15+s3+$0x0], $0xffff  }
0x715: {  	[tilespmem:s23+$0xFFFFF8F0] =	vst v14;
	v14 =	vadd.s32 s1, v5;
	v21 =	vld.idx.msk [tilespmem:v22+s3+$0x0], $0xffff  }
0x716: {  	v11 =	vld.idx.msk [tilespmem:v11+s3+$0x0], $0xffff;
	[tilespmem:s23+$0xFFFFFCF0] =	vst v16;
	v16 =	vadd.s32 s5, v8  }
0x717: {  	s2 =	sadd.s32 $0xFFFFF778, s30;
	v22 =	vadd.s32 s28, v9;
	v18 =	vld.idx.msk [tilespmem:v18+s3+$0x0], $0xffff;
	[tilespmem:s22+$0xFFFFFF40] =	vst v12  }
0x718: {  	s4 =	sadd.s32 $0xFFFFFCB8, s30;
	v12 =	vadd.s32 s2, v2;
	[tilespmem:s31+$0xFFFFFA20] =	vst v19;
	v19 =	vld.idx.msk [tilespmem:v20+s3+$0x0], $0xffff  }
0x719: {  	v20 =	vadd.s32 s4, v2;
	v17 =	vld.idx.msk [tilespmem:v17+s3+$0x0], $0xffff;
	[tilespmem:s31+$0xFFFFFE20] =	vst v10  }
0x71a: {  	v10 =	vld.idx.msk [tilespmem:v14+s3+$0x0], $0xffff;
	v14 =	vadd.s32 s7, v9;
	[tilespmem:s21+$0xFFFFFBE0] =	vst v15  }
0x71b: {  	v15 =	vadd.s32 s0, v4;
	[tilespmem:s22+$0xFFFFFB50] =	vst v21;
	v16 =	vld.idx.msk [tilespmem:v16+s3+$0x0], $0xffff  }
0x71c: {  	[tilespmem:s23+$0xFFFFF900] =	vst v11;
	v11 =	vadd.s32 s1, v4;
	v21 =	vld.idx.msk [tilespmem:v22+s3+$0x0], $0xffff  }
0x71d: {  	v12 =	vld.idx.msk [tilespmem:v12+s3+$0x0], $0xffff;
	[tilespmem:s23+$0xFFFFFD00] =	vst v18;
	v18 =	vadd.s32 s5, v6  }
0x71e: {  	v22 =	vadd.s32 s28, v8;
	v20 =	vld.idx.msk [tilespmem:v20+s3+$0x0], $0xffff;
	[tilespmem:s22+$0xFFFFFF50] =	vst v19  }
0x71f: {  	v19 =	vadd.s32 s2, v3;
	[tilespmem:s31+$0xFFFFFA30] =	vst v17;
	v14 =	vld.idx.msk [tilespmem:v14+s3+$0x0], $0xffff  }
0x720: {  	v17 =	vadd.s32 s4, v3;
	v15 =	vld.idx.msk [tilespmem:v15+s3+$0x0], $0xffff;
	[tilespmem:s31+$0xFFFFFE30] =	vst v10  }
0x721: {  	v23 =	vld.idx.msk [tilespmem:v11+s3+$0x0], $0xffff;
	v11 =	vadd.s32 s7, v8;
	[tilespmem:s21+$0xFFFFFBF0] =	vst v16  }
0x722: {  	v24 =	vadd.s32 s0, v7;
	[tilespmem:s22+$0xFFFFFB60] =	vst v21;
	v21 =	vld.idx.msk [tilespmem:v18+s3+$0x0], $0xffff  }
0x723: {  	[tilespmem:s23+$0xFFFFF910] =	vst v12;
	v12 =	vadd.s32 s1, v7;
	v10 =	vld.idx.msk [tilespmem:v22+s3+$0x0], $0xffff  }
.Ltmp1:
0x724: {  	v16 =	vld.idx.msk [tilespmem:v19+s3+$0x0], $0xffff;
	[tilespmem:s23+$0xFFFFFD10] =	vst v20;
	(pc) =	sbr.rel @p0 .LBB2_5-.Ltmp1, $4  }
0x725: {  	v17 =	vld.idx.msk [tilespmem:v17+s3+$0x0], $0xffff;
	[tilespmem:s22+$0xFFFFFF60] =	vst v14  }
0x726: {  	v18 =	vadd.s32 s2, v5;
	[tilespmem:s31+$0xFFFFFA40] =	vst v15;
	v11 =	vld.idx.msk [tilespmem:v11+s3+$0x0], $0xffff  }
0x727: {  	v19 =	vadd.s32 s4, v5;
	v14 =	vld.idx.msk [tilespmem:v24+s3+$0x0], $0xffff;
	[tilespmem:s31+$0xFFFFFE40] =	vst v23  }
0x728: {  	s30 =	sadd.s32 $0xA80, s30;
	v15 =	vld.idx.msk [tilespmem:v12+s3+$0x0], $0xffff;
	v12 =	vadd.s32 s7, v6;
	[tilespmem:s21+$0xFFFFFC00] =	vst v21;
	s21 =	smov.u32 s22;
	s22 =	smov.u32 s31  }
0x729: {  	_ =	sdelay $0x2  }
0x72a: {  	[tilespmem:s23+$0xFFFFF920] =	vst v16  }
0x72b: {  	[tilespmem:s23+$0xFFFFFD20] =	vst v17;
	v55 =	vld.idx.msk [tilespmem:v18+s3+$0x0], $0xffff  }
0x72c: {  	v57 =	vadd.s32 s2, v4;
	v54 =	vld.idx.msk [tilespmem:v19+s3+$0x0], $0xffff  }
0x72d: {  	v56 =	vadd.s32 s4, v4;
	_ =	sdelay $0x2  }
0x72e: {  	[tilespmem:s23+$0xFFFFF930] =	vst v55  }
0x72f: {  	[tilespmem:s23+$0xFFFFFD30] =	vst v54;
	v17 =	vld.idx.msk [tilespmem:v57+s3+$0x0], $0xffff  }
0x730: {  	v59 =	vadd.s32 s2, v7;
	v16 =	vld.idx.msk [tilespmem:v56+s3+$0x0], $0xffff  }
0x731: {  	v58 =	vadd.s32 s4, v7;
	_ =	sdelay $0x2  }
0x732: {  	[tilespmem:s23+$0xFFFFF940] =	vst v17  }
0x733: {  	[tilespmem:s23+$0xFFFFFD40] =	vst v16;
	v17 =	vld.idx.msk [tilespmem:v59+s3+$0x0], $0xffff  }
0x734: {  	v61 =	vadd.s32 s2, v9;
	v16 =	vld.idx.msk [tilespmem:v58+s3+$0x0], $0xffff  }
0x735: {  	v60 =	vadd.s32 s4, v9;
	_ =	sdelay $0x2  }
0x736: {  	[tilespmem:s23+$0xFFFFF950] =	vst v17  }
0x737: {  	[tilespmem:s23+$0xFFFFFD50] =	vst v16;
	v17 =	vld.idx.msk [tilespmem:v61+s3+$0x0], $0xffff  }
0x738: {  	v63 =	vadd.s32 s2, v8;
	v16 =	vld.idx.msk [tilespmem:v60+s3+$0x0], $0xffff  }
0x739: {  	v62 =	vadd.s32 s4, v8;
	_ =	sdelay $0x2  }
0x73a: {  	[tilespmem:s23+$0xFFFFF960] =	vst v17  }
0x73b: {  	[tilespmem:s23+$0xFFFFFD60] =	vst v16;
	v17 =	vld.idx.msk [tilespmem:v63+s3+$0x0], $0xffff  }
0x73c: {  	v22 =	vadd.s32 s2, v6;
	v16 =	vld.idx.msk [tilespmem:v62+s3+$0x0], $0xffff  }
0x73d: {  	v21 =	vadd.s32 s4, v6;
	_ =	sdelay $0x2  }
0x73e: {  	[tilespmem:s23+$0xFFFFF970] =	vst v17  }
0x73f: {  	s29 =	sadd.s32 $0xFFFFF820, s25;
	[tilespmem:s23+$0xFFFFFD70] =	vst v16;
	v17 =	vld.idx.msk [tilespmem:v22+s3+$0x0], $0xffff  }
0x740: {  	s18 =	sadd.s32 $0xFFFFFD60, s25;
	v24 =	vadd.s32 s29, v2;
	v16 =	vld.idx.msk [tilespmem:v21+s3+$0x0], $0xffff  }
0x741: {  	v23 =	vadd.s32 s18, v2;
	_ =	sdelay $0x2  }
0x742: {  	[tilespmem:s23+$0xFFFFF980] =	vst v17  }
0x743: {  	[tilespmem:s23+$0xFFFFFD80] =	vst v16;
	v17 =	vld.idx.msk [tilespmem:v24+s3+$0x0], $0xffff  }
0x744: {  	v26 =	vadd.s32 s29, v3;
	v16 =	vld.idx.msk [tilespmem:v23+s3+$0x0], $0xffff  }
0x745: {  	v25 =	vadd.s32 s18, v3;
	_ =	sdelay $0x2  }
0x746: {  	[tilespmem:s23+$0xFFFFF990] =	vst v17  }
0x747: {  	[tilespmem:s23+$0xFFFFFD90] =	vst v16;
	v17 =	vld.idx.msk [tilespmem:v26+s3+$0x0], $0xffff  }
0x748: {  	v28 =	vadd.s32 s29, v5;
	v16 =	vld.idx.msk [tilespmem:v25+s3+$0x0], $0xffff  }
0x749: {  	v27 =	vadd.s32 s18, v5;
	_ =	sdelay $0x2  }
0x74a: {  	[tilespmem:s23+$0xFFFFF9A0] =	vst v17  }
0x74b: {  	[tilespmem:s23+$0xFFFFFDA0] =	vst v16;
	v17 =	vld.idx.msk [tilespmem:v28+s3+$0x0], $0xffff  }
0x74c: {  	v30 =	vadd.s32 s29, v4;
	v16 =	vld.idx.msk [tilespmem:v27+s3+$0x0], $0xffff  }
0x74d: {  	v29 =	vadd.s32 s18, v4;
	_ =	sdelay $0x2  }
0x74e: {  	[tilespmem:s23+$0xFFFFF9B0] =	vst v17  }
0x74f: {  	[tilespmem:s23+$0xFFFFFDB0] =	vst v16;
	v17 =	vld.idx.msk [tilespmem:v30+s3+$0x0], $0xffff  }
0x750: {  	v32 =	vadd.s32 s29, v7;
	v16 =	vld.idx.msk [tilespmem:v29+s3+$0x0], $0xffff  }
0x751: {  	v31 =	vadd.s32 s18, v7;
	_ =	sdelay $0x2  }
0x752: {  	[tilespmem:s23+$0xFFFFF9C0] =	vst v17  }
0x753: {  	[tilespmem:s23+$0xFFFFFDC0] =	vst v16;
	v17 =	vld.idx.msk [tilespmem:v32+s3+$0x0], $0xffff  }
0x754: {  	v34 =	vadd.s32 s29, v9;
	v16 =	vld.idx.msk [tilespmem:v31+s3+$0x0], $0xffff  }
0x755: {  	v33 =	vadd.s32 s18, v9;
	_ =	sdelay $0x2  }
0x756: {  	[tilespmem:s23+$0xFFFFF9D0] =	vst v17  }
0x757: {  	[tilespmem:s23+$0xFFFFFDD0] =	vst v16;
	v17 =	vld.idx.msk [tilespmem:v34+s3+$0x0], $0xffff  }
0x758: {  	v36 =	vadd.s32 s29, v8;
	v16 =	vld.idx.msk [tilespmem:v33+s3+$0x0], $0xffff  }
0x759: {  	v35 =	vadd.s32 s18, v8;
	_ =	sdelay $0x2  }
0x75a: {  	[tilespmem:s23+$0xFFFFF9E0] =	vst v17  }
0x75b: {  	[tilespmem:s23+$0xFFFFFDE0] =	vst v16;
	v17 =	vld.idx.msk [tilespmem:v36+s3+$0x0], $0xffff  }
0x75c: {  	v38 =	vadd.s32 s29, v6;
	v16 =	vld.idx.msk [tilespmem:v35+s3+$0x0], $0xffff  }
0x75d: {  	v37 =	vadd.s32 s18, v6;
	_ =	sdelay $0x2  }
0x75e: {  	[tilespmem:s23+$0xFFFFF9F0] =	vst v17  }
0x75f: {  	s31 =	sadd.s32 $0xFFFFF8C8, s25;
	[tilespmem:s23+$0xFFFFFDF0] =	vst v16;
	v17 =	vld.idx.msk [tilespmem:v38+s3+$0x0], $0xffff  }
0x760: {  	s30 =	sadd.s32 $0xFFFFFE08, s25;
	v40 =	vadd.s32 s31, v2;
	v16 =	vld.idx.msk [tilespmem:v37+s3+$0x0], $0xffff  }
0x761: {  	v39 =	vadd.s32 s30, v2;
	_ =	sdelay $0x2  }
0x762: {  	[tilespmem:s23+$0xFFFFFA00] =	vst v17  }
0x763: {  	[tilespmem:s23+$0xFFFFFE00] =	vst v16;
	v17 =	vld.idx.msk [tilespmem:v40+s3+$0x0], $0xffff  }
0x764: {  	v42 =	vadd.s32 s31, v3;
	v16 =	vld.idx.msk [tilespmem:v39+s3+$0x0], $0xffff  }
0x765: {  	v41 =	vadd.s32 s30, v3;
	_ =	sdelay $0x2  }
0x766: {  	[tilespmem:s23+$0xFFFFFA10] =	vst v17  }
0x767: {  	[tilespmem:s23+$0xFFFFFE10] =	vst v16;
	v17 =	vld.idx.msk [tilespmem:v42+s3+$0x0], $0xffff  }
0x768: {  	v44 =	vadd.s32 s31, v5;
	v16 =	vld.idx.msk [tilespmem:v41+s3+$0x0], $0xffff  }
0x769: {  	v43 =	vadd.s32 s30, v5;
	_ =	sdelay $0x2  }
0x76a: {  	[tilespmem:s23+$0xFFFFFA20] =	vst v17  }
0x76b: {  	[tilespmem:s23+$0xFFFFFE20] =	vst v16;
	v17 =	vld.idx.msk [tilespmem:v44+s3+$0x0], $0xffff  }
0x76c: {  	v46 =	vadd.s32 s31, v4;
	v16 =	vld.idx.msk [tilespmem:v43+s3+$0x0], $0xffff  }
0x76d: {  	v45 =	vadd.s32 s30, v4;
	_ =	sdelay $0x2  }
0x76e: {  	[tilespmem:s23+$0xFFFFFA30] =	vst v17  }
0x76f: {  	[tilespmem:s23+$0xFFFFFE30] =	vst v16;
	v17 =	vld.idx.msk [tilespmem:v46+s3+$0x0], $0xffff  }
0x770: {  	v48 =	vadd.s32 s31, v7;
	v16 =	vld.idx.msk [tilespmem:v45+s3+$0x0], $0xffff  }
0x771: {  	v47 =	vadd.s32 s30, v7;
	_ =	sdelay $0x2  }
0x772: {  	v20 =	vadd.s32 s1, v9;
	[tilespmem:s23+$0xFFFFFA40] =	vst v17  }
0x773: {  	[tilespmem:s23+$0xFFFFFE40] =	vst v16;
	v17 =	vld.idx.msk [tilespmem:v48+s3+$0x0], $0xffff  }
0x774: {  	v50 =	vadd.s32 s31, v9;
	v16 =	vld.idx.msk [tilespmem:v47+s3+$0x0], $0xffff  }
0x775: {  	v49 =	vadd.s32 s30, v9  }
0x776: {  	[tilespmem:s22+$0xFFFFFE50] =	vst v15  }
0x777: {  	[tilespmem:s22+$0xFFFFFA50] =	vst v14;
	v51 =	vld.idx.msk [tilespmem:v20+s3+$0x0], $0xffff  }
0x778: {  	v52 =	vadd.s32 s1, v8;
	v13 =	vld.idx.msk [tilespmem:v13+s3+$0x0], $0xffff;
	[tilespmem:s23+$0xFFFFFA50] =	vst v17  }
0x779: {  	v53 =	vadd.s32 s0, v8;
	[tilespmem:s23+$0xFFFFFE50] =	vst v16;
	v55 =	vld.idx.msk [tilespmem:v50+s3+$0x0], $0xffff  }
0x77a: {  	v57 =	vadd.s32 s31, v8;
	v54 =	vld.idx.msk [tilespmem:v49+s3+$0x0], $0xffff  }
0x77b: {  	v56 =	vadd.s32 s30, v8  }
0x77c: {  	[tilespmem:s22+$0xFFFFFE60] =	vst v51  }
0x77d: {  	[tilespmem:s22+$0xFFFFFA60] =	vst v13;
	v58 =	vld.idx.msk [tilespmem:v52+s3+$0x0], $0xffff  }
0x77e: {  	v59 =	vld.idx.msk [tilespmem:v53+s3+$0x0], $0xffff;
	v60 =	vadd.s32 s1, v6;
	[tilespmem:s23+$0xFFFFFA60] =	vst v55  }
0x77f: {  	v61 =	vadd.s32 s0, v6;
	[tilespmem:s23+$0xFFFFFE60] =	vst v54;
	v18 =	vld.idx.msk [tilespmem:v57+s3+$0x0], $0xffff  }
0x780: {  	v63 =	vadd.s32 s31, v6;
	v17 =	vld.idx.msk [tilespmem:v56+s3+$0x0], $0xffff  }
0x781: {  	v62 =	vadd.s32 s30, v6  }
0x782: {  	[tilespmem:s22+$0xFFFFFE70] =	vst v58  }
0x783: {  	s4 =	sadd.s32 $0xFFFFFEB0, s24;
	[tilespmem:s22+$0xFFFFFA70] =	vst v59;
	v13 =	vld.idx.msk [tilespmem:v60+s3+$0x0], $0xffff  }
0x784: {  	s5 =	sadd.s32 $0xFFFFF970, s24;
	v14 =	vld.idx.msk [tilespmem:v61+s3+$0x0], $0xffff;
	v24 =	vadd.s32 s4, v2;
	[tilespmem:s23+$0xFFFFFA70] =	vst v18  }
0x785: {  	s7 =	sadd.s32 $0xFFFFF970, s25;
	v25 =	vadd.s32 s5, v2;
	[tilespmem:s23+$0xFFFFFE70] =	vst v17;
	v18 =	vld.idx.msk [tilespmem:v63+s3+$0x0], $0xffff  }
0x786: {  	s6 =	sadd.s32 $0xFFFFFEB0, s25;
	v27 =	vadd.s32 s7, v2;
	v17 =	vld.idx.msk [tilespmem:v62+s3+$0x0], $0xffff  }
0x787: {  	v26 =	vadd.s32 s6, v2  }
0x788: {  	[tilespmem:s22+$0xFFFFFE80] =	vst v13  }
0x789: {  	[tilespmem:s22+$0xFFFFFA80] =	vst v14;
	v13 =	vld.idx.msk [tilespmem:v24+s3+$0x0], $0xffff  }
0x78a: {  	v14 =	vld.idx.msk [tilespmem:v25+s3+$0x0], $0xffff;
	v28 =	vadd.s32 s4, v3;
	[tilespmem:s23+$0xFFFFFA80] =	vst v18  }
0x78b: {  	v29 =	vadd.s32 s5, v3;
	[tilespmem:s23+$0xFFFFFE80] =	vst v17;
	v18 =	vld.idx.msk [tilespmem:v27+s3+$0x0], $0xffff  }
0x78c: {  	v31 =	vadd.s32 s7, v3;
	v17 =	vld.idx.msk [tilespmem:v26+s3+$0x0], $0xffff  }
0x78d: {  	v30 =	vadd.s32 s6, v3  }
0x78e: {  	[tilespmem:s22+$0xFFFFFE90] =	vst v13  }
0x78f: {  	[tilespmem:s22+$0xFFFFFA90] =	vst v14;
	v13 =	vld.idx.msk [tilespmem:v28+s3+$0x0], $0xffff  }
0x790: {  	v14 =	vld.idx.msk [tilespmem:v29+s3+$0x0], $0xffff;
	v32 =	vadd.s32 s4, v5;
	[tilespmem:s23+$0xFFFFFA90] =	vst v18  }
0x791: {  	v33 =	vadd.s32 s5, v5;
	[tilespmem:s23+$0xFFFFFE90] =	vst v17;
	v18 =	vld.idx.msk [tilespmem:v31+s3+$0x0], $0xffff  }
0x792: {  	v35 =	vadd.s32 s7, v5;
	v17 =	vld.idx.msk [tilespmem:v30+s3+$0x0], $0xffff  }
0x793: {  	v34 =	vadd.s32 s6, v5  }
0x794: {  	[tilespmem:s22+$0xFFFFFEA0] =	vst v13  }
0x795: {  	[tilespmem:s22+$0xFFFFFAA0] =	vst v14;
	v13 =	vld.idx.msk [tilespmem:v32+s3+$0x0], $0xffff  }
0x796: {  	v14 =	vld.idx.msk [tilespmem:v33+s3+$0x0], $0xffff;
	v36 =	vadd.s32 s4, v4;
	[tilespmem:s23+$0xFFFFFAA0] =	vst v18  }
0x797: {  	v37 =	vadd.s32 s5, v4;
	[tilespmem:s23+$0xFFFFFEA0] =	vst v17;
	v18 =	vld.idx.msk [tilespmem:v35+s3+$0x0], $0xffff  }
0x798: {  	v39 =	vadd.s32 s7, v4;
	v17 =	vld.idx.msk [tilespmem:v34+s3+$0x0], $0xffff  }
0x799: {  	v38 =	vadd.s32 s6, v4  }
0x79a: {  	[tilespmem:s22+$0xFFFFFEB0] =	vst v13  }
0x79b: {  	[tilespmem:s22+$0xFFFFFAB0] =	vst v14;
	v13 =	vld.idx.msk [tilespmem:v36+s3+$0x0], $0xffff  }
0x79c: {  	v14 =	vld.idx.msk [tilespmem:v37+s3+$0x0], $0xffff;
	v40 =	vadd.s32 s4, v7;
	[tilespmem:s23+$0xFFFFFAB0] =	vst v18  }
0x79d: {  	v41 =	vadd.s32 s5, v7;
	[tilespmem:s23+$0xFFFFFEB0] =	vst v17;
	v18 =	vld.idx.msk [tilespmem:v39+s3+$0x0], $0xffff  }
0x79e: {  	v43 =	vadd.s32 s7, v7;
	v17 =	vld.idx.msk [tilespmem:v38+s3+$0x0], $0xffff  }
0x79f: {  	v42 =	vadd.s32 s6, v7  }
0x7a0: {  	[tilespmem:s22+$0xFFFFFEC0] =	vst v13  }
0x7a1: {  	[tilespmem:s22+$0xFFFFFAC0] =	vst v14;
	v13 =	vld.idx.msk [tilespmem:v40+s3+$0x0], $0xffff  }
0x7a2: {  	v14 =	vld.idx.msk [tilespmem:v41+s3+$0x0], $0xffff;
	v44 =	vadd.s32 s4, v9;
	[tilespmem:s23+$0xFFFFFAC0] =	vst v18  }
0x7a3: {  	v45 =	vadd.s32 s5, v9;
	[tilespmem:s23+$0xFFFFFEC0] =	vst v17;
	v18 =	vld.idx.msk [tilespmem:v43+s3+$0x0], $0xffff  }
0x7a4: {  	v47 =	vadd.s32 s7, v9;
	v17 =	vld.idx.msk [tilespmem:v42+s3+$0x0], $0xffff  }
0x7a5: {  	v46 =	vadd.s32 s6, v9  }
0x7a6: {  	[tilespmem:s22+$0xFFFFFED0] =	vst v13  }
0x7a7: {  	[tilespmem:s22+$0xFFFFFAD0] =	vst v14;
	v13 =	vld.idx.msk [tilespmem:v44+s3+$0x0], $0xffff  }
0x7a8: {  	v14 =	vld.idx.msk [tilespmem:v45+s3+$0x0], $0xffff;
	v48 =	vadd.s32 s4, v8;
	[tilespmem:s23+$0xFFFFFAD0] =	vst v18  }
0x7a9: {  	v49 =	vadd.s32 s5, v8;
	[tilespmem:s23+$0xFFFFFED0] =	vst v17;
	v18 =	vld.idx.msk [tilespmem:v47+s3+$0x0], $0xffff  }
0x7aa: {  	v51 =	vadd.s32 s7, v8;
	v17 =	vld.idx.msk [tilespmem:v46+s3+$0x0], $0xffff  }
0x7ab: {  	v50 =	vadd.s32 s6, v8  }
0x7ac: {  	[tilespmem:s22+$0xFFFFFEE0] =	vst v13  }
0x7ad: {  	[tilespmem:s22+$0xFFFFFAE0] =	vst v14;
	v13 =	vld.idx.msk [tilespmem:v48+s3+$0x0], $0xffff  }
0x7ae: {  	v52 =	vadd.s32 s4, v6;
	v14 =	vld.idx.msk [tilespmem:v49+s3+$0x0], $0xffff;
	[tilespmem:s23+$0xFFFFFAE0] =	vst v18  }
0x7af: {  	v53 =	vadd.s32 s5, v6;
	[tilespmem:s23+$0xFFFFFEE0] =	vst v17;
	v18 =	vld.idx.msk [tilespmem:v51+s3+$0x0], $0xffff  }
0x7b0: {  	v55 =	vadd.s32 s7, v6;
	v17 =	vld.idx.msk [tilespmem:v50+s3+$0x0], $0xffff  }
0x7b1: {  	v54 =	vadd.s32 s6, v6  }
0x7b2: {  	[tilespmem:s22+$0xFFFFFEF0] =	vst v13  }
0x7b3: {  	s8 =	sadd.s32 $0xFFFFFF58, s24;
	v13 =	vld.idx.msk [tilespmem:v52+s3+$0x0], $0xffff;
	[tilespmem:s22+$0xFFFFFAF0] =	vst v14  }
0x7b4: {  	s16 =	sadd.s32 $0xFFFFFA18, s24;
	v56 =	vadd.s32 s8, v2;
	v14 =	vld.idx.msk [tilespmem:v53+s3+$0x0], $0xffff;
	[tilespmem:s23+$0xFFFFFAF0] =	vst v18  }
0x7b5: {  	s18 =	sadd.s32 $0xFFFFFA18, s25;
	v57 =	vadd.s32 s16, v2;
	[tilespmem:s23+$0xFFFFFEF0] =	vst v17;
	v18 =	vld.idx.msk [tilespmem:v55+s3+$0x0], $0xffff  }
0x7b6: {  	s17 =	sadd.s32 $0xFFFFFF58, s25;
	v59 =	vadd.s32 s18, v2;
	v17 =	vld.idx.msk [tilespmem:v54+s3+$0x0], $0xffff  }
0x7b7: {  	v58 =	vadd.s32 s17, v2  }
0x7b8: {  	[tilespmem:s22+$0xFFFFFF00] =	vst v13  }
0x7b9: {  	v13 =	vld.idx.msk [tilespmem:v56+s3+$0x0], $0xffff;
	[tilespmem:s22+$0xFFFFFB00] =	vst v14  }
0x7ba: {  	v60 =	vadd.s32 s8, v3;
	v14 =	vld.idx.msk [tilespmem:v57+s3+$0x0], $0xffff;
	[tilespmem:s23+$0xFFFFFB00] =	vst v18  }
0x7bb: {  	v61 =	vadd.s32 s16, v3;
	[tilespmem:s23+$0xFFFFFF00] =	vst v17;
	v18 =	vld.idx.msk [tilespmem:v59+s3+$0x0], $0xffff  }
0x7bc: {  	v63 =	vadd.s32 s18, v3;
	v17 =	vld.idx.msk [tilespmem:v58+s3+$0x0], $0xffff  }
0x7bd: {  	v62 =	vadd.s32 s17, v3  }
0x7be: {  	[tilespmem:s22+$0xFFFFFF10] =	vst v13  }
0x7bf: {  	v13 =	vld.idx.msk [tilespmem:v60+s3+$0x0], $0xffff;
	[tilespmem:s22+$0xFFFFFB10] =	vst v14  }
0x7c0: {  	v24 =	vadd.s32 s8, v5;
	v14 =	vld.idx.msk [tilespmem:v61+s3+$0x0], $0xffff;
	[tilespmem:s23+$0xFFFFFB10] =	vst v18  }
0x7c1: {  	v25 =	vadd.s32 s16, v5;
	[tilespmem:s23+$0xFFFFFF10] =	vst v17;
	v18 =	vld.idx.msk [tilespmem:v63+s3+$0x0], $0xffff  }
0x7c2: {  	v27 =	vadd.s32 s18, v5;
	v17 =	vld.idx.msk [tilespmem:v62+s3+$0x0], $0xffff  }
0x7c3: {  	v26 =	vadd.s32 s17, v5  }
0x7c4: {  	[tilespmem:s22+$0xFFFFFF20] =	vst v13  }
0x7c5: {  	v13 =	vld.idx.msk [tilespmem:v24+s3+$0x0], $0xffff;
	[tilespmem:s22+$0xFFFFFB20] =	vst v14  }
0x7c6: {  	v28 =	vadd.s32 s8, v4;
	v14 =	vld.idx.msk [tilespmem:v25+s3+$0x0], $0xffff;
	[tilespmem:s23+$0xFFFFFB20] =	vst v18  }
0x7c7: {  	v29 =	vadd.s32 s16, v4;
	[tilespmem:s23+$0xFFFFFF20] =	vst v17;
	v18 =	vld.idx.msk [tilespmem:v27+s3+$0x0], $0xffff  }
0x7c8: {  	v31 =	vadd.s32 s18, v4;
	v17 =	vld.idx.msk [tilespmem:v26+s3+$0x0], $0xffff  }
0x7c9: {  	v30 =	vadd.s32 s17, v4  }
0x7ca: {  	[tilespmem:s22+$0xFFFFFF30] =	vst v13  }
0x7cb: {  	v13 =	vld.idx.msk [tilespmem:v28+s3+$0x0], $0xffff;
	[tilespmem:s22+$0xFFFFFB30] =	vst v14  }
0x7cc: {  	v32 =	vadd.s32 s8, v7;
	v14 =	vld.idx.msk [tilespmem:v29+s3+$0x0], $0xffff;
	[tilespmem:s23+$0xFFFFFB30] =	vst v18  }
0x7cd: {  	v33 =	vadd.s32 s16, v7;
	[tilespmem:s23+$0xFFFFFF30] =	vst v17;
	v18 =	vld.idx.msk [tilespmem:v31+s3+$0x0], $0xffff  }
0x7ce: {  	v35 =	vadd.s32 s18, v7;
	v17 =	vld.idx.msk [tilespmem:v30+s3+$0x0], $0xffff  }
0x7cf: {  	v34 =	vadd.s32 s17, v7  }
0x7d0: {  	[tilespmem:s22+$0xFFFFFF40] =	vst v13  }
0x7d1: {  	v13 =	vld.idx.msk [tilespmem:v32+s3+$0x0], $0xffff;
	[tilespmem:s22+$0xFFFFFB40] =	vst v14  }
0x7d2: {  	v36 =	vadd.s32 s8, v9;
	v14 =	vld.idx.msk [tilespmem:v33+s3+$0x0], $0xffff;
	[tilespmem:s23+$0xFFFFFB40] =	vst v18  }
0x7d3: {  	v37 =	vadd.s32 s16, v9;
	[tilespmem:s23+$0xFFFFFF40] =	vst v17;
	v18 =	vld.idx.msk [tilespmem:v35+s3+$0x0], $0xffff  }
0x7d4: {  	v39 =	vadd.s32 s18, v9;
	v17 =	vld.idx.msk [tilespmem:v34+s3+$0x0], $0xffff  }
0x7d5: {  	v38 =	vadd.s32 s17, v9  }
0x7d6: {  	[tilespmem:s22+$0xFFFFFF50] =	vst v13  }
0x7d7: {  	v13 =	vld.idx.msk [tilespmem:v36+s3+$0x0], $0xffff;
	[tilespmem:s22+$0xFFFFFB50] =	vst v14  }
0x7d8: {  	v40 =	vadd.s32 s8, v8;
	v14 =	vld.idx.msk [tilespmem:v37+s3+$0x0], $0xffff;
	[tilespmem:s23+$0xFFFFFB50] =	vst v18  }
0x7d9: {  	v41 =	vadd.s32 s16, v8;
	[tilespmem:s23+$0xFFFFFF50] =	vst v17;
	v18 =	vld.idx.msk [tilespmem:v39+s3+$0x0], $0xffff  }
0x7da: {  	v43 =	vadd.s32 s18, v8;
	v17 =	vld.idx.msk [tilespmem:v38+s3+$0x0], $0xffff  }
0x7db: {  	[tilespmem:s21+$0xFFFFFF70] =	vst v11;
	v42 =	vadd.s32 s17, v8  }
0x7dc: {  	v12 =	vld.idx.msk [tilespmem:v12+s3+$0x0], $0xffff;
	v44 =	vadd.s32 s28, v6;
	[tilespmem:s22+$0xFFFFFF60] =	vst v13  }
0x7dd: {  	v45 =	vld.idx.msk [tilespmem:v40+s3+$0x0], $0xffff;
	[tilespmem:s22+$0xFFFFFB60] =	vst v14;
	v51 =	vadd.s32 s26, v2  }
0x7de: {  	v47 =	vadd.s32 s8, v6;
	v46 =	vld.idx.msk [tilespmem:v41+s3+$0x0], $0xffff;
	[tilespmem:s23+$0xFFFFFB60] =	vst v18  }
0x7df: {  	v48 =	vadd.s32 s16, v6;
	[tilespmem:s23+$0xFFFFFF60] =	vst v17;
	v11 =	vld.idx.msk [tilespmem:v43+s3+$0x0], $0xffff  }
0x7e0: {  	[tilespmem:s21+$0xFFFFFB70] =	vst v10;
	v10 =	vadd.s32 s18, v6;
	v49 =	vld.idx.msk [tilespmem:v42+s3+$0x0], $0xffff  }
0x7e1: {  	[tilespmem:s21+$0xFFFFFF80] =	vst v12;
	s28 =	sadd.s32 $0xFFFFFAC0, s26;
	v13 =	vld.idx.msk [tilespmem:v44+s3+$0x0], $0xffff;
	v50 =	vadd.s32 s17, v6  }
0x7e2: {  	v52 =	vadd.s32 s28, v2;
	[tilespmem:s22+$0xFFFFFF70] =	vst v45;
	v12 =	vld.idx.msk [tilespmem:v51+s3+$0x0], $0xffff  }
0x7e3: {  	v56 =	vadd.s32 s26, v3;
	v16 =	vld.idx.msk [tilespmem:v47+s3+$0x0], $0xffff;
	[tilespmem:s22+$0xFFFFFB70] =	vst v46  }
0x7e4: {  	s29 =	sadd.s32 $0xFFFFFAC0, s24;
	v53 =	vadd.s32 s24, v2;
	v17 =	vld.idx.msk [tilespmem:v48+s3+$0x0], $0xffff;
	[tilespmem:s23+$0xFFFFFB70] =	vst v11  }
0x7e5: {  	s30 =	sadd.s32 $0xFFFFFAC0, s25;
	v54 =	vadd.s32 s29, v2;
	[tilespmem:s23+$0xFFFFFF70] =	vst v49;
	v10 =	vld.idx.msk [tilespmem:v10+s3+$0x0], $0xffff  }
0x7e6: {  	[tilespmem:s21+$0xFFFFFB80] =	vst v13;
	v55 =	vadd.s32 s30, v2;
	v19 =	vld.idx.msk [tilespmem:v50+s3+$0x0], $0xffff  }
0x7e7: {  	v14 =	vld.idx.msk [tilespmem:v52+s3+$0x0], $0xffff;
	[tilespmem:s21+$0xFFFFFF90] =	vst v12;
	v11 =	vadd.s32 s25, v2  }
0x7e8: {  	v57 =	vadd.s32 s28, v3;
	[tilespmem:s22+$0xFFFFFF80] =	vst v16;
	v61 =	vld.idx.msk [tilespmem:v56+s3+$0x0], $0xffff  }
0x7e9: {  	v15 =	vld.idx.msk [tilespmem:v53+s3+$0x0], $0xffff;
	v63 =	vadd.s32 s26, v5;
	[tilespmem:s22+$0xFFFFFB80] =	vst v17  }
0x7ea: {  	v58 =	vadd.s32 s24, v3;
	v18 =	vld.idx.msk [tilespmem:v54+s3+$0x0], $0xffff;
	[tilespmem:s23+$0xFFFFFB80] =	vst v10  }
0x7eb: {  	v59 =	vadd.s32 s29, v3;
	[tilespmem:s23+$0xFFFFFF80] =	vst v19;
	v60 =	vld.idx.msk [tilespmem:v55+s3+$0x0], $0xffff  }
0x7ec: {  	[tilespmem:s21+$0xFFFFFB90] =	vst v14;
	v62 =	vadd.s32 s30, v3;
	v11 =	vld.idx.msk [tilespmem:v11+s3+$0x0], $0xffff  }
0x7ed: {  	v16 =	vld.idx.msk [tilespmem:v57+s3+$0x0], $0xffff;
	[tilespmem:s21+$0xFFFFFFA0] =	vst v61;
	v10 =	vadd.s32 s25, v3  }
0x7ee: {  	v24 =	vadd.s32 s28, v5;
	[tilespmem:s22+$0xFFFFFF90] =	vst v15;
	v28 =	vld.idx.msk [tilespmem:v63+s3+$0x0], $0xffff  }
0x7ef: {  	v30 =	vadd.s32 s26, v4;
	v17 =	vld.idx.msk [tilespmem:v58+s3+$0x0], $0xffff;
	[tilespmem:s22+$0xFFFFFB90] =	vst v18  }
0x7f0: {  	v25 =	vadd.s32 s24, v5;
	v19 =	vld.idx.msk [tilespmem:v59+s3+$0x0], $0xffff;
	[tilespmem:s23+$0xFFFFFB90] =	vst v60  }
0x7f1: {  	[tilespmem:s23+$0xFFFFFF90] =	vst v11;
	v11 =	vadd.s32 s29, v5;
	v27 =	vld.idx.msk [tilespmem:v62+s3+$0x0], $0xffff  }
0x7f2: {  	v29 =	vadd.s32 s30, v5;
	[tilespmem:s21+$0xFFFFFBA0] =	vst v16;
	v10 =	vld.idx.msk [tilespmem:v10+s3+$0x0], $0xffff  }
0x7f3: {  	v15 =	vld.idx.msk [tilespmem:v24+s3+$0x0], $0xffff;
	v26 =	vadd.s32 s25, v5;
	[tilespmem:s21+$0xFFFFFFB0] =	vst v28  }
0x7f4: {  	v31 =	vadd.s32 s28, v4;
	v35 =	vld.idx.msk [tilespmem:v30+s3+$0x0], $0xffff;
	[tilespmem:s22+$0xFFFFFFA0] =	vst v17  }
0x7f5: {  	v37 =	vadd.s32 s26, v7;
	v18 =	vld.idx.msk [tilespmem:v25+s3+$0x0], $0xffff;
	[tilespmem:s22+$0xFFFFFBA0] =	vst v19  }
0x7f6: {  	v32 =	vadd.s32 s24, v4;
	v11 =	vld.idx.msk [tilespmem:v11+s3+$0x0], $0xffff;
	[tilespmem:s23+$0xFFFFFBA0] =	vst v27  }
0x7f7: {  	[tilespmem:s23+$0xFFFFFFA0] =	vst v10;
	v10 =	vadd.s32 s29, v4;
	v34 =	vld.idx.msk [tilespmem:v29+s3+$0x0], $0xffff  }
0x7f8: {  	v36 =	vadd.s32 s30, v4;
	[tilespmem:s21+$0xFFFFFBB0] =	vst v15;
	v12 =	vld.idx.msk [tilespmem:v26+s3+$0x0], $0xffff  }
0x7f9: {  	v33 =	vadd.s32 s25, v4;
	[tilespmem:s21+$0xFFFFFFC0] =	vst v35;
	v17 =	vld.idx.msk [tilespmem:v31+s3+$0x0], $0xffff  }
0x7fa: {  	v16 =	vld.idx.msk [tilespmem:v37+s3+$0x0], $0xffff;
	v38 =	vadd.s32 s28, v7;
	[tilespmem:s22+$0xFFFFFFB0] =	vst v18  }
0x7fb: {  	v42 =	vadd.s32 s26, v9;
	v19 =	vld.idx.msk [tilespmem:v32+s3+$0x0], $0xffff;
	[tilespmem:s22+$0xFFFFFBB0] =	vst v11  }
0x7fc: {  	v11 =	vadd.s32 s24, v7;
	v10 =	vld.idx.msk [tilespmem:v10+s3+$0x0], $0xffff;
	[tilespmem:s23+$0xFFFFFBB0] =	vst v34  }
0x7fd: {  	v39 =	vadd.s32 s29, v7;
	[tilespmem:s23+$0xFFFFFFB0] =	vst v12;
	v15 =	vld.idx.msk [tilespmem:v36+s3+$0x0], $0xffff  }
0x7fe: {  	v41 =	vadd.s32 s30, v7;
	[tilespmem:s21+$0xFFFFFBC0] =	vst v17;
	v13 =	vld.idx.msk [tilespmem:v33+s3+$0x0], $0xffff  }
0x7ff: {  	v40 =	vadd.s32 s25, v7;
	[tilespmem:s21+$0xFFFFFFD0] =	vst v16;
	v18 =	vld.idx.msk [tilespmem:v38+s3+$0x0], $0xffff  }
0x800: {  	v43 =	vadd.s32 s28, v9;
	v47 =	vld.idx.msk [tilespmem:v42+s3+$0x0], $0xffff;
	[tilespmem:s22+$0xFFFFFFC0] =	vst v19  }
0x801: {  	v49 =	vadd.s32 s26, v8;
	v11 =	vld.idx.msk [tilespmem:v11+s3+$0x0], $0xffff;
	[tilespmem:s22+$0xFFFFFBC0] =	vst v10  }
0x802: {  	v10 =	vadd.s32 s24, v9;
	v12 =	vld.idx.msk [tilespmem:v39+s3+$0x0], $0xffff;
	[tilespmem:s23+$0xFFFFFBC0] =	vst v15  }
0x803: {  	v44 =	vadd.s32 s29, v9;
	[tilespmem:s23+$0xFFFFFFC0] =	vst v13;
	v46 =	vld.idx.msk [tilespmem:v41+s3+$0x0], $0xffff  }
0x804: {  	v48 =	vadd.s32 s30, v9;
	[tilespmem:s21+$0xFFFFFBD0] =	vst v18;
	v14 =	vld.idx.msk [tilespmem:v40+s3+$0x0], $0xffff  }
0x805: {  	v45 =	vadd.s32 s25, v9;
	[tilespmem:s21+$0xFFFFFFE0] =	vst v47;
	v19 =	vld.idx.msk [tilespmem:v43+s3+$0x0], $0xffff  }
0x806: {  	v54 =	vld.idx.msk [tilespmem:v49+s3+$0x0], $0xffff;
	[tilespmem:s22+$0xFFFFFFD0] =	vst v11;
	v11 =	vadd.s32 s28, v8  }
0x807: {  	v10 =	vld.idx.msk [tilespmem:v10+s3+$0x0], $0xffff;
	[tilespmem:s22+$0xFFFFFBD0] =	vst v12  }
0x808: {  	v50 =	vadd.s32 s24, v8;
	v13 =	vld.idx.msk [tilespmem:v44+s3+$0x0], $0xffff;
	[tilespmem:s23+$0xFFFFFBD0] =	vst v46  }
0x809: {  	v51 =	vadd.s32 s29, v8;
	[tilespmem:s23+$0xFFFFFFD0] =	vst v14;
	v53 =	vld.idx.msk [tilespmem:v48+s3+$0x0], $0xffff  }
0x80a: {  	v55 =	vadd.s32 s30, v8;
	[tilespmem:s21+$0xFFFFFBE0] =	vst v19;
	v15 =	vld.idx.msk [tilespmem:v45+s3+$0x0], $0xffff  }
0x80b: {  	v52 =	vadd.s32 s25, v8;
	[tilespmem:s21+$0xFFFFFFF0] =	vst v54;
	v11 =	vld.idx.msk [tilespmem:v11+s3+$0x0], $0xffff  }
0x80c: {  	v56 =	vadd.s32 s26, v6;
	[tilespmem:s22+$0xFFFFFFE0] =	vst v10  }
0x80d: {  	v10 =	vadd.s32 s28, v6;
	v12 =	vld.idx.msk [tilespmem:v50+s3+$0x0], $0xffff;
	[tilespmem:s22+$0xFFFFFBE0] =	vst v13  }
0x80e: {  	v57 =	vadd.s32 s24, v6;
	v14 =	vld.idx.msk [tilespmem:v51+s3+$0x0], $0xffff;
	[tilespmem:s23+$0xFFFFFBE0] =	vst v53  }
0x80f: {  	v58 =	vadd.s32 s29, v6;
	[tilespmem:s23+$0xFFFFFFE0] =	vst v15;
	v60 =	vld.idx.msk [tilespmem:v55+s3+$0x0], $0xffff  }
0x810: {  	[tilespmem:s21+$0xFFFFFBF0] =	vst v11;
	v11 =	vadd.s32 s30, v6;
	v16 =	vld.idx.msk [tilespmem:v52+s3+$0x0], $0xffff  }
0x811: {  	v59 =	vadd.s32 s25, v6;
	v61 =	vld.idx.msk [tilespmem:v56+s3+$0x0], $0xffff  }
0x812: {  	v10 =	vld.idx.msk [tilespmem:v10+s3+$0x0], $0xffff;
	[tilespmem:s22+$0xFFFFFFF0] =	vst v12  }
0x813: {  	v12 =	vld.idx.msk [tilespmem:v57+s3+$0x0], $0xffff;
	[tilespmem:s22+$0xFFFFFBF0] =	vst v14  }
0x814: {  	v2 =	vadd.s32 $0x1, v2;
	v3 =	vadd.s32 $0x1, v3;
	v62 =	vld.idx.msk [tilespmem:v58+s3+$0x0], $0xffff;
	[tilespmem:s23+$0xFFFFFBF0] =	vst v60  }
0x815: {  	vm9 =	veq.s32 v2, $0xA8;
	vm10 =	veq.s32 v3, $0xA8;
	[tilespmem:s23+$0xFFFFFFF0] =	vst v16;
	v11 =	vld.idx.msk [tilespmem:v11+s3+$0x0], $0xffff  }
0x816: {  	s19 =	sadd.s32 $0x1, s19;
	v2 =	vsel vm9, $0x0, v2;
	v3 =	vsel vm10, $0x0, v3;
	[tilespmem:s21+$0x0] =	vst v61;
	v63 =	vld.idx.msk [tilespmem:v59+s3+$0x0], $0xffff  }
0x817: {  	p0 =	sne.s32 s19, $0x64;
	v5 =	vadd.s32 $0x1, v5;
	v4 =	vadd.s32 $0x1, v4;
	v7 =	vadd.s32 $0x1, v7;
	[tilespmem:s21+$0xFFFFFC00] =	vst v10  }
.Ltmp2:
0x818: {  	vm9 =	veq.s32 v5, $0xA8;
	vm10 =	veq.s32 v4, $0xA8;
	vm11 =	veq.s32 v7, $0xA8;
	[tilespmem:s22+$0x0] =	vst v12;
	(pc) =	sbr.rel @p0 .LBB2_2-.Ltmp2, $4  }
0x819: {  	v5 =	vsel vm9, $0x0, v5;
	v4 =	vsel vm10, $0x0, v4;
	v7 =	vsel vm11, $0x0, v7;
	[tilespmem:s22+$0xFFFFFC00] =	vst v62  }
0x81a: {  	v9 =	vadd.s32 $0x1, v9;
	v8 =	vadd.s32 $0x1, v8;
	v6 =	vadd.s32 $0x1, v6;
	[tilespmem:s23+$0xFFFFFC00] =	vst v11  }
0x81b: {  	s31 =	sadd.s32 s20, s11;
	vm9 =	veq.s32 v9, $0xA8;
	vm10 =	veq.s32 v8, $0xA8;
	vm11 =	veq.s32 v6, $0xA8;
	[tilespmem:s23+$0x0] =	vst v63  }
0x81c: {  	v9 =	vsel vm9, $0x0, v9;
	v8 =	vsel vm10, $0x0, v8;
	v6 =	vsel vm11, $0x0, v6;
	[hbm4b:s31+s12] =	stream.strided.scatter [tilespmem:s15], [sflag:$0x1], $0x2000, s13, s12, $0x38;
	[tilespmem:$0x6B00] =	vst v63  }
0x81d: {  	s1 =	simm.s32 $0x1  }
0x81e: {  	_ =	swait.ge [sflag:s1], $0x2000  }
0x81f: {  	[sflag:s1] =	ssyncset.done $0x0  }
0x820: {  	[sflag:s1] =	ssyncadd.s32 $0xFFFFE000  }
0x821: {  	_ =	swait.ge [sflag:s1], $0x2000  }
0x822: {  	s2 =	rddreg [dreg:$0xa]  }
0x823: {  	s0 =	rddreg [dreg:$0x9];
	s2 =	sadd.s32 $0x1, s2  }
0x824: {  	p0 =	sne.s32 s2, s0  }
.Ltmp3:
0x825: {  	_ = 	snop;
	(pc) =	sbr.rel @p0 .LBB2_1-.Ltmp3, $3  }
0x826: {  	_ =	sdelay $0x1  }
0x827: {  	[sflag:s1] =	ssyncset.done $0x0  }
0x828: {  	[sflag:s1] =	ssyncadd.s32 $0xFFFFE000  }
0x829: {  	_ =	sfence.sel $0x180000  }
0x82a: {  	[bflag:$0x0] =	sbarrier.arrive $0xFFFF  }
0x82b: {  	_ =	strace $0x90000047  }
0x82c: {  	s0 =	stileid.u32;
	[bflag:$0x2] =	sbarrier.arrive $0xFFFF  }
0x82d: {  	p0 =	sne.s32 s0, $0x0;
	s0 =	rddreg [dreg:$0x3]  }
0x82e: {  	s0 =	sadd.s32 @!p0 $0x100000, s0  }
0x82f: {  	[sflag:s0] =	ssyncadd.tile.s32 @!p0 $0x1;
	_ =	shalt  }
.Lfunc_end2:
_tile_overlayer_lowered:
.L_overlay_start_2:
0x830: {  	(tag) =	ssettag $0x2  }
0x831: {  	s0 =	rddreg [dreg:$0x0];
	s2 =	stileid.u32  }
0x832: {  	s1 =	rddreg [dreg:$0x1];
	p0 =	sne.s32 s2, $0x0  }
0x833: {  	s3 =	rddreg [dreg:$0x2];
	[bflag:$0x3] =	sbarrier.arrive $0xFFFF;
	s2 =	simm.s32 @!p0 $0x1C02  }
0x834: {  	[timem:s3], [sflag:s2] =	dma.local @!p0 [hbm:s0], s1  }
0x835: {  	s0 =	simm.s32 @!p0 $0x2  }
0x836: {  	_ =	swait.ge @!p0 [sflag:s0], s1  }
0x837: {  	s1 =	ssub.s32 @!p0 $0x0, s1;
	[sflag:s0] =	ssyncset.done @!p0 $0x0  }
0x838: {  	[sflag:s0] =	ssyncadd.s32 @!p0 s1  }
0x839: {  	[bflag:$0x3] =	sbarrier.arrive $0xFFFF  }
0x83a: {  	_ =	shalt  }

</sc_bundles>
